<compile_context>
chip_gen: v7x
topology: tpu7x:2x2x1
jax: 0.10.2.dev20260603
libtpu: 0.0.44.dev20260713+nightly
codegen_flags: <defaults>
</compile_context>

<pallas_src>
import functools

import jax
import jax.numpy as jnp
from jax import lax
from jax.experimental import pallas as pl
from jax.experimental.pallas import tpu as pltpu
from jax.experimental.pallas import tpu_sc as plsc

N = 10000
E = 320000
D = 128

NC = 2
NS = 16
NW = NC * NS

EPW = E // NW
CHUNK = 128
NCHUNK = 80
EPW_P = NCHUNK * CHUNK


def _spmm_sc():
    mesh = plsc.VectorSubcoreMesh(core_axis_name="c", subcore_axis_name="s")

    @functools.partial(
        pl.kernel,
        mesh=mesh,
        out_type=jax.ShapeDtypeStruct((NC, N, D), jnp.float32),
        scratch_types=[
            pltpu.VMEM((2, CHUNK), jnp.int32),
            pltpu.VMEM((2, CHUNK), jnp.int32),
            pltpu.VMEM((2, CHUNK), jnp.float32),
            pltpu.VMEM((2, CHUNK, D), jnp.float32),
            pltpu.VMEM_SHARED((N, D), jnp.float32),
            pltpu.SemaphoreType.DMA,
            pltpu.SemaphoreType.DMA,
            pltpu.SemaphoreType.DMA,
        ],
    )
    def k(x_hbm, col_hbm, row_hbm, w_hbm, zero_hbm, out_hbm,
          col_v, row_v, w_v, rows_v, acc_sh, g0, g1, isem):
        cid = lax.axis_index("c")
        sid = lax.axis_index("s")
        wid = sid * NC + cid
        gsems = (g0, g1)

        z0 = sid * 624
        pltpu.sync_copy(zero_hbm.at[pl.ds(z0, 624)], acc_sh.at[pl.ds(z0, 624)])

        @pl.when(sid == NS - 1)
        def _():
            pltpu.sync_copy(zero_hbm.at[pl.ds(16 * 624, N - 16 * 624)],
                            acc_sh.at[pl.ds(16 * 624, N - 16 * 624)])

        base = wid * EPW_P

        def idx_copies(i, b):
            off = base + i * CHUNK
            return (
                pltpu.make_async_copy(col_hbm.at[pl.ds(off, CHUNK)],
                                      col_v.at[b], isem),
                pltpu.make_async_copy(row_hbm.at[pl.ds(off, CHUNK)],
                                      row_v.at[b], isem),
                pltpu.make_async_copy(w_hbm.at[pl.ds(off, CHUNK)],
                                      w_v.at[b], isem),
            )

        def gather(b):
            return pltpu.make_async_copy(
                x_hbm.at[col_v.at[b]], rows_v.at[b], gsems[b])

        for c in idx_copies(0, 0):
            c.start()
        for c in idx_copies(0, 0):
            c.wait()
        gather(0).start()
        for c in idx_copies(1, 1):
            c.start()

        plsc.subcore_barrier()

        def scale(b):
            def grp(g, c2):
                wvec = w_v[b, pl.ds(g * 16, 16)]
                for l in range(16):
                    wl = wvec[l]
                    e = g * 16 + l
                    for jj in range(D // 16):
                        sl = pl.ds(jj * 16, 16)
                        rows_v[b, e, sl] = rows_v[b, e, sl] * wl
                return c2

            lax.fori_loop(0, CHUNK // 16, grp, 0)

        def pair_body(i2, carry):
            for b in range(2):
                i = i2 * 2 + b
                q = 1 - b

                def launch_next():
                    for c in idx_copies(i + 1, q):
                        c.wait()
                    gather(q).start()

                if b == 0:
                    launch_next()
                else:
                    @pl.when(i2 < NCHUNK // 2 - 1)
                    def _():
                        launch_next()

                gather(b).wait()
                scale(b)
                pltpu.sync_copy(rows_v.at[b], acc_sh.at[row_v.at[b]],
                                add=True)

                @pl.when(i2 < NCHUNK // 2 - 1)
                def _():
                    for c in idx_copies(i + 2, b):
                        c.start()
            return carry

        lax.fori_loop(0, NCHUNK // 2, pair_body, 0)

        plsc.subcore_barrier()

        r0 = sid * 624
        pltpu.sync_copy(acc_sh.at[pl.ds(r0, 624)],
                        out_hbm.at[cid, pl.ds(r0, 624)])

        @pl.when(sid == NS - 1)
        def _():
            pltpu.sync_copy(acc_sh.at[pl.ds(16 * 624, N - 16 * 624)],
                            out_hbm.at[cid, pl.ds(16 * 624, N - 16 * 624)])

    return k


def _combine_kernel(a_ref, b_ref, o_ref):
    o_ref[...] = a_ref[...] + b_ref[...]


_BLK = 1000


def _combine(partials):
    grid = (N // _BLK,)
    return pl.pallas_call(
        _combine_kernel,
        grid=grid,
        in_specs=[pl.BlockSpec((_BLK, D), lambda i: (i, 0)),
                  pl.BlockSpec((_BLK, D), lambda i: (i, 0))],
        out_specs=pl.BlockSpec((_BLK, D), lambda i: (i, 0)),
        out_shape=jax.ShapeDtypeStruct((N, D), jnp.float32),
    )(partials[0], partials[1])


def _pad_edges(a, fill=None):
    a = a.reshape(NW, EPW)
    if fill is None:
        pad = jnp.zeros((NW, EPW_P - EPW), a.dtype)
    else:
        pad = jnp.broadcast_to(fill, (NW, EPW_P - EPW)).astype(a.dtype)
    return jnp.concatenate([a, pad], axis=1).reshape(-1)


@jax.jit
def kernel(x, edge_index, edge_weight):
    row = _pad_edges(edge_index[0])
    col = _pad_edges(edge_index[1],
                     fill=(jnp.arange(EPW_P - EPW) * 101) % N)
    w = _pad_edges(edge_weight)
    zeros = jnp.zeros((N, D), jnp.float32)
    partials = _spmm_sc()(x, col, row, w, zeros)
    return _combine(partials)

# --- scband reference (transcript-rebuilt; emitter-appended) ---
"""Pipeline reference for scband-sp-mm-20968030339288 (READ-ONLY COPY).

The authoritative reference and input builder live on the scoring server;
editing this copy changes nothing except your own understanding.
"""

import jax, jax.numpy as jnp
import numpy as np

N = 10000
E = 320000
D = 128


def setup_inputs(seed: int = 0) -> dict:
    key = jax.random.key(seed)
    k1, k2, k3 = jax.random.split(key, 3)
    x = jax.random.normal(k1, (N, D), dtype=jnp.float32)
    edge_index = jax.random.randint(k2, (2, E), 0, N, dtype=jnp.int32)
    edge_weight = jax.random.uniform(k3, (E,), dtype=jnp.float32)
    return {"x": x, "edge_index": edge_index, "edge_weight": edge_weight}


def reference(x, edge_index, edge_weight):
    # CPU fallback path of SpMM.forward: spmm_scatter(row, col, edge_weight, x)
    row = edge_index[0]
    col = edge_index[1]
    # output = b.index_select(0, col) * values.unsqueeze(-1)
    msgs = jnp.take(x, col, axis=0) * edge_weight[:, None]
    # scatter_add_ into zeros_like(b) along dim 0 with index=row
    out = jax.ops.segment_sum(msgs, row, num_segments=x.shape[0])
    return out

if __name__ == "__main__":
    import jax
    _d = setup_inputs()
    print(jax.jit(kernel)(*tuple(_d.values())))

</pallas_src>

<mosaic_0001>
#map = affine_map<(d0, d1) -> (0, 0)>
#map1 = affine_map<(d0, d1) -> (0)>
#map2 = affine_map<(d0, d1) -> (0, 0, 0)>
module attributes {stable_mosaic.version = 14 : i64} {
  func.func @k(%arg0: i32, %arg1: i32, %arg2: memref<10000x128xf32, #tpu.memory_space<hbm>>, %arg3: memref<327680xi32, #tpu.memory_space<hbm>>, %arg4: memref<327680xi32, #tpu.memory_space<hbm>>, %arg5: memref<327680xf32, #tpu.memory_space<hbm>>, %arg6: memref<10000x128xf32, #tpu.memory_space<hbm>>, %arg7: memref<2x10000x128xf32, #tpu.memory_space<hbm>>, %arg8: memref<2x128xi32, #tpu.memory_space<vmem>>, %arg9: memref<2x128xi32, #tpu.memory_space<vmem>>, %arg10: memref<2x128xf32, #tpu.memory_space<vmem>>, %arg11: memref<2x128x128xf32, #tpu.memory_space<vmem>>, %arg12: memref<10000x128xf32, #tpu.memory_space<vmem_shared>>, %arg13: memref<!tpu.dma_semaphore, #tpu.memory_space<semaphore_mem>>, %arg14: memref<!tpu.dma_semaphore, #tpu.memory_space<semaphore_mem>>, %arg15: memref<!tpu.dma_semaphore, #tpu.memory_space<semaphore_mem>>) attributes {dimension_semantics = [#tpu.dimension_semantics<core_parallel>, #tpu.dimension_semantics<subcore_parallel>], iteration_bounds = array<i64: 2, 16>, scalar_prefetch = 0 : i64, scratch_operands = 8 : i64, tpu.core_type = #tpu.core_type<sc_vector_subcore>, window_params = [{transform_indices = #map}, {transform_indices = #map1}, {transform_indices = #map1}, {transform_indices = #map1}, {transform_indices = #map}, {transform_indices = #map2}]} {
    %mul3A = arith.constant 2 : i32
    %mul3A_0 = arith.muli %arg1, %mul3A : i32
    %add3A = arith.addi %mul3A_0, %arg0 : i32
    %mul3A_1 = arith.constant 624 : i32
    %mul3A_2 = arith.muli %arg1, %mul3A_1 : i32
    "tpu.region"() ({
      %run_scoped3A = tpu.sem_alloc : memref<!tpu.dma_semaphore, #tpu.memory_space<semaphore_mem>>
      %dma_start3A_117 = arith.constant 0 : i32
      %dma_start3A_118 = tpu.memref_slice %arg12[%mul3A_2, %dma_start3A_117] : memref<10000x128xf32, #tpu.memory_space<vmem_shared>> -> memref<624x128xf32, #tpu.memory_space<vmem_shared>>
      %dma_start3A_119 = arith.constant 0 : i32
      %dma_start3A_120 = tpu.memref_slice %arg6[%mul3A_2, %dma_start3A_119] : memref<10000x128xf32, #tpu.memory_space<hbm>> -> memref<624x128xf32, #tpu.memory_space<hbm>>
      tpu.enqueue_dma source(%dma_start3A_120 : memref<624x128xf32, #tpu.memory_space<hbm>>) target(%dma_start3A_118 : memref<624x128xf32, #tpu.memory_space<vmem_shared>>) target_semaphore(%run_scoped3A : memref<!tpu.dma_semaphore, #tpu.memory_space<semaphore_mem>>)
      %dma_wait3A_121 = arith.constant 0 : i32
      %dma_wait3A_122 = tpu.memref_slice %arg12[%mul3A_2, %dma_wait3A_121] : memref<10000x128xf32, #tpu.memory_space<vmem_shared>> -> memref<624x128xf32, #tpu.memory_space<vmem_shared>>
      %dma_wait3A_123 = arith.constant 0 : i32
      %dma_wait3A_124 = tpu.memref_slice %arg6[%mul3A_2, %dma_wait3A_123] : memref<10000x128xf32, #tpu.memory_space<hbm>> -> memref<624x128xf32, #tpu.memory_space<hbm>>
      tpu.wait_dma2 semaphore(%run_scoped3A : memref<!tpu.dma_semaphore, #tpu.memory_space<semaphore_mem>>) src(%dma_wait3A_124 : memref<624x128xf32, #tpu.memory_space<hbm>>) dst(%dma_wait3A_122 : memref<624x128xf32, #tpu.memory_space<vmem_shared>>)
      tpu.yield
    }) : () -> ()
    %eq3A = arith.constant 15 : i32
    %eq3A_3 = arith.cmpi eq, %arg1, %eq3A : i32
    %convert_element_type3A = arith.extui %eq3A_3 : i1 to i32
    %cond3A = arith.constant 0 : i32
    %cond3A_4 = arith.cmpi ne, %convert_element_type3A, %cond3A : i32
    scf.if %cond3A_4 {
      "tpu.region"() ({
        %run_scoped3A = tpu.sem_alloc : memref<!tpu.dma_semaphore, #tpu.memory_space<semaphore_mem>>
        %dma_start3A_117 = arith.constant 9984 : i32
        %dma_start3A_118 = arith.constant 0 : i32
        %dma_start3A_119 = tpu.memref_slice %arg12[%dma_start3A_117, %dma_start3A_118] : memref<10000x128xf32, #tpu.memory_space<vmem_shared>> -> memref<16x128xf32, #tpu.memory_space<vmem_shared>>
        %dma_start3A_120 = arith.constant 9984 : i32
        %dma_start3A_121 = arith.constant 0 : i32
        %dma_start3A_122 = tpu.memref_slice %arg6[%dma_start3A_120, %dma_start3A_121] : memref<10000x128xf32, #tpu.memory_space<hbm>> -> memref<16x128xf32, #tpu.memory_space<hbm>>
        tpu.enqueue_dma source(%dma_start3A_122 : memref<16x128xf32, #tpu.memory_space<hbm>>) target(%dma_start3A_119 : memref<16x128xf32, #tpu.memory_space<vmem_shared>>) target_semaphore(%run_scoped3A : memref<!tpu.dma_semaphore, #tpu.memory_space<semaphore_mem>>)
        %dma_wait3A_123 = arith.constant 9984 : i32
        %dma_wait3A_124 = arith.constant 0 : i32
        %dma_wait3A_125 = tpu.memref_slice %arg12[%dma_wait3A_123, %dma_wait3A_124] : memref<10000x128xf32, #tpu.memory_space<vmem_shared>> -> memref<16x128xf32, #tpu.memory_space<vmem_shared>>
        %dma_wait3A_126 = arith.constant 9984 : i32
        %dma_wait3A_127 = arith.constant 0 : i32
        %dma_wait3A_128 = tpu.memref_slice %arg6[%dma_wait3A_126, %dma_wait3A_127] : memref<10000x128xf32, #tpu.memory_space<hbm>> -> memref<16x128xf32, #tpu.memory_space<hbm>>
        tpu.wait_dma2 semaphore(%run_scoped3A : memref<!tpu.dma_semaphore, #tpu.memory_space<semaphore_mem>>) src(%dma_wait3A_128 : memref<16x128xf32, #tpu.memory_space<hbm>>) dst(%dma_wait3A_125 : memref<16x128xf32, #tpu.memory_space<vmem_shared>>)
        tpu.yield
      }) : () -> ()
    } else {
    }
    %mul3A_5 = arith.constant 10240 : i32
    %mul3A_6 = arith.muli %add3A, %mul3A_5 : i32
    %add3A_7 = arith.constant 0 : i32
    %add3A_8 = arith.addi %mul3A_6, %add3A_7 : i32
    %dma_start3A = arith.constant 0 : i32
    %dma_start3A_9 = arith.constant 0 : i32
    %dma_start3A_10 = tpu.memref_slice %arg8[%dma_start3A, %dma_start3A_9] : memref<2x128xi32, #tpu.memory_space<vmem>> -> memref<1x128xi32, #tpu.memory_space<vmem>>
    %dma_start3A_11 = tpu.memref_squeeze %dma_start3A_10 : memref<1x128xi32, #tpu.memory_space<vmem>> -> memref<128xi32, #tpu.memory_space<vmem>>
    %dma_start3A_12 = tpu.memref_slice %arg3[%add3A_8] : memref<327680xi32, #tpu.memory_space<hbm>> -> memref<128xi32, #tpu.memory_space<hbm>>
    %dma_start3A_13 = arith.constant 0 : i32
    %dma_start3A_14 = tpu.memref_slice %arg8[%dma_start3A, %dma_start3A_13] : memref<2x128xi32, #tpu.memory_space<vmem>> -> memref<1x128xi32, #tpu.memory_space<vmem>>
    %dma_start3A_15 = tpu.memref_squeeze %dma_start3A_14 : memref<1x128xi32, #tpu.memory_space<vmem>> -> memref<128xi32, #tpu.memory_space<vmem>>
    %dma_start3A_16 = tpu.memref_slice %arg3[%add3A_8] : memref<327680xi32, #tpu.memory_space<hbm>> -> memref<128xi32, #tpu.memory_space<hbm>>
    tpu.enqueue_dma source(%dma_start3A_16 : memref<128xi32, #tpu.memory_space<hbm>>) target(%dma_start3A_15 : memref<128xi32, #tpu.memory_space<vmem>>) target_semaphore(%arg15 : memref<!tpu.dma_semaphore, #tpu.memory_space<semaphore_mem>>)
    %dma_start3A_17 = arith.constant 0 : i32
    %dma_start3A_18 = arith.constant 0 : i32
    %dma_start3A_19 = tpu.memref_slice %arg9[%dma_start3A_17, %dma_start3A_18] : memref<2x128xi32, #tpu.memory_space<vmem>> -> memref<1x128xi32, #tpu.memory_space<vmem>>
    %dma_start3A_20 = tpu.memref_squeeze %dma_start3A_19 : memref<1x128xi32, #tpu.memory_space<vmem>> -> memref<128xi32, #tpu.memory_space<vmem>>
    %dma_start3A_21 = tpu.memref_slice %arg4[%add3A_8] : memref<327680xi32, #tpu.memory_space<hbm>> -> memref<128xi32, #tpu.memory_space<hbm>>
    %dma_start3A_22 = arith.constant 0 : i32
    %dma_start3A_23 = tpu.memref_slice %arg9[%dma_start3A_17, %dma_start3A_22] : memref<2x128xi32, #tpu.memory_space<vmem>> -> memref<1x128xi32, #tpu.memory_space<vmem>>
    %dma_start3A_24 = tpu.memref_squeeze %dma_start3A_23 : memref<1x128xi32, #tpu.memory_space<vmem>> -> memref<128xi32, #tpu.memory_space<vmem>>
    %dma_start3A_25 = tpu.memref_slice %arg4[%add3A_8] : memref<327680xi32, #tpu.memory_space<hbm>> -> memref<128xi32, #tpu.memory_space<hbm>>
    tpu.enqueue_dma source(%dma_start3A_25 : memref<128xi32, #tpu.memory_space<hbm>>) target(%dma_start3A_24 : memref<128xi32, #tpu.memory_space<vmem>>) target_semaphore(%arg15 : memref<!tpu.dma_semaphore, #tpu.memory_space<semaphore_mem>>)
    %dma_start3A_26 = arith.constant 0 : i32
    %dma_start3A_27 = arith.constant 0 : i32
    %dma_start3A_28 = tpu.memref_slice %arg10[%dma_start3A_26, %dma_start3A_27] : memref<2x128xf32, #tpu.memory_space<vmem>> -> memref<1x128xf32, #tpu.memory_space<vmem>>
    %dma_start3A_29 = tpu.memref_squeeze %dma_start3A_28 : memref<1x128xf32, #tpu.memory_space<vmem>> -> memref<128xf32, #tpu.memory_space<vmem>>
    %dma_start3A_30 = tpu.memref_slice %arg5[%add3A_8] : memref<327680xf32, #tpu.memory_space<hbm>> -> memref<128xf32, #tpu.memory_space<hbm>>
    %dma_start3A_31 = arith.constant 0 : i32
    %dma_start3A_32 = tpu.memref_slice %arg10[%dma_start3A_26, %dma_start3A_31] : memref<2x128xf32, #tpu.memory_space<vmem>> -> memref<1x128xf32, #tpu.memory_space<vmem>>
    %dma_start3A_33 = tpu.memref_squeeze %dma_start3A_32 : memref<1x128xf32, #tpu.memory_space<vmem>> -> memref<128xf32, #tpu.memory_space<vmem>>
    %dma_start3A_34 = tpu.memref_slice %arg5[%add3A_8] : memref<327680xf32, #tpu.memory_space<hbm>> -> memref<128xf32, #tpu.memory_space<hbm>>
    tpu.enqueue_dma source(%dma_start3A_34 : memref<128xf32, #tpu.memory_space<hbm>>) target(%dma_start3A_33 : memref<128xf32, #tpu.memory_space<vmem>>) target_semaphore(%arg15 : memref<!tpu.dma_semaphore, #tpu.memory_space<semaphore_mem>>)
    %add3A_35 = arith.constant 0 : i32
    %add3A_36 = arith.addi %mul3A_6, %add3A_35 : i32
    %dma_wait3A = arith.constant 0 : i32
    %dma_wait3A_37 = arith.constant 0 : i32
    %dma_wait3A_38 = tpu.memref_slice %arg8[%dma_wait3A, %dma_wait3A_37] : memref<2x128xi32, #tpu.memory_space<vmem>> -> memref<1x128xi32, #tpu.memory_space<vmem>>
    %dma_wait3A_39 = tpu.memref_squeeze %dma_wait3A_38 : memref<1x128xi32, #tpu.memory_space<vmem>> -> memref<128xi32, #tpu.memory_space<vmem>>
    %dma_wait3A_40 = tpu.memref_slice %arg3[%add3A_36] : memref<327680xi32, #tpu.memory_space<hbm>> -> memref<128xi32, #tpu.memory_space<hbm>>
    %dma_wait3A_41 = arith.constant 0 : i32
    %dma_wait3A_42 = tpu.memref_slice %arg8[%dma_wait3A, %dma_wait3A_41] : memref<2x128xi32, #tpu.memory_space<vmem>> -> memref<1x128xi32, #tpu.memory_space<vmem>>
    %dma_wait3A_43 = tpu.memref_squeeze %dma_wait3A_42 : memref<1x128xi32, #tpu.memory_space<vmem>> -> memref<128xi32, #tpu.memory_space<vmem>>
    %dma_wait3A_44 = tpu.memref_slice %arg3[%add3A_36] : memref<327680xi32, #tpu.memory_space<hbm>> -> memref<128xi32, #tpu.memory_space<hbm>>
    tpu.wait_dma2 semaphore(%arg15 : memref<!tpu.dma_semaphore, #tpu.memory_space<semaphore_mem>>) src(%dma_wait3A_44 : memref<128xi32, #tpu.memory_space<hbm>>) dst(%dma_wait3A_43 : memref<128xi32, #tpu.memory_space<vmem>>)
    %dma_wait3A_45 = arith.constant 0 : i32
    %dma_wait3A_46 = arith.constant 0 : i32
    %dma_wait3A_47 = tpu.memref_slice %arg9[%dma_wait3A_45, %dma_wait3A_46] : memref<2x128xi32, #tpu.memory_space<vmem>> -> memref<1x128xi32, #tpu.memory_space<vmem>>
    %dma_wait3A_48 = tpu.memref_squeeze %dma_wait3A_47 : memref<1x128xi32, #tpu.memory_space<vmem>> -> memref<128xi32, #tpu.memory_space<vmem>>
    %dma_wait3A_49 = tpu.memref_slice %arg4[%add3A_36] : memref<327680xi32, #tpu.memory_space<hbm>> -> memref<128xi32, #tpu.memory_space<hbm>>
    %dma_wait3A_50 = arith.constant 0 : i32
    %dma_wait3A_51 = tpu.memref_slice %arg9[%dma_wait3A_45, %dma_wait3A_50] : memref<2x128xi32, #tpu.memory_space<vmem>> -> memref<1x128xi32, #tpu.memory_space<vmem>>
    %dma_wait3A_52 = tpu.memref_squeeze %dma_wait3A_51 : memref<1x128xi32, #tpu.memory_space<vmem>> -> memref<128xi32, #tpu.memory_space<vmem>>
    %dma_wait3A_53 = tpu.memref_slice %arg4[%add3A_36] : memref<327680xi32, #tpu.memory_space<hbm>> -> memref<128xi32, #tpu.memory_space<hbm>>
    tpu.wait_dma2 semaphore(%arg15 : memref<!tpu.dma_semaphore, #tpu.memory_space<semaphore_mem>>) src(%dma_wait3A_53 : memref<128xi32, #tpu.memory_space<hbm>>) dst(%dma_wait3A_52 : memref<128xi32, #tpu.memory_space<vmem>>)
    %dma_wait3A_54 = arith.constant 0 : i32
    %dma_wait3A_55 = arith.constant 0 : i32
    %dma_wait3A_56 = tpu.memref_slice %arg10[%dma_wait3A_54, %dma_wait3A_55] : memref<2x128xf32, #tpu.memory_space<vmem>> -> memref<1x128xf32, #tpu.memory_space<vmem>>
    %dma_wait3A_57 = tpu.memref_squeeze %dma_wait3A_56 : memref<1x128xf32, #tpu.memory_space<vmem>> -> memref<128xf32, #tpu.memory_space<vmem>>
    %dma_wait3A_58 = tpu.memref_slice %arg5[%add3A_36] : memref<327680xf32, #tpu.memory_space<hbm>> -> memref<128xf32, #tpu.memory_space<hbm>>
    %dma_wait3A_59 = arith.constant 0 : i32
    %dma_wait3A_60 = tpu.memref_slice %arg10[%dma_wait3A_54, %dma_wait3A_59] : memref<2x128xf32, #tpu.memory_space<vmem>> -> memref<1x128xf32, #tpu.memory_space<vmem>>
    %dma_wait3A_61 = tpu.memref_squeeze %dma_wait3A_60 : memref<1x128xf32, #tpu.memory_space<vmem>> -> memref<128xf32, #tpu.memory_space<vmem>>
    %dma_wait3A_62 = tpu.memref_slice %arg5[%add3A_36] : memref<327680xf32, #tpu.memory_space<hbm>> -> memref<128xf32, #tpu.memory_space<hbm>>
    tpu.wait_dma2 semaphore(%arg15 : memref<!tpu.dma_semaphore, #tpu.memory_space<semaphore_mem>>) src(%dma_wait3A_62 : memref<128xf32, #tpu.memory_space<hbm>>) dst(%dma_wait3A_61 : memref<128xf32, #tpu.memory_space<vmem>>)
    %dma_start3A_63 = arith.constant 0 : i32
    %dma_start3A_64 = arith.constant 0 : i32
    %dma_start3A_65 = arith.constant 0 : i32
    %dma_start3A_66 = arith.constant 0 : i32
    %dma_start3A_67 = tpu.memref_slice %arg11[%dma_start3A_64, %dma_start3A_65, %dma_start3A_66] : memref<2x128x128xf32, #tpu.memory_space<vmem>> -> memref<1x128x128xf32, #tpu.memory_space<vmem>>
    %dma_start3A_68 = tpu.memref_squeeze %dma_start3A_67 : memref<1x128x128xf32, #tpu.memory_space<vmem>> -> memref<128x128xf32, #tpu.memory_space<vmem>>
    %dma_start3A_69 = arith.constant 0 : i32
    %dma_start3A_70 = tpu.memref_slice %arg8[%dma_start3A_63, %dma_start3A_69] : memref<2x128xi32, #tpu.memory_space<vmem>> -> memref<1x128xi32, #tpu.memory_space<vmem>>
    %dma_start3A_71 = tpu.memref_squeeze %dma_start3A_70 : memref<1x128xi32, #tpu.memory_space<vmem>> -> memref<128xi32, #tpu.memory_space<vmem>>
    %dma_start3A_72 = arith.constant 0 : i32
    %dma_start3A_73 = arith.constant 0 : i32
    %dma_start3A_74 = tpu.memref_slice %arg2[%dma_start3A_72, %dma_start3A_73] : memref<10000x128xf32, #tpu.memory_space<hbm>> -> memref<10000x128xf32, #tpu.memory_space<hbm>>
    tpu.enqueue_indirect_dma source(%dma_start3A_74 : memref<10000x128xf32, #tpu.memory_space<hbm>>) target(%dma_start3A_68 : memref<128x128xf32, #tpu.memory_space<vmem>>) offsets(%dma_start3A_71 : memref<128xi32, #tpu.memory_space<vmem>>) semaphore(%arg13 : memref<!tpu.dma_semaphore, #tpu.memory_space<semaphore_mem>>)
    %add3A_75 = arith.constant 128 : i32
    %add3A_76 = arith.addi %mul3A_6, %add3A_75 : i32
    %dma_start3A_77 = arith.constant 1 : i32
    %dma_start3A_78 = arith.constant 0 : i32
    %dma_start3A_79 = tpu.memref_slice %arg8[%dma_start3A_77, %dma_start3A_78] : memref<2x128xi32, #tpu.memory_space<vmem>> -> memref<1x128xi32, #tpu.memory_space<vmem>>
    %dma_start3A_80 = tpu.memref_squeeze %dma_start3A_79 : memref<1x128xi32, #tpu.memory_space<vmem>> -> memref<128xi32, #tpu.memory_space<vmem>>
    %dma_start3A_81 = tpu.memref_slice %arg3[%add3A_76] : memref<327680xi32, #tpu.memory_space<hbm>> -> memref<128xi32, #tpu.memory_space<hbm>>
    %dma_start3A_82 = arith.constant 0 : i32
    %dma_start3A_83 = tpu.memref_slice %arg8[%dma_start3A_77, %dma_start3A_82] : memref<2x128xi32, #tpu.memory_space<vmem>> -> memref<1x128xi32, #tpu.memory_space<vmem>>
    %dma_start3A_84 = tpu.memref_squeeze %dma_start3A_83 : memref<1x128xi32, #tpu.memory_space<vmem>> -> memref<128xi32, #tpu.memory_space<vmem>>
    %dma_start3A_85 = tpu.memref_slice %arg3[%add3A_76] : memref<327680xi32, #tpu.memory_space<hbm>> -> memref<128xi32, #tpu.memory_space<hbm>>
    tpu.enqueue_dma source(%dma_start3A_85 : memref<128xi32, #tpu.memory_space<hbm>>) target(%dma_start3A_84 : memref<128xi32, #tpu.memory_space<vmem>>) target_semaphore(%arg15 : memref<!tpu.dma_semaphore, #tpu.memory_space<semaphore_mem>>)
    %dma_start3A_86 = arith.constant 1 : i32
    %dma_start3A_87 = arith.constant 0 : i32
    %dma_start3A_88 = tpu.memref_slice %arg9[%dma_start3A_86, %dma_start3A_87] : memref<2x128xi32, #tpu.memory_space<vmem>> -> memref<1x128xi32, #tpu.memory_space<vmem>>
    %dma_start3A_89 = tpu.memref_squeeze %dma_start3A_88 : memref<1x128xi32, #tpu.memory_space<vmem>> -> memref<128xi32, #tpu.memory_space<vmem>>
    %dma_start3A_90 = tpu.memref_slice %arg4[%add3A_76] : memref<327680xi32, #tpu.memory_space<hbm>> -> memref<128xi32, #tpu.memory_space<hbm>>
    %dma_start3A_91 = arith.constant 0 : i32
    %dma_start3A_92 = tpu.memref_slice %arg9[%dma_start3A_86, %dma_start3A_91] : memref<2x128xi32, #tpu.memory_space<vmem>> -> memref<1x128xi32, #tpu.memory_space<vmem>>
    %dma_start3A_93 = tpu.memref_squeeze %dma_start3A_92 : memref<1x128xi32, #tpu.memory_space<vmem>> -> memref<128xi32, #tpu.memory_space<vmem>>
    %dma_start3A_94 = tpu.memref_slice %arg4[%add3A_76] : memref<327680xi32, #tpu.memory_space<hbm>> -> memref<128xi32, #tpu.memory_space<hbm>>
    tpu.enqueue_dma source(%dma_start3A_94 : memref<128xi32, #tpu.memory_space<hbm>>) target(%dma_start3A_93 : memref<128xi32, #tpu.memory_space<vmem>>) target_semaphore(%arg15 : memref<!tpu.dma_semaphore, #tpu.memory_space<semaphore_mem>>)
    %dma_start3A_95 = arith.constant 1 : i32
    %dma_start3A_96 = arith.constant 0 : i32
    %dma_start3A_97 = tpu.memref_slice %arg10[%dma_start3A_95, %dma_start3A_96] : memref<2x128xf32, #tpu.memory_space<vmem>> -> memref<1x128xf32, #tpu.memory_space<vmem>>
    %dma_start3A_98 = tpu.memref_squeeze %dma_start3A_97 : memref<1x128xf32, #tpu.memory_space<vmem>> -> memref<128xf32, #tpu.memory_space<vmem>>
    %dma_start3A_99 = tpu.memref_slice %arg5[%add3A_76] : memref<327680xf32, #tpu.memory_space<hbm>> -> memref<128xf32, #tpu.memory_space<hbm>>
    %dma_start3A_100 = arith.constant 0 : i32
    %dma_start3A_101 = tpu.memref_slice %arg10[%dma_start3A_95, %dma_start3A_100] : memref<2x128xf32, #tpu.memory_space<vmem>> -> memref<1x128xf32, #tpu.memory_space<vmem>>
    %dma_start3A_102 = tpu.memref_squeeze %dma_start3A_101 : memref<1x128xf32, #tpu.memory_space<vmem>> -> memref<128xf32, #tpu.memory_space<vmem>>
    %dma_start3A_103 = tpu.memref_slice %arg5[%add3A_76] : memref<327680xf32, #tpu.memory_space<hbm>> -> memref<128xf32, #tpu.memory_space<hbm>>
    tpu.enqueue_dma source(%dma_start3A_103 : memref<128xf32, #tpu.memory_space<hbm>>) target(%dma_start3A_102 : memref<128xf32, #tpu.memory_space<vmem>>) target_semaphore(%arg15 : memref<!tpu.dma_semaphore, #tpu.memory_space<semaphore_mem>>)
    %barrier3A = arith.constant 0 : index
    tpu.barrier barrier_id(%barrier3A)
    %scan3A = arith.constant 0 : i32
    %scan3A_104 = arith.constant 0 : i32
    %scan3A_105 = arith.constant 40 : i32
    %scan3A_106 = arith.addi %scan3A_104, %scan3A_105 : i32
    %scan3A_107 = arith.constant 1 : i32
    scf.for %scan3A_117 = %scan3A_104 to %scan3A_106 step %scan3A_107  : i32 {
      %mul3A_118 = arith.constant 2 : i32
      %mul3A_119 = arith.muli %scan3A_117, %mul3A_118 : i32
      %add3A_120 = arith.constant 0 : i32
      %add3A_121 = arith.addi %mul3A_119, %add3A_120 : i32
      %add3A_122 = arith.constant 1 : i32
      %add3A_123 = arith.addi %add3A_121, %add3A_122 : i32
      %mul3A_124 = arith.constant 128 : i32
      %mul3A_125 = arith.muli %add3A_123, %mul3A_124 : i32
      %add3A_126 = arith.addi %mul3A_6, %mul3A_125 : i32
      %dma_wait3A_127 = arith.constant 1 : i32
      %dma_wait3A_128 = arith.constant 0 : i32
      %dma_wait3A_129 = tpu.memref_slice %arg8[%dma_wait3A_127, %dma_wait3A_128] : memref<2x128xi32, #tpu.memory_space<vmem>> -> memref<1x128xi32, #tpu.memory_space<vmem>>
      %dma_wait3A_130 = tpu.memref_squeeze %dma_wait3A_129 : memref<1x128xi32, #tpu.memory_space<vmem>> -> memref<128xi32, #tpu.memory_space<vmem>>
      %dma_wait3A_131 = tpu.memref_slice %arg3[%add3A_126] : memref<327680xi32, #tpu.memory_space<hbm>> -> memref<128xi32, #tpu.memory_space<hbm>>
      %dma_wait3A_132 = arith.constant 0 : i32
      %dma_wait3A_133 = tpu.memref_slice %arg8[%dma_wait3A_127, %dma_wait3A_132] : memref<2x128xi32, #tpu.memory_space<vmem>> -> memref<1x128xi32, #tpu.memory_space<vmem>>
      %dma_wait3A_134 = tpu.memref_squeeze %dma_wait3A_133 : memref<1x128xi32, #tpu.memory_space<vmem>> -> memref<128xi32, #tpu.memory_space<vmem>>
      %dma_wait3A_135 = tpu.memref_slice %arg3[%add3A_126] : memref<327680xi32, #tpu.memory_space<hbm>> -> memref<128xi32, #tpu.memory_space<hbm>>
      tpu.wait_dma2 semaphore(%arg15 : memref<!tpu.dma_semaphore, #tpu.memory_space<semaphore_mem>>) src(%dma_wait3A_135 : memref<128xi32, #tpu.memory_space<hbm>>) dst(%dma_wait3A_134 : memref<128xi32, #tpu.memory_space<vmem>>)
      %dma_wait3A_136 = arith.constant 1 : i32
      %dma_wait3A_137 = arith.constant 0 : i32
      %dma_wait3A_138 = tpu.memref_slice %arg9[%dma_wait3A_136, %dma_wait3A_137] : memref<2x128xi32, #tpu.memory_space<vmem>> -> memref<1x128xi32, #tpu.memory_space<vmem>>
      %dma_wait3A_139 = tpu.memref_squeeze %dma_wait3A_138 : memref<1x128xi32, #tpu.memory_space<vmem>> -> memref<128xi32, #tpu.memory_space<vmem>>
      %dma_wait3A_140 = tpu.memref_slice %arg4[%add3A_126] : memref<327680xi32, #tpu.memory_space<hbm>> -> memref<128xi32, #tpu.memory_space<hbm>>
      %dma_wait3A_141 = arith.constant 0 : i32
      %dma_wait3A_142 = tpu.memref_slice %arg9[%dma_wait3A_136, %dma_wait3A_141] : memref<2x128xi32, #tpu.memory_space<vmem>> -> memref<1x128xi32, #tpu.memory_space<vmem>>
      %dma_wait3A_143 = tpu.memref_squeeze %dma_wait3A_142 : memref<1x128xi32, #tpu.memory_space<vmem>> -> memref<128xi32, #tpu.memory_space<vmem>>
      %dma_wait3A_144 = tpu.memref_slice %arg4[%add3A_126] : memref<327680xi32, #tpu.memory_space<hbm>> -> memref<128xi32, #tpu.memory_space<hbm>>
      tpu.wait_dma2 semaphore(%arg15 : memref<!tpu.dma_semaphore, #tpu.memory_space<semaphore_mem>>) src(%dma_wait3A_144 : memref<128xi32, #tpu.memory_space<hbm>>) dst(%dma_wait3A_143 : memref<128xi32, #tpu.memory_space<vmem>>)
      %dma_wait3A_145 = arith.constant 1 : i32
      %dma_wait3A_146 = arith.constant 0 : i32
      %dma_wait3A_147 = tpu.memref_slice %arg10[%dma_wait3A_145, %dma_wait3A_146] : memref<2x128xf32, #tpu.memory_space<vmem>> -> memref<1x128xf32, #tpu.memory_space<vmem>>
      %dma_wait3A_148 = tpu.memref_squeeze %dma_wait3A_147 : memref<1x128xf32, #tpu.memory_space<vmem>> -> memref<128xf32, #tpu.memory_space<vmem>>
      %dma_wait3A_149 = tpu.memref_slice %arg5[%add3A_126] : memref<327680xf32, #tpu.memory_space<hbm>> -> memref<128xf32, #tpu.memory_space<hbm>>
      %dma_wait3A_150 = arith.constant 0 : i32
      %dma_wait3A_151 = tpu.memref_slice %arg10[%dma_wait3A_145, %dma_wait3A_150] : memref<2x128xf32, #tpu.memory_space<vmem>> -> memref<1x128xf32, #tpu.memory_space<vmem>>
      %dma_wait3A_152 = tpu.memref_squeeze %dma_wait3A_151 : memref<1x128xf32, #tpu.memory_space<vmem>> -> memref<128xf32, #tpu.memory_space<vmem>>
      %dma_wait3A_153 = tpu.memref_slice %arg5[%add3A_126] : memref<327680xf32, #tpu.memory_space<hbm>> -> memref<128xf32, #tpu.memory_space<hbm>>
      tpu.wait_dma2 semaphore(%arg15 : memref<!tpu.dma_semaphore, #tpu.memory_space<semaphore_mem>>) src(%dma_wait3A_153 : memref<128xf32, #tpu.memory_space<hbm>>) dst(%dma_wait3A_152 : memref<128xf32, #tpu.memory_space<vmem>>)
      %dma_start3A_154 = arith.constant 1 : i32
      %dma_start3A_155 = arith.constant 1 : i32
      %dma_start3A_156 = arith.constant 0 : i32
      %dma_start3A_157 = arith.constant 0 : i32
      %dma_start3A_158 = tpu.memref_slice %arg11[%dma_start3A_155, %dma_start3A_156, %dma_start3A_157] : memref<2x128x128xf32, #tpu.memory_space<vmem>> -> memref<1x128x128xf32, #tpu.memory_space<vmem>>
      %dma_start3A_159 = tpu.memref_squeeze %dma_start3A_158 : memref<1x128x128xf32, #tpu.memory_space<vmem>> -> memref<128x128xf32, #tpu.memory_space<vmem>>
      %dma_start3A_160 = arith.constant 0 : i32
      %dma_start3A_161 = tpu.memref_slice %arg8[%dma_start3A_154, %dma_start3A_160] : memref<2x128xi32, #tpu.memory_space<vmem>> -> memref<1x128xi32, #tpu.memory_space<vmem>>
      %dma_start3A_162 = tpu.memref_squeeze %dma_start3A_161 : memref<1x128xi32, #tpu.memory_space<vmem>> -> memref<128xi32, #tpu.memory_space<vmem>>
      %dma_start3A_163 = arith.constant 0 : i32
      %dma_start3A_164 = arith.constant 0 : i32
      %dma_start3A_165 = tpu.memref_slice %arg2[%dma_start3A_163, %dma_start3A_164] : memref<10000x128xf32, #tpu.memory_space<hbm>> -> memref<10000x128xf32, #tpu.memory_space<hbm>>
      tpu.enqueue_indirect_dma source(%dma_start3A_165 : memref<10000x128xf32, #tpu.memory_space<hbm>>) target(%dma_start3A_159 : memref<128x128xf32, #tpu.memory_space<vmem>>) offsets(%dma_start3A_162 : memref<128xi32, #tpu.memory_space<vmem>>) semaphore(%arg14 : memref<!tpu.dma_semaphore, #tpu.memory_space<semaphore_mem>>)
      %dma_wait3A_166 = arith.constant 0 : i32
      %dma_wait3A_167 = arith.constant 0 : i32
      %dma_wait3A_168 = arith.constant 0 : i32
      %dma_wait3A_169 = arith.constant 0 : i32
      %dma_wait3A_170 = tpu.memref_slice %arg11[%dma_wait3A_167, %dma_wait3A_168, %dma_wait3A_169] : memref<2x128x128xf32, #tpu.memory_space<vmem>> -> memref<1x128x128xf32, #tpu.memory_space<vmem>>
      %dma_wait3A_171 = tpu.memref_squeeze %dma_wait3A_170 : memref<1x128x128xf32, #tpu.memory_space<vmem>> -> memref<128x128xf32, #tpu.memory_space<vmem>>
      %dma_wait3A_172 = arith.constant 0 : i32
      %dma_wait3A_173 = tpu.memref_slice %arg8[%dma_wait3A_166, %dma_wait3A_172] : memref<2x128xi32, #tpu.memory_space<vmem>> -> memref<1x128xi32, #tpu.memory_space<vmem>>
      %dma_wait3A_174 = tpu.memref_squeeze %dma_wait3A_173 : memref<1x128xi32, #tpu.memory_space<vmem>> -> memref<128xi32, #tpu.memory_space<vmem>>
      %dma_wait3A_175 = arith.constant 0 : i32
      %dma_wait3A_176 = arith.constant 0 : i32
      %dma_wait3A_177 = tpu.memref_slice %arg2[%dma_wait3A_175, %dma_wait3A_176] : memref<10000x128xf32, #tpu.memory_space<hbm>> -> memref<10000x128xf32, #tpu.memory_space<hbm>>
      tpu.wait_indirect_dma semaphore(%arg13 : memref<!tpu.dma_semaphore, #tpu.memory_space<semaphore_mem>>) src(%dma_wait3A_177 : memref<10000x128xf32, #tpu.memory_space<hbm>>) dst(%dma_wait3A_171 : memref<128x128xf32, #tpu.memory_space<vmem>>)
      %scan3A_178 = arith.constant 0 : i32
      %scan3A_179 = arith.constant 0 : i32
      %scan3A_180 = arith.constant 8 : i32
      %scan3A_181 = arith.addi %scan3A_179, %scan3A_180 : i32
      %scan3A_182 = arith.constant 1 : i32
      scf.for %scan3A_223 = %scan3A_179 to %scan3A_181 step %scan3A_182  : i32 {
        %mul3A_224 = arith.constant 16 : i32
        %mul3A_225 = arith.muli %scan3A_223, %mul3A_224 : i32
        %get3A = arith.constant 0 : i32
        %get3A_226 = arith.index_cast %get3A : i32 to index
        %get3A_227 = arith.index_cast %mul3A_225 : i32 to index
        %get3A_228 = tpu.vector_load %arg10[%get3A_226, %get3A_227] {strides = array<i32>} : memref<2x128xf32, #tpu.memory_space<vmem>>, vector<1x16xf32>,
        %get3A_229 = vector.shape_cast %get3A_228 : vector<1x16xf32> to vector<16xf32>
        %slice3A = vector.extract_strided_slice %get3A_229 {offsets = [0], sizes = [1], strides = [1]} : vector<16xf32> to vector<1xf32>
        %squeeze3A = vector.extract %slice3A[0] : f32 from vector<1xf32>
        %mul3A_230 = arith.constant 16 : i32
        %mul3A_231 = arith.muli %scan3A_223, %mul3A_230 : i32
        %add3A_232 = arith.constant 0 : i32
        %add3A_233 = arith.addi %mul3A_231, %add3A_232 : i32
        %get3A_234 = arith.constant 0 : i32
        %get3A_235 = arith.index_cast %get3A_234 : i32 to index
        %get3A_236 = arith.index_cast %add3A_233 : i32 to index
        %get3A_237 = arith.constant 0 : index
        %get3A_238 = tpu.vector_load %arg11[%get3A_235, %get3A_236, %get3A_237] {strides = array<i32>} : memref<2x128x128xf32, #tpu.memory_space<vmem>>, vector<1x1x16xf32>,
        %get3A_239 = vector.shape_cast %get3A_238 : vector<1x1x16xf32> to vector<16xf32>
        %mul3A_240 = vector.broadcast %squeeze3A : f32 to vector<16xf32>
        %mul3A_241 = arith.mulf %get3A_239, %mul3A_240 : vector<16xf32>
        %swap3A = arith.constant 0 : i32
        %swap3A_242 = arith.index_cast %swap3A : i32 to index
        %swap3A_243 = arith.index_cast %add3A_233 : i32 to index
        %swap3A_244 = arith.constant 0 : index
        %swap3A_245 = tpu.vector_load %arg11[%swap3A_242, %swap3A_243, %swap3A_244] {strides = array<i32>} : memref<2x128x128xf32, #tpu.memory_space<vmem>>, vector<1x1x16xf32>,
        %swap3A_246 = vector.shape_cast %swap3A_245 : vector<1x1x16xf32> to vector<16xf32>
        %swap3A_247 = vector.shape_cast %mul3A_241 : vector<16xf32> to vector<1x1x16xf32>
        tpu.vector_store %arg11[%swap3A_242, %swap3A_243, %swap3A_244], %swap3A_247 {strides = array<i32>} : memref<2x128x128xf32, #tpu.memory_space<vmem>>, vector<1x1x16xf32>,
        %get3A_248 = arith.constant 0 : i32
        %get3A_249 = arith.index_cast %get3A_248 : i32 to index
        %get3A_250 = arith.index_cast %add3A_233 : i32 to index
        %get3A_251 = arith.constant 16 : index
        %get3A_252 = tpu.vector_load %arg11[%get3A_249, %get3A_250, %get3A_251] {strides = array<i32>} : memref<2x128x128xf32, #tpu.memory_space<vmem>>, vector<1x1x16xf32>,
        %get3A_253 = vector.shape_cast %get3A_252 : vector<1x1x16xf32> to vector<16xf32>
        %mul3A_254 = vector.broadcast %squeeze3A : f32 to vector<16xf32>
        %mul3A_255 = arith.mulf %get3A_253, %mul3A_254 : vector<16xf32>
        %swap3A_256 = arith.constant 0 : i32
        %swap3A_257 = arith.index_cast %swap3A_256 : i32 to index
        %swap3A_258 = arith.index_cast %add3A_233 : i32 to index
        %swap3A_259 = arith.constant 16 : index
        %swap3A_260 = tpu.vector_load %arg11[%swap3A_257, %swap3A_258, %swap3A_259] {strides = array<i32>} : memref<2x128x128xf32, #tpu.memory_space<vmem>>, vector<1x1x16xf32>,
        %swap3A_261 = vector.shape_cast %swap3A_260 : vector<1x1x16xf32> to vector<16xf32>
        %swap3A_262 = vector.shape_cast %mul3A_255 : vector<16xf32> to vector<1x1x16xf32>
        tpu.vector_store %arg11[%swap3A_257, %swap3A_258, %swap3A_259], %swap3A_262 {strides = array<i32>} : memref<2x128x128xf32, #tpu.memory_space<vmem>>, vector<1x1x16xf32>,
        %get3A_263 = arith.constant 0 : i32
        %get3A_264 = arith.index_cast %get3A_263 : i32 to index
        %get3A_265 = arith.index_cast %add3A_233 : i32 to index
        %get3A_266 = arith.constant 32 : index
        %get3A_267 = tpu.vector_load %arg11[%get3A_264, %get3A_265, %get3A_266] {strides = array<i32>} : memref<2x128x128xf32, #tpu.memory_space<vmem>>, vector<1x1x16xf32>,
        %get3A_268 = vector.shape_cast %get3A_267 : vector<1x1x16xf32> to vector<16xf32>
        %mul3A_269 = vector.broadcast %squeeze3A : f32 to vector<16xf32>
        %mul3A_270 = arith.mulf %get3A_268, %mul3A_269 : vector<16xf32>
        %swap3A_271 = arith.constant 0 : i32
        %swap3A_272 = arith.index_cast %swap3A_271 : i32 to index
        %swap3A_273 = arith.index_cast %add3A_233 : i32 to index
        %swap3A_274 = arith.constant 32 : index
        %swap3A_275 = tpu.vector_load %arg11[%swap3A_272, %swap3A_273, %swap3A_274] {strides = array<i32>} : memref<2x128x128xf32, #tpu.memory_space<vmem>>, vector<1x1x16xf32>,
        %swap3A_276 = vector.shape_cast %swap3A_275 : vector<1x1x16xf32> to vector<16xf32>
        %swap3A_277 = vector.shape_cast %mul3A_270 : vector<16xf32> to vector<1x1x16xf32>
        tpu.vector_store %arg11[%swap3A_272, %swap3A_273, %swap3A_274], %swap3A_277 {strides = array<i32>} : memref<2x128x128xf32, #tpu.memory_space<vmem>>, vector<1x1x16xf32>,
        %get3A_278 = arith.constant 0 : i32
        %get3A_279 = arith.index_cast %get3A_278 : i32 to index
        %get3A_280 = arith.index_cast %add3A_233 : i32 to index
        %get3A_281 = arith.constant 48 : index
        %get3A_282 = tpu.vector_load %arg11[%get3A_279, %get3A_280, %get3A_281] {strides = array<i32>} : memref<2x128x128xf32, #tpu.memory_space<vmem>>, vector<1x1x16xf32>,
        %get3A_283 = vector.shape_cast %get3A_282 : vector<1x1x16xf32> to vector<16xf32>
        %mul3A_284 = vector.broadcast %squeeze3A : f32 to vector<16xf32>
        %mul3A_285 = arith.mulf %get3A_283, %mul3A_284 : vector<16xf32>
        %swap3A_286 = arith.constant 0 : i32
        %swap3A_287 = arith.index_cast %swap3A_286 : i32 to index
        %swap3A_288 = arith.index_cast %add3A_233 : i32 to index
        %swap3A_289 = arith.constant 48 : index
        %swap3A_290 = tpu.vector_load %arg11[%swap3A_287, %swap3A_288, %swap3A_289] {strides = array<i32>} : memref<2x128x128xf32, #tpu.memory_space<vmem>>, vector<1x1x16xf32>,
        %swap3A_291 = vector.shape_cast %swap3A_290 : vector<1x1x16xf32> to vector<16xf32>
        %swap3A_292 = vector.shape_cast %mul3A_285 : vector<16xf32> to vector<1x1x16xf32>
        tpu.vector_store %arg11[%swap3A_287, %swap3A_288, %swap3A_289], %swap3A_292 {strides = array<i32>} : memref<2x128x128xf32, #tpu.memory_space<vmem>>, vector<1x1x16xf32>,
        %get3A_293 = arith.constant 0 : i32
        %get3A_294 = arith.index_cast %get3A_293 : i32 to index
        %get3A_295 = arith.index_cast %add3A_233 : i32 to index
        %get3A_296 = arith.constant 64 : index
        %get3A_297 = tpu.vector_load %arg11[%get3A_294, %get3A_295, %get3A_296] {strides = array<i32>} : memref<2x128x128xf32, #tpu.memory_space<vmem>>, vector<1x1x16xf32>,
        %get3A_298 = vector.shape_cast %get3A_297 : vector<1x1x16xf32> to vector<16xf32>
        %mul3A_299 = vector.broadcast %squeeze3A : f32 to vector<16xf32>
        %mul3A_300 = arith.mulf %get3A_298, %mul3A_299 : vector<16xf32>
        %swap3A_301 = arith.constant 0 : i32
        %swap3A_302 = arith.index_cast %swap3A_301 : i32 to index
        %swap3A_303 = arith.index_cast %add3A_233 : i32 to index
        %swap3A_304 = arith.constant 64 : index
        %swap3A_305 = tpu.vector_load %arg11[%swap3A_302, %swap3A_303, %swap3A_304] {strides = array<i32>} : memref<2x128x128xf32, #tpu.memory_space<vmem>>, vector<1x1x16xf32>,
        %swap3A_306 = vector.shape_cast %swap3A_305 : vector<1x1x16xf32> to vector<16xf32>
        %swap3A_307 = vector.shape_cast %mul3A_300 : vector<16xf32> to vector<1x1x16xf32>
        tpu.vector_store %arg11[%swap3A_302, %swap3A_303, %swap3A_304], %swap3A_307 {strides = array<i32>} : memref<2x128x128xf32, #tpu.memory_space<vmem>>, vector<1x1x16xf32>,
        %get3A_308 = arith.constant 0 : i32
        %get3A_309 = arith.index_cast %get3A_308 : i32 to index
        %get3A_310 = arith.index_cast %add3A_233 : i32 to index
        %get3A_311 = arith.constant 80 : index
        %get3A_312 = tpu.vector_load %arg11[%get3A_309, %get3A_310, %get3A_311] {strides = array<i32>} : memref<2x128x128xf32, #tpu.memory_space<vmem>>, vector<1x1x16xf32>,
        %get3A_313 = vector.shape_cast %get3A_312 : vector<1x1x16xf32> to vector<16xf32>
        %mul3A_314 = vector.broadcast %squeeze3A : f32 to vector<16xf32>
        %mul3A_315 = arith.mulf %get3A_313, %mul3A_314 : vector<16xf32>
        %swap3A_316 = arith.constant 0 : i32
        %swap3A_317 = arith.index_cast %swap3A_316 : i32 to index
        %swap3A_318 = arith.index_cast %add3A_233 : i32 to index
        %swap3A_319 = arith.constant 80 : index
        %swap3A_320 = tpu.vector_load %arg11[%swap3A_317, %swap3A_318, %swap3A_319] {strides = array<i32>} : memref<2x128x128xf32, #tpu.memory_space<vmem>>, vector<1x1x16xf32>,
        %swap3A_321 = vector.shape_cast %swap3A_320 : vector<1x1x16xf32> to vector<16xf32>
        %swap3A_322 = vector.shape_cast %mul3A_315 : vector<16xf32> to vector<1x1x16xf32>
        tpu.vector_store %arg11[%swap3A_317, %swap3A_318, %swap3A_319], %swap3A_322 {strides = array<i32>} : memref<2x128x128xf32, #tpu.memory_space<vmem>>, vector<1x1x16xf32>,
        %get3A_323 = arith.constant 0 : i32
        %get3A_324 = arith.index_cast %get3A_323 : i32 to index
        %get3A_325 = arith.index_cast %add3A_233 : i32 to index
        %get3A_326 = arith.constant 96 : index
        %get3A_327 = tpu.vector_load %arg11[%get3A_324, %get3A_325, %get3A_326] {strides = array<i32>} : memref<2x128x128xf32, #tpu.memory_space<vmem>>, vector<1x1x16xf32>,
        %get3A_328 = vector.shape_cast %get3A_327 : vector<1x1x16xf32> to vector<16xf32>
        %mul3A_329 = vector.broadcast %squeeze3A : f32 to vector<16xf32>
        %mul3A_330 = arith.mulf %get3A_328, %mul3A_329 : vector<16xf32>
        %swap3A_331 = arith.constant 0 : i32
        %swap3A_332 = arith.index_cast %swap3A_331 : i32 to index
        %swap3A_333 = arith.index_cast %add3A_233 : i32 to index
        %swap3A_334 = arith.constant 96 : index
        %swap3A_335 = tpu.vector_load %arg11[%swap3A_332, %swap3A_333, %swap3A_334] {strides = array<i32>} : memref<2x128x128xf32, #tpu.memory_space<vmem>>, vector<1x1x16xf32>,
        %swap3A_336 = vector.shape_cast %swap3A_335 : vector<1x1x16xf32> to vector<16xf32>
        %swap3A_337 = vector.shape_cast %mul3A_330 : vector<16xf32> to vector<1x1x16xf32>
        tpu.vector_store %arg11[%swap3A_332, %swap3A_333, %swap3A_334], %swap3A_337 {strides = array<i32>} : memref<2x128x128xf32, #tpu.memory_space<vmem>>, vector<1x1x16xf32>,
        %get3A_338 = arith.constant 0 : i32
        %get3A_339 = arith.index_cast %get3A_338 : i32 to index
        %get3A_340 = arith.index_cast %add3A_233 : i32 to index
        %get3A_341 = arith.constant 112 : index
        %get3A_342 = tpu.vector_load %arg11[%get3A_339, %get3A_340, %get3A_341] {strides = array<i32>} : memref<2x128x128xf32, #tpu.memory_space<vmem>>, vector<1x1x16xf32>,
        %get3A_343 = vector.shape_cast %get3A_342 : vector<1x1x16xf32> to vector<16xf32>
        %mul3A_344 = vector.broadcast %squeeze3A : f32 to vector<16xf32>
        %mul3A_345 = arith.mulf %get3A_343, %mul3A_344 : vector<16xf32>
        %swap3A_346 = arith.constant 0 : i32
        %swap3A_347 = arith.index_cast %swap3A_346 : i32 to index
        %swap3A_348 = arith.index_cast %add3A_233 : i32 to index
        %swap3A_349 = arith.constant 112 : index
        %swap3A_350 = tpu.vector_load %arg11[%swap3A_347, %swap3A_348, %swap3A_349] {strides = array<i32>} : memref<2x128x128xf32, #tpu.memory_space<vmem>>, vector<1x1x16xf32>,
        %swap3A_351 = vector.shape_cast %swap3A_350 : vector<1x1x16xf32> to vector<16xf32>
        %swap3A_352 = vector.shape_cast %mul3A_345 : vector<16xf32> to vector<1x1x16xf32>
        tpu.vector_store %arg11[%swap3A_347, %swap3A_348, %swap3A_349], %swap3A_352 {strides = array<i32>} : memref<2x128x128xf32, #tpu.memory_space<vmem>>, vector<1x1x16xf32>,
        %slice3A_353 = vector.extract_strided_slice %get3A_229 {offsets = [1], sizes = [1], strides = [1]} : vector<16xf32> to vector<1xf32>
        %squeeze3A_354 = vector.extract %slice3A_353[0] : f32 from vector<1xf32>
        %mul3A_355 = arith.constant 16 : i32
        %mul3A_356 = arith.muli %scan3A_223, %mul3A_355 : i32
        %add3A_357 = arith.constant 1 : i32
        %add3A_358 = arith.addi %mul3A_356, %add3A_357 : i32
        %get3A_359 = arith.constant 0 : i32
        %get3A_360 = arith.index_cast %get3A_359 : i32 to index
        %get3A_361 = arith.index_cast %add3A_358 : i32 to index
        %get3A_362 = arith.constant 0 : index
        %get3A_363 = tpu.vector_load %arg11[%get3A_360, %get3A_361, %get3A_362] {strides = array<i32>} : memref<2x128x128xf32, #tpu.memory_space<vmem>>, vector<1x1x16xf32>,
        %get3A_364 = vector.shape_cast %get3A_363 : vector<1x1x16xf32> to vector<16xf32>
        %mul3A_365 = vector.broadcast %squeeze3A_354 : f32 to vector<16xf32>
        %mul3A_366 = arith.mulf %get3A_364, %mul3A_365 : vector<16xf32>
        %swap3A_367 = arith.constant 0 : i32
        %swap3A_368 = arith.index_cast %swap3A_367 : i32 to index
        %swap3A_369 = arith.index_cast %add3A_358 : i32 to index
        %swap3A_370 = arith.constant 0 : index
        %swap3A_371 = tpu.vector_load %arg11[%swap3A_368, %swap3A_369, %swap3A_370] {strides = array<i32>} : memref<2x128x128xf32, #tpu.memory_space<vmem>>, vector<1x1x16xf32>,
        %swap3A_372 = vector.shape_cast %swap3A_371 : vector<1x1x16xf32> to vector<16xf32>
        %swap3A_373 = vector.shape_cast %mul3A_366 : vector<16xf32> to vector<1x1x16xf32>
        tpu.vector_store %arg11[%swap3A_368, %swap3A_369, %swap3A_370], %swap3A_373 {strides = array<i32>} : memref<2x128x128xf32, #tpu.memory_space<vmem>>, vector<1x1x16xf32>,
        %get3A_374 = arith.constant 0 : i32
        %get3A_375 = arith.index_cast %get3A_374 : i32 to index
        %get3A_376 = arith.index_cast %add3A_358 : i32 to index
        %get3A_377 = arith.constant 16 : index
        %get3A_378 = tpu.vector_load %arg11[%get3A_375, %get3A_376, %get3A_377] {strides = array<i32>} : memref<2x128x128xf32, #tpu.memory_space<vmem>>, vector<1x1x16xf32>,
        %get3A_379 = vector.shape_cast %get3A_378 : vector<1x1x16xf32> to vector<16xf32>
        %mul3A_380 = vector.broadcast %squeeze3A_354 : f32 to vector<16xf32>
        %mul3A_381 = arith.mulf %get3A_379, %mul3A_380 : vector<16xf32>
        %swap3A_382 = arith.constant 0 : i32
        %swap3A_383 = arith.index_cast %swap3A_382 : i32 to index
        %swap3A_384 = arith.index_cast %add3A_358 : i32 to index
        %swap3A_385 = arith.constant 16 : index
        %swap3A_386 = tpu.vector_load %arg11[%swap3A_383, %swap3A_384, %swap3A_385] {strides = array<i32>} : memref<2x128x128xf32, #tpu.memory_space<vmem>>, vector<1x1x16xf32>,
        %swap3A_387 = vector.shape_cast %swap3A_386 : vector<1x1x16xf32> to vector<16xf32>
        %swap3A_388 = vector.shape_cast %mul3A_381 : vector<16xf32> to vector<1x1x16xf32>
        tpu.vector_store %arg11[%swap3A_383, %swap3A_384, %swap3A_385], %swap3A_388 {strides = array<i32>} : memref<2x128x128xf32, #tpu.memory_space<vmem>>, vector<1x1x16xf32>,
        %get3A_389 = arith.constant 0 : i32
        %get3A_390 = arith.index_cast %get3A_389 : i32 to index
        %get3A_391 = arith.index_cast %add3A_358 : i32 to index
        %get3A_392 = arith.constant 32 : index
        %get3A_393 = tpu.vector_load %arg11[%get3A_390, %get3A_391, %get3A_392] {strides = array<i32>} : memref<2x128x128xf32, #tpu.memory_space<vmem>>, vector<1x1x16xf32>,
        %get3A_394 = vector.shape_cast %get3A_393 : vector<1x1x16xf32> to vector<16xf32>
        %mul3A_395 = vector.broadcast %squeeze3A_354 : f32 to vector<16xf32>
        %mul3A_396 = arith.mulf %get3A_394, %mul3A_395 : vector<16xf32>
        %swap3A_397 = arith.constant 0 : i32
        %swap3A_398 = arith.index_cast %swap3A_397 : i32 to index
        %swap3A_399 = arith.index_cast %add3A_358 : i32 to index
        %swap3A_400 = arith.constant 32 : index
        %swap3A_401 = tpu.vector_load %arg11[%swap3A_398, %swap3A_399, %swap3A_400] {strides = array<i32>} : memref<2x128x128xf32, #tpu.memory_space<vmem>>, vector<1x1x16xf32>,
        %swap3A_402 = vector.shape_cast %swap3A_401 : vector<1x1x16xf32> to vector<16xf32>
        %swap3A_403 = vector.shape_cast %mul3A_396 : vector<16xf32> to vector<1x1x16xf32>
        tpu.vector_store %arg11[%swap3A_398, %swap3A_399, %swap3A_400], %swap3A_403 {strides = array<i32>} : memref<2x128x128xf32, #tpu.memory_space<vmem>>, vector<1x1x16xf32>,
        %get3A_404 = arith.constant 0 : i32
        %get3A_405 = arith.index_cast %get3A_404 : i32 to index
        %get3A_406 = arith.index_cast %add3A_358 : i32 to index
        %get3A_407 = arith.constant 48 : index
        %get3A_408 = tpu.vector_load %arg11[%get3A_405, %get3A_406, %get3A_407] {strides = array<i32>} : memref<2x128x128xf32, #tpu.memory_space<vmem>>, vector<1x1x16xf32>,
        %get3A_409 = vector.shape_cast %get3A_408 : vector<1x1x16xf32> to vector<16xf32>
        %mul3A_410 = vector.broadcast %squeeze3A_354 : f32 to vector<16xf32>
        %mul3A_411 = arith.mulf %get3A_409, %mul3A_410 : vector<16xf32>
        %swap3A_412 = arith.constant 0 : i32
        %swap3A_413 = arith.index_cast %swap3A_412 : i32 to index
        %swap3A_414 = arith.index_cast %add3A_358 : i32 to index
        %swap3A_415 = arith.constant 48 : index
        %swap3A_416 = tpu.vector_load %arg11[%swap3A_413, %swap3A_414, %swap3A_415] {strides = array<i32>} : memref<2x128x128xf32, #tpu.memory_space<vmem>>, vector<1x1x16xf32>,
        %swap3A_417 = vector.shape_cast %swap3A_416 : vector<1x1x16xf32> to vector<16xf32>
        %swap3A_418 = vector.shape_cast %mul3A_411 : vector<16xf32> to vector<1x1x16xf32>
        tpu.vector_store %arg11[%swap3A_413, %swap3A_414, %swap3A_415], %swap3A_418 {strides = array<i32>} : memref<2x128x128xf32, #tpu.memory_space<vmem>>, vector<1x1x16xf32>,
        %get3A_419 = arith.constant 0 : i32
        %get3A_420 = arith.index_cast %get3A_419 : i32 to index
        %get3A_421 = arith.index_cast %add3A_358 : i32 to index
        %get3A_422 = arith.constant 64 : index
        %get3A_423 = tpu.vector_load %arg11[%get3A_420, %get3A_421, %get3A_422] {strides = array<i32>} : memref<2x128x128xf32, #tpu.memory_space<vmem>>, vector<1x1x16xf32>,
        %get3A_424 = vector.shape_cast %get3A_423 : vector<1x1x16xf32> to vector<16xf32>
        %mul3A_425 = vector.broadcast %squeeze3A_354 : f32 to vector<16xf32>
        %mul3A_426 = arith.mulf %get3A_424, %mul3A_425 : vector<16xf32>
        %swap3A_427 = arith.constant 0 : i32
        %swap3A_428 = arith.index_cast %swap3A_427 : i32 to index
        %swap3A_429 = arith.index_cast %add3A_358 : i32 to index
        %swap3A_430 = arith.constant 64 : index
        %swap3A_431 = tpu.vector_load %arg11[%swap3A_428, %swap3A_429, %swap3A_430] {strides = array<i32>} : memref<2x128x128xf32, #tpu.memory_space<vmem>>, vector<1x1x16xf32>,
        %swap3A_432 = vector.shape_cast %swap3A_431 : vector<1x1x16xf32> to vector<16xf32>
        %swap3A_433 = vector.shape_cast %mul3A_426 : vector<16xf32> to vector<1x1x16xf32>
        tpu.vector_store %arg11[%swap3A_428, %swap3A_429, %swap3A_430], %swap3A_433 {strides = array<i32>} : memref<2x128x128xf32, #tpu.memory_space<vmem>>, vector<1x1x16xf32>,
        %get3A_434 = arith.constant 0 : i32
        %get3A_435 = arith.index_cast %get3A_434 : i32 to index
        %get3A_436 = arith.index_cast %add3A_358 : i32 to index
        %get3A_437 = arith.constant 80 : index
        %get3A_438 = tpu.vector_load %arg11[%get3A_435, %get3A_436, %get3A_437] {strides = array<i32>} : memref<2x128x128xf32, #tpu.memory_space<vmem>>, vector<1x1x16xf32>,
        %get3A_439 = vector.shape_cast %get3A_438 : vector<1x1x16xf32> to vector<16xf32>
        %mul3A_440 = vector.broadcast %squeeze3A_354 : f32 to vector<16xf32>
        %mul3A_441 = arith.mulf %get3A_439, %mul3A_440 : vector<16xf32>
        %swap3A_442 = arith.constant 0 : i32
        %swap3A_443 = arith.index_cast %swap3A_442 : i32 to index
        %swap3A_444 = arith.index_cast %add3A_358 : i32 to index
        %swap3A_445 = arith.constant 80 : index
        %swap3A_446 = tpu.vector_load %arg11[%swap3A_443, %swap3A_444, %swap3A_445] {strides = array<i32>} : memref<2x128x128xf32, #tpu.memory_space<vmem>>, vector<1x1x16xf32>,
        %swap3A_447 = vector.shape_cast %swap3A_446 : vector<1x1x16xf32> to vector<16xf32>
        %swap3A_448 = vector.shape_cast %mul3A_441 : vector<16xf32> to vector<1x1x16xf32>
        tpu.vector_store %arg11[%swap3A_443, %swap3A_444, %swap3A_445], %swap3A_448 {strides = array<i32>} : memref<2x128x128xf32, #tpu.memory_space<vmem>>, vector<1x1x16xf32>,
        %get3A_449 = arith.constant 0 : i32
        %get3A_450 = arith.index_cast %get3A_449 : i32 to index
        %get3A_451 = arith.index_cast %add3A_358 : i32 to index
        %get3A_452 = arith.constant 96 : index
        %get3A_453 = tpu.vector_load %arg11[%get3A_450, %get3A_451, %get3A_452] {strides = array<i32>} : memref<2x128x128xf32, #tpu.memory_space<vmem>>, vector<1x1x16xf32>,
        %get3A_454 = vector.shape_cast %get3A_453 : vector<1x1x16xf32> to vector<16xf32>
        %mul3A_455 = vector.broadcast %squeeze3A_354 : f32 to vector<16xf32>
        %mul3A_456 = arith.mulf %get3A_454, %mul3A_455 : vector<16xf32>
        %swap3A_457 = arith.constant 0 : i32
        %swap3A_458 = arith.index_cast %swap3A_457 : i32 to index
        %swap3A_459 = arith.index_cast %add3A_358 : i32 to index
        %swap3A_460 = arith.constant 96 : index
        %swap3A_461 = tpu.vector_load %arg11[%swap3A_458, %swap3A_459, %swap3A_460] {strides = array<i32>} : memref<2x128x128xf32, #tpu.memory_space<vmem>>, vector<1x1x16xf32>,
        %swap3A_462 = vector.shape_cast %swap3A_461 : vector<1x1x16xf32> to vector<16xf32>
        %swap3A_463 = vector.shape_cast %mul3A_456 : vector<16xf32> to vector<1x1x16xf32>
        tpu.vector_store %arg11[%swap3A_458, %swap3A_459, %swap3A_460], %swap3A_463 {strides = array<i32>} : memref<2x128x128xf32, #tpu.memory_space<vmem>>, vector<1x1x16xf32>,
        %get3A_464 = arith.constant 0 : i32
        %get3A_465 = arith.index_cast %get3A_464 : i32 to index
        %get3A_466 = arith.index_cast %add3A_358 : i32 to index
        %get3A_467 = arith.constant 112 : index
        %get3A_468 = tpu.vector_load %arg11[%get3A_465, %get3A_466, %get3A_467] {strides = array<i32>} : memref<2x128x128xf32, #tpu.memory_space<vmem>>, vector<1x1x16xf32>,
        %get3A_469 = vector.shape_cast %get3A_468 : vector<1x1x16xf32> to vector<16xf32>
        %mul3A_470 = vector.broadcast %squeeze3A_354 : f32 to vector<16xf32>
        %mul3A_471 = arith.mulf %get3A_469, %mul3A_470 : vector<16xf32>
        %swap3A_472 = arith.constant 0 : i32
        %swap3A_473 = arith.index_cast %swap3A_472 : i32 to index
        %swap3A_474 = arith.index_cast %add3A_358 : i32 to index
        %swap3A_475 = arith.constant 112 : index
        %swap3A_476 = tpu.vector_load %arg11[%swap3A_473, %swap3A_474, %swap3A_475] {strides = array<i32>} : memref<2x128x128xf32, #tpu.memory_space<vmem>>, vector<1x1x16xf32>,
        %swap3A_477 = vector.shape_cast %swap3A_476 : vector<1x1x16xf32> to vector<16xf32>
        %swap3A_478 = vector.shape_cast %mul3A_471 : vector<16xf32> to vector<1x1x16xf32>
        tpu.vector_store %arg11[%swap3A_473, %swap3A_474, %swap3A_475], %swap3A_478 {strides = array<i32>} : memref<2x128x128xf32, #tpu.memory_space<vmem>>, vector<1x1x16xf32>,
        %slice3A_479 = vector.extract_strided_slice %get3A_229 {offsets = [2], sizes = [1], strides = [1]} : vector<16xf32> to vector<1xf32>
        %squeeze3A_480 = vector.extract %slice3A_479[0] : f32 from vector<1xf32>
        %mul3A_481 = arith.constant 16 : i32
        %mul3A_482 = arith.muli %scan3A_223, %mul3A_481 : i32
        %add3A_483 = arith.constant 2 : i32
        %add3A_484 = arith.addi %mul3A_482, %add3A_483 : i32
        %get3A_485 = arith.constant 0 : i32
        %get3A_486 = arith.index_cast %get3A_485 : i32 to index
        %get3A_487 = arith.index_cast %add3A_484 : i32 to index
        %get3A_488 = arith.constant 0 : index
        %get3A_489 = tpu.vector_load %arg11[%get3A_486, %get3A_487, %get3A_488] {strides = array<i32>} : memref<2x128x128xf32, #tpu.memory_space<vmem>>, vector<1x1x16xf32>,
        %get3A_490 = vector.shape_cast %get3A_489 : vector<1x1x16xf32> to vector<16xf32>
        %mul3A_491 = vector.broadcast %squeeze3A_480 : f32 to vector<16xf32>
        %mul3A_492 = arith.mulf %get3A_490, %mul3A_491 : vector<16xf32>
        %swap3A_493 = arith.constant 0 : i32
        %swap3A_494 = arith.index_cast %swap3A_493 : i32 to index
        %swap3A_495 = arith.index_cast %add3A_484 : i32 to index
        %swap3A_496 = arith.constant 0 : index
        %swap3A_497 = tpu.vector_load %arg11[%swap3A_494, %swap3A_495, %swap3A_496] {strides = array<i32>} : memref<2x128x128xf32, #tpu.memory_space<vmem>>, vector<1x1x16xf32>,
        %swap3A_498 = vector.shape_cast %swap3A_497 : vector<1x1x16xf32> to vector<16xf32>
        %swap3A_499 = vector.shape_cast %mul3A_492 : vector<16xf32> to vector<1x1x16xf32>
        tpu.vector_store %arg11[%swap3A_494, %swap3A_495, %swap3A_496], %swap3A_499 {strides = array<i32>} : memref<2x128x128xf32, #tpu.memory_space<vmem>>, vector<1x1x16xf32>,
        %get3A_500 = arith.constant 0 : i32
        %get3A_501 = arith.index_cast %get3A_500 : i32 to index
        %get3A_502 = arith.index_cast %add3A_484 : i32 to index
        %get3A_503 = arith.constant 16 : index
        %get3A_504 = tpu.vector_load %arg11[%get3A_501, %get3A_502, %get3A_503] {strides = array<i32>} : memref<2x128x128xf32, #tpu.memory_space<vmem>>, vector<1x1x16xf32>,
        %get3A_505 = vector.shape_cast %get3A_504 : vector<1x1x16xf32> to vector<16xf32>
        %mul3A_506 = vector.broadcast %squeeze3A_480 : f32 to vector<16xf32>
        %mul3A_507 = arith.mulf %get3A_505, %mul3A_506 : vector<16xf32>
        %swap3A_508 = arith.constant 0 : i32
        %swap3A_509 = arith.index_cast %swap3A_508 : i32 to index
        %swap3A_510 = arith.index_cast %add3A_484 : i32 to index
        %swap3A_511 = arith.constant 16 : index
        %swap3A_512 = tpu.vector_load %arg11[%swap3A_509, %swap3A_510, %swap3A_511] {strides = array<i32>} : memref<2x128x128xf32, #tpu.memory_space<vmem>>, vector<1x1x16xf32>,
        %swap3A_513 = vector.shape_cast %swap3A_512 : vector<1x1x16xf32> to vector<16xf32>
        %swap3A_514 = vector.shape_cast %mul3A_507 : vector<16xf32> to vector<1x1x16xf32>
        tpu.vector_store %arg11[%swap3A_509, %swap3A_510, %swap3A_511], %swap3A_514 {strides = array<i32>} : memref<2x128x128xf32, #tpu.memory_space<vmem>>, vector<1x1x16xf32>,
        %get3A_515 = arith.constant 0 : i32
        %get3A_516 = arith.index_cast %get3A_515 : i32 to index
        %get3A_517 = arith.index_cast %add3A_484 : i32 to index
        %get3A_518 = arith.constant 32 : index
        %get3A_519 = tpu.vector_load %arg11[%get3A_516, %get3A_517, %get3A_518] {strides = array<i32>} : memref<2x128x128xf32, #tpu.memory_space<vmem>>, vector<1x1x16xf32>,
        %get3A_520 = vector.shape_cast %get3A_519 : vector<1x1x16xf32> to vector<16xf32>
        %mul3A_521 = vector.broadcast %squeeze3A_480 : f32 to vector<16xf32>
        %mul3A_522 = arith.mulf %get3A_520, %mul3A_521 : vector<16xf32>
        %swap3A_523 = arith.constant 0 : i32
        %swap3A_524 = arith.index_cast %swap3A_523 : i32 to index
        %swap3A_525 = arith.index_cast %add3A_484 : i32 to index
        %swap3A_526 = arith.constant 32 : index
        %swap3A_527 = tpu.vector_load %arg11[%swap3A_524, %swap3A_525, %swap3A_526] {strides = array<i32>} : memref<2x128x128xf32, #tpu.memory_space<vmem>>, vector<1x1x16xf32>,
        %swap3A_528 = vector.shape_cast %swap3A_527 : vector<1x1x16xf32> to vector<16xf32>
        %swap3A_529 = vector.shape_cast %mul3A_522 : vector<16xf32> to vector<1x1x16xf32>
        tpu.vector_store %arg11[%swap3A_524, %swap3A_525, %swap3A_526], %swap3A_529 {strides = array<i32>} : memref<2x128x128xf32, #tpu.memory_space<vmem>>, vector<1x1x16xf32>,
        %get3A_530 = arith.constant 0 : i32
        %get3A_531 = arith.index_cast %get3A_530 : i32 to index
        %get3A_532 = arith.index_cast %add3A_484 : i32 to index
        %get3A_533 = arith.constant 48 : index
        %get3A_534 = tpu.vector_load %arg11[%get3A_531, %get3A_532, %get3A_533] {strides = array<i32>} : memref<2x128x128xf32, #tpu.memory_space<vmem>>, vector<1x1x16xf32>,
        %get3A_535 = vector.shape_cast %get3A_534 : vector<1x1x16xf32> to vector<16xf32>
        %mul3A_536 = vector.broadcast %squeeze3A_480 : f32 to vector<16xf32>
        %mul3A_537 = arith.mulf %get3A_535, %mul3A_536 : vector<16xf32>
        %swap3A_538 = arith.constant 0 : i32
        %swap3A_539 = arith.index_cast %swap3A_538 : i32 to index
        %swap3A_540 = arith.index_cast %add3A_484 : i32 to index
        %swap3A_541 = arith.constant 48 : index
        %swap3A_542 = tpu.vector_load %arg11[%swap3A_539, %swap3A_540, %swap3A_541] {strides = array<i32>} : memref<2x128x128xf32, #tpu.memory_space<vmem>>, vector<1x1x16xf32>,
        %swap3A_543 = vector.shape_cast %swap3A_542 : vector<1x1x16xf32> to vector<16xf32>
        %swap3A_544 = vector.shape_cast %mul3A_537 : vector<16xf32> to vector<1x1x16xf32>
        tpu.vector_store %arg11[%swap3A_539, %swap3A_540, %swap3A_541], %swap3A_544 {strides = array<i32>} : memref<2x128x128xf32, #tpu.memory_space<vmem>>, vector<1x1x16xf32>,
        %get3A_545 = arith.constant 0 : i32
        %get3A_546 = arith.index_cast %get3A_545 : i32 to index
        %get3A_547 = arith.index_cast %add3A_484 : i32 to index
        %get3A_548 = arith.constant 64 : index
        %get3A_549 = tpu.vector_load %arg11[%get3A_546, %get3A_547, %get3A_548] {strides = array<i32>} : memref<2x128x128xf32, #tpu.memory_space<vmem>>, vector<1x1x16xf32>,
        %get3A_550 = vector.shape_cast %get3A_549 : vector<1x1x16xf32> to vector<16xf32>
        %mul3A_551 = vector.broadcast %squeeze3A_480 : f32 to vector<16xf32>
        %mul3A_552 = arith.mulf %get3A_550, %mul3A_551 : vector<16xf32>
        %swap3A_553 = arith.constant 0 : i32
        %swap3A_554 = arith.index_cast %swap3A_553 : i32 to index
        %swap3A_555 = arith.index_cast %add3A_484 : i32 to index
        %swap3A_556 = arith.constant 64 : index
        %swap3A_557 = tpu.vector_load %arg11[%swap3A_554, %swap3A_555, %swap3A_556] {strides = array<i32>} : memref<2x128x128xf32, #tpu.memory_space<vmem>>, vector<1x1x16xf32>,
        %swap3A_558 = vector.shape_cast %swap3A_557 : vector<1x1x16xf32> to vector<16xf32>
        %swap3A_559 = vector.shape_cast %mul3A_552 : vector<16xf32> to vector<1x1x16xf32>
        tpu.vector_store %arg11[%swap3A_554, %swap3A_555, %swap3A_556], %swap3A_559 {strides = array<i32>} : memref<2x128x128xf32, #tpu.memory_space<vmem>>, vector<1x1x16xf32>,
        %get3A_560 = arith.constant 0 : i32
        %get3A_561 = arith.index_cast %get3A_560 : i32 to index
        %get3A_562 = arith.index_cast %add3A_484 : i32 to index
        %get3A_563 = arith.constant 80 : index
        %get3A_564 = tpu.vector_load %arg11[%get3A_561, %get3A_562, %get3A_563] {strides = array<i32>} : memref<2x128x128xf32, #tpu.memory_space<vmem>>, vector<1x1x16xf32>,
        %get3A_565 = vector.shape_cast %get3A_564 : vector<1x1x16xf32> to vector<16xf32>
        %mul3A_566 = vector.broadcast %squeeze3A_480 : f32 to vector<16xf32>
        %mul3A_567 = arith.mulf %get3A_565, %mul3A_566 : vector<16xf32>
        %swap3A_568 = arith.constant 0 : i32
        %swap3A_569 = arith.index_cast %swap3A_568 : i32 to index
        %swap3A_570 = arith.index_cast %add3A_484 : i32 to index
        %swap3A_571 = arith.constant 80 : index
        %swap3A_572 = tpu.vector_load %arg11[%swap3A_569, %swap3A_570, %swap3A_571] {strides = array<i32>} : memref<2x128x128xf32, #tpu.memory_space<vmem>>, vector<1x1x16xf32>,
        %swap3A_573 = vector.shape_cast %swap3A_572 : vector<1x1x16xf32> to vector<16xf32>
        %swap3A_574 = vector.shape_cast %mul3A_567 : vector<16xf32> to vector<1x1x16xf32>
        tpu.vector_store %arg11[%swap3A_569, %swap3A_570, %swap3A_571], %swap3A_574 {strides = array<i32>} : memref<2x128x128xf32, #tpu.memory_space<vmem>>, vector<1x1x16xf32>,
        %get3A_575 = arith.constant 0 : i32
        %get3A_576 = arith.index_cast %get3A_575 : i32 to index
        %get3A_577 = arith.index_cast %add3A_484 : i32 to index
        %get3A_578 = arith.constant 96 : index
        %get3A_579 = tpu.vector_load %arg11[%get3A_576, %get3A_577, %get3A_578] {strides = array<i32>} : memref<2x128x128xf32, #tpu.memory_space<vmem>>, vector<1x1x16xf32>,
        %get3A_580 = vector.shape_cast %get3A_579 : vector<1x1x16xf32> to vector<16xf32>
        %mul3A_581 = vector.broadcast %squeeze3A_480 : f32 to vector<16xf32>
        %mul3A_582 = arith.mulf %get3A_580, %mul3A_581 : vector<16xf32>
        %swap3A_583 = arith.constant 0 : i32
        %swap3A_584 = arith.index_cast %swap3A_583 : i32 to index
        %swap3A_585 = arith.index_cast %add3A_484 : i32 to index
        %swap3A_586 = arith.constant 96 : index
        %swap3A_587 = tpu.vector_load %arg11[%swap3A_584, %swap3A_585, %swap3A_586] {strides = array<i32>} : memref<2x128x128xf32, #tpu.memory_space<vmem>>, vector<1x1x16xf32>,
        %swap3A_588 = vector.shape_cast %swap3A_587 : vector<1x1x16xf32> to vector<16xf32>
        %swap3A_589 = vector.shape_cast %mul3A_582 : vector<16xf32> to vector<1x1x16xf32>
        tpu.vector_store %arg11[%swap3A_584, %swap3A_585, %swap3A_586], %swap3A_589 {strides = array<i32>} : memref<2x128x128xf32, #tpu.memory_space<vmem>>, vector<1x1x16xf32>,
        %get3A_590 = arith.constant 0 : i32
        %get3A_591 = arith.index_cast %get3A_590 : i32 to index
        %get3A_592 = arith.index_cast %add3A_484 : i32 to index
        %get3A_593 = arith.constant 112 : index
        %get3A_594 = tpu.vector_load %arg11[%get3A_591, %get3A_592, %get3A_593] {strides = array<i32>} : memref<2x128x128xf32, #tpu.memory_space<vmem>>, vector<1x1x16xf32>,
        %get3A_595 = vector.shape_cast %get3A_594 : vector<1x1x16xf32> to vector<16xf32>
        %mul3A_596 = vector.broadcast %squeeze3A_480 : f32 to vector<16xf32>
        %mul3A_597 = arith.mulf %get3A_595, %mul3A_596 : vector<16xf32>
        %swap3A_598 = arith.constant 0 : i32
        %swap3A_599 = arith.index_cast %swap3A_598 : i32 to index
        %swap3A_600 = arith.index_cast %add3A_484 : i32 to index
        %swap3A_601 = arith.constant 112 : index
        %swap3A_602 = tpu.vector_load %arg11[%swap3A_599, %swap3A_600, %swap3A_601] {strides = array<i32>} : memref<2x128x128xf32, #tpu.memory_space<vmem>>, vector<1x1x16xf32>,
        %swap3A_603 = vector.shape_cast %swap3A_602 : vector<1x1x16xf32> to vector<16xf32>
        %swap3A_604 = vector.shape_cast %mul3A_597 : vector<16xf32> to vector<1x1x16xf32>
        tpu.vector_store %arg11[%swap3A_599, %swap3A_600, %swap3A_601], %swap3A_604 {strides = array<i32>} : memref<2x128x128xf32, #tpu.memory_space<vmem>>, vector<1x1x16xf32>,
        %slice3A_605 = vector.extract_strided_slice %get3A_229 {offsets = [3], sizes = [1], strides = [1]} : vector<16xf32> to vector<1xf32>
        %squeeze3A_606 = vector.extract %slice3A_605[0] : f32 from vector<1xf32>
        %mul3A_607 = arith.constant 16 : i32
        %mul3A_608 = arith.muli %scan3A_223, %mul3A_607 : i32
        %add3A_609 = arith.constant 3 : i32
        %add3A_610 = arith.addi %mul3A_608, %add3A_609 : i32
        %get3A_611 = arith.constant 0 : i32
        %get3A_612 = arith.index_cast %get3A_611 : i32 to index
        %get3A_613 = arith.index_cast %add3A_610 : i32 to index
        %get3A_614 = arith.constant 0 : index
        %get3A_615 = tpu.vector_load %arg11[%get3A_612, %get3A_613, %get3A_614] {strides = array<i32>} : memref<2x128x128xf32, #tpu.memory_space<vmem>>, vector<1x1x16xf32>,
        %get3A_616 = vector.shape_cast %get3A_615 : vector<1x1x16xf32> to vector<16xf32>
        %mul3A_617 = vector.broadcast %squeeze3A_606 : f32 to vector<16xf32>
        %mul3A_618 = arith.mulf %get3A_616, %mul3A_617 : vector<16xf32>
        %swap3A_619 = arith.constant 0 : i32
        %swap3A_620 = arith.index_cast %swap3A_619 : i32 to index
        %swap3A_621 = arith.index_cast %add3A_610 : i32 to index
        %swap3A_622 = arith.constant 0 : index
        %swap3A_623 = tpu.vector_load %arg11[%swap3A_620, %swap3A_621, %swap3A_622] {strides = array<i32>} : memref<2x128x128xf32, #tpu.memory_space<vmem>>, vector<1x1x16xf32>,
        %swap3A_624 = vector.shape_cast %swap3A_623 : vector<1x1x16xf32> to vector<16xf32>
        %swap3A_625 = vector.shape_cast %mul3A_618 : vector<16xf32> to vector<1x1x16xf32>
        tpu.vector_store %arg11[%swap3A_620, %swap3A_621, %swap3A_622], %swap3A_625 {strides = array<i32>} : memref<2x128x128xf32, #tpu.memory_space<vmem>>, vector<1x1x16xf32>,
        %get3A_626 = arith.constant 0 : i32
        %get3A_627 = arith.index_cast %get3A_626 : i32 to index
        %get3A_628 = arith.index_cast %add3A_610 : i32 to index
        %get3A_629 = arith.constant 16 : index
        %get3A_630 = tpu.vector_load %arg11[%get3A_627, %get3A_628, %get3A_629] {strides = array<i32>} : memref<2x128x128xf32, #tpu.memory_space<vmem>>, vector<1x1x16xf32>,
        %get3A_631 = vector.shape_cast %get3A_630 : vector<1x1x16xf32> to vector<16xf32>
        %mul3A_632 = vector.broadcast %squeeze3A_606 : f32 to vector<16xf32>
        %mul3A_633 = arith.mulf %get3A_631, %mul3A_632 : vector<16xf32>
        %swap3A_634 = arith.constant 0 : i32
        %swap3A_635 = arith.index_cast %swap3A_634 : i32 to index
        %swap3A_636 = arith.index_cast %add3A_610 : i32 to index
        %swap3A_637 = arith.constant 16 : index
        %swap3A_638 = tpu.vector_load %arg11[%swap3A_635, %swap3A_636, %swap3A_637] {strides = array<i32>} : memref<2x128x128xf32, #tpu.memory_space<vmem>>, vector<1x1x16xf32>,
        %swap3A_639 = vector.shape_cast %swap3A_638 : vector<1x1x16xf32> to vector<16xf32>
        %swap3A_640 = vector.shape_cast %mul3A_633 : vector<16xf32> to vector<1x1x16xf32>
        tpu.vector_store %arg11[%swap3A_635, %swap3A_636, %swap3A_637], %swap3A_640 {strides = array<i32>} : memref<2x128x128xf32, #tpu.memory_space<vmem>>, vector<1x1x16xf32>,
        %get3A_641 = arith.constant 0 : i32
        %get3A_642 = arith.index_cast %get3A_641 : i32 to index
        %get3A_643 = arith.index_cast %add3A_610 : i32 to index
        %get3A_644 = arith.constant 32 : index
        %get3A_645 = tpu.vector_load %arg11[%get3A_642, %get3A_643, %get3A_644] {strides = array<i32>} : memref<2x128x128xf32, #tpu.memory_space<vmem>>, vector<1x1x16xf32>,
        %get3A_646 = vector.shape_cast %get3A_645 : vector<1x1x16xf32> to vector<16xf32>
        %mul3A_647 = vector.broadcast %squeeze3A_606 : f32 to vector<16xf32>
        %mul3A_648 = arith.mulf %get3A_646, %mul3A_647 : vector<16xf32>
        %swap3A_649 = arith.constant 0 : i32
        %swap3A_650 = arith.index_cast %swap3A_649 : i32 to index
        %swap3A_651 = arith.index_cast %add3A_610 : i32 to index
        %swap3A_652 = arith.constant 32 : index
        %swap3A_653 = tpu.vector_load %arg11[%swap3A_650, %swap3A_651, %swap3A_652] {strides = array<i32>} : memref<2x128x128xf32, #tpu.memory_space<vmem>>, vector<1x1x16xf32>,
        %swap3A_654 = vector.shape_cast %swap3A_653 : vector<1x1x16xf32> to vector<16xf32>
        %swap3A_655 = vector.shape_cast %mul3A_648 : vector<16xf32> to vector<1x1x16xf32>
        tpu.vector_store %arg11[%swap3A_650, %swap3A_651, %swap3A_652], %swap3A_655 {strides = array<i32>} : memref<2x128x128xf32, #tpu.memory_space<vmem>>, vector<1x1x16xf32>,
        %get3A_656 = arith.constant 0 : i32
        %get3A_657 = arith.index_cast %get3A_656 : i32 to index
        %get3A_658 = arith.index_cast %add3A_610 : i32 to index
        %get3A_659 = arith.constant 48 : index
        %get3A_660 = tpu.vector_load %arg11[%get3A_657, %get3A_658, %get3A_659] {strides = array<i32>} : memref<2x128x128xf32, #tpu.memory_space<vmem>>, vector<1x1x16xf32>,
        %get3A_661 = vector.shape_cast %get3A_660 : vector<1x1x16xf32> to vector<16xf32>
        %mul3A_662 = vector.broadcast %squeeze3A_606 : f32 to vector<16xf32>
        %mul3A_663 = arith.mulf %get3A_661, %mul3A_662 : vector<16xf32>
        %swap3A_664 = arith.constant 0 : i32
        %swap3A_665 = arith.index_cast %swap3A_664 : i32 to index
        %swap3A_666 = arith.index_cast %add3A_610 : i32 to index
        %swap3A_667 = arith.constant 48 : index
        %swap3A_668 = tpu.vector_load %arg11[%swap3A_665, %swap3A_666, %swap3A_667] {strides = array<i32>} : memref<2x128x128xf32, #tpu.memory_space<vmem>>, vector<1x1x16xf32>,
        %swap3A_669 = vector.shape_cast %swap3A_668 : vector<1x1x16xf32> to vector<16xf32>
        %swap3A_670 = vector.shape_cast %mul3A_663 : vector<16xf32> to vector<1x1x16xf32>
        tpu.vector_store %arg11[%swap3A_665, %swap3A_666, %swap3A_667], %swap3A_670 {strides = array<i32>} : memref<2x128x128xf32, #tpu.memory_space<vmem>>, vector<1x1x16xf32>,
        %get3A_671 = arith.constant 0 : i32
        %get3A_672 = arith.index_cast %get3A_671 : i32 to index
        %get3A_673 = arith.index_cast %add3A_610 : i32 to index
        %get3A_674 = arith.constant 64 : index
        %get3A_675 = tpu.vector_load %arg11[%get3A_672, %get3A_673, %get3A_674] {strides = array<i32>} : memref<2x128x128xf32, #tpu.memory_space<vmem>>, vector<1x1x16xf32>,
        %get3A_676 = vector.shape_cast %get3A_675 : vector<1x1x16xf32> to vector<16xf32>
        %mul3A_677 = vector.broadcast %squeeze3A_606 : f32 to vector<16xf32>
        %mul3A_678 = arith.mulf %get3A_676, %mul3A_677 : vector<16xf32>
        %swap3A_679 = arith.constant 0 : i32
        %swap3A_680 = arith.index_cast %swap3A_679 : i32 to index
        %swap3A_681 = arith.index_cast %add3A_610 : i32 to index
        %swap3A_682 = arith.constant 64 : index
        %swap3A_683 = tpu.vector_load %arg11[%swap3A_680, %swap3A_681, %swap3A_682] {strides = array<i32>} : memref<2x128x128xf32, #tpu.memory_space<vmem>>, vector<1x1x16xf32>,
        %swap3A_684 = vector.shape_cast %swap3A_683 : vector<1x1x16xf32> to vector<16xf32>
        %swap3A_685 = vector.shape_cast %mul3A_678 : vector<16xf32> to vector<1x1x16xf32>
        tpu.vector_store %arg11[%swap3A_680, %swap3A_681, %swap3A_682], %swap3A_685 {strides = array<i32>} : memref<2x128x128xf32, #tpu.memory_space<vmem>>, vector<1x1x16xf32>,
        %get3A_686 = arith.constant 0 : i32
        %get3A_687 = arith.index_cast %get3A_686 : i32 to index
        %get3A_688 = arith.index_cast %add3A_610 : i32 to index
        %get3A_689 = arith.constant 80 : index
        %get3A_690 = tpu.vector_load %arg11[%get3A_687, %get3A_688, %get3A_689] {strides = array<i32>} : memref<2x128x128xf32, #tpu.memory_space<vmem>>, vector<1x1x16xf32>,
        %get3A_691 = vector.shape_cast %get3A_690 : vector<1x1x16xf32> to vector<16xf32>
        %mul3A_692 = vector.broadcast %squeeze3A_606 : f32 to vector<16xf32>
        %mul3A_693 = arith.mulf %get3A_691, %mul3A_692 : vector<16xf32>
        %swap3A_694 = arith.constant 0 : i32
        %swap3A_695 = arith.index_cast %swap3A_694 : i32 to index
        %swap3A_696 = arith.index_cast %add3A_610 : i32 to index
        %swap3A_697 = arith.constant 80 : index
        %swap3A_698 = tpu.vector_load %arg11[%swap3A_695, %swap3A_696, %swap3A_697] {strides = array<i32>} : memref<2x128x128xf32, #tpu.memory_space<vmem>>, vector<1x1x16xf32>,
        %swap3A_699 = vector.shape_cast %swap3A_698 : vector<1x1x16xf32> to vector<16xf32>
        %swap3A_700 = vector.shape_cast %mul3A_693 : vector<16xf32> to vector<1x1x16xf32>
        tpu.vector_store %arg11[%swap3A_695, %swap3A_696, %swap3A_697], %swap3A_700 {strides = array<i32>} : memref<2x128x128xf32, #tpu.memory_space<vmem>>, vector<1x1x16xf32>,
        %get3A_701 = arith.constant 0 : i32
        %get3A_702 = arith.index_cast %get3A_701 : i32 to index
        %get3A_703 = arith.index_cast %add3A_610 : i32 to index
        %get3A_704 = arith.constant 96 : index
        %get3A_705 = tpu.vector_load %arg11[%get3A_702, %get3A_703, %get3A_704] {strides = array<i32>} : memref<2x128x128xf32, #tpu.memory_space<vmem>>, vector<1x1x16xf32>,
        %get3A_706 = vector.shape_cast %get3A_705 : vector<1x1x16xf32> to vector<16xf32>
        %mul3A_707 = vector.broadcast %squeeze3A_606 : f32 to vector<16xf32>
        %mul3A_708 = arith.mulf %get3A_706, %mul3A_707 : vector<16xf32>
        %swap3A_709 = arith.constant 0 : i32
        %swap3A_710 = arith.index_cast %swap3A_709 : i32 to index
        %swap3A_711 = arith.index_cast %add3A_610 : i32 to index
        %swap3A_712 = arith.constant 96 : index
        %swap3A_713 = tpu.vector_load %arg11[%swap3A_710, %swap3A_711, %swap3A_712] {strides = array<i32>} : memref<2x128x128xf32, #tpu.memory_space<vmem>>, vector<1x1x16xf32>,
        %swap3A_714 = vector.shape_cast %swap3A_713 : vector<1x1x16xf32> to vector<16xf32>
        %swap3A_715 = vector.shape_cast %mul3A_708 : vector<16xf32> to vector<1x1x16xf32>
        tpu.vector_store %arg11[%swap3A_710, %swap3A_711, %swap3A_712], %swap3A_715 {strides = array<i32>} : memref<2x128x128xf32, #tpu.memory_space<vmem>>, vector<1x1x16xf32>,
        %get3A_716 = arith.constant 0 : i32
        %get3A_717 = arith.index_cast %get3A_716 : i32 to index
        %get3A_718 = arith.index_cast %add3A_610 : i32 to index
        %get3A_719 = arith.constant 112 : index
        %get3A_720 = tpu.vector_load %arg11[%get3A_717, %get3A_718, %get3A_719] {strides = array<i32>} : memref<2x128x128xf32, #tpu.memory_space<vmem>>, vector<1x1x16xf32>,
        %get3A_721 = vector.shape_cast %get3A_720 : vector<1x1x16xf32> to vector<16xf32>
        %mul3A_722 = vector.broadcast %squeeze3A_606 : f32 to vector<16xf32>
        %mul3A_723 = arith.mulf %get3A_721, %mul3A_722 : vector<16xf32>
        %swap3A_724 = arith.constant 0 : i32
        %swap3A_725 = arith.index_cast %swap3A_724 : i32 to index
        %swap3A_726 = arith.index_cast %add3A_610 : i32 to index
        %swap3A_727 = arith.constant 112 : index
        %swap3A_728 = tpu.vector_load %arg11[%swap3A_725, %swap3A_726, %swap3A_727] {strides = array<i32>} : memref<2x128x128xf32, #tpu.memory_space<vmem>>, vector<1x1x16xf32>,
        %swap3A_729 = vector.shape_cast %swap3A_728 : vector<1x1x16xf32> to vector<16xf32>
        %swap3A_730 = vector.shape_cast %mul3A_723 : vector<16xf32> to vector<1x1x16xf32>
        tpu.vector_store %arg11[%swap3A_725, %swap3A_726, %swap3A_727], %swap3A_730 {strides = array<i32>} : memref<2x128x128xf32, #tpu.memory_space<vmem>>, vector<1x1x16xf32>,
        %slice3A_731 = vector.extract_strided_slice %get3A_229 {offsets = [4], sizes = [1], strides = [1]} : vector<16xf32> to vector<1xf32>
        %squeeze3A_732 = vector.extract %slice3A_731[0] : f32 from vector<1xf32>
        %mul3A_733 = arith.constant 16 : i32
        %mul3A_734 = arith.muli %scan3A_223, %mul3A_733 : i32
        %add3A_735 = arith.constant 4 : i32
        %add3A_736 = arith.addi %mul3A_734, %add3A_735 : i32
        %get3A_737 = arith.constant 0 : i32
        %get3A_738 = arith.index_cast %get3A_737 : i32 to index
        %get3A_739 = arith.index_cast %add3A_736 : i32 to index
        %get3A_740 = arith.constant 0 : index
        %get3A_741 = tpu.vector_load %arg11[%get3A_738, %get3A_739, %get3A_740] {strides = array<i32>} : memref<2x128x128xf32, #tpu.memory_space<vmem>>, vector<1x1x16xf32>,
        %get3A_742 = vector.shape_cast %get3A_741 : vector<1x1x16xf32> to vector<16xf32>
        %mul3A_743 = vector.broadcast %squeeze3A_732 : f32 to vector<16xf32>
        %mul3A_744 = arith.mulf %get3A_742, %mul3A_743 : vector<16xf32>
        %swap3A_745 = arith.constant 0 : i32
        %swap3A_746 = arith.index_cast %swap3A_745 : i32 to index
        %swap3A_747 = arith.index_cast %add3A_736 : i32 to index
        %swap3A_748 = arith.constant 0 : index
        %swap3A_749 = tpu.vector_load %arg11[%swap3A_746, %swap3A_747, %swap3A_748] {strides = array<i32>} : memref<2x128x128xf32, #tpu.memory_space<vmem>>, vector<1x1x16xf32>,
        %swap3A_750 = vector.shape_cast %swap3A_749 : vector<1x1x16xf32> to vector<16xf32>
        %swap3A_751 = vector.shape_cast %mul3A_744 : vector<16xf32> to vector<1x1x16xf32>
        tpu.vector_store %arg11[%swap3A_746, %swap3A_747, %swap3A_748], %swap3A_751 {strides = array<i32>} : memref<2x128x128xf32, #tpu.memory_space<vmem>>, vector<1x1x16xf32>,
        %get3A_752 = arith.constant 0 : i32
        %get3A_753 = arith.index_cast %get3A_752 : i32 to index
        %get3A_754 = arith.index_cast %add3A_736 : i32 to index
        %get3A_755 = arith.constant 16 : index
        %get3A_756 = tpu.vector_load %arg11[%get3A_753, %get3A_754, %get3A_755] {strides = array<i32>} : memref<2x128x128xf32, #tpu.memory_space<vmem>>, vector<1x1x16xf32>,
        %get3A_757 = vector.shape_cast %get3A_756 : vector<1x1x16xf32> to vector<16xf32>
        %mul3A_758 = vector.broadcast %squeeze3A_732 : f32 to vector<16xf32>
        %mul3A_759 = arith.mulf %get3A_757, %mul3A_758 : vector<16xf32>
        %swap3A_760 = arith.constant 0 : i32
        %swap3A_761 = arith.index_cast %swap3A_760 : i32 to index
        %swap3A_762 = arith.index_cast %add3A_736 : i32 to index
        %swap3A_763 = arith.constant 16 : index
        %swap3A_764 = tpu.vector_load %arg11[%swap3A_761, %swap3A_762, %swap3A_763] {strides = array<i32>} : memref<2x128x128xf32, #tpu.memory_space<vmem>>, vector<1x1x16xf32>,
        %swap3A_765 = vector.shape_cast %swap3A_764 : vector<1x1x16xf32> to vector<16xf32>
        %swap3A_766 = vector.shape_cast %mul3A_759 : vector<16xf32> to vector<1x1x16xf32>
        tpu.vector_store %arg11[%swap3A_761, %swap3A_762, %swap3A_763], %swap3A_766 {strides = array<i32>} : memref<2x128x128xf32, #tpu.memory_space<vmem>>, vector<1x1x16xf32>,
        %get3A_767 = arith.constant 0 : i32
        %get3A_768 = arith.index_cast %get3A_767 : i32 to index
        %get3A_769 = arith.index_cast %add3A_736 : i32 to index
        %get3A_770 = arith.constant 32 : index
        %get3A_771 = tpu.vector_load %arg11[%get3A_768, %get3A_769, %get3A_770] {strides = array<i32>} : memref<2x128x128xf32, #tpu.memory_space<vmem>>, vector<1x1x16xf32>,
        %get3A_772 = vector.shape_cast %get3A_771 : vector<1x1x16xf32> to vector<16xf32>
        %mul3A_773 = vector.broadcast %squeeze3A_732 : f32 to vector<16xf32>
        %mul3A_774 = arith.mulf %get3A_772, %mul3A_773 : vector<16xf32>
        %swap3A_775 = arith.constant 0 : i32
        %swap3A_776 = arith.index_cast %swap3A_775 : i32 to index
        %swap3A_777 = arith.index_cast %add3A_736 : i32 to index
        %swap3A_778 = arith.constant 32 : index
        %swap3A_779 = tpu.vector_load %arg11[%swap3A_776, %swap3A_777, %swap3A_778] {strides = array<i32>} : memref<2x128x128xf32, #tpu.memory_space<vmem>>, vector<1x1x16xf32>,
        %swap3A_780 = vector.shape_cast %swap3A_779 : vector<1x1x16xf32> to vector<16xf32>
        %swap3A_781 = vector.shape_cast %mul3A_774 : vector<16xf32> to vector<1x1x16xf32>
        tpu.vector_store %arg11[%swap3A_776, %swap3A_777, %swap3A_778], %swap3A_781 {strides = array<i32>} : memref<2x128x128xf32, #tpu.memory_space<vmem>>, vector<1x1x16xf32>,
        %get3A_782 = arith.constant 0 : i32
        %get3A_783 = arith.index_cast %get3A_782 : i32 to index
        %get3A_784 = arith.index_cast %add3A_736 : i32 to index
        %get3A_785 = arith.constant 48 : index
        %get3A_786 = tpu.vector_load %arg11[%get3A_783, %get3A_784, %get3A_785] {strides = array<i32>} : memref<2x128x128xf32, #tpu.memory_space<vmem>>, vector<1x1x16xf32>,
        %get3A_787 = vector.shape_cast %get3A_786 : vector<1x1x16xf32> to vector<16xf32>
        %mul3A_788 = vector.broadcast %squeeze3A_732 : f32 to vector<16xf32>
        %mul3A_789 = arith.mulf %get3A_787, %mul3A_788 : vector<16xf32>
        %swap3A_790 = arith.constant 0 : i32
        %swap3A_791 = arith.index_cast %swap3A_790 : i32 to index
        %swap3A_792 = arith.index_cast %add3A_736 : i32 to index
        %swap3A_793 = arith.constant 48 : index
        %swap3A_794 = tpu.vector_load %arg11[%swap3A_791, %swap3A_792, %swap3A_793] {strides = array<i32>} : memref<2x128x128xf32, #tpu.memory_space<vmem>>, vector<1x1x16xf32>,
        %swap3A_795 = vector.shape_cast %swap3A_794 : vector<1x1x16xf32> to vector<16xf32>
        %swap3A_796 = vector.shape_cast %mul3A_789 : vector<16xf32> to vector<1x1x16xf32>
        tpu.vector_store %arg11[%swap3A_791, %swap3A_792, %swap3A_793], %swap3A_796 {strides = array<i32>} : memref<2x128x128xf32, #tpu.memory_space<vmem>>, vector<1x1x16xf32>,
        %get3A_797 = arith.constant 0 : i32
        %get3A_798 = arith.index_cast %get3A_797 : i32 to index
        %get3A_799 = arith.index_cast %add3A_736 : i32 to index
        %get3A_800 = arith.constant 64 : index
        %get3A_801 = tpu.vector_load %arg11[%get3A_798, %get3A_799, %get3A_800] {strides = array<i32>} : memref<2x128x128xf32, #tpu.memory_space<vmem>>, vector<1x1x16xf32>,
        %get3A_802 = vector.shape_cast %get3A_801 : vector<1x1x16xf32> to vector<16xf32>
        %mul3A_803 = vector.broadcast %squeeze3A_732 : f32 to vector<16xf32>
        %mul3A_804 = arith.mulf %get3A_802, %mul3A_803 : vector<16xf32>
        %swap3A_805 = arith.constant 0 : i32
        %swap3A_806 = arith.index_cast %swap3A_805 : i32 to index
        %swap3A_807 = arith.index_cast %add3A_736 : i32 to index
        %swap3A_808 = arith.constant 64 : index
        %swap3A_809 = tpu.vector_load %arg11[%swap3A_806, %swap3A_807, %swap3A_808] {strides = array<i32>} : memref<2x128x128xf32, #tpu.memory_space<vmem>>, vector<1x1x16xf32>,
        %swap3A_810 = vector.shape_cast %swap3A_809 : vector<1x1x16xf32> to vector<16xf32>
        %swap3A_811 = vector.shape_cast %mul3A_804 : vector<16xf32> to vector<1x1x16xf32>
        tpu.vector_store %arg11[%swap3A_806, %swap3A_807, %swap3A_808], %swap3A_811 {strides = array<i32>} : memref<2x128x128xf32, #tpu.memory_space<vmem>>, vector<1x1x16xf32>,
        %get3A_812 = arith.constant 0 : i32
        %get3A_813 = arith.index_cast %get3A_812 : i32 to index
        %get3A_814 = arith.index_cast %add3A_736 : i32 to index
        %get3A_815 = arith.constant 80 : index
        %get3A_816 = tpu.vector_load %arg11[%get3A_813, %get3A_814, %get3A_815] {strides = array<i32>} : memref<2x128x128xf32, #tpu.memory_space<vmem>>, vector<1x1x16xf32>,
        %get3A_817 = vector.shape_cast %get3A_816 : vector<1x1x16xf32> to vector<16xf32>
        %mul3A_818 = vector.broadcast %squeeze3A_732 : f32 to vector<16xf32>
        %mul3A_819 = arith.mulf %get3A_817, %mul3A_818 : vector<16xf32>
        %swap3A_820 = arith.constant 0 : i32
        %swap3A_821 = arith.index_cast %swap3A_820 : i32 to index
        %swap3A_822 = arith.index_cast %add3A_736 : i32 to index
        %swap3A_823 = arith.constant 80 : index
        %swap3A_824 = tpu.vector_load %arg11[%swap3A_821, %swap3A_822, %swap3A_823] {strides = array<i32>} : memref<2x128x128xf32, #tpu.memory_space<vmem>>, vector<1x1x16xf32>,
        %swap3A_825 = vector.shape_cast %swap3A_824 : vector<1x1x16xf32> to vector<16xf32>
        %swap3A_826 = vector.shape_cast %mul3A_819 : vector<16xf32> to vector<1x1x16xf32>
        tpu.vector_store %arg11[%swap3A_821, %swap3A_822, %swap3A_823], %swap3A_826 {strides = array<i32>} : memref<2x128x128xf32, #tpu.memory_space<vmem>>, vector<1x1x16xf32>,
        %get3A_827 = arith.constant 0 : i32
        %get3A_828 = arith.index_cast %get3A_827 : i32 to index
        %get3A_829 = arith.index_cast %add3A_736 : i32 to index
        %get3A_830 = arith.constant 96 : index
        %get3A_831 = tpu.vector_load %arg11[%get3A_828, %get3A_829, %get3A_830] {strides = array<i32>} : memref<2x128x128xf32, #tpu.memory_space<vmem>>, vector<1x1x16xf32>,
        %get3A_832 = vector.shape_cast %get3A_831 : vector<1x1x16xf32> to vector<16xf32>
        %mul3A_833 = vector.broadcast %squeeze3A_732 : f32 to vector<16xf32>
        %mul3A_834 = arith.mulf %get3A_832, %mul3A_833 : vector<16xf32>
        %swap3A_835 = arith.constant 0 : i32
        %swap3A_836 = arith.index_cast %swap3A_835 : i32 to index
        %swap3A_837 = arith.index_cast %add3A_736 : i32 to index
        %swap3A_838 = arith.constant 96 : index
        %swap3A_839 = tpu.vector_load %arg11[%swap3A_836, %swap3A_837, %swap3A_838] {strides = array<i32>} : memref<2x128x128xf32, #tpu.memory_space<vmem>>, vector<1x1x16xf32>,
        %swap3A_840 = vector.shape_cast %swap3A_839 : vector<1x1x16xf32> to vector<16xf32>
        %swap3A_841 = vector.shape_cast %mul3A_834 : vector<16xf32> to vector<1x1x16xf32>
        tpu.vector_store %arg11[%swap3A_836, %swap3A_837, %swap3A_838], %swap3A_841 {strides = array<i32>} : memref<2x128x128xf32, #tpu.memory_space<vmem>>, vector<1x1x16xf32>,
        %get3A_842 = arith.constant 0 : i32
        %get3A_843 = arith.index_cast %get3A_842 : i32 to index
        %get3A_844 = arith.index_cast %add3A_736 : i32 to index
        %get3A_845 = arith.constant 112 : index
        %get3A_846 = tpu.vector_load %arg11[%get3A_843, %get3A_844, %get3A_845] {strides = array<i32>} : memref<2x128x128xf32, #tpu.memory_space<vmem>>, vector<1x1x16xf32>,
        %get3A_847 = vector.shape_cast %get3A_846 : vector<1x1x16xf32> to vector<16xf32>
        %mul3A_848 = vector.broadcast %squeeze3A_732 : f32 to vector<16xf32>
        %mul3A_849 = arith.mulf %get3A_847, %mul3A_848 : vector<16xf32>
        %swap3A_850 = arith.constant 0 : i32
        %swap3A_851 = arith.index_cast %swap3A_850 : i32 to index
        %swap3A_852 = arith.index_cast %add3A_736 : i32 to index
        %swap3A_853 = arith.constant 112 : index
        %swap3A_854 = tpu.vector_load %arg11[%swap3A_851, %swap3A_852, %swap3A_853] {strides = array<i32>} : memref<2x128x128xf32, #tpu.memory_space<vmem>>, vector<1x1x16xf32>,
        %swap3A_855 = vector.shape_cast %swap3A_854 : vector<1x1x16xf32> to vector<16xf32>
        %swap3A_856 = vector.shape_cast %mul3A_849 : vector<16xf32> to vector<1x1x16xf32>
        tpu.vector_store %arg11[%swap3A_851, %swap3A_852, %swap3A_853], %swap3A_856 {strides = array<i32>} : memref<2x128x128xf32, #tpu.memory_space<vmem>>, vector<1x1x16xf32>,
        %slice3A_857 = vector.extract_strided_slice %get3A_229 {offsets = [5], sizes = [1], strides = [1]} : vector<16xf32> to vector<1xf32>
        %squeeze3A_858 = vector.extract %slice3A_857[0] : f32 from vector<1xf32>
        %mul3A_859 = arith.constant 16 : i32
        %mul3A_860 = arith.muli %scan3A_223, %mul3A_859 : i32
        %add3A_861 = arith.constant 5 : i32
        %add3A_862 = arith.addi %mul3A_860, %add3A_861 : i32
        %get3A_863 = arith.constant 0 : i32
        %get3A_864 = arith.index_cast %get3A_863 : i32 to index
        %get3A_865 = arith.index_cast %add3A_862 : i32 to index
        %get3A_866 = arith.constant 0 : index
        %get3A_867 = tpu.vector_load %arg11[%get3A_864, %get3A_865, %get3A_866] {strides = array<i32>} : memref<2x128x128xf32, #tpu.memory_space<vmem>>, vector<1x1x16xf32>,
        %get3A_868 = vector.shape_cast %get3A_867 : vector<1x1x16xf32> to vector<16xf32>
        %mul3A_869 = vector.broadcast %squeeze3A_858 : f32 to vector<16xf32>
        %mul3A_870 = arith.mulf %get3A_868, %mul3A_869 : vector<16xf32>
        %swap3A_871 = arith.constant 0 : i32
        %swap3A_872 = arith.index_cast %swap3A_871 : i32 to index
        %swap3A_873 = arith.index_cast %add3A_862 : i32 to index
        %swap3A_874 = arith.constant 0 : index
        %swap3A_875 = tpu.vector_load %arg11[%swap3A_872, %swap3A_873, %swap3A_874] {strides = array<i32>} : memref<2x128x128xf32, #tpu.memory_space<vmem>>, vector<1x1x16xf32>,
        %swap3A_876 = vector.shape_cast %swap3A_875 : vector<1x1x16xf32> to vector<16xf32>
        %swap3A_877 = vector.shape_cast %mul3A_870 : vector<16xf32> to vector<1x1x16xf32>
        tpu.vector_store %arg11[%swap3A_872, %swap3A_873, %swap3A_874], %swap3A_877 {strides = array<i32>} : memref<2x128x128xf32, #tpu.memory_space<vmem>>, vector<1x1x16xf32>,
        %get3A_878 = arith.constant 0 : i32
        %get3A_879 = arith.index_cast %get3A_878 : i32 to index
        %get3A_880 = arith.index_cast %add3A_862 : i32 to index
        %get3A_881 = arith.constant 16 : index
        %get3A_882 = tpu.vector_load %arg11[%get3A_879, %get3A_880, %get3A_881] {strides = array<i32>} : memref<2x128x128xf32, #tpu.memory_space<vmem>>, vector<1x1x16xf32>,
        %get3A_883 = vector.shape_cast %get3A_882 : vector<1x1x16xf32> to vector<16xf32>
        %mul3A_884 = vector.broadcast %squeeze3A_858 : f32 to vector<16xf32>
        %mul3A_885 = arith.mulf %get3A_883, %mul3A_884 : vector<16xf32>
        %swap3A_886 = arith.constant 0 : i32
        %swap3A_887 = arith.index_cast %swap3A_886 : i32 to index
        %swap3A_888 = arith.index_cast %add3A_862 : i32 to index
        %swap3A_889 = arith.constant 16 : index
        %swap3A_890 = tpu.vector_load %arg11[%swap3A_887, %swap3A_888, %swap3A_889] {strides = array<i32>} : memref<2x128x128xf32, #tpu.memory_space<vmem>>, vector<1x1x16xf32>,
        %swap3A_891 = vector.shape_cast %swap3A_890 : vector<1x1x16xf32> to vector<16xf32>
        %swap3A_892 = vector.shape_cast %mul3A_885 : vector<16xf32> to vector<1x1x16xf32>
        tpu.vector_store %arg11[%swap3A_887, %swap3A_888, %swap3A_889], %swap3A_892 {strides = array<i32>} : memref<2x128x128xf32, #tpu.memory_space<vmem>>, vector<1x1x16xf32>,
        %get3A_893 = arith.constant 0 : i32
        %get3A_894 = arith.index_cast %get3A_893 : i32 to index
        %get3A_895 = arith.index_cast %add3A_862 : i32 to index
        %get3A_896 = arith.constant 32 : index
        %get3A_897 = tpu.vector_load %arg11[%get3A_894, %get3A_895, %get3A_896] {strides = array<i32>} : memref<2x128x128xf32, #tpu.memory_space<vmem>>, vector<1x1x16xf32>,
        %get3A_898 = vector.shape_cast %get3A_897 : vector<1x1x16xf32> to vector<16xf32>
        %mul3A_899 = vector.broadcast %squeeze3A_858 : f32 to vector<16xf32>
        %mul3A_900 = arith.mulf %get3A_898, %mul3A_899 : vector<16xf32>
        %swap3A_901 = arith.constant 0 : i32
        %swap3A_902 = arith.index_cast %swap3A_901 : i32 to index
        %swap3A_903 = arith.index_cast %add3A_862 : i32 to index
        %swap3A_904 = arith.constant 32 : index
        %swap3A_905 = tpu.vector_load %arg11[%swap3A_902, %swap3A_903, %swap3A_904] {strides = array<i32>} : memref<2x128x128xf32, #tpu.memory_space<vmem>>, vector<1x1x16xf32>,
        %swap3A_906 = vector.shape_cast %swap3A_905 : vector<1x1x16xf32> to vector<16xf32>
        %swap3A_907 = vector.shape_cast %mul3A_900 : vector<16xf32> to vector<1x1x16xf32>
        tpu.vector_store %arg11[%swap3A_902, %swap3A_903, %swap3A_904], %swap3A_907 {strides = array<i32>} : memref<2x128x128xf32, #tpu.memory_space<vmem>>, vector<1x1x16xf32>,
        %get3A_908 = arith.constant 0 : i32
        %get3A_909 = arith.index_cast %get3A_908 : i32 to index
        %get3A_910 = arith.index_cast %add3A_862 : i32 to index
        %get3A_911 = arith.constant 48 : index
        %get3A_912 = tpu.vector_load %arg11[%get3A_909, %get3A_910, %get3A_911] {strides = array<i32>} : memref<2x128x128xf32, #tpu.memory_space<vmem>>, vector<1x1x16xf32>,
        %get3A_913 = vector.shape_cast %get3A_912 : vector<1x1x16xf32> to vector<16xf32>
        %mul3A_914 = vector.broadcast %squeeze3A_858 : f32 to vector<16xf32>
        %mul3A_915 = arith.mulf %get3A_913, %mul3A_914 : vector<16xf32>
        %swap3A_916 = arith.constant 0 : i32
        %swap3A_917 = arith.index_cast %swap3A_916 : i32 to index
        %swap3A_918 = arith.index_cast %add3A_862 : i32 to index
        %swap3A_919 = arith.constant 48 : index
        %swap3A_920 = tpu.vector_load %arg11[%swap3A_917, %swap3A_918, %swap3A_919] {strides = array<i32>} : memref<2x128x128xf32, #tpu.memory_space<vmem>>, vector<1x1x16xf32>,
        %swap3A_921 = vector.shape_cast %swap3A_920 : vector<1x1x16xf32> to vector<16xf32>
        %swap3A_922 = vector.shape_cast %mul3A_915 : vector<16xf32> to vector<1x1x16xf32>
        tpu.vector_store %arg11[%swap3A_917, %swap3A_918, %swap3A_919], %swap3A_922 {strides = array<i32>} : memref<2x128x128xf32, #tpu.memory_space<vmem>>, vector<1x1x16xf32>,
        %get3A_923 = arith.constant 0 : i32
        %get3A_924 = arith.index_cast %get3A_923 : i32 to index
        %get3A_925 = arith.index_cast %add3A_862 : i32 to index
        %get3A_926 = arith.constant 64 : index
        %get3A_927 = tpu.vector_load %arg11[%get3A_924, %get3A_925, %get3A_926] {strides = array<i32>} : memref<2x128x128xf32, #tpu.memory_space<vmem>>, vector<1x1x16xf32>,
        %get3A_928 = vector.shape_cast %get3A_927 : vector<1x1x16xf32> to vector<16xf32>
        %mul3A_929 = vector.broadcast %squeeze3A_858 : f32 to vector<16xf32>
        %mul3A_930 = arith.mulf %get3A_928, %mul3A_929 : vector<16xf32>
        %swap3A_931 = arith.constant 0 : i32
        %swap3A_932 = arith.index_cast %swap3A_931 : i32 to index
        %swap3A_933 = arith.index_cast %add3A_862 : i32 to index
        %swap3A_934 = arith.constant 64 : index
        %swap3A_935 = tpu.vector_load %arg11[%swap3A_932, %swap3A_933, %swap3A_934] {strides = array<i32>} : memref<2x128x128xf32, #tpu.memory_space<vmem>>, vector<1x1x16xf32>,
        %swap3A_936 = vector.shape_cast %swap3A_935 : vector<1x1x16xf32> to vector<16xf32>
        %swap3A_937 = vector.shape_cast %mul3A_930 : vector<16xf32> to vector<1x1x16xf32>
        tpu.vector_store %arg11[%swap3A_932, %swap3A_933, %swap3A_934], %swap3A_937 {strides = array<i32>} : memref<2x128x128xf32, #tpu.memory_space<vmem>>, vector<1x1x16xf32>,
        %get3A_938 = arith.constant 0 : i32
        %get3A_939 = arith.index_cast %get3A_938 : i32 to index
        %get3A_940 = arith.index_cast %add3A_862 : i32 to index
        %get3A_941 = arith.constant 80 : index
        %get3A_942 = tpu.vector_load %arg11[%get3A_939, %get3A_940, %get3A_941] {strides = array<i32>} : memref<2x128x128xf32, #tpu.memory_space<vmem>>, vector<1x1x16xf32>,
        %get3A_943 = vector.shape_cast %get3A_942 : vector<1x1x16xf32> to vector<16xf32>
        %mul3A_944 = vector.broadcast %squeeze3A_858 : f32 to vector<16xf32>
        %mul3A_945 = arith.mulf %get3A_943, %mul3A_944 : vector<16xf32>
        %swap3A_946 = arith.constant 0 : i32
        %swap3A_947 = arith.index_cast %swap3A_946 : i32 to index
        %swap3A_948 = arith.index_cast %add3A_862 : i32 to index
        %swap3A_949 = arith.constant 80 : index
        %swap3A_950 = tpu.vector_load %arg11[%swap3A_947, %swap3A_948, %swap3A_949] {strides = array<i32>} : memref<2x128x128xf32, #tpu.memory_space<vmem>>, vector<1x1x16xf32>,
        %swap3A_951 = vector.shape_cast %swap3A_950 : vector<1x1x16xf32> to vector<16xf32>
        %swap3A_952 = vector.shape_cast %mul3A_945 : vector<16xf32> to vector<1x1x16xf32>
        tpu.vector_store %arg11[%swap3A_947, %swap3A_948, %swap3A_949], %swap3A_952 {strides = array<i32>} : memref<2x128x128xf32, #tpu.memory_space<vmem>>, vector<1x1x16xf32>,
        %get3A_953 = arith.constant 0 : i32
        %get3A_954 = arith.index_cast %get3A_953 : i32 to index
        %get3A_955 = arith.index_cast %add3A_862 : i32 to index
        %get3A_956 = arith.constant 96 : index
        %get3A_957 = tpu.vector_load %arg11[%get3A_954, %get3A_955, %get3A_956] {strides = array<i32>} : memref<2x128x128xf32, #tpu.memory_space<vmem>>, vector<1x1x16xf32>,
        %get3A_958 = vector.shape_cast %get3A_957 : vector<1x1x16xf32> to vector<16xf32>
        %mul3A_959 = vector.broadcast %squeeze3A_858 : f32 to vector<16xf32>
        %mul3A_960 = arith.mulf %get3A_958, %mul3A_959 : vector<16xf32>
        %swap3A_961 = arith.constant 0 : i32
        %swap3A_962 = arith.index_cast %swap3A_961 : i32 to index
        %swap3A_963 = arith.index_cast %add3A_862 : i32 to index
        %swap3A_964 = arith.constant 96 : index
        %swap3A_965 = tpu.vector_load %arg11[%swap3A_962, %swap3A_963, %swap3A_964] {strides = array<i32>} : memref<2x128x128xf32, #tpu.memory_space<vmem>>, vector<1x1x16xf32>,
        %swap3A_966 = vector.shape_cast %swap3A_965 : vector<1x1x16xf32> to vector<16xf32>
        %swap3A_967 = vector.shape_cast %mul3A_960 : vector<16xf32> to vector<1x1x16xf32>
        tpu.vector_store %arg11[%swap3A_962, %swap3A_963, %swap3A_964], %swap3A_967 {strides = array<i32>} : memref<2x128x128xf32, #tpu.memory_space<vmem>>, vector<1x1x16xf32>,
        %get3A_968 = arith.constant 0 : i32
        %get3A_969 = arith.index_cast %get3A_968 : i32 to index
        %get3A_970 = arith.index_cast %add3A_862 : i32 to index
        %get3A_971 = arith.constant 112 : index
        %get3A_972 = tpu.vector_load %arg11[%get3A_969, %get3A_970, %get3A_971] {strides = array<i32>} : memref<2x128x128xf32, #tpu.memory_space<vmem>>, vector<1x1x16xf32>,
        %get3A_973 = vector.shape_cast %get3A_972 : vector<1x1x16xf32> to vector<16xf32>
        %mul3A_974 = vector.broadcast %squeeze3A_858 : f32 to vector<16xf32>
        %mul3A_975 = arith.mulf %get3A_973, %mul3A_974 : vector<16xf32>
        %swap3A_976 = arith.constant 0 : i32
        %swap3A_977 = arith.index_cast %swap3A_976 : i32 to index
        %swap3A_978 = arith.index_cast %add3A_862 : i32 to index
        %swap3A_979 = arith.constant 112 : index
        %swap3A_980 = tpu.vector_load %arg11[%swap3A_977, %swap3A_978, %swap3A_979] {strides = array<i32>} : memref<2x128x128xf32, #tpu.memory_space<vmem>>, vector<1x1x16xf32>,
        %swap3A_981 = vector.shape_cast %swap3A_980 : vector<1x1x16xf32> to vector<16xf32>
        %swap3A_982 = vector.shape_cast %mul3A_975 : vector<16xf32> to vector<1x1x16xf32>
        tpu.vector_store %arg11[%swap3A_977, %swap3A_978, %swap3A_979], %swap3A_982 {strides = array<i32>} : memref<2x128x128xf32, #tpu.memory_space<vmem>>, vector<1x1x16xf32>,
        %slice3A_983 = vector.extract_strided_slice %get3A_229 {offsets = [6], sizes = [1], strides = [1]} : vector<16xf32> to vector<1xf32>
        %squeeze3A_984 = vector.extract %slice3A_983[0] : f32 from vector<1xf32>
        %mul3A_985 = arith.constant 16 : i32
        %mul3A_986 = arith.muli %scan3A_223, %mul3A_985 : i32
        %add3A_987 = arith.constant 6 : i32
        %add3A_988 = arith.addi %mul3A_986, %add3A_987 : i32
        %get3A_989 = arith.constant 0 : i32
        %get3A_990 = arith.index_cast %get3A_989 : i32 to index
        %get3A_991 = arith.index_cast %add3A_988 : i32 to index
        %get3A_992 = arith.constant 0 : index
        %get3A_993 = tpu.vector_load %arg11[%get3A_990, %get3A_991, %get3A_992] {strides = array<i32>} : memref<2x128x128xf32, #tpu.memory_space<vmem>>, vector<1x1x16xf32>,
        %get3A_994 = vector.shape_cast %get3A_993 : vector<1x1x16xf32> to vector<16xf32>
        %mul3A_995 = vector.broadcast %squeeze3A_984 : f32 to vector<16xf32>
        %mul3A_996 = arith.mulf %get3A_994, %mul3A_995 : vector<16xf32>
        %swap3A_997 = arith.constant 0 : i32
        %swap3A_998 = arith.index_cast %swap3A_997 : i32 to index
        %swap3A_999 = arith.index_cast %add3A_988 : i32 to index
        %swap3A_1000 = arith.constant 0 : index
        %swap3A_1001 = tpu.vector_load %arg11[%swap3A_998, %swap3A_999, %swap3A_1000] {strides = array<i32>} : memref<2x128x128xf32, #tpu.memory_space<vmem>>, vector<1x1x16xf32>,
        %swap3A_1002 = vector.shape_cast %swap3A_1001 : vector<1x1x16xf32> to vector<16xf32>
        %swap3A_1003 = vector.shape_cast %mul3A_996 : vector<16xf32> to vector<1x1x16xf32>
        tpu.vector_store %arg11[%swap3A_998, %swap3A_999, %swap3A_1000], %swap3A_1003 {strides = array<i32>} : memref<2x128x128xf32, #tpu.memory_space<vmem>>, vector<1x1x16xf32>,
        %get3A_1004 = arith.constant 0 : i32
        %get3A_1005 = arith.index_cast %get3A_1004 : i32 to index
        %get3A_1006 = arith.index_cast %add3A_988 : i32 to index
        %get3A_1007 = arith.constant 16 : index
        %get3A_1008 = tpu.vector_load %arg11[%get3A_1005, %get3A_1006, %get3A_1007] {strides = array<i32>} : memref<2x128x128xf32, #tpu.memory_space<vmem>>, vector<1x1x16xf32>,
        %get3A_1009 = vector.shape_cast %get3A_1008 : vector<1x1x16xf32> to vector<16xf32>
        %mul3A_1010 = vector.broadcast %squeeze3A_984 : f32 to vector<16xf32>
        %mul3A_1011 = arith.mulf %get3A_1009, %mul3A_1010 : vector<16xf32>
        %swap3A_1012 = arith.constant 0 : i32
        %swap3A_1013 = arith.index_cast %swap3A_1012 : i32 to index
        %swap3A_1014 = arith.index_cast %add3A_988 : i32 to index
        %swap3A_1015 = arith.constant 16 : index
        %swap3A_1016 = tpu.vector_load %arg11[%swap3A_1013, %swap3A_1014, %swap3A_1015] {strides = array<i32>} : memref<2x128x128xf32, #tpu.memory_space<vmem>>, vector<1x1x16xf32>,
        %swap3A_1017 = vector.shape_cast %swap3A_1016 : vector<1x1x16xf32> to vector<16xf32>
        %swap3A_1018 = vector.shape_cast %mul3A_1011 : vector<16xf32> to vector<1x1x16xf32>
        tpu.vector_store %arg11[%swap3A_1013, %swap3A_1014, %swap3A_1015], %swap3A_1018 {strides = array<i32>} : memref<2x128x128xf32, #tpu.memory_space<vmem>>, vector<1x1x16xf32>,
        %get3A_1019 = arith.constant 0 : i32
        %get3A_1020 = arith.index_cast %get3A_1019 : i32 to index
        %get3A_1021 = arith.index_cast %add3A_988 : i32 to index
        %get3A_1022 = arith.constant 32 : index
        %get3A_1023 = tpu.vector_load %arg11[%get3A_1020, %get3A_1021, %get3A_1022] {strides = array<i32>} : memref<2x128x128xf32, #tpu.memory_space<vmem>>, vector<1x1x16xf32>,
        %get3A_1024 = vector.shape_cast %get3A_1023 : vector<1x1x16xf32> to vector<16xf32>
        %mul3A_1025 = vector.broadcast %squeeze3A_984 : f32 to vector<16xf32>
        %mul3A_1026 = arith.mulf %get3A_1024, %mul3A_1025 : vector<16xf32>
        %swap3A_1027 = arith.constant 0 : i32
        %swap3A_1028 = arith.index_cast %swap3A_1027 : i32 to index
        %swap3A_1029 = arith.index_cast %add3A_988 : i32 to index
        %swap3A_1030 = arith.constant 32 : index
        %swap3A_1031 = tpu.vector_load %arg11[%swap3A_1028, %swap3A_1029, %swap3A_1030] {strides = array<i32>} : memref<2x128x128xf32, #tpu.memory_space<vmem>>, vector<1x1x16xf32>,
        %swap3A_1032 = vector.shape_cast %swap3A_1031 : vector<1x1x16xf32> to vector<16xf32>
        %swap3A_1033 = vector.shape_cast %mul3A_1026 : vector<16xf32> to vector<1x1x16xf32>
        tpu.vector_store %arg11[%swap3A_1028, %swap3A_1029, %swap3A_1030], %swap3A_1033 {strides = array<i32>} : memref<2x128x128xf32, #tpu.memory_space<vmem>>, vector<1x1x16xf32>,
        %get3A_1034 = arith.constant 0 : i32
        %get3A_1035 = arith.index_cast %get3A_1034 : i32 to index
        %get3A_1036 = arith.index_cast %add3A_988 : i32 to index
        %get3A_1037 = arith.constant 48 : index
        %get3A_1038 = tpu.vector_load %arg11[%get3A_1035, %get3A_1036, %get3A_1037] {strides = array<i32>} : memref<2x128x128xf32, #tpu.memory_space<vmem>>, vector<1x1x16xf32>,
        %get3A_1039 = vector.shape_cast %get3A_1038 : vector<1x1x16xf32> to vector<16xf32>
        %mul3A_1040 = vector.broadcast %squeeze3A_984 : f32 to vector<16xf32>
        %mul3A_1041 = arith.mulf %get3A_1039, %mul3A_1040 : vector<16xf32>
        %swap3A_1042 = arith.constant 0 : i32
        %swap3A_1043 = arith.index_cast %swap3A_1042 : i32 to index
        %swap3A_1044 = arith.index_cast %add3A_988 : i32 to index
        %swap3A_1045 = arith.constant 48 : index
        %swap3A_1046 = tpu.vector_load %arg11[%swap3A_1043, %swap3A_1044, %swap3A_1045] {strides = array<i32>} : memref<2x128x128xf32, #tpu.memory_space<vmem>>, vector<1x1x16xf32>,
        %swap3A_1047 = vector.shape_cast %swap3A_1046 : vector<1x1x16xf32> to vector<16xf32>
        %swap3A_1048 = vector.shape_cast %mul3A_1041 : vector<16xf32> to vector<1x1x16xf32>
        tpu.vector_store %arg11[%swap3A_1043, %swap3A_1044, %swap3A_1045], %swap3A_1048 {strides = array<i32>} : memref<2x128x128xf32, #tpu.memory_space<vmem>>, vector<1x1x16xf32>,
        %get3A_1049 = arith.constant 0 : i32
        %get3A_1050 = arith.index_cast %get3A_1049 : i32 to index
        %get3A_1051 = arith.index_cast %add3A_988 : i32 to index
        %get3A_1052 = arith.constant 64 : index
        %get3A_1053 = tpu.vector_load %arg11[%get3A_1050, %get3A_1051, %get3A_1052] {strides = array<i32>} : memref<2x128x128xf32, #tpu.memory_space<vmem>>, vector<1x1x16xf32>,
        %get3A_1054 = vector.shape_cast %get3A_1053 : vector<1x1x16xf32> to vector<16xf32>
        %mul3A_1055 = vector.broadcast %squeeze3A_984 : f32 to vector<16xf32>
        %mul3A_1056 = arith.mulf %get3A_1054, %mul3A_1055 : vector<16xf32>
        %swap3A_1057 = arith.constant 0 : i32
        %swap3A_1058 = arith.index_cast %swap3A_1057 : i32 to index
        %swap3A_1059 = arith.index_cast %add3A_988 : i32 to index
        %swap3A_1060 = arith.constant 64 : index
        %swap3A_1061 = tpu.vector_load %arg11[%swap3A_1058, %swap3A_1059, %swap3A_1060] {strides = array<i32>} : memref<2x128x128xf32, #tpu.memory_space<vmem>>, vector<1x1x16xf32>,
        %swap3A_1062 = vector.shape_cast %swap3A_1061 : vector<1x1x16xf32> to vector<16xf32>
        %swap3A_1063 = vector.shape_cast %mul3A_1056 : vector<16xf32> to vector<1x1x16xf32>
        tpu.vector_store %arg11[%swap3A_1058, %swap3A_1059, %swap3A_1060], %swap3A_1063 {strides = array<i32>} : memref<2x128x128xf32, #tpu.memory_space<vmem>>, vector<1x1x16xf32>,
        %get3A_1064 = arith.constant 0 : i32
        %get3A_1065 = arith.index_cast %get3A_1064 : i32 to index
        %get3A_1066 = arith.index_cast %add3A_988 : i32 to index
        %get3A_1067 = arith.constant 80 : index
        %get3A_1068 = tpu.vector_load %arg11[%get3A_1065, %get3A_1066, %get3A_1067] {strides = array<i32>} : memref<2x128x128xf32, #tpu.memory_space<vmem>>, vector<1x1x16xf32>,
        %get3A_1069 = vector.shape_cast %get3A_1068 : vector<1x1x16xf32> to vector<16xf32>
        %mul3A_1070 = vector.broadcast %squeeze3A_984 : f32 to vector<16xf32>
        %mul3A_1071 = arith.mulf %get3A_1069, %mul3A_1070 : vector<16xf32>
        %swap3A_1072 = arith.constant 0 : i32
        %swap3A_1073 = arith.index_cast %swap3A_1072 : i32 to index
        %swap3A_1074 = arith.index_cast %add3A_988 : i32 to index
        %swap3A_1075 = arith.constant 80 : index
        %swap3A_1076 = tpu.vector_load %arg11[%swap3A_1073, %swap3A_1074, %swap3A_1075] {strides = array<i32>} : memref<2x128x128xf32, #tpu.memory_space<vmem>>, vector<1x1x16xf32>,
        %swap3A_1077 = vector.shape_cast %swap3A_1076 : vector<1x1x16xf32> to vector<16xf32>
        %swap3A_1078 = vector.shape_cast %mul3A_1071 : vector<16xf32> to vector<1x1x16xf32>
        tpu.vector_store %arg11[%swap3A_1073, %swap3A_1074, %swap3A_1075], %swap3A_1078 {strides = array<i32>} : memref<2x128x128xf32, #tpu.memory_space<vmem>>, vector<1x1x16xf32>,
        %get3A_1079 = arith.constant 0 : i32
        %get3A_1080 = arith.index_cast %get3A_1079 : i32 to index
        %get3A_1081 = arith.index_cast %add3A_988 : i32 to index
        %get3A_1082 = arith.constant 96 : index
        %get3A_1083 = tpu.vector_load %arg11[%get3A_1080, %get3A_1081, %get3A_1082] {strides = array<i32>} : memref<2x128x128xf32, #tpu.memory_space<vmem>>, vector<1x1x16xf32>,
        %get3A_1084 = vector.shape_cast %get3A_1083 : vector<1x1x16xf32> to vector<16xf32>
        %mul3A_1085 = vector.broadcast %squeeze3A_984 : f32 to vector<16xf32>
        %mul3A_1086 = arith.mulf %get3A_1084, %mul3A_1085 : vector<16xf32>
        %swap3A_1087 = arith.constant 0 : i32
        %swap3A_1088 = arith.index_cast %swap3A_1087 : i32 to index
        %swap3A_1089 = arith.index_cast %add3A_988 : i32 to index
        %swap3A_1090 = arith.constant 96 : index
        %swap3A_1091 = tpu.vector_load %arg11[%swap3A_1088, %swap3A_1089, %swap3A_1090] {strides = array<i32>} : memref<2x128x128xf32, #tpu.memory_space<vmem>>, vector<1x1x16xf32>,
        %swap3A_1092 = vector.shape_cast %swap3A_1091 : vector<1x1x16xf32> to vector<16xf32>
        %swap3A_1093 = vector.shape_cast %mul3A_1086 : vector<16xf32> to vector<1x1x16xf32>
        tpu.vector_store %arg11[%swap3A_1088, %swap3A_1089, %swap3A_1090], %swap3A_1093 {strides = array<i32>} : memref<2x128x128xf32, #tpu.memory_space<vmem>>, vector<1x1x16xf32>,
        %get3A_1094 = arith.constant 0 : i32
        %get3A_1095 = arith.index_cast %get3A_1094 : i32 to index
        %get3A_1096 = arith.index_cast %add3A_988 : i32 to index
        %get3A_1097 = arith.constant 112 : index
        %get3A_1098 = tpu.vector_load %arg11[%get3A_1095, %get3A_1096, %get3A_1097] {strides = array<i32>} : memref<2x128x128xf32, #tpu.memory_space<vmem>>, vector<1x1x16xf32>,
        %get3A_1099 = vector.shape_cast %get3A_1098 : vector<1x1x16xf32> to vector<16xf32>
        %mul3A_1100 = vector.broadcast %squeeze3A_984 : f32 to vector<16xf32>
        %mul3A_1101 = arith.mulf %get3A_1099, %mul3A_1100 : vector<16xf32>
        %swap3A_1102 = arith.constant 0 : i32
        %swap3A_1103 = arith.index_cast %swap3A_1102 : i32 to index
        %swap3A_1104 = arith.index_cast %add3A_988 : i32 to index
        %swap3A_1105 = arith.constant 112 : index
        %swap3A_1106 = tpu.vector_load %arg11[%swap3A_1103, %swap3A_1104, %swap3A_1105] {strides = array<i32>} : memref<2x128x128xf32, #tpu.memory_space<vmem>>, vector<1x1x16xf32>,
        %swap3A_1107 = vector.shape_cast %swap3A_1106 : vector<1x1x16xf32> to vector<16xf32>
        %swap3A_1108 = vector.shape_cast %mul3A_1101 : vector<16xf32> to vector<1x1x16xf32>
        tpu.vector_store %arg11[%swap3A_1103, %swap3A_1104, %swap3A_1105], %swap3A_1108 {strides = array<i32>} : memref<2x128x128xf32, #tpu.memory_space<vmem>>, vector<1x1x16xf32>,
        %slice3A_1109 = vector.extract_strided_slice %get3A_229 {offsets = [7], sizes = [1], strides = [1]} : vector<16xf32> to vector<1xf32>
        %squeeze3A_1110 = vector.extract %slice3A_1109[0] : f32 from vector<1xf32>
        %mul3A_1111 = arith.constant 16 : i32
        %mul3A_1112 = arith.muli %scan3A_223, %mul3A_1111 : i32
        %add3A_1113 = arith.constant 7 : i32
        %add3A_1114 = arith.addi %mul3A_1112, %add3A_1113 : i32
        %get3A_1115 = arith.constant 0 : i32
        %get3A_1116 = arith.index_cast %get3A_1115 : i32 to index
        %get3A_1117 = arith.index_cast %add3A_1114 : i32 to index
        %get3A_1118 = arith.constant 0 : index
        %get3A_1119 = tpu.vector_load %arg11[%get3A_1116, %get3A_1117, %get3A_1118] {strides = array<i32>} : memref<2x128x128xf32, #tpu.memory_space<vmem>>, vector<1x1x16xf32>,
        %get3A_1120 = vector.shape_cast %get3A_1119 : vector<1x1x16xf32> to vector<16xf32>
        %mul3A_1121 = vector.broadcast %squeeze3A_1110 : f32 to vector<16xf32>
        %mul3A_1122 = arith.mulf %get3A_1120, %mul3A_1121 : vector<16xf32>
        %swap3A_1123 = arith.constant 0 : i32
        %swap3A_1124 = arith.index_cast %swap3A_1123 : i32 to index
        %swap3A_1125 = arith.index_cast %add3A_1114 : i32 to index
        %swap3A_1126 = arith.constant 0 : index
        %swap3A_1127 = tpu.vector_load %arg11[%swap3A_1124, %swap3A_1125, %swap3A_1126] {strides = array<i32>} : memref<2x128x128xf32, #tpu.memory_space<vmem>>, vector<1x1x16xf32>,
        %swap3A_1128 = vector.shape_cast %swap3A_1127 : vector<1x1x16xf32> to vector<16xf32>
        %swap3A_1129 = vector.shape_cast %mul3A_1122 : vector<16xf32> to vector<1x1x16xf32>
        tpu.vector_store %arg11[%swap3A_1124, %swap3A_1125, %swap3A_1126], %swap3A_1129 {strides = array<i32>} : memref<2x128x128xf32, #tpu.memory_space<vmem>>, vector<1x1x16xf32>,
        %get3A_1130 = arith.constant 0 : i32
        %get3A_1131 = arith.index_cast %get3A_1130 : i32 to index
        %get3A_1132 = arith.index_cast %add3A_1114 : i32 to index
        %get3A_1133 = arith.constant 16 : index
        %get3A_1134 = tpu.vector_load %arg11[%get3A_1131, %get3A_1132, %get3A_1133] {strides = array<i32>} : memref<2x128x128xf32, #tpu.memory_space<vmem>>, vector<1x1x16xf32>,
        %get3A_1135 = vector.shape_cast %get3A_1134 : vector<1x1x16xf32> to vector<16xf32>
        %mul3A_1136 = vector.broadcast %squeeze3A_1110 : f32 to vector<16xf32>
        %mul3A_1137 = arith.mulf %get3A_1135, %mul3A_1136 : vector<16xf32>
        %swap3A_1138 = arith.constant 0 : i32
        %swap3A_1139 = arith.index_cast %swap3A_1138 : i32 to index
        %swap3A_1140 = arith.index_cast %add3A_1114 : i32 to index
        %swap3A_1141 = arith.constant 16 : index
        %swap3A_1142 = tpu.vector_load %arg11[%swap3A_1139, %swap3A_1140, %swap3A_1141] {strides = array<i32>} : memref<2x128x128xf32, #tpu.memory_space<vmem>>, vector<1x1x16xf32>,
        %swap3A_1143 = vector.shape_cast %swap3A_1142 : vector<1x1x16xf32> to vector<16xf32>
        %swap3A_1144 = vector.shape_cast %mul3A_1137 : vector<16xf32> to vector<1x1x16xf32>
        tpu.vector_store %arg11[%swap3A_1139, %swap3A_1140, %swap3A_1141], %swap3A_1144 {strides = array<i32>} : memref<2x128x128xf32, #tpu.memory_space<vmem>>, vector<1x1x16xf32>,
        %get3A_1145 = arith.constant 0 : i32
        %get3A_1146 = arith.index_cast %get3A_1145 : i32 to index
        %get3A_1147 = arith.index_cast %add3A_1114 : i32 to index
        %get3A_1148 = arith.constant 32 : index
        %get3A_1149 = tpu.vector_load %arg11[%get3A_1146, %get3A_1147, %get3A_1148] {strides = array<i32>} : memref<2x128x128xf32, #tpu.memory_space<vmem>>, vector<1x1x16xf32>,
        %get3A_1150 = vector.shape_cast %get3A_1149 : vector<1x1x16xf32> to vector<16xf32>
        %mul3A_1151 = vector.broadcast %squeeze3A_1110 : f32 to vector<16xf32>
        %mul3A_1152 = arith.mulf %get3A_1150, %mul3A_1151 : vector<16xf32>
        %swap3A_1153 = arith.constant 0 : i32
        %swap3A_1154 = arith.index_cast %swap3A_1153 : i32 to index
        %swap3A_1155 = arith.index_cast %add3A_1114 : i32 to index
        %swap3A_1156 = arith.constant 32 : index
        %swap3A_1157 = tpu.vector_load %arg11[%swap3A_1154, %swap3A_1155, %swap3A_1156] {strides = array<i32>} : memref<2x128x128xf32, #tpu.memory_space<vmem>>, vector<1x1x16xf32>,
        %swap3A_1158 = vector.shape_cast %swap3A_1157 : vector<1x1x16xf32> to vector<16xf32>
        %swap3A_1159 = vector.shape_cast %mul3A_1152 : vector<16xf32> to vector<1x1x16xf32>
        tpu.vector_store %arg11[%swap3A_1154, %swap3A_1155, %swap3A_1156], %swap3A_1159 {strides = array<i32>} : memref<2x128x128xf32, #tpu.memory_space<vmem>>, vector<1x1x16xf32>,
        %get3A_1160 = arith.constant 0 : i32
        %get3A_1161 = arith.index_cast %get3A_1160 : i32 to index
        %get3A_1162 = arith.index_cast %add3A_1114 : i32 to index
        %get3A_1163 = arith.constant 48 : index
        %get3A_1164 = tpu.vector_load %arg11[%get3A_1161, %get3A_1162, %get3A_1163] {strides = array<i32>} : memref<2x128x128xf32, #tpu.memory_space<vmem>>, vector<1x1x16xf32>,
        %get3A_1165 = vector.shape_cast %get3A_1164 : vector<1x1x16xf32> to vector<16xf32>
        %mul3A_1166 = vector.broadcast %squeeze3A_1110 : f32 to vector<16xf32>
        %mul3A_1167 = arith.mulf %get3A_1165, %mul3A_1166 : vector<16xf32>
        %swap3A_1168 = arith.constant 0 : i32
        %swap3A_1169 = arith.index_cast %swap3A_1168 : i32 to index
        %swap3A_1170 = arith.index_cast %add3A_1114 : i32 to index
        %swap3A_1171 = arith.constant 48 : index
        %swap3A_1172 = tpu.vector_load %arg11[%swap3A_1169, %swap3A_1170, %swap3A_1171] {strides = array<i32>} : memref<2x128x128xf32, #tpu.memory_space<vmem>>, vector<1x1x16xf32>,
        %swap3A_1173 = vector.shape_cast %swap3A_1172 : vector<1x1x16xf32> to vector<16xf32>
        %swap3A_1174 = vector.shape_cast %mul3A_1167 : vector<16xf32> to vector<1x1x16xf32>
        tpu.vector_store %arg11[%swap3A_1169, %swap3A_1170, %swap3A_1171], %swap3A_1174 {strides = array<i32>} : memref<2x128x128xf32, #tpu.memory_space<vmem>>, vector<1x1x16xf32>,
        %get3A_1175 = arith.constant 0 : i32
        %get3A_1176 = arith.index_cast %get3A_1175 : i32 to index
        %get3A_1177 = arith.index_cast %add3A_1114 : i32 to index
        %get3A_1178 = arith.constant 64 : index
        %get3A_1179 = tpu.vector_load %arg11[%get3A_1176, %get3A_1177, %get3A_1178] {strides = array<i32>} : memref<2x128x128xf32, #tpu.memory_space<vmem>>, vector<1x1x16xf32>,
        %get3A_1180 = vector.shape_cast %get3A_1179 : vector<1x1x16xf32> to vector<16xf32>
        %mul3A_1181 = vector.broadcast %squeeze3A_1110 : f32 to vector<16xf32>
        %mul3A_1182 = arith.mulf %get3A_1180, %mul3A_1181 : vector<16xf32>
        %swap3A_1183 = arith.constant 0 : i32
        %swap3A_1184 = arith.index_cast %swap3A_1183 : i32 to index
        %swap3A_1185 = arith.index_cast %add3A_1114 : i32 to index
        %swap3A_1186 = arith.constant 64 : index
        %swap3A_1187 = tpu.vector_load %arg11[%swap3A_1184, %swap3A_1185, %swap3A_1186] {strides = array<i32>} : memref<2x128x128xf32, #tpu.memory_space<vmem>>, vector<1x1x16xf32>,
        %swap3A_1188 = vector.shape_cast %swap3A_1187 : vector<1x1x16xf32> to vector<16xf32>
        %swap3A_1189 = vector.shape_cast %mul3A_1182 : vector<16xf32> to vector<1x1x16xf32>
        tpu.vector_store %arg11[%swap3A_1184, %swap3A_1185, %swap3A_1186], %swap3A_1189 {strides = array<i32>} : memref<2x128x128xf32, #tpu.memory_space<vmem>>, vector<1x1x16xf32>,
        %get3A_1190 = arith.constant 0 : i32
        %get3A_1191 = arith.index_cast %get3A_1190 : i32 to index
        %get3A_1192 = arith.index_cast %add3A_1114 : i32 to index
        %get3A_1193 = arith.constant 80 : index
        %get3A_1194 = tpu.vector_load %arg11[%get3A_1191, %get3A_1192, %get3A_1193] {strides = array<i32>} : memref<2x128x128xf32, #tpu.memory_space<vmem>>, vector<1x1x16xf32>,
        %get3A_1195 = vector.shape_cast %get3A_1194 : vector<1x1x16xf32> to vector<16xf32>
        %mul3A_1196 = vector.broadcast %squeeze3A_1110 : f32 to vector<16xf32>
        %mul3A_1197 = arith.mulf %get3A_1195, %mul3A_1196 : vector<16xf32>
        %swap3A_1198 = arith.constant 0 : i32
        %swap3A_1199 = arith.index_cast %swap3A_1198 : i32 to index
        %swap3A_1200 = arith.index_cast %add3A_1114 : i32 to index
        %swap3A_1201 = arith.constant 80 : index
        %swap3A_1202 = tpu.vector_load %arg11[%swap3A_1199, %swap3A_1200, %swap3A_1201] {strides = array<i32>} : memref<2x128x128xf32, #tpu.memory_space<vmem>>, vector<1x1x16xf32>,
        %swap3A_1203 = vector.shape_cast %swap3A_1202 : vector<1x1x16xf32> to vector<16xf32>
        %swap3A_1204 = vector.shape_cast %mul3A_1197 : vector<16xf32> to vector<1x1x16xf32>
        tpu.vector_store %arg11[%swap3A_1199, %swap3A_1200, %swap3A_1201], %swap3A_1204 {strides = array<i32>} : memref<2x128x128xf32, #tpu.memory_space<vmem>>, vector<1x1x16xf32>,
        %get3A_1205 = arith.constant 0 : i32
        %get3A_1206 = arith.index_cast %get3A_1205 : i32 to index
        %get3A_1207 = arith.index_cast %add3A_1114 : i32 to index
        %get3A_1208 = arith.constant 96 : index
        %get3A_1209 = tpu.vector_load %arg11[%get3A_1206, %get3A_1207, %get3A_1208] {strides = array<i32>} : memref<2x128x128xf32, #tpu.memory_space<vmem>>, vector<1x1x16xf32>,
        %get3A_1210 = vector.shape_cast %get3A_1209 : vector<1x1x16xf32> to vector<16xf32>
        %mul3A_1211 = vector.broadcast %squeeze3A_1110 : f32 to vector<16xf32>
        %mul3A_1212 = arith.mulf %get3A_1210, %mul3A_1211 : vector<16xf32>
        %swap3A_1213 = arith.constant 0 : i32
        %swap3A_1214 = arith.index_cast %swap3A_1213 : i32 to index
        %swap3A_1215 = arith.index_cast %add3A_1114 : i32 to index
        %swap3A_1216 = arith.constant 96 : index
        %swap3A_1217 = tpu.vector_load %arg11[%swap3A_1214, %swap3A_1215, %swap3A_1216] {strides = array<i32>} : memref<2x128x128xf32, #tpu.memory_space<vmem>>, vector<1x1x16xf32>,
        %swap3A_1218 = vector.shape_cast %swap3A_1217 : vector<1x1x16xf32> to vector<16xf32>
        %swap3A_1219 = vector.shape_cast %mul3A_1212 : vector<16xf32> to vector<1x1x16xf32>
        tpu.vector_store %arg11[%swap3A_1214, %swap3A_1215, %swap3A_1216], %swap3A_1219 {strides = array<i32>} : memref<2x128x128xf32, #tpu.memory_space<vmem>>, vector<1x1x16xf32>,
        %get3A_1220 = arith.constant 0 : i32
        %get3A_1221 = arith.index_cast %get3A_1220 : i32 to index
        %get3A_1222 = arith.index_cast %add3A_1114 : i32 to index
        %get3A_1223 = arith.constant 112 : index
        %get3A_1224 = tpu.vector_load %arg11[%get3A_1221, %get3A_1222, %get3A_1223] {strides = array<i32>} : memref<2x128x128xf32, #tpu.memory_space<vmem>>, vector<1x1x16xf32>,
        %get3A_1225 = vector.shape_cast %get3A_1224 : vector<1x1x16xf32> to vector<16xf32>
        %mul3A_1226 = vector.broadcast %squeeze3A_1110 : f32 to vector<16xf32>
        %mul3A_1227 = arith.mulf %get3A_1225, %mul3A_1226 : vector<16xf32>
        %swap3A_1228 = arith.constant 0 : i32
        %swap3A_1229 = arith.index_cast %swap3A_1228 : i32 to index
        %swap3A_1230 = arith.index_cast %add3A_1114 : i32 to index
        %swap3A_1231 = arith.constant 112 : index
        %swap3A_1232 = tpu.vector_load %arg11[%swap3A_1229, %swap3A_1230, %swap3A_1231] {strides = array<i32>} : memref<2x128x128xf32, #tpu.memory_space<vmem>>, vector<1x1x16xf32>,
        %swap3A_1233 = vector.shape_cast %swap3A_1232 : vector<1x1x16xf32> to vector<16xf32>
        %swap3A_1234 = vector.shape_cast %mul3A_1227 : vector<16xf32> to vector<1x1x16xf32>
        tpu.vector_store %arg11[%swap3A_1229, %swap3A_1230, %swap3A_1231], %swap3A_1234 {strides = array<i32>} : memref<2x128x128xf32, #tpu.memory_space<vmem>>, vector<1x1x16xf32>,
        %slice3A_1235 = vector.extract_strided_slice %get3A_229 {offsets = [8], sizes = [1], strides = [1]} : vector<16xf32> to vector<1xf32>
        %squeeze3A_1236 = vector.extract %slice3A_1235[0] : f32 from vector<1xf32>
        %mul3A_1237 = arith.constant 16 : i32
        %mul3A_1238 = arith.muli %scan3A_223, %mul3A_1237 : i32
        %add3A_1239 = arith.constant 8 : i32
        %add3A_1240 = arith.addi %mul3A_1238, %add3A_1239 : i32
        %get3A_1241 = arith.constant 0 : i32
        %get3A_1242 = arith.index_cast %get3A_1241 : i32 to index
        %get3A_1243 = arith.index_cast %add3A_1240 : i32 to index
        %get3A_1244 = arith.constant 0 : index
        %get3A_1245 = tpu.vector_load %arg11[%get3A_1242, %get3A_1243, %get3A_1244] {strides = array<i32>} : memref<2x128x128xf32, #tpu.memory_space<vmem>>, vector<1x1x16xf32>,
        %get3A_1246 = vector.shape_cast %get3A_1245 : vector<1x1x16xf32> to vector<16xf32>
        %mul3A_1247 = vector.broadcast %squeeze3A_1236 : f32 to vector<16xf32>
        %mul3A_1248 = arith.mulf %get3A_1246, %mul3A_1247 : vector<16xf32>
        %swap3A_1249 = arith.constant 0 : i32
        %swap3A_1250 = arith.index_cast %swap3A_1249 : i32 to index
        %swap3A_1251 = arith.index_cast %add3A_1240 : i32 to index
        %swap3A_1252 = arith.constant 0 : index
        %swap3A_1253 = tpu.vector_load %arg11[%swap3A_1250, %swap3A_1251, %swap3A_1252] {strides = array<i32>} : memref<2x128x128xf32, #tpu.memory_space<vmem>>, vector<1x1x16xf32>,
        %swap3A_1254 = vector.shape_cast %swap3A_1253 : vector<1x1x16xf32> to vector<16xf32>
        %swap3A_1255 = vector.shape_cast %mul3A_1248 : vector<16xf32> to vector<1x1x16xf32>
        tpu.vector_store %arg11[%swap3A_1250, %swap3A_1251, %swap3A_1252], %swap3A_1255 {strides = array<i32>} : memref<2x128x128xf32, #tpu.memory_space<vmem>>, vector<1x1x16xf32>,
        %get3A_1256 = arith.constant 0 : i32
        %get3A_1257 = arith.index_cast %get3A_1256 : i32 to index
        %get3A_1258 = arith.index_cast %add3A_1240 : i32 to index
        %get3A_1259 = arith.constant 16 : index
        %get3A_1260 = tpu.vector_load %arg11[%get3A_1257, %get3A_1258, %get3A_1259] {strides = array<i32>} : memref<2x128x128xf32, #tpu.memory_space<vmem>>, vector<1x1x16xf32>,
        %get3A_1261 = vector.shape_cast %get3A_1260 : vector<1x1x16xf32> to vector<16xf32>
        %mul3A_1262 = vector.broadcast %squeeze3A_1236 : f32 to vector<16xf32>
        %mul3A_1263 = arith.mulf %get3A_1261, %mul3A_1262 : vector<16xf32>
        %swap3A_1264 = arith.constant 0 : i32
        %swap3A_1265 = arith.index_cast %swap3A_1264 : i32 to index
        %swap3A_1266 = arith.index_cast %add3A_1240 : i32 to index
        %swap3A_1267 = arith.constant 16 : index
        %swap3A_1268 = tpu.vector_load %arg11[%swap3A_1265, %swap3A_1266, %swap3A_1267] {strides = array<i32>} : memref<2x128x128xf32, #tpu.memory_space<vmem>>, vector<1x1x16xf32>,
        %swap3A_1269 = vector.shape_cast %swap3A_1268 : vector<1x1x16xf32> to vector<16xf32>
        %swap3A_1270 = vector.shape_cast %mul3A_1263 : vector<16xf32> to vector<1x1x16xf32>
        tpu.vector_store %arg11[%swap3A_1265, %swap3A_1266, %swap3A_1267], %swap3A_1270 {strides = array<i32>} : memref<2x128x128xf32, #tpu.memory_space<vmem>>, vector<1x1x16xf32>,
        %get3A_1271 = arith.constant 0 : i32
        %get3A_1272 = arith.index_cast %get3A_1271 : i32 to index
        %get3A_1273 = arith.index_cast %add3A_1240 : i32 to index
        %get3A_1274 = arith.constant 32 : index
        %get3A_1275 = tpu.vector_load %arg11[%get3A_1272, %get3A_1273, %get3A_1274] {strides = array<i32>} : memref<2x128x128xf32, #tpu.memory_space<vmem>>, vector<1x1x16xf32>,
        %get3A_1276 = vector.shape_cast %get3A_1275 : vector<1x1x16xf32> to vector<16xf32>
        %mul3A_1277 = vector.broadcast %squeeze3A_1236 : f32 to vector<16xf32>
        %mul3A_1278 = arith.mulf %get3A_1276, %mul3A_1277 : vector<16xf32>
        %swap3A_1279 = arith.constant 0 : i32
        %swap3A_1280 = arith.index_cast %swap3A_1279 : i32 to index
        %swap3A_1281 = arith.index_cast %add3A_1240 : i32 to index
        %swap3A_1282 = arith.constant 32 : index
        %swap3A_1283 = tpu.vector_load %arg11[%swap3A_1280, %swap3A_1281, %swap3A_1282] {strides = array<i32>} : memref<2x128x128xf32, #tpu.memory_space<vmem>>, vector<1x1x16xf32>,
        %swap3A_1284 = vector.shape_cast %swap3A_1283 : vector<1x1x16xf32> to vector<16xf32>
        %swap3A_1285 = vector.shape_cast %mul3A_1278 : vector<16xf32> to vector<1x1x16xf32>
        tpu.vector_store %arg11[%swap3A_1280, %swap3A_1281, %swap3A_1282], %swap3A_1285 {strides = array<i32>} : memref<2x128x128xf32, #tpu.memory_space<vmem>>, vector<1x1x16xf32>,
        %get3A_1286 = arith.constant 0 : i32
        %get3A_1287 = arith.index_cast %get3A_1286 : i32 to index
        %get3A_1288 = arith.index_cast %add3A_1240 : i32 to index
        %get3A_1289 = arith.constant 48 : index
        %get3A_1290 = tpu.vector_load %arg11[%get3A_1287, %get3A_1288, %get3A_1289] {strides = array<i32>} : memref<2x128x128xf32, #tpu.memory_space<vmem>>, vector<1x1x16xf32>,
        %get3A_1291 = vector.shape_cast %get3A_1290 : vector<1x1x16xf32> to vector<16xf32>
        %mul3A_1292 = vector.broadcast %squeeze3A_1236 : f32 to vector<16xf32>
        %mul3A_1293 = arith.mulf %get3A_1291, %mul3A_1292 : vector<16xf32>
        %swap3A_1294 = arith.constant 0 : i32
        %swap3A_1295 = arith.index_cast %swap3A_1294 : i32 to index
        %swap3A_1296 = arith.index_cast %add3A_1240 : i32 to index
        %swap3A_1297 = arith.constant 48 : index
        %swap3A_1298 = tpu.vector_load %arg11[%swap3A_1295, %swap3A_1296, %swap3A_1297] {strides = array<i32>} : memref<2x128x128xf32, #tpu.memory_space<vmem>>, vector<1x1x16xf32>,
        %swap3A_1299 = vector.shape_cast %swap3A_1298 : vector<1x1x16xf32> to vector<16xf32>
        %swap3A_1300 = vector.shape_cast %mul3A_1293 : vector<16xf32> to vector<1x1x16xf32>
        tpu.vector_store %arg11[%swap3A_1295, %swap3A_1296, %swap3A_1297], %swap3A_1300 {strides = array<i32>} : memref<2x128x128xf32, #tpu.memory_space<vmem>>, vector<1x1x16xf32>,
        %get3A_1301 = arith.constant 0 : i32
        %get3A_1302 = arith.index_cast %get3A_1301 : i32 to index
        %get3A_1303 = arith.index_cast %add3A_1240 : i32 to index
        %get3A_1304 = arith.constant 64 : index
        %get3A_1305 = tpu.vector_load %arg11[%get3A_1302, %get3A_1303, %get3A_1304] {strides = array<i32>} : memref<2x128x128xf32, #tpu.memory_space<vmem>>, vector<1x1x16xf32>,
        %get3A_1306 = vector.shape_cast %get3A_1305 : vector<1x1x16xf32> to vector<16xf32>
        %mul3A_1307 = vector.broadcast %squeeze3A_1236 : f32 to vector<16xf32>
        %mul3A_1308 = arith.mulf %get3A_1306, %mul3A_1307 : vector<16xf32>
        %swap3A_1309 = arith.constant 0 : i32
        %swap3A_1310 = arith.index_cast %swap3A_1309 : i32 to index
        %swap3A_1311 = arith.index_cast %add3A_1240 : i32 to index
        %swap3A_1312 = arith.constant 64 : index
        %swap3A_1313 = tpu.vector_load %arg11[%swap3A_1310, %swap3A_1311, %swap3A_1312] {strides = array<i32>} : memref<2x128x128xf32, #tpu.memory_space<vmem>>, vector<1x1x16xf32>,
        %swap3A_1314 = vector.shape_cast %swap3A_1313 : vector<1x1x16xf32> to vector<16xf32>
        %swap3A_1315 = vector.shape_cast %mul3A_1308 : vector<16xf32> to vector<1x1x16xf32>
        tpu.vector_store %arg11[%swap3A_1310, %swap3A_1311, %swap3A_1312], %swap3A_1315 {strides = array<i32>} : memref<2x128x128xf32, #tpu.memory_space<vmem>>, vector<1x1x16xf32>,
        %get3A_1316 = arith.constant 0 : i32
        %get3A_1317 = arith.index_cast %get3A_1316 : i32 to index
        %get3A_1318 = arith.index_cast %add3A_1240 : i32 to index
        %get3A_1319 = arith.constant 80 : index
        %get3A_1320 = tpu.vector_load %arg11[%get3A_1317, %get3A_1318, %get3A_1319] {strides = array<i32>} : memref<2x128x128xf32, #tpu.memory_space<vmem>>, vector<1x1x16xf32>,
        %get3A_1321 = vector.shape_cast %get3A_1320 : vector<1x1x16xf32> to vector<16xf32>
        %mul3A_1322 = vector.broadcast %squeeze3A_1236 : f32 to vector<16xf32>
        %mul3A_1323 = arith.mulf %get3A_1321, %mul3A_1322 : vector<16xf32>
        %swap3A_1324 = arith.constant 0 : i32
        %swap3A_1325 = arith.index_cast %swap3A_1324 : i32 to index
        %swap3A_1326 = arith.index_cast %add3A_1240 : i32 to index
        %swap3A_1327 = arith.constant 80 : index
        %swap3A_1328 = tpu.vector_load %arg11[%swap3A_1325, %swap3A_1326, %swap3A_1327] {strides = array<i32>} : memref<2x128x128xf32, #tpu.memory_space<vmem>>, vector<1x1x16xf32>,
        %swap3A_1329 = vector.shape_cast %swap3A_1328 : vector<1x1x16xf32> to vector<16xf32>
        %swap3A_1330 = vector.shape_cast %mul3A_1323 : vector<16xf32> to vector<1x1x16xf32>
        tpu.vector_store %arg11[%swap3A_1325, %swap3A_1326, %swap3A_1327], %swap3A_1330 {strides = array<i32>} : memref<2x128x128xf32, #tpu.memory_space<vmem>>, vector<1x1x16xf32>,
        %get3A_1331 = arith.constant 0 : i32
        %get3A_1332 = arith.index_cast %get3A_1331 : i32 to index
        %get3A_1333 = arith.index_cast %add3A_1240 : i32 to index
        %get3A_1334 = arith.constant 96 : index
        %get3A_1335 = tpu.vector_load %arg11[%get3A_1332, %get3A_1333, %get3A_1334] {strides = array<i32>} : memref<2x128x128xf32, #tpu.memory_space<vmem>>, vector<1x1x16xf32>,
        %get3A_1336 = vector.shape_cast %get3A_1335 : vector<1x1x16xf32> to vector<16xf32>
        %mul3A_1337 = vector.broadcast %squeeze3A_1236 : f32 to vector<16xf32>
        %mul3A_1338 = arith.mulf %get3A_1336, %mul3A_1337 : vector<16xf32>
        %swap3A_1339 = arith.constant 0 : i32
        %swap3A_1340 = arith.index_cast %swap3A_1339 : i32 to index
        %swap3A_1341 = arith.index_cast %add3A_1240 : i32 to index
        %swap3A_1342 = arith.constant 96 : index
        %swap3A_1343 = tpu.vector_load %arg11[%swap3A_1340, %swap3A_1341, %swap3A_1342] {strides = array<i32>} : memref<2x128x128xf32, #tpu.memory_space<vmem>>, vector<1x1x16xf32>,
        %swap3A_1344 = vector.shape_cast %swap3A_1343 : vector<1x1x16xf32> to vector<16xf32>
        %swap3A_1345 = vector.shape_cast %mul3A_1338 : vector<16xf32> to vector<1x1x16xf32>
        tpu.vector_store %arg11[%swap3A_1340, %swap3A_1341, %swap3A_1342], %swap3A_1345 {strides = array<i32>} : memref<2x128x128xf32, #tpu.memory_space<vmem>>, vector<1x1x16xf32>,
        %get3A_1346 = arith.constant 0 : i32
        %get3A_1347 = arith.index_cast %get3A_1346 : i32 to index
        %get3A_1348 = arith.index_cast %add3A_1240 : i32 to index
        %get3A_1349 = arith.constant 112 : index
        %get3A_1350 = tpu.vector_load %arg11[%get3A_1347, %get3A_1348, %get3A_1349] {strides = array<i32>} : memref<2x128x128xf32, #tpu.memory_space<vmem>>, vector<1x1x16xf32>,
        %get3A_1351 = vector.shape_cast %get3A_1350 : vector<1x1x16xf32> to vector<16xf32>
        %mul3A_1352 = vector.broadcast %squeeze3A_1236 : f32 to vector<16xf32>
        %mul3A_1353 = arith.mulf %get3A_1351, %mul3A_1352 : vector<16xf32>
        %swap3A_1354 = arith.constant 0 : i32
        %swap3A_1355 = arith.index_cast %swap3A_1354 : i32 to index
        %swap3A_1356 = arith.index_cast %add3A_1240 : i32 to index
        %swap3A_1357 = arith.constant 112 : index
        %swap3A_1358 = tpu.vector_load %arg11[%swap3A_1355, %swap3A_1356, %swap3A_1357] {strides = array<i32>} : memref<2x128x128xf32, #tpu.memory_space<vmem>>, vector<1x1x16xf32>,
        %swap3A_1359 = vector.shape_cast %swap3A_1358 : vector<1x1x16xf32> to vector<16xf32>
        %swap3A_1360 = vector.shape_cast %mul3A_1353 : vector<16xf32> to vector<1x1x16xf32>
        tpu.vector_store %arg11[%swap3A_1355, %swap3A_1356, %swap3A_1357], %swap3A_1360 {strides = array<i32>} : memref<2x128x128xf32, #tpu.memory_space<vmem>>, vector<1x1x16xf32>,
        %slice3A_1361 = vector.extract_strided_slice %get3A_229 {offsets = [9], sizes = [1], strides = [1]} : vector<16xf32> to vector<1xf32>
        %squeeze3A_1362 = vector.extract %slice3A_1361[0] : f32 from vector<1xf32>
        %mul3A_1363 = arith.constant 16 : i32
        %mul3A_1364 = arith.muli %scan3A_223, %mul3A_1363 : i32
        %add3A_1365 = arith.constant 9 : i32
        %add3A_1366 = arith.addi %mul3A_1364, %add3A_1365 : i32
        %get3A_1367 = arith.constant 0 : i32
        %get3A_1368 = arith.index_cast %get3A_1367 : i32 to index
        %get3A_1369 = arith.index_cast %add3A_1366 : i32 to index
        %get3A_1370 = arith.constant 0 : index
        %get3A_1371 = tpu.vector_load %arg11[%get3A_1368, %get3A_1369, %get3A_1370] {strides = array<i32>} : memref<2x128x128xf32, #tpu.memory_space<vmem>>, vector<1x1x16xf32>,
        %get3A_1372 = vector.shape_cast %get3A_1371 : vector<1x1x16xf32> to vector<16xf32>
        %mul3A_1373 = vector.broadcast %squeeze3A_1362 : f32 to vector<16xf32>
        %mul3A_1374 = arith.mulf %get3A_1372, %mul3A_1373 : vector<16xf32>
        %swap3A_1375 = arith.constant 0 : i32
        %swap3A_1376 = arith.index_cast %swap3A_1375 : i32 to index
        %swap3A_1377 = arith.index_cast %add3A_1366 : i32 to index
        %swap3A_1378 = arith.constant 0 : index
        %swap3A_1379 = tpu.vector_load %arg11[%swap3A_1376, %swap3A_1377, %swap3A_1378] {strides = array<i32>} : memref<2x128x128xf32, #tpu.memory_space<vmem>>, vector<1x1x16xf32>,
        %swap3A_1380 = vector.shape_cast %swap3A_1379 : vector<1x1x16xf32> to vector<16xf32>
        %swap3A_1381 = vector.shape_cast %mul3A_1374 : vector<16xf32> to vector<1x1x16xf32>
        tpu.vector_store %arg11[%swap3A_1376, %swap3A_1377, %swap3A_1378], %swap3A_1381 {strides = array<i32>} : memref<2x128x128xf32, #tpu.memory_space<vmem>>, vector<1x1x16xf32>,
        %get3A_1382 = arith.constant 0 : i32
        %get3A_1383 = arith.index_cast %get3A_1382 : i32 to index
        %get3A_1384 = arith.index_cast %add3A_1366 : i32 to index
        %get3A_1385 = arith.constant 16 : index
        %get3A_1386 = tpu.vector_load %arg11[%get3A_1383, %get3A_1384, %get3A_1385] {strides = array<i32>} : memref<2x128x128xf32, #tpu.memory_space<vmem>>, vector<1x1x16xf32>,
        %get3A_1387 = vector.shape_cast %get3A_1386 : vector<1x1x16xf32> to vector<16xf32>
        %mul3A_1388 = vector.broadcast %squeeze3A_1362 : f32 to vector<16xf32>
        %mul3A_1389 = arith.mulf %get3A_1387, %mul3A_1388 : vector<16xf32>
        %swap3A_1390 = arith.constant 0 : i32
        %swap3A_1391 = arith.index_cast %swap3A_1390 : i32 to index
        %swap3A_1392 = arith.index_cast %add3A_1366 : i32 to index
        %swap3A_1393 = arith.constant 16 : index
        %swap3A_1394 = tpu.vector_load %arg11[%swap3A_1391, %swap3A_1392, %swap3A_1393] {strides = array<i32>} : memref<2x128x128xf32, #tpu.memory_space<vmem>>, vector<1x1x16xf32>,
        %swap3A_1395 = vector.shape_cast %swap3A_1394 : vector<1x1x16xf32> to vector<16xf32>
        %swap3A_1396 = vector.shape_cast %mul3A_1389 : vector<16xf32> to vector<1x1x16xf32>
        tpu.vector_store %arg11[%swap3A_1391, %swap3A_1392, %swap3A_1393], %swap3A_1396 {strides = array<i32>} : memref<2x128x128xf32, #tpu.memory_space<vmem>>, vector<1x1x16xf32>,
        %get3A_1397 = arith.constant 0 : i32
        %get3A_1398 = arith.index_cast %get3A_1397 : i32 to index
        %get3A_1399 = arith.index_cast %add3A_1366 : i32 to index
        %get3A_1400 = arith.constant 32 : index
        %get3A_1401 = tpu.vector_load %arg11[%get3A_1398, %get3A_1399, %get3A_1400] {strides = array<i32>} : memref<2x128x128xf32, #tpu.memory_space<vmem>>, vector<1x1x16xf32>,
        %get3A_1402 = vector.shape_cast %get3A_1401 : vector<1x1x16xf32> to vector<16xf32>
        %mul3A_1403 = vector.broadcast %squeeze3A_1362 : f32 to vector<16xf32>
        %mul3A_1404 = arith.mulf %get3A_1402, %mul3A_1403 : vector<16xf32>
        %swap3A_1405 = arith.constant 0 : i32
        %swap3A_1406 = arith.index_cast %swap3A_1405 : i32 to index
        %swap3A_1407 = arith.index_cast %add3A_1366 : i32 to index
        %swap3A_1408 = arith.constant 32 : index
        %swap3A_1409 = tpu.vector_load %arg11[%swap3A_1406, %swap3A_1407, %swap3A_1408] {strides = array<i32>} : memref<2x128x128xf32, #tpu.memory_space<vmem>>, vector<1x1x16xf32>,
        %swap3A_1410 = vector.shape_cast %swap3A_1409 : vector<1x1x16xf32> to vector<16xf32>
        %swap3A_1411 = vector.shape_cast %mul3A_1404 : vector<16xf32> to vector<1x1x16xf32>
        tpu.vector_store %arg11[%swap3A_1406, %swap3A_1407, %swap3A_1408], %swap3A_1411 {strides = array<i32>} : memref<2x128x128xf32, #tpu.memory_space<vmem>>, vector<1x1x16xf32>,
        %get3A_1412 = arith.constant 0 : i32
        %get3A_1413 = arith.index_cast %get3A_1412 : i32 to index
        %get3A_1414 = arith.index_cast %add3A_1366 : i32 to index
        %get3A_1415 = arith.constant 48 : index
        %get3A_1416 = tpu.vector_load %arg11[%get3A_1413, %get3A_1414, %get3A_1415] {strides = array<i32>} : memref<2x128x128xf32, #tpu.memory_space<vmem>>, vector<1x1x16xf32>,
        %get3A_1417 = vector.shape_cast %get3A_1416 : vector<1x1x16xf32> to vector<16xf32>
        %mul3A_1418 = vector.broadcast %squeeze3A_1362 : f32 to vector<16xf32>
        %mul3A_1419 = arith.mulf %get3A_1417, %mul3A_1418 : vector<16xf32>
        %swap3A_1420 = arith.constant 0 : i32
        %swap3A_1421 = arith.index_cast %swap3A_1420 : i32 to index
        %swap3A_1422 = arith.index_cast %add3A_1366 : i32 to index
        %swap3A_1423 = arith.constant 48 : index
        %swap3A_1424 = tpu.vector_load %arg11[%swap3A_1421, %swap3A_1422, %swap3A_1423] {strides = array<i32>} : memref<2x128x128xf32, #tpu.memory_space<vmem>>, vector<1x1x16xf32>,
        %swap3A_1425 = vector.shape_cast %swap3A_1424 : vector<1x1x16xf32> to vector<16xf32>
        %swap3A_1426 = vector.shape_cast %mul3A_1419 : vector<16xf32> to vector<1x1x16xf32>
        tpu.vector_store %arg11[%swap3A_1421, %swap3A_1422, %swap3A_1423], %swap3A_1426 {strides = array<i32>} : memref<2x128x128xf32, #tpu.memory_space<vmem>>, vector<1x1x16xf32>,
        %get3A_1427 = arith.constant 0 : i32
        %get3A_1428 = arith.index_cast %get3A_1427 : i32 to index
        %get3A_1429 = arith.index_cast %add3A_1366 : i32 to index
        %get3A_1430 = arith.constant 64 : index
        %get3A_1431 = tpu.vector_load %arg11[%get3A_1428, %get3A_1429, %get3A_1430] {strides = array<i32>} : memref<2x128x128xf32, #tpu.memory_space<vmem>>, vector<1x1x16xf32>,
        %get3A_1432 = vector.shape_cast %get3A_1431 : vector<1x1x16xf32> to vector<16xf32>
        %mul3A_1433 = vector.broadcast %squeeze3A_1362 : f32 to vector<16xf32>
        %mul3A_1434 = arith.mulf %get3A_1432, %mul3A_1433 : vector<16xf32>
        %swap3A_1435 = arith.constant 0 : i32
        %swap3A_1436 = arith.index_cast %swap3A_1435 : i32 to index
        %swap3A_1437 = arith.index_cast %add3A_1366 : i32 to index
        %swap3A_1438 = arith.constant 64 : index
        %swap3A_1439 = tpu.vector_load %arg11[%swap3A_1436, %swap3A_1437, %swap3A_1438] {strides = array<i32>} : memref<2x128x128xf32, #tpu.memory_space<vmem>>, vector<1x1x16xf32>,
        %swap3A_1440 = vector.shape_cast %swap3A_1439 : vector<1x1x16xf32> to vector<16xf32>
        %swap3A_1441 = vector.shape_cast %mul3A_1434 : vector<16xf32> to vector<1x1x16xf32>
        tpu.vector_store %arg11[%swap3A_1436, %swap3A_1437, %swap3A_1438], %swap3A_1441 {strides = array<i32>} : memref<2x128x128xf32, #tpu.memory_space<vmem>>, vector<1x1x16xf32>,
        %get3A_1442 = arith.constant 0 : i32
        %get3A_1443 = arith.index_cast %get3A_1442 : i32 to index
        %get3A_1444 = arith.index_cast %add3A_1366 : i32 to index
        %get3A_1445 = arith.constant 80 : index
        %get3A_1446 = tpu.vector_load %arg11[%get3A_1443, %get3A_1444, %get3A_1445] {strides = array<i32>} : memref<2x128x128xf32, #tpu.memory_space<vmem>>, vector<1x1x16xf32>,
        %get3A_1447 = vector.shape_cast %get3A_1446 : vector<1x1x16xf32> to vector<16xf32>
        %mul3A_1448 = vector.broadcast %squeeze3A_1362 : f32 to vector<16xf32>
        %mul3A_1449 = arith.mulf %get3A_1447, %mul3A_1448 : vector<16xf32>
        %swap3A_1450 = arith.constant 0 : i32
        %swap3A_1451 = arith.index_cast %swap3A_1450 : i32 to index
        %swap3A_1452 = arith.index_cast %add3A_1366 : i32 to index
        %swap3A_1453 = arith.constant 80 : index
        %swap3A_1454 = tpu.vector_load %arg11[%swap3A_1451, %swap3A_1452, %swap3A_1453] {strides = array<i32>} : memref<2x128x128xf32, #tpu.memory_space<vmem>>, vector<1x1x16xf32>,
        %swap3A_1455 = vector.shape_cast %swap3A_1454 : vector<1x1x16xf32> to vector<16xf32>
        %swap3A_1456 = vector.shape_cast %mul3A_1449 : vector<16xf32> to vector<1x1x16xf32>
        tpu.vector_store %arg11[%swap3A_1451, %swap3A_1452, %swap3A_1453], %swap3A_1456 {strides = array<i32>} : memref<2x128x128xf32, #tpu.memory_space<vmem>>, vector<1x1x16xf32>,
        %get3A_1457 = arith.constant 0 : i32
        %get3A_1458 = arith.index_cast %get3A_1457 : i32 to index
        %get3A_1459 = arith.index_cast %add3A_1366 : i32 to index
        %get3A_1460 = arith.constant 96 : index
        %get3A_1461 = tpu.vector_load %arg11[%get3A_1458, %get3A_1459, %get3A_1460] {strides = array<i32>} : memref<2x128x128xf32, #tpu.memory_space<vmem>>, vector<1x1x16xf32>,
        %get3A_1462 = vector.shape_cast %get3A_1461 : vector<1x1x16xf32> to vector<16xf32>
        %mul3A_1463 = vector.broadcast %squeeze3A_1362 : f32 to vector<16xf32>
        %mul3A_1464 = arith.mulf %get3A_1462, %mul3A_1463 : vector<16xf32>
        %swap3A_1465 = arith.constant 0 : i32
        %swap3A_1466 = arith.index_cast %swap3A_1465 : i32 to index
        %swap3A_1467 = arith.index_cast %add3A_1366 : i32 to index
        %swap3A_1468 = arith.constant 96 : index
        %swap3A_1469 = tpu.vector_load %arg11[%swap3A_1466, %swap3A_1467, %swap3A_1468] {strides = array<i32>} : memref<2x128x128xf32, #tpu.memory_space<vmem>>, vector<1x1x16xf32>,
        %swap3A_1470 = vector.shape_cast %swap3A_1469 : vector<1x1x16xf32> to vector<16xf32>
        %swap3A_1471 = vector.shape_cast %mul3A_1464 : vector<16xf32> to vector<1x1x16xf32>
        tpu.vector_store %arg11[%swap3A_1466, %swap3A_1467, %swap3A_1468], %swap3A_1471 {strides = array<i32>} : memref<2x128x128xf32, #tpu.memory_space<vmem>>, vector<1x1x16xf32>,
        %get3A_1472 = arith.constant 0 : i32
        %get3A_1473 = arith.index_cast %get3A_1472 : i32 to index
        %get3A_1474 = arith.index_cast %add3A_1366 : i32 to index
        %get3A_1475 = arith.constant 112 : index
        %get3A_1476 = tpu.vector_load %arg11[%get3A_1473, %get3A_1474, %get3A_1475] {strides = array<i32>} : memref<2x128x128xf32, #tpu.memory_space<vmem>>, vector<1x1x16xf32>,
        %get3A_1477 = vector.shape_cast %get3A_1476 : vector<1x1x16xf32> to vector<16xf32>
        %mul3A_1478 = vector.broadcast %squeeze3A_1362 : f32 to vector<16xf32>
        %mul3A_1479 = arith.mulf %get3A_1477, %mul3A_1478 : vector<16xf32>
        %swap3A_1480 = arith.constant 0 : i32
        %swap3A_1481 = arith.index_cast %swap3A_1480 : i32 to index
        %swap3A_1482 = arith.index_cast %add3A_1366 : i32 to index
        %swap3A_1483 = arith.constant 112 : index
        %swap3A_1484 = tpu.vector_load %arg11[%swap3A_1481, %swap3A_1482, %swap3A_1483] {strides = array<i32>} : memref<2x128x128xf32, #tpu.memory_space<vmem>>, vector<1x1x16xf32>,
        %swap3A_1485 = vector.shape_cast %swap3A_1484 : vector<1x1x16xf32> to vector<16xf32>
        %swap3A_1486 = vector.shape_cast %mul3A_1479 : vector<16xf32> to vector<1x1x16xf32>
        tpu.vector_store %arg11[%swap3A_1481, %swap3A_1482, %swap3A_1483], %swap3A_1486 {strides = array<i32>} : memref<2x128x128xf32, #tpu.memory_space<vmem>>, vector<1x1x16xf32>,
        %slice3A_1487 = vector.extract_strided_slice %get3A_229 {offsets = [10], sizes = [1], strides = [1]} : vector<16xf32> to vector<1xf32>
        %squeeze3A_1488 = vector.extract %slice3A_1487[0] : f32 from vector<1xf32>
        %mul3A_1489 = arith.constant 16 : i32
        %mul3A_1490 = arith.muli %scan3A_223, %mul3A_1489 : i32
        %add3A_1491 = arith.constant 10 : i32
        %add3A_1492 = arith.addi %mul3A_1490, %add3A_1491 : i32
        %get3A_1493 = arith.constant 0 : i32
        %get3A_1494 = arith.index_cast %get3A_1493 : i32 to index
        %get3A_1495 = arith.index_cast %add3A_1492 : i32 to index
        %get3A_1496 = arith.constant 0 : index
        %get3A_1497 = tpu.vector_load %arg11[%get3A_1494, %get3A_1495, %get3A_1496] {strides = array<i32>} : memref<2x128x128xf32, #tpu.memory_space<vmem>>, vector<1x1x16xf32>,
        %get3A_1498 = vector.shape_cast %get3A_1497 : vector<1x1x16xf32> to vector<16xf32>
        %mul3A_1499 = vector.broadcast %squeeze3A_1488 : f32 to vector<16xf32>
        %mul3A_1500 = arith.mulf %get3A_1498, %mul3A_1499 : vector<16xf32>
        %swap3A_1501 = arith.constant 0 : i32
        %swap3A_1502 = arith.index_cast %swap3A_1501 : i32 to index
        %swap3A_1503 = arith.index_cast %add3A_1492 : i32 to index
        %swap3A_1504 = arith.constant 0 : index
        %swap3A_1505 = tpu.vector_load %arg11[%swap3A_1502, %swap3A_1503, %swap3A_1504] {strides = array<i32>} : memref<2x128x128xf32, #tpu.memory_space<vmem>>, vector<1x1x16xf32>,
        %swap3A_1506 = vector.shape_cast %swap3A_1505 : vector<1x1x16xf32> to vector<16xf32>
        %swap3A_1507 = vector.shape_cast %mul3A_1500 : vector<16xf32> to vector<1x1x16xf32>
        tpu.vector_store %arg11[%swap3A_1502, %swap3A_1503, %swap3A_1504], %swap3A_1507 {strides = array<i32>} : memref<2x128x128xf32, #tpu.memory_space<vmem>>, vector<1x1x16xf32>,
        %get3A_1508 = arith.constant 0 : i32
        %get3A_1509 = arith.index_cast %get3A_1508 : i32 to index
        %get3A_1510 = arith.index_cast %add3A_1492 : i32 to index
        %get3A_1511 = arith.constant 16 : index
        %get3A_1512 = tpu.vector_load %arg11[%get3A_1509, %get3A_1510, %get3A_1511] {strides = array<i32>} : memref<2x128x128xf32, #tpu.memory_space<vmem>>, vector<1x1x16xf32>,
        %get3A_1513 = vector.shape_cast %get3A_1512 : vector<1x1x16xf32> to vector<16xf32>
        %mul3A_1514 = vector.broadcast %squeeze3A_1488 : f32 to vector<16xf32>
        %mul3A_1515 = arith.mulf %get3A_1513, %mul3A_1514 : vector<16xf32>
        %swap3A_1516 = arith.constant 0 : i32
        %swap3A_1517 = arith.index_cast %swap3A_1516 : i32 to index
        %swap3A_1518 = arith.index_cast %add3A_1492 : i32 to index
        %swap3A_1519 = arith.constant 16 : index
        %swap3A_1520 = tpu.vector_load %arg11[%swap3A_1517, %swap3A_1518, %swap3A_1519] {strides = array<i32>} : memref<2x128x128xf32, #tpu.memory_space<vmem>>, vector<1x1x16xf32>,
        %swap3A_1521 = vector.shape_cast %swap3A_1520 : vector<1x1x16xf32> to vector<16xf32>
        %swap3A_1522 = vector.shape_cast %mul3A_1515 : vector<16xf32> to vector<1x1x16xf32>
        tpu.vector_store %arg11[%swap3A_1517, %swap3A_1518, %swap3A_1519], %swap3A_1522 {strides = array<i32>} : memref<2x128x128xf32, #tpu.memory_space<vmem>>, vector<1x1x16xf32>,
        %get3A_1523 = arith.constant 0 : i32
        %get3A_1524 = arith.index_cast %get3A_1523 : i32 to index
        %get3A_1525 = arith.index_cast %add3A_1492 : i32 to index
        %get3A_1526 = arith.constant 32 : index
        %get3A_1527 = tpu.vector_load %arg11[%get3A_1524, %get3A_1525, %get3A_1526] {strides = array<i32>} : memref<2x128x128xf32, #tpu.memory_space<vmem>>, vector<1x1x16xf32>,
        %get3A_1528 = vector.shape_cast %get3A_1527 : vector<1x1x16xf32> to vector<16xf32>
        %mul3A_1529 = vector.broadcast %squeeze3A_1488 : f32 to vector<16xf32>
        %mul3A_1530 = arith.mulf %get3A_1528, %mul3A_1529 : vector<16xf32>
        %swap3A_1531 = arith.constant 0 : i32
        %swap3A_1532 = arith.index_cast %swap3A_1531 : i32 to index
        %swap3A_1533 = arith.index_cast %add3A_1492 : i32 to index
        %swap3A_1534 = arith.constant 32 : index
        %swap3A_1535 = tpu.vector_load %arg11[%swap3A_1532, %swap3A_1533, %swap3A_1534] {strides = array<i32>} : memref<2x128x128xf32, #tpu.memory_space<vmem>>, vector<1x1x16xf32>,
        %swap3A_1536 = vector.shape_cast %swap3A_1535 : vector<1x1x16xf32> to vector<16xf32>
        %swap3A_1537 = vector.shape_cast %mul3A_1530 : vector<16xf32> to vector<1x1x16xf32>
        tpu.vector_store %arg11[%swap3A_1532, %swap3A_1533, %swap3A_1534], %swap3A_1537 {strides = array<i32>} : memref<2x128x128xf32, #tpu.memory_space<vmem>>, vector<1x1x16xf32>,
        %get3A_1538 = arith.constant 0 : i32
        %get3A_1539 = arith.index_cast %get3A_1538 : i32 to index
        %get3A_1540 = arith.index_cast %add3A_1492 : i32 to index
        %get3A_1541 = arith.constant 48 : index
        %get3A_1542 = tpu.vector_load %arg11[%get3A_1539, %get3A_1540, %get3A_1541] {strides = array<i32>} : memref<2x128x128xf32, #tpu.memory_space<vmem>>, vector<1x1x16xf32>,
        %get3A_1543 = vector.shape_cast %get3A_1542 : vector<1x1x16xf32> to vector<16xf32>
        %mul3A_1544 = vector.broadcast %squeeze3A_1488 : f32 to vector<16xf32>
        %mul3A_1545 = arith.mulf %get3A_1543, %mul3A_1544 : vector<16xf32>
        %swap3A_1546 = arith.constant 0 : i32
        %swap3A_1547 = arith.index_cast %swap3A_1546 : i32 to index
        %swap3A_1548 = arith.index_cast %add3A_1492 : i32 to index
        %swap3A_1549 = arith.constant 48 : index
        %swap3A_1550 = tpu.vector_load %arg11[%swap3A_1547, %swap3A_1548, %swap3A_1549] {strides = array<i32>} : memref<2x128x128xf32, #tpu.memory_space<vmem>>, vector<1x1x16xf32>,
        %swap3A_1551 = vector.shape_cast %swap3A_1550 : vector<1x1x16xf32> to vector<16xf32>
        %swap3A_1552 = vector.shape_cast %mul3A_1545 : vector<16xf32> to vector<1x1x16xf32>
        tpu.vector_store %arg11[%swap3A_1547, %swap3A_1548, %swap3A_1549], %swap3A_1552 {strides = array<i32>} : memref<2x128x128xf32, #tpu.memory_space<vmem>>, vector<1x1x16xf32>,
        %get3A_1553 = arith.constant 0 : i32
        %get3A_1554 = arith.index_cast %get3A_1553 : i32 to index
        %get3A_1555 = arith.index_cast %add3A_1492 : i32 to index
        %get3A_1556 = arith.constant 64 : index
        %get3A_1557 = tpu.vector_load %arg11[%get3A_1554, %get3A_1555, %get3A_1556] {strides = array<i32>} : memref<2x128x128xf32, #tpu.memory_space<vmem>>, vector<1x1x16xf32>,
        %get3A_1558 = vector.shape_cast %get3A_1557 : vector<1x1x16xf32> to vector<16xf32>
        %mul3A_1559 = vector.broadcast %squeeze3A_1488 : f32 to vector<16xf32>
        %mul3A_1560 = arith.mulf %get3A_1558, %mul3A_1559 : vector<16xf32>
        %swap3A_1561 = arith.constant 0 : i32
        %swap3A_1562 = arith.index_cast %swap3A_1561 : i32 to index
        %swap3A_1563 = arith.index_cast %add3A_1492 : i32 to index
        %swap3A_1564 = arith.constant 64 : index
        %swap3A_1565 = tpu.vector_load %arg11[%swap3A_1562, %swap3A_1563, %swap3A_1564] {strides = array<i32>} : memref<2x128x128xf32, #tpu.memory_space<vmem>>, vector<1x1x16xf32>,
        %swap3A_1566 = vector.shape_cast %swap3A_1565 : vector<1x1x16xf32> to vector<16xf32>
        %swap3A_1567 = vector.shape_cast %mul3A_1560 : vector<16xf32> to vector<1x1x16xf32>
        tpu.vector_store %arg11[%swap3A_1562, %swap3A_1563, %swap3A_1564], %swap3A_1567 {strides = array<i32>} : memref<2x128x128xf32, #tpu.memory_space<vmem>>, vector<1x1x16xf32>,
        %get3A_1568 = arith.constant 0 : i32
        %get3A_1569 = arith.index_cast %get3A_1568 : i32 to index
        %get3A_1570 = arith.index_cast %add3A_1492 : i32 to index
        %get3A_1571 = arith.constant 80 : index
        %get3A_1572 = tpu.vector_load %arg11[%get3A_1569, %get3A_1570, %get3A_1571] {strides = array<i32>} : memref<2x128x128xf32, #tpu.memory_space<vmem>>, vector<1x1x16xf32>,
        %get3A_1573 = vector.shape_cast %get3A_1572 : vector<1x1x16xf32> to vector<16xf32>
        %mul3A_1574 = vector.broadcast %squeeze3A_1488 : f32 to vector<16xf32>
        %mul3A_1575 = arith.mulf %get3A_1573, %mul3A_1574 : vector<16xf32>
        %swap3A_1576 = arith.constant 0 : i32
        %swap3A_1577 = arith.index_cast %swap3A_1576 : i32 to index
        %swap3A_1578 = arith.index_cast %add3A_1492 : i32 to index
        %swap3A_1579 = arith.constant 80 : index
        %swap3A_1580 = tpu.vector_load %arg11[%swap3A_1577, %swap3A_1578, %swap3A_1579] {strides = array<i32>} : memref<2x128x128xf32, #tpu.memory_space<vmem>>, vector<1x1x16xf32>,
        %swap3A_1581 = vector.shape_cast %swap3A_1580 : vector<1x1x16xf32> to vector<16xf32>
        %swap3A_1582 = vector.shape_cast %mul3A_1575 : vector<16xf32> to vector<1x1x16xf32>
        tpu.vector_store %arg11[%swap3A_1577, %swap3A_1578, %swap3A_1579], %swap3A_1582 {strides = array<i32>} : memref<2x128x128xf32, #tpu.memory_space<vmem>>, vector<1x1x16xf32>,
        %get3A_1583 = arith.constant 0 : i32
        %get3A_1584 = arith.index_cast %get3A_1583 : i32 to index
        %get3A_1585 = arith.index_cast %add3A_1492 : i32 to index
        %get3A_1586 = arith.constant 96 : index
        %get3A_1587 = tpu.vector_load %arg11[%get3A_1584, %get3A_1585, %get3A_1586] {strides = array<i32>} : memref<2x128x128xf32, #tpu.memory_space<vmem>>, vector<1x1x16xf32>,
        %get3A_1588 = vector.shape_cast %get3A_1587 : vector<1x1x16xf32> to vector<16xf32>
        %mul3A_1589 = vector.broadcast %squeeze3A_1488 : f32 to vector<16xf32>
        %mul3A_1590 = arith.mulf %get3A_1588, %mul3A_1589 : vector<16xf32>
        %swap3A_1591 = arith.constant 0 : i32
        %swap3A_1592 = arith.index_cast %swap3A_1591 : i32 to index
        %swap3A_1593 = arith.index_cast %add3A_1492 : i32 to index
        %swap3A_1594 = arith.constant 96 : index
        %swap3A_1595 = tpu.vector_load %arg11[%swap3A_1592, %swap3A_1593, %swap3A_1594] {strides = array<i32>} : memref<2x128x128xf32, #tpu.memory_space<vmem>>, vector<1x1x16xf32>,
        %swap3A_1596 = vector.shape_cast %swap3A_1595 : vector<1x1x16xf32> to vector<16xf32>
        %swap3A_1597 = vector.shape_cast %mul3A_1590 : vector<16xf32> to vector<1x1x16xf32>
        tpu.vector_store %arg11[%swap3A_1592, %swap3A_1593, %swap3A_1594], %swap3A_1597 {strides = array<i32>} : memref<2x128x128xf32, #tpu.memory_space<vmem>>, vector<1x1x16xf32>,
        %get3A_1598 = arith.constant 0 : i32
        %get3A_1599 = arith.index_cast %get3A_1598 : i32 to index
        %get3A_1600 = arith.index_cast %add3A_1492 : i32 to index
        %get3A_1601 = arith.constant 112 : index
        %get3A_1602 = tpu.vector_load %arg11[%get3A_1599, %get3A_1600, %get3A_1601] {strides = array<i32>} : memref<2x128x128xf32, #tpu.memory_space<vmem>>, vector<1x1x16xf32>,
        %get3A_1603 = vector.shape_cast %get3A_1602 : vector<1x1x16xf32> to vector<16xf32>
        %mul3A_1604 = vector.broadcast %squeeze3A_1488 : f32 to vector<16xf32>
        %mul3A_1605 = arith.mulf %get3A_1603, %mul3A_1604 : vector<16xf32>
        %swap3A_1606 = arith.constant 0 : i32
        %swap3A_1607 = arith.index_cast %swap3A_1606 : i32 to index
        %swap3A_1608 = arith.index_cast %add3A_1492 : i32 to index
        %swap3A_1609 = arith.constant 112 : index
        %swap3A_1610 = tpu.vector_load %arg11[%swap3A_1607, %swap3A_1608, %swap3A_1609] {strides = array<i32>} : memref<2x128x128xf32, #tpu.memory_space<vmem>>, vector<1x1x16xf32>,
        %swap3A_1611 = vector.shape_cast %swap3A_1610 : vector<1x1x16xf32> to vector<16xf32>
        %swap3A_1612 = vector.shape_cast %mul3A_1605 : vector<16xf32> to vector<1x1x16xf32>
        tpu.vector_store %arg11[%swap3A_1607, %swap3A_1608, %swap3A_1609], %swap3A_1612 {strides = array<i32>} : memref<2x128x128xf32, #tpu.memory_space<vmem>>, vector<1x1x16xf32>,
        %slice3A_1613 = vector.extract_strided_slice %get3A_229 {offsets = [11], sizes = [1], strides = [1]} : vector<16xf32> to vector<1xf32>
        %squeeze3A_1614 = vector.extract %slice3A_1613[0] : f32 from vector<1xf32>
        %mul3A_1615 = arith.constant 16 : i32
        %mul3A_1616 = arith.muli %scan3A_223, %mul3A_1615 : i32
        %add3A_1617 = arith.constant 11 : i32
        %add3A_1618 = arith.addi %mul3A_1616, %add3A_1617 : i32
        %get3A_1619 = arith.constant 0 : i32
        %get3A_1620 = arith.index_cast %get3A_1619 : i32 to index
        %get3A_1621 = arith.index_cast %add3A_1618 : i32 to index
        %get3A_1622 = arith.constant 0 : index
        %get3A_1623 = tpu.vector_load %arg11[%get3A_1620, %get3A_1621, %get3A_1622] {strides = array<i32>} : memref<2x128x128xf32, #tpu.memory_space<vmem>>, vector<1x1x16xf32>,
        %get3A_1624 = vector.shape_cast %get3A_1623 : vector<1x1x16xf32> to vector<16xf32>
        %mul3A_1625 = vector.broadcast %squeeze3A_1614 : f32 to vector<16xf32>
        %mul3A_1626 = arith.mulf %get3A_1624, %mul3A_1625 : vector<16xf32>
        %swap3A_1627 = arith.constant 0 : i32
        %swap3A_1628 = arith.index_cast %swap3A_1627 : i32 to index
        %swap3A_1629 = arith.index_cast %add3A_1618 : i32 to index
        %swap3A_1630 = arith.constant 0 : index
        %swap3A_1631 = tpu.vector_load %arg11[%swap3A_1628, %swap3A_1629, %swap3A_1630] {strides = array<i32>} : memref<2x128x128xf32, #tpu.memory_space<vmem>>, vector<1x1x16xf32>,
        %swap3A_1632 = vector.shape_cast %swap3A_1631 : vector<1x1x16xf32> to vector<16xf32>
        %swap3A_1633 = vector.shape_cast %mul3A_1626 : vector<16xf32> to vector<1x1x16xf32>
        tpu.vector_store %arg11[%swap3A_1628, %swap3A_1629, %swap3A_1630], %swap3A_1633 {strides = array<i32>} : memref<2x128x128xf32, #tpu.memory_space<vmem>>, vector<1x1x16xf32>,
        %get3A_1634 = arith.constant 0 : i32
        %get3A_1635 = arith.index_cast %get3A_1634 : i32 to index
        %get3A_1636 = arith.index_cast %add3A_1618 : i32 to index
        %get3A_1637 = arith.constant 16 : index
        %get3A_1638 = tpu.vector_load %arg11[%get3A_1635, %get3A_1636, %get3A_1637] {strides = array<i32>} : memref<2x128x128xf32, #tpu.memory_space<vmem>>, vector<1x1x16xf32>,
        %get3A_1639 = vector.shape_cast %get3A_1638 : vector<1x1x16xf32> to vector<16xf32>
        %mul3A_1640 = vector.broadcast %squeeze3A_1614 : f32 to vector<16xf32>
        %mul3A_1641 = arith.mulf %get3A_1639, %mul3A_1640 : vector<16xf32>
        %swap3A_1642 = arith.constant 0 : i32
        %swap3A_1643 = arith.index_cast %swap3A_1642 : i32 to index
        %swap3A_1644 = arith.index_cast %add3A_1618 : i32 to index
        %swap3A_1645 = arith.constant 16 : index
        %swap3A_1646 = tpu.vector_load %arg11[%swap3A_1643, %swap3A_1644, %swap3A_1645] {strides = array<i32>} : memref<2x128x128xf32, #tpu.memory_space<vmem>>, vector<1x1x16xf32>,
        %swap3A_1647 = vector.shape_cast %swap3A_1646 : vector<1x1x16xf32> to vector<16xf32>
        %swap3A_1648 = vector.shape_cast %mul3A_1641 : vector<16xf32> to vector<1x1x16xf32>
        tpu.vector_store %arg11[%swap3A_1643, %swap3A_1644, %swap3A_1645], %swap3A_1648 {strides = array<i32>} : memref<2x128x128xf32, #tpu.memory_space<vmem>>, vector<1x1x16xf32>,
        %get3A_1649 = arith.constant 0 : i32
        %get3A_1650 = arith.index_cast %get3A_1649 : i32 to index
        %get3A_1651 = arith.index_cast %add3A_1618 : i32 to index
        %get3A_1652 = arith.constant 32 : index
        %get3A_1653 = tpu.vector_load %arg11[%get3A_1650, %get3A_1651, %get3A_1652] {strides = array<i32>} : memref<2x128x128xf32, #tpu.memory_space<vmem>>, vector<1x1x16xf32>,
        %get3A_1654 = vector.shape_cast %get3A_1653 : vector<1x1x16xf32> to vector<16xf32>
        %mul3A_1655 = vector.broadcast %squeeze3A_1614 : f32 to vector<16xf32>
        %mul3A_1656 = arith.mulf %get3A_1654, %mul3A_1655 : vector<16xf32>
        %swap3A_1657 = arith.constant 0 : i32
        %swap3A_1658 = arith.index_cast %swap3A_1657 : i32 to index
        %swap3A_1659 = arith.index_cast %add3A_1618 : i32 to index
        %swap3A_1660 = arith.constant 32 : index
        %swap3A_1661 = tpu.vector_load %arg11[%swap3A_1658, %swap3A_1659, %swap3A_1660] {strides = array<i32>} : memref<2x128x128xf32, #tpu.memory_space<vmem>>, vector<1x1x16xf32>,
        %swap3A_1662 = vector.shape_cast %swap3A_1661 : vector<1x1x16xf32> to vector<16xf32>
        %swap3A_1663 = vector.shape_cast %mul3A_1656 : vector<16xf32> to vector<1x1x16xf32>
        tpu.vector_store %arg11[%swap3A_1658, %swap3A_1659, %swap3A_1660], %swap3A_1663 {strides = array<i32>} : memref<2x128x128xf32, #tpu.memory_space<vmem>>, vector<1x1x16xf32>,
        %get3A_1664 = arith.constant 0 : i32
        %get3A_1665 = arith.index_cast %get3A_1664 : i32 to index
        %get3A_1666 = arith.index_cast %add3A_1618 : i32 to index
        %get3A_1667 = arith.constant 48 : index
        %get3A_1668 = tpu.vector_load %arg11[%get3A_1665, %get3A_1666, %get3A_1667] {strides = array<i32>} : memref<2x128x128xf32, #tpu.memory_space<vmem>>, vector<1x1x16xf32>,
        %get3A_1669 = vector.shape_cast %get3A_1668 : vector<1x1x16xf32> to vector<16xf32>
        %mul3A_1670 = vector.broadcast %squeeze3A_1614 : f32 to vector<16xf32>
        %mul3A_1671 = arith.mulf %get3A_1669, %mul3A_1670 : vector<16xf32>
        %swap3A_1672 = arith.constant 0 : i32
        %swap3A_1673 = arith.index_cast %swap3A_1672 : i32 to index
        %swap3A_1674 = arith.index_cast %add3A_1618 : i32 to index
        %swap3A_1675 = arith.constant 48 : index
        %swap3A_1676 = tpu.vector_load %arg11[%swap3A_1673, %swap3A_1674, %swap3A_1675] {strides = array<i32>} : memref<2x128x128xf32, #tpu.memory_space<vmem>>, vector<1x1x16xf32>,
        %swap3A_1677 = vector.shape_cast %swap3A_1676 : vector<1x1x16xf32> to vector<16xf32>
        %swap3A_1678 = vector.shape_cast %mul3A_1671 : vector<16xf32> to vector<1x1x16xf32>
        tpu.vector_store %arg11[%swap3A_1673, %swap3A_1674, %swap3A_1675], %swap3A_1678 {strides = array<i32>} : memref<2x128x128xf32, #tpu.memory_space<vmem>>, vector<1x1x16xf32>,
        %get3A_1679 = arith.constant 0 : i32
        %get3A_1680 = arith.index_cast %get3A_1679 : i32 to index
        %get3A_1681 = arith.index_cast %add3A_1618 : i32 to index
        %get3A_1682 = arith.constant 64 : index
        %get3A_1683 = tpu.vector_load %arg11[%get3A_1680, %get3A_1681, %get3A_1682] {strides = array<i32>} : memref<2x128x128xf32, #tpu.memory_space<vmem>>, vector<1x1x16xf32>,
        %get3A_1684 = vector.shape_cast %get3A_1683 : vector<1x1x16xf32> to vector<16xf32>
        %mul3A_1685 = vector.broadcast %squeeze3A_1614 : f32 to vector<16xf32>
        %mul3A_1686 = arith.mulf %get3A_1684, %mul3A_1685 : vector<16xf32>
        %swap3A_1687 = arith.constant 0 : i32
        %swap3A_1688 = arith.index_cast %swap3A_1687 : i32 to index
        %swap3A_1689 = arith.index_cast %add3A_1618 : i32 to index
        %swap3A_1690 = arith.constant 64 : index
        %swap3A_1691 = tpu.vector_load %arg11[%swap3A_1688, %swap3A_1689, %swap3A_1690] {strides = array<i32>} : memref<2x128x128xf32, #tpu.memory_space<vmem>>, vector<1x1x16xf32>,
        %swap3A_1692 = vector.shape_cast %swap3A_1691 : vector<1x1x16xf32> to vector<16xf32>
        %swap3A_1693 = vector.shape_cast %mul3A_1686 : vector<16xf32> to vector<1x1x16xf32>
        tpu.vector_store %arg11[%swap3A_1688, %swap3A_1689, %swap3A_1690], %swap3A_1693 {strides = array<i32>} : memref<2x128x128xf32, #tpu.memory_space<vmem>>, vector<1x1x16xf32>,
        %get3A_1694 = arith.constant 0 : i32
        %get3A_1695 = arith.index_cast %get3A_1694 : i32 to index
        %get3A_1696 = arith.index_cast %add3A_1618 : i32 to index
        %get3A_1697 = arith.constant 80 : index
        %get3A_1698 = tpu.vector_load %arg11[%get3A_1695, %get3A_1696, %get3A_1697] {strides = array<i32>} : memref<2x128x128xf32, #tpu.memory_space<vmem>>, vector<1x1x16xf32>,
        %get3A_1699 = vector.shape_cast %get3A_1698 : vector<1x1x16xf32> to vector<16xf32>
        %mul3A_1700 = vector.broadcast %squeeze3A_1614 : f32 to vector<16xf32>
        %mul3A_1701 = arith.mulf %get3A_1699, %mul3A_1700 : vector<16xf32>
        %swap3A_1702 = arith.constant 0 : i32
        %swap3A_1703 = arith.index_cast %swap3A_1702 : i32 to index
        %swap3A_1704 = arith.index_cast %add3A_1618 : i32 to index
        %swap3A_1705 = arith.constant 80 : index
        %swap3A_1706 = tpu.vector_load %arg11[%swap3A_1703, %swap3A_1704, %swap3A_1705] {strides = array<i32>} : memref<2x128x128xf32, #tpu.memory_space<vmem>>, vector<1x1x16xf32>,
        %swap3A_1707 = vector.shape_cast %swap3A_1706 : vector<1x1x16xf32> to vector<16xf32>
        %swap3A_1708 = vector.shape_cast %mul3A_1701 : vector<16xf32> to vector<1x1x16xf32>
        tpu.vector_store %arg11[%swap3A_1703, %swap3A_1704, %swap3A_1705], %swap3A_1708 {strides = array<i32>} : memref<2x128x128xf32, #tpu.memory_space<vmem>>, vector<1x1x16xf32>,
        %get3A_1709 = arith.constant 0 : i32
        %get3A_1710 = arith.index_cast %get3A_1709 : i32 to index
        %get3A_1711 = arith.index_cast %add3A_1618 : i32 to index
        %get3A_1712 = arith.constant 96 : index
        %get3A_1713 = tpu.vector_load %arg11[%get3A_1710, %get3A_1711, %get3A_1712] {strides = array<i32>} : memref<2x128x128xf32, #tpu.memory_space<vmem>>, vector<1x1x16xf32>,
        %get3A_1714 = vector.shape_cast %get3A_1713 : vector<1x1x16xf32> to vector<16xf32>
        %mul3A_1715 = vector.broadcast %squeeze3A_1614 : f32 to vector<16xf32>
        %mul3A_1716 = arith.mulf %get3A_1714, %mul3A_1715 : vector<16xf32>
        %swap3A_1717 = arith.constant 0 : i32
        %swap3A_1718 = arith.index_cast %swap3A_1717 : i32 to index
        %swap3A_1719 = arith.index_cast %add3A_1618 : i32 to index
        %swap3A_1720 = arith.constant 96 : index
        %swap3A_1721 = tpu.vector_load %arg11[%swap3A_1718, %swap3A_1719, %swap3A_1720] {strides = array<i32>} : memref<2x128x128xf32, #tpu.memory_space<vmem>>, vector<1x1x16xf32>,
        %swap3A_1722 = vector.shape_cast %swap3A_1721 : vector<1x1x16xf32> to vector<16xf32>
        %swap3A_1723 = vector.shape_cast %mul3A_1716 : vector<16xf32> to vector<1x1x16xf32>
        tpu.vector_store %arg11[%swap3A_1718, %swap3A_1719, %swap3A_1720], %swap3A_1723 {strides = array<i32>} : memref<2x128x128xf32, #tpu.memory_space<vmem>>, vector<1x1x16xf32>,
        %get3A_1724 = arith.constant 0 : i32
        %get3A_1725 = arith.index_cast %get3A_1724 : i32 to index
        %get3A_1726 = arith.index_cast %add3A_1618 : i32 to index
        %get3A_1727 = arith.constant 112 : index
        %get3A_1728 = tpu.vector_load %arg11[%get3A_1725, %get3A_1726, %get3A_1727] {strides = array<i32>} : memref<2x128x128xf32, #tpu.memory_space<vmem>>, vector<1x1x16xf32>,
        %get3A_1729 = vector.shape_cast %get3A_1728 : vector<1x1x16xf32> to vector<16xf32>
        %mul3A_1730 = vector.broadcast %squeeze3A_1614 : f32 to vector<16xf32>
        %mul3A_1731 = arith.mulf %get3A_1729, %mul3A_1730 : vector<16xf32>
        %swap3A_1732 = arith.constant 0 : i32
        %swap3A_1733 = arith.index_cast %swap3A_1732 : i32 to index
        %swap3A_1734 = arith.index_cast %add3A_1618 : i32 to index
        %swap3A_1735 = arith.constant 112 : index
        %swap3A_1736 = tpu.vector_load %arg11[%swap3A_1733, %swap3A_1734, %swap3A_1735] {strides = array<i32>} : memref<2x128x128xf32, #tpu.memory_space<vmem>>, vector<1x1x16xf32>,
        %swap3A_1737 = vector.shape_cast %swap3A_1736 : vector<1x1x16xf32> to vector<16xf32>
        %swap3A_1738 = vector.shape_cast %mul3A_1731 : vector<16xf32> to vector<1x1x16xf32>
        tpu.vector_store %arg11[%swap3A_1733, %swap3A_1734, %swap3A_1735], %swap3A_1738 {strides = array<i32>} : memref<2x128x128xf32, #tpu.memory_space<vmem>>, vector<1x1x16xf32>,
        %slice3A_1739 = vector.extract_strided_slice %get3A_229 {offsets = [12], sizes = [1], strides = [1]} : vector<16xf32> to vector<1xf32>
        %squeeze3A_1740 = vector.extract %slice3A_1739[0] : f32 from vector<1xf32>
        %mul3A_1741 = arith.constant 16 : i32
        %mul3A_1742 = arith.muli %scan3A_223, %mul3A_1741 : i32
        %add3A_1743 = arith.constant 12 : i32
        %add3A_1744 = arith.addi %mul3A_1742, %add3A_1743 : i32
        %get3A_1745 = arith.constant 0 : i32
        %get3A_1746 = arith.index_cast %get3A_1745 : i32 to index
        %get3A_1747 = arith.index_cast %add3A_1744 : i32 to index
        %get3A_1748 = arith.constant 0 : index
        %get3A_1749 = tpu.vector_load %arg11[%get3A_1746, %get3A_1747, %get3A_1748] {strides = array<i32>} : memref<2x128x128xf32, #tpu.memory_space<vmem>>, vector<1x1x16xf32>,
        %get3A_1750 = vector.shape_cast %get3A_1749 : vector<1x1x16xf32> to vector<16xf32>
        %mul3A_1751 = vector.broadcast %squeeze3A_1740 : f32 to vector<16xf32>
        %mul3A_1752 = arith.mulf %get3A_1750, %mul3A_1751 : vector<16xf32>
        %swap3A_1753 = arith.constant 0 : i32
        %swap3A_1754 = arith.index_cast %swap3A_1753 : i32 to index
        %swap3A_1755 = arith.index_cast %add3A_1744 : i32 to index
        %swap3A_1756 = arith.constant 0 : index
        %swap3A_1757 = tpu.vector_load %arg11[%swap3A_1754, %swap3A_1755, %swap3A_1756] {strides = array<i32>} : memref<2x128x128xf32, #tpu.memory_space<vmem>>, vector<1x1x16xf32>,
        %swap3A_1758 = vector.shape_cast %swap3A_1757 : vector<1x1x16xf32> to vector<16xf32>
        %swap3A_1759 = vector.shape_cast %mul3A_1752 : vector<16xf32> to vector<1x1x16xf32>
        tpu.vector_store %arg11[%swap3A_1754, %swap3A_1755, %swap3A_1756], %swap3A_1759 {strides = array<i32>} : memref<2x128x128xf32, #tpu.memory_space<vmem>>, vector<1x1x16xf32>,
        %get3A_1760 = arith.constant 0 : i32
        %get3A_1761 = arith.index_cast %get3A_1760 : i32 to index
        %get3A_1762 = arith.index_cast %add3A_1744 : i32 to index
        %get3A_1763 = arith.constant 16 : index
        %get3A_1764 = tpu.vector_load %arg11[%get3A_1761, %get3A_1762, %get3A_1763] {strides = array<i32>} : memref<2x128x128xf32, #tpu.memory_space<vmem>>, vector<1x1x16xf32>,
        %get3A_1765 = vector.shape_cast %get3A_1764 : vector<1x1x16xf32> to vector<16xf32>
        %mul3A_1766 = vector.broadcast %squeeze3A_1740 : f32 to vector<16xf32>
        %mul3A_1767 = arith.mulf %get3A_1765, %mul3A_1766 : vector<16xf32>
        %swap3A_1768 = arith.constant 0 : i32
        %swap3A_1769 = arith.index_cast %swap3A_1768 : i32 to index
        %swap3A_1770 = arith.index_cast %add3A_1744 : i32 to index
        %swap3A_1771 = arith.constant 16 : index
        %swap3A_1772 = tpu.vector_load %arg11[%swap3A_1769, %swap3A_1770, %swap3A_1771] {strides = array<i32>} : memref<2x128x128xf32, #tpu.memory_space<vmem>>, vector<1x1x16xf32>,
        %swap3A_1773 = vector.shape_cast %swap3A_1772 : vector<1x1x16xf32> to vector<16xf32>
        %swap3A_1774 = vector.shape_cast %mul3A_1767 : vector<16xf32> to vector<1x1x16xf32>
        tpu.vector_store %arg11[%swap3A_1769, %swap3A_1770, %swap3A_1771], %swap3A_1774 {strides = array<i32>} : memref<2x128x128xf32, #tpu.memory_space<vmem>>, vector<1x1x16xf32>,
        %get3A_1775 = arith.constant 0 : i32
        %get3A_1776 = arith.index_cast %get3A_1775 : i32 to index
        %get3A_1777 = arith.index_cast %add3A_1744 : i32 to index
        %get3A_1778 = arith.constant 32 : index
        %get3A_1779 = tpu.vector_load %arg11[%get3A_1776, %get3A_1777, %get3A_1778] {strides = array<i32>} : memref<2x128x128xf32, #tpu.memory_space<vmem>>, vector<1x1x16xf32>,
        %get3A_1780 = vector.shape_cast %get3A_1779 : vector<1x1x16xf32> to vector<16xf32>
        %mul3A_1781 = vector.broadcast %squeeze3A_1740 : f32 to vector<16xf32>
        %mul3A_1782 = arith.mulf %get3A_1780, %mul3A_1781 : vector<16xf32>
        %swap3A_1783 = arith.constant 0 : i32
        %swap3A_1784 = arith.index_cast %swap3A_1783 : i32 to index
        %swap3A_1785 = arith.index_cast %add3A_1744 : i32 to index
        %swap3A_1786 = arith.constant 32 : index
        %swap3A_1787 = tpu.vector_load %arg11[%swap3A_1784, %swap3A_1785, %swap3A_1786] {strides = array<i32>} : memref<2x128x128xf32, #tpu.memory_space<vmem>>, vector<1x1x16xf32>,
        %swap3A_1788 = vector.shape_cast %swap3A_1787 : vector<1x1x16xf32> to vector<16xf32>
        %swap3A_1789 = vector.shape_cast %mul3A_1782 : vector<16xf32> to vector<1x1x16xf32>
        tpu.vector_store %arg11[%swap3A_1784, %swap3A_1785, %swap3A_1786], %swap3A_1789 {strides = array<i32>} : memref<2x128x128xf32, #tpu.memory_space<vmem>>, vector<1x1x16xf32>,
        %get3A_1790 = arith.constant 0 : i32
        %get3A_1791 = arith.index_cast %get3A_1790 : i32 to index
        %get3A_1792 = arith.index_cast %add3A_1744 : i32 to index
        %get3A_1793 = arith.constant 48 : index
        %get3A_1794 = tpu.vector_load %arg11[%get3A_1791, %get3A_1792, %get3A_1793] {strides = array<i32>} : memref<2x128x128xf32, #tpu.memory_space<vmem>>, vector<1x1x16xf32>,
        %get3A_1795 = vector.shape_cast %get3A_1794 : vector<1x1x16xf32> to vector<16xf32>
        %mul3A_1796 = vector.broadcast %squeeze3A_1740 : f32 to vector<16xf32>
        %mul3A_1797 = arith.mulf %get3A_1795, %mul3A_1796 : vector<16xf32>
        %swap3A_1798 = arith.constant 0 : i32
        %swap3A_1799 = arith.index_cast %swap3A_1798 : i32 to index
        %swap3A_1800 = arith.index_cast %add3A_1744 : i32 to index
        %swap3A_1801 = arith.constant 48 : index
        %swap3A_1802 = tpu.vector_load %arg11[%swap3A_1799, %swap3A_1800, %swap3A_1801] {strides = array<i32>} : memref<2x128x128xf32, #tpu.memory_space<vmem>>, vector<1x1x16xf32>,
        %swap3A_1803 = vector.shape_cast %swap3A_1802 : vector<1x1x16xf32> to vector<16xf32>
        %swap3A_1804 = vector.shape_cast %mul3A_1797 : vector<16xf32> to vector<1x1x16xf32>
        tpu.vector_store %arg11[%swap3A_1799, %swap3A_1800, %swap3A_1801], %swap3A_1804 {strides = array<i32>} : memref<2x128x128xf32, #tpu.memory_space<vmem>>, vector<1x1x16xf32>,
        %get3A_1805 = arith.constant 0 : i32
        %get3A_1806 = arith.index_cast %get3A_1805 : i32 to index
        %get3A_1807 = arith.index_cast %add3A_1744 : i32 to index
        %get3A_1808 = arith.constant 64 : index
        %get3A_1809 = tpu.vector_load %arg11[%get3A_1806, %get3A_1807, %get3A_1808] {strides = array<i32>} : memref<2x128x128xf32, #tpu.memory_space<vmem>>, vector<1x1x16xf32>,
        %get3A_1810 = vector.shape_cast %get3A_1809 : vector<1x1x16xf32> to vector<16xf32>
        %mul3A_1811 = vector.broadcast %squeeze3A_1740 : f32 to vector<16xf32>
        %mul3A_1812 = arith.mulf %get3A_1810, %mul3A_1811 : vector<16xf32>
        %swap3A_1813 = arith.constant 0 : i32
        %swap3A_1814 = arith.index_cast %swap3A_1813 : i32 to index
        %swap3A_1815 = arith.index_cast %add3A_1744 : i32 to index
        %swap3A_1816 = arith.constant 64 : index
        %swap3A_1817 = tpu.vector_load %arg11[%swap3A_1814, %swap3A_1815, %swap3A_1816] {strides = array<i32>} : memref<2x128x128xf32, #tpu.memory_space<vmem>>, vector<1x1x16xf32>,
        %swap3A_1818 = vector.shape_cast %swap3A_1817 : vector<1x1x16xf32> to vector<16xf32>
        %swap3A_1819 = vector.shape_cast %mul3A_1812 : vector<16xf32> to vector<1x1x16xf32>
        tpu.vector_store %arg11[%swap3A_1814, %swap3A_1815, %swap3A_1816], %swap3A_1819 {strides = array<i32>} : memref<2x128x128xf32, #tpu.memory_space<vmem>>, vector<1x1x16xf32>,
        %get3A_1820 = arith.constant 0 : i32
        %get3A_1821 = arith.index_cast %get3A_1820 : i32 to index
        %get3A_1822 = arith.index_cast %add3A_1744 : i32 to index
        %get3A_1823 = arith.constant 80 : index
        %get3A_1824 = tpu.vector_load %arg11[%get3A_1821, %get3A_1822, %get3A_1823] {strides = array<i32>} : memref<2x128x128xf32, #tpu.memory_space<vmem>>, vector<1x1x16xf32>,
        %get3A_1825 = vector.shape_cast %get3A_1824 : vector<1x1x16xf32> to vector<16xf32>
        %mul3A_1826 = vector.broadcast %squeeze3A_1740 : f32 to vector<16xf32>
        %mul3A_1827 = arith.mulf %get3A_1825, %mul3A_1826 : vector<16xf32>
        %swap3A_1828 = arith.constant 0 : i32
        %swap3A_1829 = arith.index_cast %swap3A_1828 : i32 to index
        %swap3A_1830 = arith.index_cast %add3A_1744 : i32 to index
        %swap3A_1831 = arith.constant 80 : index
        %swap3A_1832 = tpu.vector_load %arg11[%swap3A_1829, %swap3A_1830, %swap3A_1831] {strides = array<i32>} : memref<2x128x128xf32, #tpu.memory_space<vmem>>, vector<1x1x16xf32>,
        %swap3A_1833 = vector.shape_cast %swap3A_1832 : vector<1x1x16xf32> to vector<16xf32>
        %swap3A_1834 = vector.shape_cast %mul3A_1827 : vector<16xf32> to vector<1x1x16xf32>
        tpu.vector_store %arg11[%swap3A_1829, %swap3A_1830, %swap3A_1831], %swap3A_1834 {strides = array<i32>} : memref<2x128x128xf32, #tpu.memory_space<vmem>>, vector<1x1x16xf32>,
        %get3A_1835 = arith.constant 0 : i32
        %get3A_1836 = arith.index_cast %get3A_1835 : i32 to index
        %get3A_1837 = arith.index_cast %add3A_1744 : i32 to index
        %get3A_1838 = arith.constant 96 : index
        %get3A_1839 = tpu.vector_load %arg11[%get3A_1836, %get3A_1837, %get3A_1838] {strides = array<i32>} : memref<2x128x128xf32, #tpu.memory_space<vmem>>, vector<1x1x16xf32>,
        %get3A_1840 = vector.shape_cast %get3A_1839 : vector<1x1x16xf32> to vector<16xf32>
        %mul3A_1841 = vector.broadcast %squeeze3A_1740 : f32 to vector<16xf32>
        %mul3A_1842 = arith.mulf %get3A_1840, %mul3A_1841 : vector<16xf32>
        %swap3A_1843 = arith.constant 0 : i32
        %swap3A_1844 = arith.index_cast %swap3A_1843 : i32 to index
        %swap3A_1845 = arith.index_cast %add3A_1744 : i32 to index
        %swap3A_1846 = arith.constant 96 : index
        %swap3A_1847 = tpu.vector_load %arg11[%swap3A_1844, %swap3A_1845, %swap3A_1846] {strides = array<i32>} : memref<2x128x128xf32, #tpu.memory_space<vmem>>, vector<1x1x16xf32>,
        %swap3A_1848 = vector.shape_cast %swap3A_1847 : vector<1x1x16xf32> to vector<16xf32>
        %swap3A_1849 = vector.shape_cast %mul3A_1842 : vector<16xf32> to vector<1x1x16xf32>
        tpu.vector_store %arg11[%swap3A_1844, %swap3A_1845, %swap3A_1846], %swap3A_1849 {strides = array<i32>} : memref<2x128x128xf32, #tpu.memory_space<vmem>>, vector<1x1x16xf32>,
        %get3A_1850 = arith.constant 0 : i32
        %get3A_1851 = arith.index_cast %get3A_1850 : i32 to index
        %get3A_1852 = arith.index_cast %add3A_1744 : i32 to index
        %get3A_1853 = arith.constant 112 : index
        %get3A_1854 = tpu.vector_load %arg11[%get3A_1851, %get3A_1852, %get3A_1853] {strides = array<i32>} : memref<2x128x128xf32, #tpu.memory_space<vmem>>, vector<1x1x16xf32>,
        %get3A_1855 = vector.shape_cast %get3A_1854 : vector<1x1x16xf32> to vector<16xf32>
        %mul3A_1856 = vector.broadcast %squeeze3A_1740 : f32 to vector<16xf32>
        %mul3A_1857 = arith.mulf %get3A_1855, %mul3A_1856 : vector<16xf32>
        %swap3A_1858 = arith.constant 0 : i32
        %swap3A_1859 = arith.index_cast %swap3A_1858 : i32 to index
        %swap3A_1860 = arith.index_cast %add3A_1744 : i32 to index
        %swap3A_1861 = arith.constant 112 : index
        %swap3A_1862 = tpu.vector_load %arg11[%swap3A_1859, %swap3A_1860, %swap3A_1861] {strides = array<i32>} : memref<2x128x128xf32, #tpu.memory_space<vmem>>, vector<1x1x16xf32>,
        %swap3A_1863 = vector.shape_cast %swap3A_1862 : vector<1x1x16xf32> to vector<16xf32>
        %swap3A_1864 = vector.shape_cast %mul3A_1857 : vector<16xf32> to vector<1x1x16xf32>
        tpu.vector_store %arg11[%swap3A_1859, %swap3A_1860, %swap3A_1861], %swap3A_1864 {strides = array<i32>} : memref<2x128x128xf32, #tpu.memory_space<vmem>>, vector<1x1x16xf32>,
        %slice3A_1865 = vector.extract_strided_slice %get3A_229 {offsets = [13], sizes = [1], strides = [1]} : vector<16xf32> to vector<1xf32>
        %squeeze3A_1866 = vector.extract %slice3A_1865[0] : f32 from vector<1xf32>
        %mul3A_1867 = arith.constant 16 : i32
        %mul3A_1868 = arith.muli %scan3A_223, %mul3A_1867 : i32
        %add3A_1869 = arith.constant 13 : i32
        %add3A_1870 = arith.addi %mul3A_1868, %add3A_1869 : i32
        %get3A_1871 = arith.constant 0 : i32
        %get3A_1872 = arith.index_cast %get3A_1871 : i32 to index
        %get3A_1873 = arith.index_cast %add3A_1870 : i32 to index
        %get3A_1874 = arith.constant 0 : index
        %get3A_1875 = tpu.vector_load %arg11[%get3A_1872, %get3A_1873, %get3A_1874] {strides = array<i32>} : memref<2x128x128xf32, #tpu.memory_space<vmem>>, vector<1x1x16xf32>,
        %get3A_1876 = vector.shape_cast %get3A_1875 : vector<1x1x16xf32> to vector<16xf32>
        %mul3A_1877 = vector.broadcast %squeeze3A_1866 : f32 to vector<16xf32>
        %mul3A_1878 = arith.mulf %get3A_1876, %mul3A_1877 : vector<16xf32>
        %swap3A_1879 = arith.constant 0 : i32
        %swap3A_1880 = arith.index_cast %swap3A_1879 : i32 to index
        %swap3A_1881 = arith.index_cast %add3A_1870 : i32 to index
        %swap3A_1882 = arith.constant 0 : index
        %swap3A_1883 = tpu.vector_load %arg11[%swap3A_1880, %swap3A_1881, %swap3A_1882] {strides = array<i32>} : memref<2x128x128xf32, #tpu.memory_space<vmem>>, vector<1x1x16xf32>,
        %swap3A_1884 = vector.shape_cast %swap3A_1883 : vector<1x1x16xf32> to vector<16xf32>
        %swap3A_1885 = vector.shape_cast %mul3A_1878 : vector<16xf32> to vector<1x1x16xf32>
        tpu.vector_store %arg11[%swap3A_1880, %swap3A_1881, %swap3A_1882], %swap3A_1885 {strides = array<i32>} : memref<2x128x128xf32, #tpu.memory_space<vmem>>, vector<1x1x16xf32>,
        %get3A_1886 = arith.constant 0 : i32
        %get3A_1887 = arith.index_cast %get3A_1886 : i32 to index
        %get3A_1888 = arith.index_cast %add3A_1870 : i32 to index
        %get3A_1889 = arith.constant 16 : index
        %get3A_1890 = tpu.vector_load %arg11[%get3A_1887, %get3A_1888, %get3A_1889] {strides = array<i32>} : memref<2x128x128xf32, #tpu.memory_space<vmem>>, vector<1x1x16xf32>,
        %get3A_1891 = vector.shape_cast %get3A_1890 : vector<1x1x16xf32> to vector<16xf32>
        %mul3A_1892 = vector.broadcast %squeeze3A_1866 : f32 to vector<16xf32>
        %mul3A_1893 = arith.mulf %get3A_1891, %mul3A_1892 : vector<16xf32>
        %swap3A_1894 = arith.constant 0 : i32
        %swap3A_1895 = arith.index_cast %swap3A_1894 : i32 to index
        %swap3A_1896 = arith.index_cast %add3A_1870 : i32 to index
        %swap3A_1897 = arith.constant 16 : index
        %swap3A_1898 = tpu.vector_load %arg11[%swap3A_1895, %swap3A_1896, %swap3A_1897] {strides = array<i32>} : memref<2x128x128xf32, #tpu.memory_space<vmem>>, vector<1x1x16xf32>,
        %swap3A_1899 = vector.shape_cast %swap3A_1898 : vector<1x1x16xf32> to vector<16xf32>
        %swap3A_1900 = vector.shape_cast %mul3A_1893 : vector<16xf32> to vector<1x1x16xf32>
        tpu.vector_store %arg11[%swap3A_1895, %swap3A_1896, %swap3A_1897], %swap3A_1900 {strides = array<i32>} : memref<2x128x128xf32, #tpu.memory_space<vmem>>, vector<1x1x16xf32>,
        %get3A_1901 = arith.constant 0 : i32
        %get3A_1902 = arith.index_cast %get3A_1901 : i32 to index
        %get3A_1903 = arith.index_cast %add3A_1870 : i32 to index
        %get3A_1904 = arith.constant 32 : index
        %get3A_1905 = tpu.vector_load %arg11[%get3A_1902, %get3A_1903, %get3A_1904] {strides = array<i32>} : memref<2x128x128xf32, #tpu.memory_space<vmem>>, vector<1x1x16xf32>,
        %get3A_1906 = vector.shape_cast %get3A_1905 : vector<1x1x16xf32> to vector<16xf32>
        %mul3A_1907 = vector.broadcast %squeeze3A_1866 : f32 to vector<16xf32>
        %mul3A_1908 = arith.mulf %get3A_1906, %mul3A_1907 : vector<16xf32>
        %swap3A_1909 = arith.constant 0 : i32
        %swap3A_1910 = arith.index_cast %swap3A_1909 : i32 to index
        %swap3A_1911 = arith.index_cast %add3A_1870 : i32 to index
        %swap3A_1912 = arith.constant 32 : index
        %swap3A_1913 = tpu.vector_load %arg11[%swap3A_1910, %swap3A_1911, %swap3A_1912] {strides = array<i32>} : memref<2x128x128xf32, #tpu.memory_space<vmem>>, vector<1x1x16xf32>,
        %swap3A_1914 = vector.shape_cast %swap3A_1913 : vector<1x1x16xf32> to vector<16xf32>
        %swap3A_1915 = vector.shape_cast %mul3A_1908 : vector<16xf32> to vector<1x1x16xf32>
        tpu.vector_store %arg11[%swap3A_1910, %swap3A_1911, %swap3A_1912], %swap3A_1915 {strides = array<i32>} : memref<2x128x128xf32, #tpu.memory_space<vmem>>, vector<1x1x16xf32>,
        %get3A_1916 = arith.constant 0 : i32
        %get3A_1917 = arith.index_cast %get3A_1916 : i32 to index
        %get3A_1918 = arith.index_cast %add3A_1870 : i32 to index
        %get3A_1919 = arith.constant 48 : index
        %get3A_1920 = tpu.vector_load %arg11[%get3A_1917, %get3A_1918, %get3A_1919] {strides = array<i32>} : memref<2x128x128xf32, #tpu.memory_space<vmem>>, vector<1x1x16xf32>,
        %get3A_1921 = vector.shape_cast %get3A_1920 : vector<1x1x16xf32> to vector<16xf32>
        %mul3A_1922 = vector.broadcast %squeeze3A_1866 : f32 to vector<16xf32>
        %mul3A_1923 = arith.mulf %get3A_1921, %mul3A_1922 : vector<16xf32>
        %swap3A_1924 = arith.constant 0 : i32
        %swap3A_1925 = arith.index_cast %swap3A_1924 : i32 to index
        %swap3A_1926 = arith.index_cast %add3A_1870 : i32 to index
        %swap3A_1927 = arith.constant 48 : index
        %swap3A_1928 = tpu.vector_load %arg11[%swap3A_1925, %swap3A_1926, %swap3A_1927] {strides = array<i32>} : memref<2x128x128xf32, #tpu.memory_space<vmem>>, vector<1x1x16xf32>,
        %swap3A_1929 = vector.shape_cast %swap3A_1928 : vector<1x1x16xf32> to vector<16xf32>
        %swap3A_1930 = vector.shape_cast %mul3A_1923 : vector<16xf32> to vector<1x1x16xf32>
        tpu.vector_store %arg11[%swap3A_1925, %swap3A_1926, %swap3A_1927], %swap3A_1930 {strides = array<i32>} : memref<2x128x128xf32, #tpu.memory_space<vmem>>, vector<1x1x16xf32>,
        %get3A_1931 = arith.constant 0 : i32
        %get3A_1932 = arith.index_cast %get3A_1931 : i32 to index
        %get3A_1933 = arith.index_cast %add3A_1870 : i32 to index
        %get3A_1934 = arith.constant 64 : index
        %get3A_1935 = tpu.vector_load %arg11[%get3A_1932, %get3A_1933, %get3A_1934] {strides = array<i32>} : memref<2x128x128xf32, #tpu.memory_space<vmem>>, vector<1x1x16xf32>,
        %get3A_1936 = vector.shape_cast %get3A_1935 : vector<1x1x16xf32> to vector<16xf32>
        %mul3A_1937 = vector.broadcast %squeeze3A_1866 : f32 to vector<16xf32>
        %mul3A_1938 = arith.mulf %get3A_1936, %mul3A_1937 : vector<16xf32>
        %swap3A_1939 = arith.constant 0 : i32
        %swap3A_1940 = arith.index_cast %swap3A_1939 : i32 to index
        %swap3A_1941 = arith.index_cast %add3A_1870 : i32 to index
        %swap3A_1942 = arith.constant 64 : index
        %swap3A_1943 = tpu.vector_load %arg11[%swap3A_1940, %swap3A_1941, %swap3A_1942] {strides = array<i32>} : memref<2x128x128xf32, #tpu.memory_space<vmem>>, vector<1x1x16xf32>,
        %swap3A_1944 = vector.shape_cast %swap3A_1943 : vector<1x1x16xf32> to vector<16xf32>
        %swap3A_1945 = vector.shape_cast %mul3A_1938 : vector<16xf32> to vector<1x1x16xf32>
        tpu.vector_store %arg11[%swap3A_1940, %swap3A_1941, %swap3A_1942], %swap3A_1945 {strides = array<i32>} : memref<2x128x128xf32, #tpu.memory_space<vmem>>, vector<1x1x16xf32>,
        %get3A_1946 = arith.constant 0 : i32
        %get3A_1947 = arith.index_cast %get3A_1946 : i32 to index
        %get3A_1948 = arith.index_cast %add3A_1870 : i32 to index
        %get3A_1949 = arith.constant 80 : index
        %get3A_1950 = tpu.vector_load %arg11[%get3A_1947, %get3A_1948, %get3A_1949] {strides = array<i32>} : memref<2x128x128xf32, #tpu.memory_space<vmem>>, vector<1x1x16xf32>,
        %get3A_1951 = vector.shape_cast %get3A_1950 : vector<1x1x16xf32> to vector<16xf32>
        %mul3A_1952 = vector.broadcast %squeeze3A_1866 : f32 to vector<16xf32>
        %mul3A_1953 = arith.mulf %get3A_1951, %mul3A_1952 : vector<16xf32>
        %swap3A_1954 = arith.constant 0 : i32
        %swap3A_1955 = arith.index_cast %swap3A_1954 : i32 to index
        %swap3A_1956 = arith.index_cast %add3A_1870 : i32 to index
        %swap3A_1957 = arith.constant 80 : index
        %swap3A_1958 = tpu.vector_load %arg11[%swap3A_1955, %swap3A_1956, %swap3A_1957] {strides = array<i32>} : memref<2x128x128xf32, #tpu.memory_space<vmem>>, vector<1x1x16xf32>,
        %swap3A_1959 = vector.shape_cast %swap3A_1958 : vector<1x1x16xf32> to vector<16xf32>
        %swap3A_1960 = vector.shape_cast %mul3A_1953 : vector<16xf32> to vector<1x1x16xf32>
        tpu.vector_store %arg11[%swap3A_1955, %swap3A_1956, %swap3A_1957], %swap3A_1960 {strides = array<i32>} : memref<2x128x128xf32, #tpu.memory_space<vmem>>, vector<1x1x16xf32>,
        %get3A_1961 = arith.constant 0 : i32
        %get3A_1962 = arith.index_cast %get3A_1961 : i32 to index
        %get3A_1963 = arith.index_cast %add3A_1870 : i32 to index
        %get3A_1964 = arith.constant 96 : index
        %get3A_1965 = tpu.vector_load %arg11[%get3A_1962, %get3A_1963, %get3A_1964] {strides = array<i32>} : memref<2x128x128xf32, #tpu.memory_space<vmem>>, vector<1x1x16xf32>,
        %get3A_1966 = vector.shape_cast %get3A_1965 : vector<1x1x16xf32> to vector<16xf32>
        %mul3A_1967 = vector.broadcast %squeeze3A_1866 : f32 to vector<16xf32>
        %mul3A_1968 = arith.mulf %get3A_1966, %mul3A_1967 : vector<16xf32>
        %swap3A_1969 = arith.constant 0 : i32
        %swap3A_1970 = arith.index_cast %swap3A_1969 : i32 to index
        %swap3A_1971 = arith.index_cast %add3A_1870 : i32 to index
        %swap3A_1972 = arith.constant 96 : index
        %swap3A_1973 = tpu.vector_load %arg11[%swap3A_1970, %swap3A_1971, %swap3A_1972] {strides = array<i32>} : memref<2x128x128xf32, #tpu.memory_space<vmem>>, vector<1x1x16xf32>,
        %swap3A_1974 = vector.shape_cast %swap3A_1973 : vector<1x1x16xf32> to vector<16xf32>
        %swap3A_1975 = vector.shape_cast %mul3A_1968 : vector<16xf32> to vector<1x1x16xf32>
        tpu.vector_store %arg11[%swap3A_1970, %swap3A_1971, %swap3A_1972], %swap3A_1975 {strides = array<i32>} : memref<2x128x128xf32, #tpu.memory_space<vmem>>, vector<1x1x16xf32>,
        %get3A_1976 = arith.constant 0 : i32
        %get3A_1977 = arith.index_cast %get3A_1976 : i32 to index
        %get3A_1978 = arith.index_cast %add3A_1870 : i32 to index
        %get3A_1979 = arith.constant 112 : index
        %get3A_1980 = tpu.vector_load %arg11[%get3A_1977, %get3A_1978, %get3A_1979] {strides = array<i32>} : memref<2x128x128xf32, #tpu.memory_space<vmem>>, vector<1x1x16xf32>,
        %get3A_1981 = vector.shape_cast %get3A_1980 : vector<1x1x16xf32> to vector<16xf32>
        %mul3A_1982 = vector.broadcast %squeeze3A_1866 : f32 to vector<16xf32>
        %mul3A_1983 = arith.mulf %get3A_1981, %mul3A_1982 : vector<16xf32>
        %swap3A_1984 = arith.constant 0 : i32
        %swap3A_1985 = arith.index_cast %swap3A_1984 : i32 to index
        %swap3A_1986 = arith.index_cast %add3A_1870 : i32 to index
        %swap3A_1987 = arith.constant 112 : index
        %swap3A_1988 = tpu.vector_load %arg11[%swap3A_1985, %swap3A_1986, %swap3A_1987] {strides = array<i32>} : memref<2x128x128xf32, #tpu.memory_space<vmem>>, vector<1x1x16xf32>,
        %swap3A_1989 = vector.shape_cast %swap3A_1988 : vector<1x1x16xf32> to vector<16xf32>
        %swap3A_1990 = vector.shape_cast %mul3A_1983 : vector<16xf32> to vector<1x1x16xf32>
        tpu.vector_store %arg11[%swap3A_1985, %swap3A_1986, %swap3A_1987], %swap3A_1990 {strides = array<i32>} : memref<2x128x128xf32, #tpu.memory_space<vmem>>, vector<1x1x16xf32>,
        %slice3A_1991 = vector.extract_strided_slice %get3A_229 {offsets = [14], sizes = [1], strides = [1]} : vector<16xf32> to vector<1xf32>
        %squeeze3A_1992 = vector.extract %slice3A_1991[0] : f32 from vector<1xf32>
        %mul3A_1993 = arith.constant 16 : i32
        %mul3A_1994 = arith.muli %scan3A_223, %mul3A_1993 : i32
        %add3A_1995 = arith.constant 14 : i32
        %add3A_1996 = arith.addi %mul3A_1994, %add3A_1995 : i32
        %get3A_1997 = arith.constant 0 : i32
        %get3A_1998 = arith.index_cast %get3A_1997 : i32 to index
        %get3A_1999 = arith.index_cast %add3A_1996 : i32 to index
        %get3A_2000 = arith.constant 0 : index
        %get3A_2001 = tpu.vector_load %arg11[%get3A_1998, %get3A_1999, %get3A_2000] {strides = array<i32>} : memref<2x128x128xf32, #tpu.memory_space<vmem>>, vector<1x1x16xf32>,
        %get3A_2002 = vector.shape_cast %get3A_2001 : vector<1x1x16xf32> to vector<16xf32>
        %mul3A_2003 = vector.broadcast %squeeze3A_1992 : f32 to vector<16xf32>
        %mul3A_2004 = arith.mulf %get3A_2002, %mul3A_2003 : vector<16xf32>
        %swap3A_2005 = arith.constant 0 : i32
        %swap3A_2006 = arith.index_cast %swap3A_2005 : i32 to index
        %swap3A_2007 = arith.index_cast %add3A_1996 : i32 to index
        %swap3A_2008 = arith.constant 0 : index
        %swap3A_2009 = tpu.vector_load %arg11[%swap3A_2006, %swap3A_2007, %swap3A_2008] {strides = array<i32>} : memref<2x128x128xf32, #tpu.memory_space<vmem>>, vector<1x1x16xf32>,
        %swap3A_2010 = vector.shape_cast %swap3A_2009 : vector<1x1x16xf32> to vector<16xf32>
        %swap3A_2011 = vector.shape_cast %mul3A_2004 : vector<16xf32> to vector<1x1x16xf32>
        tpu.vector_store %arg11[%swap3A_2006, %swap3A_2007, %swap3A_2008], %swap3A_2011 {strides = array<i32>} : memref<2x128x128xf32, #tpu.memory_space<vmem>>, vector<1x1x16xf32>,
        %get3A_2012 = arith.constant 0 : i32
        %get3A_2013 = arith.index_cast %get3A_2012 : i32 to index
        %get3A_2014 = arith.index_cast %add3A_1996 : i32 to index
        %get3A_2015 = arith.constant 16 : index
        %get3A_2016 = tpu.vector_load %arg11[%get3A_2013, %get3A_2014, %get3A_2015] {strides = array<i32>} : memref<2x128x128xf32, #tpu.memory_space<vmem>>, vector<1x1x16xf32>,
        %get3A_2017 = vector.shape_cast %get3A_2016 : vector<1x1x16xf32> to vector<16xf32>
        %mul3A_2018 = vector.broadcast %squeeze3A_1992 : f32 to vector<16xf32>
        %mul3A_2019 = arith.mulf %get3A_2017, %mul3A_2018 : vector<16xf32>
        %swap3A_2020 = arith.constant 0 : i32
        %swap3A_2021 = arith.index_cast %swap3A_2020 : i32 to index
        %swap3A_2022 = arith.index_cast %add3A_1996 : i32 to index
        %swap3A_2023 = arith.constant 16 : index
        %swap3A_2024 = tpu.vector_load %arg11[%swap3A_2021, %swap3A_2022, %swap3A_2023] {strides = array<i32>} : memref<2x128x128xf32, #tpu.memory_space<vmem>>, vector<1x1x16xf32>,
        %swap3A_2025 = vector.shape_cast %swap3A_2024 : vector<1x1x16xf32> to vector<16xf32>
        %swap3A_2026 = vector.shape_cast %mul3A_2019 : vector<16xf32> to vector<1x1x16xf32>
        tpu.vector_store %arg11[%swap3A_2021, %swap3A_2022, %swap3A_2023], %swap3A_2026 {strides = array<i32>} : memref<2x128x128xf32, #tpu.memory_space<vmem>>, vector<1x1x16xf32>,
        %get3A_2027 = arith.constant 0 : i32
        %get3A_2028 = arith.index_cast %get3A_2027 : i32 to index
        %get3A_2029 = arith.index_cast %add3A_1996 : i32 to index
        %get3A_2030 = arith.constant 32 : index
        %get3A_2031 = tpu.vector_load %arg11[%get3A_2028, %get3A_2029, %get3A_2030] {strides = array<i32>} : memref<2x128x128xf32, #tpu.memory_space<vmem>>, vector<1x1x16xf32>,
        %get3A_2032 = vector.shape_cast %get3A_2031 : vector<1x1x16xf32> to vector<16xf32>
        %mul3A_2033 = vector.broadcast %squeeze3A_1992 : f32 to vector<16xf32>
        %mul3A_2034 = arith.mulf %get3A_2032, %mul3A_2033 : vector<16xf32>
        %swap3A_2035 = arith.constant 0 : i32
        %swap3A_2036 = arith.index_cast %swap3A_2035 : i32 to index
        %swap3A_2037 = arith.index_cast %add3A_1996 : i32 to index
        %swap3A_2038 = arith.constant 32 : index
        %swap3A_2039 = tpu.vector_load %arg11[%swap3A_2036, %swap3A_2037, %swap3A_2038] {strides = array<i32>} : memref<2x128x128xf32, #tpu.memory_space<vmem>>, vector<1x1x16xf32>,
        %swap3A_2040 = vector.shape_cast %swap3A_2039 : vector<1x1x16xf32> to vector<16xf32>
        %swap3A_2041 = vector.shape_cast %mul3A_2034 : vector<16xf32> to vector<1x1x16xf32>
        tpu.vector_store %arg11[%swap3A_2036, %swap3A_2037, %swap3A_2038], %swap3A_2041 {strides = array<i32>} : memref<2x128x128xf32, #tpu.memory_space<vmem>>, vector<1x1x16xf32>,
        %get3A_2042 = arith.constant 0 : i32
        %get3A_2043 = arith.index_cast %get3A_2042 : i32 to index
        %get3A_2044 = arith.index_cast %add3A_1996 : i32 to index
        %get3A_2045 = arith.constant 48 : index
        %get3A_2046 = tpu.vector_load %arg11[%get3A_2043, %get3A_2044, %get3A_2045] {strides = array<i32>} : memref<2x128x128xf32, #tpu.memory_space<vmem>>, vector<1x1x16xf32>,
        %get3A_2047 = vector.shape_cast %get3A_2046 : vector<1x1x16xf32> to vector<16xf32>
        %mul3A_2048 = vector.broadcast %squeeze3A_1992 : f32 to vector<16xf32>
        %mul3A_2049 = arith.mulf %get3A_2047, %mul3A_2048 : vector<16xf32>
        %swap3A_2050 = arith.constant 0 : i32
        %swap3A_2051 = arith.index_cast %swap3A_2050 : i32 to index
        %swap3A_2052 = arith.index_cast %add3A_1996 : i32 to index
        %swap3A_2053 = arith.constant 48 : index
        %swap3A_2054 = tpu.vector_load %arg11[%swap3A_2051, %swap3A_2052, %swap3A_2053] {strides = array<i32>} : memref<2x128x128xf32, #tpu.memory_space<vmem>>, vector<1x1x16xf32>,
        %swap3A_2055 = vector.shape_cast %swap3A_2054 : vector<1x1x16xf32> to vector<16xf32>
        %swap3A_2056 = vector.shape_cast %mul3A_2049 : vector<16xf32> to vector<1x1x16xf32>
        tpu.vector_store %arg11[%swap3A_2051, %swap3A_2052, %swap3A_2053], %swap3A_2056 {strides = array<i32>} : memref<2x128x128xf32, #tpu.memory_space<vmem>>, vector<1x1x16xf32>,
        %get3A_2057 = arith.constant 0 : i32
        %get3A_2058 = arith.index_cast %get3A_2057 : i32 to index
        %get3A_2059 = arith.index_cast %add3A_1996 : i32 to index
        %get3A_2060 = arith.constant 64 : index
        %get3A_2061 = tpu.vector_load %arg11[%get3A_2058, %get3A_2059, %get3A_2060] {strides = array<i32>} : memref<2x128x128xf32, #tpu.memory_space<vmem>>, vector<1x1x16xf32>,
        %get3A_2062 = vector.shape_cast %get3A_2061 : vector<1x1x16xf32> to vector<16xf32>
        %mul3A_2063 = vector.broadcast %squeeze3A_1992 : f32 to vector<16xf32>
        %mul3A_2064 = arith.mulf %get3A_2062, %mul3A_2063 : vector<16xf32>
        %swap3A_2065 = arith.constant 0 : i32
        %swap3A_2066 = arith.index_cast %swap3A_2065 : i32 to index
        %swap3A_2067 = arith.index_cast %add3A_1996 : i32 to index
        %swap3A_2068 = arith.constant 64 : index
        %swap3A_2069 = tpu.vector_load %arg11[%swap3A_2066, %swap3A_2067, %swap3A_2068] {strides = array<i32>} : memref<2x128x128xf32, #tpu.memory_space<vmem>>, vector<1x1x16xf32>,
        %swap3A_2070 = vector.shape_cast %swap3A_2069 : vector<1x1x16xf32> to vector<16xf32>
        %swap3A_2071 = vector.shape_cast %mul3A_2064 : vector<16xf32> to vector<1x1x16xf32>
        tpu.vector_store %arg11[%swap3A_2066, %swap3A_2067, %swap3A_2068], %swap3A_2071 {strides = array<i32>} : memref<2x128x128xf32, #tpu.memory_space<vmem>>, vector<1x1x16xf32>,
        %get3A_2072 = arith.constant 0 : i32
        %get3A_2073 = arith.index_cast %get3A_2072 : i32 to index
        %get3A_2074 = arith.index_cast %add3A_1996 : i32 to index
        %get3A_2075 = arith.constant 80 : index
        %get3A_2076 = tpu.vector_load %arg11[%get3A_2073, %get3A_2074, %get3A_2075] {strides = array<i32>} : memref<2x128x128xf32, #tpu.memory_space<vmem>>, vector<1x1x16xf32>,
        %get3A_2077 = vector.shape_cast %get3A_2076 : vector<1x1x16xf32> to vector<16xf32>
        %mul3A_2078 = vector.broadcast %squeeze3A_1992 : f32 to vector<16xf32>
        %mul3A_2079 = arith.mulf %get3A_2077, %mul3A_2078 : vector<16xf32>
        %swap3A_2080 = arith.constant 0 : i32
        %swap3A_2081 = arith.index_cast %swap3A_2080 : i32 to index
        %swap3A_2082 = arith.index_cast %add3A_1996 : i32 to index
        %swap3A_2083 = arith.constant 80 : index
        %swap3A_2084 = tpu.vector_load %arg11[%swap3A_2081, %swap3A_2082, %swap3A_2083] {strides = array<i32>} : memref<2x128x128xf32, #tpu.memory_space<vmem>>, vector<1x1x16xf32>,
        %swap3A_2085 = vector.shape_cast %swap3A_2084 : vector<1x1x16xf32> to vector<16xf32>
        %swap3A_2086 = vector.shape_cast %mul3A_2079 : vector<16xf32> to vector<1x1x16xf32>
        tpu.vector_store %arg11[%swap3A_2081, %swap3A_2082, %swap3A_2083], %swap3A_2086 {strides = array<i32>} : memref<2x128x128xf32, #tpu.memory_space<vmem>>, vector<1x1x16xf32>,
        %get3A_2087 = arith.constant 0 : i32
        %get3A_2088 = arith.index_cast %get3A_2087 : i32 to index
        %get3A_2089 = arith.index_cast %add3A_1996 : i32 to index
        %get3A_2090 = arith.constant 96 : index
        %get3A_2091 = tpu.vector_load %arg11[%get3A_2088, %get3A_2089, %get3A_2090] {strides = array<i32>} : memref<2x128x128xf32, #tpu.memory_space<vmem>>, vector<1x1x16xf32>,
        %get3A_2092 = vector.shape_cast %get3A_2091 : vector<1x1x16xf32> to vector<16xf32>
        %mul3A_2093 = vector.broadcast %squeeze3A_1992 : f32 to vector<16xf32>
        %mul3A_2094 = arith.mulf %get3A_2092, %mul3A_2093 : vector<16xf32>
        %swap3A_2095 = arith.constant 0 : i32
        %swap3A_2096 = arith.index_cast %swap3A_2095 : i32 to index
        %swap3A_2097 = arith.index_cast %add3A_1996 : i32 to index
        %swap3A_2098 = arith.constant 96 : index
        %swap3A_2099 = tpu.vector_load %arg11[%swap3A_2096, %swap3A_2097, %swap3A_2098] {strides = array<i32>} : memref<2x128x128xf32, #tpu.memory_space<vmem>>, vector<1x1x16xf32>,
        %swap3A_2100 = vector.shape_cast %swap3A_2099 : vector<1x1x16xf32> to vector<16xf32>
        %swap3A_2101 = vector.shape_cast %mul3A_2094 : vector<16xf32> to vector<1x1x16xf32>
        tpu.vector_store %arg11[%swap3A_2096, %swap3A_2097, %swap3A_2098], %swap3A_2101 {strides = array<i32>} : memref<2x128x128xf32, #tpu.memory_space<vmem>>, vector<1x1x16xf32>,
        %get3A_2102 = arith.constant 0 : i32
        %get3A_2103 = arith.index_cast %get3A_2102 : i32 to index
        %get3A_2104 = arith.index_cast %add3A_1996 : i32 to index
        %get3A_2105 = arith.constant 112 : index
        %get3A_2106 = tpu.vector_load %arg11[%get3A_2103, %get3A_2104, %get3A_2105] {strides = array<i32>} : memref<2x128x128xf32, #tpu.memory_space<vmem>>, vector<1x1x16xf32>,
        %get3A_2107 = vector.shape_cast %get3A_2106 : vector<1x1x16xf32> to vector<16xf32>
        %mul3A_2108 = vector.broadcast %squeeze3A_1992 : f32 to vector<16xf32>
        %mul3A_2109 = arith.mulf %get3A_2107, %mul3A_2108 : vector<16xf32>
        %swap3A_2110 = arith.constant 0 : i32
        %swap3A_2111 = arith.index_cast %swap3A_2110 : i32 to index
        %swap3A_2112 = arith.index_cast %add3A_1996 : i32 to index
        %swap3A_2113 = arith.constant 112 : index
        %swap3A_2114 = tpu.vector_load %arg11[%swap3A_2111, %swap3A_2112, %swap3A_2113] {strides = array<i32>} : memref<2x128x128xf32, #tpu.memory_space<vmem>>, vector<1x1x16xf32>,
        %swap3A_2115 = vector.shape_cast %swap3A_2114 : vector<1x1x16xf32> to vector<16xf32>
        %swap3A_2116 = vector.shape_cast %mul3A_2109 : vector<16xf32> to vector<1x1x16xf32>
        tpu.vector_store %arg11[%swap3A_2111, %swap3A_2112, %swap3A_2113], %swap3A_2116 {strides = array<i32>} : memref<2x128x128xf32, #tpu.memory_space<vmem>>, vector<1x1x16xf32>,
        %slice3A_2117 = vector.extract_strided_slice %get3A_229 {offsets = [15], sizes = [1], strides = [1]} : vector<16xf32> to vector<1xf32>
        %squeeze3A_2118 = vector.extract %slice3A_2117[0] : f32 from vector<1xf32>
        %mul3A_2119 = arith.constant 16 : i32
        %mul3A_2120 = arith.muli %scan3A_223, %mul3A_2119 : i32
        %add3A_2121 = arith.constant 15 : i32
        %add3A_2122 = arith.addi %mul3A_2120, %add3A_2121 : i32
        %get3A_2123 = arith.constant 0 : i32
        %get3A_2124 = arith.index_cast %get3A_2123 : i32 to index
        %get3A_2125 = arith.index_cast %add3A_2122 : i32 to index
        %get3A_2126 = arith.constant 0 : index
        %get3A_2127 = tpu.vector_load %arg11[%get3A_2124, %get3A_2125, %get3A_2126] {strides = array<i32>} : memref<2x128x128xf32, #tpu.memory_space<vmem>>, vector<1x1x16xf32>,
        %get3A_2128 = vector.shape_cast %get3A_2127 : vector<1x1x16xf32> to vector<16xf32>
        %mul3A_2129 = vector.broadcast %squeeze3A_2118 : f32 to vector<16xf32>
        %mul3A_2130 = arith.mulf %get3A_2128, %mul3A_2129 : vector<16xf32>
        %swap3A_2131 = arith.constant 0 : i32
        %swap3A_2132 = arith.index_cast %swap3A_2131 : i32 to index
        %swap3A_2133 = arith.index_cast %add3A_2122 : i32 to index
        %swap3A_2134 = arith.constant 0 : index
        %swap3A_2135 = tpu.vector_load %arg11[%swap3A_2132, %swap3A_2133, %swap3A_2134] {strides = array<i32>} : memref<2x128x128xf32, #tpu.memory_space<vmem>>, vector<1x1x16xf32>,
        %swap3A_2136 = vector.shape_cast %swap3A_2135 : vector<1x1x16xf32> to vector<16xf32>
        %swap3A_2137 = vector.shape_cast %mul3A_2130 : vector<16xf32> to vector<1x1x16xf32>
        tpu.vector_store %arg11[%swap3A_2132, %swap3A_2133, %swap3A_2134], %swap3A_2137 {strides = array<i32>} : memref<2x128x128xf32, #tpu.memory_space<vmem>>, vector<1x1x16xf32>,
        %get3A_2138 = arith.constant 0 : i32
        %get3A_2139 = arith.index_cast %get3A_2138 : i32 to index
        %get3A_2140 = arith.index_cast %add3A_2122 : i32 to index
        %get3A_2141 = arith.constant 16 : index
        %get3A_2142 = tpu.vector_load %arg11[%get3A_2139, %get3A_2140, %get3A_2141] {strides = array<i32>} : memref<2x128x128xf32, #tpu.memory_space<vmem>>, vector<1x1x16xf32>,
        %get3A_2143 = vector.shape_cast %get3A_2142 : vector<1x1x16xf32> to vector<16xf32>
        %mul3A_2144 = vector.broadcast %squeeze3A_2118 : f32 to vector<16xf32>
        %mul3A_2145 = arith.mulf %get3A_2143, %mul3A_2144 : vector<16xf32>
        %swap3A_2146 = arith.constant 0 : i32
        %swap3A_2147 = arith.index_cast %swap3A_2146 : i32 to index
        %swap3A_2148 = arith.index_cast %add3A_2122 : i32 to index
        %swap3A_2149 = arith.constant 16 : index
        %swap3A_2150 = tpu.vector_load %arg11[%swap3A_2147, %swap3A_2148, %swap3A_2149] {strides = array<i32>} : memref<2x128x128xf32, #tpu.memory_space<vmem>>, vector<1x1x16xf32>,
        %swap3A_2151 = vector.shape_cast %swap3A_2150 : vector<1x1x16xf32> to vector<16xf32>
        %swap3A_2152 = vector.shape_cast %mul3A_2145 : vector<16xf32> to vector<1x1x16xf32>
        tpu.vector_store %arg11[%swap3A_2147, %swap3A_2148, %swap3A_2149], %swap3A_2152 {strides = array<i32>} : memref<2x128x128xf32, #tpu.memory_space<vmem>>, vector<1x1x16xf32>,
        %get3A_2153 = arith.constant 0 : i32
        %get3A_2154 = arith.index_cast %get3A_2153 : i32 to index
        %get3A_2155 = arith.index_cast %add3A_2122 : i32 to index
        %get3A_2156 = arith.constant 32 : index
        %get3A_2157 = tpu.vector_load %arg11[%get3A_2154, %get3A_2155, %get3A_2156] {strides = array<i32>} : memref<2x128x128xf32, #tpu.memory_space<vmem>>, vector<1x1x16xf32>,
        %get3A_2158 = vector.shape_cast %get3A_2157 : vector<1x1x16xf32> to vector<16xf32>
        %mul3A_2159 = vector.broadcast %squeeze3A_2118 : f32 to vector<16xf32>
        %mul3A_2160 = arith.mulf %get3A_2158, %mul3A_2159 : vector<16xf32>
        %swap3A_2161 = arith.constant 0 : i32
        %swap3A_2162 = arith.index_cast %swap3A_2161 : i32 to index
        %swap3A_2163 = arith.index_cast %add3A_2122 : i32 to index
        %swap3A_2164 = arith.constant 32 : index
        %swap3A_2165 = tpu.vector_load %arg11[%swap3A_2162, %swap3A_2163, %swap3A_2164] {strides = array<i32>} : memref<2x128x128xf32, #tpu.memory_space<vmem>>, vector<1x1x16xf32>,
        %swap3A_2166 = vector.shape_cast %swap3A_2165 : vector<1x1x16xf32> to vector<16xf32>
        %swap3A_2167 = vector.shape_cast %mul3A_2160 : vector<16xf32> to vector<1x1x16xf32>
        tpu.vector_store %arg11[%swap3A_2162, %swap3A_2163, %swap3A_2164], %swap3A_2167 {strides = array<i32>} : memref<2x128x128xf32, #tpu.memory_space<vmem>>, vector<1x1x16xf32>,
        %get3A_2168 = arith.constant 0 : i32
        %get3A_2169 = arith.index_cast %get3A_2168 : i32 to index
        %get3A_2170 = arith.index_cast %add3A_2122 : i32 to index
        %get3A_2171 = arith.constant 48 : index
        %get3A_2172 = tpu.vector_load %arg11[%get3A_2169, %get3A_2170, %get3A_2171] {strides = array<i32>} : memref<2x128x128xf32, #tpu.memory_space<vmem>>, vector<1x1x16xf32>,
        %get3A_2173 = vector.shape_cast %get3A_2172 : vector<1x1x16xf32> to vector<16xf32>
        %mul3A_2174 = vector.broadcast %squeeze3A_2118 : f32 to vector<16xf32>
        %mul3A_2175 = arith.mulf %get3A_2173, %mul3A_2174 : vector<16xf32>
        %swap3A_2176 = arith.constant 0 : i32
        %swap3A_2177 = arith.index_cast %swap3A_2176 : i32 to index
        %swap3A_2178 = arith.index_cast %add3A_2122 : i32 to index
        %swap3A_2179 = arith.constant 48 : index
        %swap3A_2180 = tpu.vector_load %arg11[%swap3A_2177, %swap3A_2178, %swap3A_2179] {strides = array<i32>} : memref<2x128x128xf32, #tpu.memory_space<vmem>>, vector<1x1x16xf32>,
        %swap3A_2181 = vector.shape_cast %swap3A_2180 : vector<1x1x16xf32> to vector<16xf32>
        %swap3A_2182 = vector.shape_cast %mul3A_2175 : vector<16xf32> to vector<1x1x16xf32>
        tpu.vector_store %arg11[%swap3A_2177, %swap3A_2178, %swap3A_2179], %swap3A_2182 {strides = array<i32>} : memref<2x128x128xf32, #tpu.memory_space<vmem>>, vector<1x1x16xf32>,
        %get3A_2183 = arith.constant 0 : i32
        %get3A_2184 = arith.index_cast %get3A_2183 : i32 to index
        %get3A_2185 = arith.index_cast %add3A_2122 : i32 to index
        %get3A_2186 = arith.constant 64 : index
        %get3A_2187 = tpu.vector_load %arg11[%get3A_2184, %get3A_2185, %get3A_2186] {strides = array<i32>} : memref<2x128x128xf32, #tpu.memory_space<vmem>>, vector<1x1x16xf32>,
        %get3A_2188 = vector.shape_cast %get3A_2187 : vector<1x1x16xf32> to vector<16xf32>
        %mul3A_2189 = vector.broadcast %squeeze3A_2118 : f32 to vector<16xf32>
        %mul3A_2190 = arith.mulf %get3A_2188, %mul3A_2189 : vector<16xf32>
        %swap3A_2191 = arith.constant 0 : i32
        %swap3A_2192 = arith.index_cast %swap3A_2191 : i32 to index
        %swap3A_2193 = arith.index_cast %add3A_2122 : i32 to index
        %swap3A_2194 = arith.constant 64 : index
        %swap3A_2195 = tpu.vector_load %arg11[%swap3A_2192, %swap3A_2193, %swap3A_2194] {strides = array<i32>} : memref<2x128x128xf32, #tpu.memory_space<vmem>>, vector<1x1x16xf32>,
        %swap3A_2196 = vector.shape_cast %swap3A_2195 : vector<1x1x16xf32> to vector<16xf32>
        %swap3A_2197 = vector.shape_cast %mul3A_2190 : vector<16xf32> to vector<1x1x16xf32>
        tpu.vector_store %arg11[%swap3A_2192, %swap3A_2193, %swap3A_2194], %swap3A_2197 {strides = array<i32>} : memref<2x128x128xf32, #tpu.memory_space<vmem>>, vector<1x1x16xf32>,
        %get3A_2198 = arith.constant 0 : i32
        %get3A_2199 = arith.index_cast %get3A_2198 : i32 to index
        %get3A_2200 = arith.index_cast %add3A_2122 : i32 to index
        %get3A_2201 = arith.constant 80 : index
        %get3A_2202 = tpu.vector_load %arg11[%get3A_2199, %get3A_2200, %get3A_2201] {strides = array<i32>} : memref<2x128x128xf32, #tpu.memory_space<vmem>>, vector<1x1x16xf32>,
        %get3A_2203 = vector.shape_cast %get3A_2202 : vector<1x1x16xf32> to vector<16xf32>
        %mul3A_2204 = vector.broadcast %squeeze3A_2118 : f32 to vector<16xf32>
        %mul3A_2205 = arith.mulf %get3A_2203, %mul3A_2204 : vector<16xf32>
        %swap3A_2206 = arith.constant 0 : i32
        %swap3A_2207 = arith.index_cast %swap3A_2206 : i32 to index
        %swap3A_2208 = arith.index_cast %add3A_2122 : i32 to index
        %swap3A_2209 = arith.constant 80 : index
        %swap3A_2210 = tpu.vector_load %arg11[%swap3A_2207, %swap3A_2208, %swap3A_2209] {strides = array<i32>} : memref<2x128x128xf32, #tpu.memory_space<vmem>>, vector<1x1x16xf32>,
        %swap3A_2211 = vector.shape_cast %swap3A_2210 : vector<1x1x16xf32> to vector<16xf32>
        %swap3A_2212 = vector.shape_cast %mul3A_2205 : vector<16xf32> to vector<1x1x16xf32>
        tpu.vector_store %arg11[%swap3A_2207, %swap3A_2208, %swap3A_2209], %swap3A_2212 {strides = array<i32>} : memref<2x128x128xf32, #tpu.memory_space<vmem>>, vector<1x1x16xf32>,
        %get3A_2213 = arith.constant 0 : i32
        %get3A_2214 = arith.index_cast %get3A_2213 : i32 to index
        %get3A_2215 = arith.index_cast %add3A_2122 : i32 to index
        %get3A_2216 = arith.constant 96 : index
        %get3A_2217 = tpu.vector_load %arg11[%get3A_2214, %get3A_2215, %get3A_2216] {strides = array<i32>} : memref<2x128x128xf32, #tpu.memory_space<vmem>>, vector<1x1x16xf32>,
        %get3A_2218 = vector.shape_cast %get3A_2217 : vector<1x1x16xf32> to vector<16xf32>
        %mul3A_2219 = vector.broadcast %squeeze3A_2118 : f32 to vector<16xf32>
        %mul3A_2220 = arith.mulf %get3A_2218, %mul3A_2219 : vector<16xf32>
        %swap3A_2221 = arith.constant 0 : i32
        %swap3A_2222 = arith.index_cast %swap3A_2221 : i32 to index
        %swap3A_2223 = arith.index_cast %add3A_2122 : i32 to index
        %swap3A_2224 = arith.constant 96 : index
        %swap3A_2225 = tpu.vector_load %arg11[%swap3A_2222, %swap3A_2223, %swap3A_2224] {strides = array<i32>} : memref<2x128x128xf32, #tpu.memory_space<vmem>>, vector<1x1x16xf32>,
        %swap3A_2226 = vector.shape_cast %swap3A_2225 : vector<1x1x16xf32> to vector<16xf32>
        %swap3A_2227 = vector.shape_cast %mul3A_2220 : vector<16xf32> to vector<1x1x16xf32>
        tpu.vector_store %arg11[%swap3A_2222, %swap3A_2223, %swap3A_2224], %swap3A_2227 {strides = array<i32>} : memref<2x128x128xf32, #tpu.memory_space<vmem>>, vector<1x1x16xf32>,
        %get3A_2228 = arith.constant 0 : i32
        %get3A_2229 = arith.index_cast %get3A_2228 : i32 to index
        %get3A_2230 = arith.index_cast %add3A_2122 : i32 to index
        %get3A_2231 = arith.constant 112 : index
        %get3A_2232 = tpu.vector_load %arg11[%get3A_2229, %get3A_2230, %get3A_2231] {strides = array<i32>} : memref<2x128x128xf32, #tpu.memory_space<vmem>>, vector<1x1x16xf32>,
        %get3A_2233 = vector.shape_cast %get3A_2232 : vector<1x1x16xf32> to vector<16xf32>
        %mul3A_2234 = vector.broadcast %squeeze3A_2118 : f32 to vector<16xf32>
        %mul3A_2235 = arith.mulf %get3A_2233, %mul3A_2234 : vector<16xf32>
        %swap3A_2236 = arith.constant 0 : i32
        %swap3A_2237 = arith.index_cast %swap3A_2236 : i32 to index
        %swap3A_2238 = arith.index_cast %add3A_2122 : i32 to index
        %swap3A_2239 = arith.constant 112 : index
        %swap3A_2240 = tpu.vector_load %arg11[%swap3A_2237, %swap3A_2238, %swap3A_2239] {strides = array<i32>} : memref<2x128x128xf32, #tpu.memory_space<vmem>>, vector<1x1x16xf32>,
        %swap3A_2241 = vector.shape_cast %swap3A_2240 : vector<1x1x16xf32> to vector<16xf32>
        %swap3A_2242 = vector.shape_cast %mul3A_2235 : vector<16xf32> to vector<1x1x16xf32>
        tpu.vector_store %arg11[%swap3A_2237, %swap3A_2238, %swap3A_2239], %swap3A_2242 {strides = array<i32>} : memref<2x128x128xf32, #tpu.memory_space<vmem>>, vector<1x1x16xf32>,
      }
      %scan3A_183 = arith.constant 8 : i32
      %run_scoped3A = arith.constant 0 : i32
      %run_scoped3A_184 = arith.constant 0 : i32
      "tpu.region"() ({
        %run_scoped3A_223 = tpu.sem_alloc : memref<!tpu.dma_semaphore, #tpu.memory_space<semaphore_mem>>
        %dma_start3A_224 = arith.constant 0 : i32
        %dma_start3A_225 = arith.constant 0 : i32
        %dma_start3A_226 = tpu.memref_slice %arg11[%run_scoped3A, %dma_start3A_224, %dma_start3A_225] : memref<2x128x128xf32, #tpu.memory_space<vmem>> -> memref<1x128x128xf32, #tpu.memory_space<vmem>>
        %dma_start3A_227 = tpu.memref_squeeze %dma_start3A_226 : memref<1x128x128xf32, #tpu.memory_space<vmem>> -> memref<128x128xf32, #tpu.memory_space<vmem>>
        %dma_start3A_228 = arith.constant 0 : i32
        %dma_start3A_229 = tpu.memref_slice %arg9[%run_scoped3A_184, %dma_start3A_228] : memref<2x128xi32, #tpu.memory_space<vmem>> -> memref<1x128xi32, #tpu.memory_space<vmem>>
        %dma_start3A_230 = tpu.memref_squeeze %dma_start3A_229 : memref<1x128xi32, #tpu.memory_space<vmem>> -> memref<128xi32, #tpu.memory_space<vmem>>
        %dma_start3A_231 = arith.constant 0 : i32
        %dma_start3A_232 = arith.constant 0 : i32
        %dma_start3A_233 = tpu.memref_slice %arg12[%dma_start3A_231, %dma_start3A_232] : memref<10000x128xf32, #tpu.memory_space<vmem_shared>> -> memref<10000x128xf32, #tpu.memory_space<vmem_shared>>
        tpu.enqueue_indirect_dma source(%dma_start3A_227 : memref<128x128xf32, #tpu.memory_space<vmem>>) target(%dma_start3A_233 : memref<10000x128xf32, #tpu.memory_space<vmem_shared>>) offsets(%dma_start3A_230 : memref<128xi32, #tpu.memory_space<vmem>>) semaphore(%run_scoped3A_223 : memref<!tpu.dma_semaphore, #tpu.memory_space<semaphore_mem>>) {add = true}
        %dma_wait3A_234 = arith.constant 0 : i32
        %dma_wait3A_235 = arith.constant 0 : i32
        %dma_wait3A_236 = tpu.memref_slice %arg11[%run_scoped3A, %dma_wait3A_234, %dma_wait3A_235] : memref<2x128x128xf32, #tpu.memory_space<vmem>> -> memref<1x128x128xf32, #tpu.memory_space<vmem>>
        %dma_wait3A_237 = tpu.memref_squeeze %dma_wait3A_236 : memref<1x128x128xf32, #tpu.memory_space<vmem>> -> memref<128x128xf32, #tpu.memory_space<vmem>>
        %dma_wait3A_238 = arith.constant 0 : i32
        %dma_wait3A_239 = tpu.memref_slice %arg9[%run_scoped3A_184, %dma_wait3A_238] : memref<2x128xi32, #tpu.memory_space<vmem>> -> memref<1x128xi32, #tpu.memory_space<vmem>>
        %dma_wait3A_240 = tpu.memref_squeeze %dma_wait3A_239 : memref<1x128xi32, #tpu.memory_space<vmem>> -> memref<128xi32, #tpu.memory_space<vmem>>
        %dma_wait3A_241 = arith.constant 0 : i32
        %dma_wait3A_242 = arith.constant 0 : i32
        %dma_wait3A_243 = tpu.memref_slice %arg12[%dma_wait3A_241, %dma_wait3A_242] : memref<10000x128xf32, #tpu.memory_space<vmem_shared>> -> memref<10000x128xf32, #tpu.memory_space<vmem_shared>>
        tpu.wait_indirect_dma semaphore(%run_scoped3A_223 : memref<!tpu.dma_semaphore, #tpu.memory_space<semaphore_mem>>) src(%dma_wait3A_237 : memref<128x128xf32, #tpu.memory_space<vmem>>) dst(%dma_wait3A_243 : memref<10000x128xf32, #tpu.memory_space<vmem_shared>>)
        tpu.yield
      }) : () -> ()
      %lt3A = arith.constant 39 : i32
      %lt3A_185 = arith.cmpi slt, %scan3A_117, %lt3A : i32
      %convert_element_type3A_186 = arith.extui %lt3A_185 : i1 to i32
      %cond3A_187 = arith.constant 0 : i32
      %cond3A_188 = arith.cmpi ne, %convert_element_type3A_186, %cond3A_187 : i32
      scf.if %cond3A_188 {
        %add3A_223 = arith.constant 2 : i32
        %add3A_224 = arith.addi %add3A_121, %add3A_223 : i32
        %mul3A_225 = arith.constant 128 : i32
        %mul3A_226 = arith.muli %add3A_224, %mul3A_225 : i32
        %add3A_227 = arith.addi %mul3A_6, %mul3A_226 : i32
        %dma_start3A_228 = arith.constant 0 : i32
        %dma_start3A_229 = arith.constant 0 : i32
        %dma_start3A_230 = tpu.memref_slice %arg8[%dma_start3A_228, %dma_start3A_229] : memref<2x128xi32, #tpu.memory_space<vmem>> -> memref<1x128xi32, #tpu.memory_space<vmem>>
        %dma_start3A_231 = tpu.memref_squeeze %dma_start3A_230 : memref<1x128xi32, #tpu.memory_space<vmem>> -> memref<128xi32, #tpu.memory_space<vmem>>
        %dma_start3A_232 = tpu.memref_slice %arg3[%add3A_227] : memref<327680xi32, #tpu.memory_space<hbm>> -> memref<128xi32, #tpu.memory_space<hbm>>
        %dma_start3A_233 = arith.constant 0 : i32
        %dma_start3A_234 = tpu.memref_slice %arg8[%dma_start3A_228, %dma_start3A_233] : memref<2x128xi32, #tpu.memory_space<vmem>> -> memref<1x128xi32, #tpu.memory_space<vmem>>
        %dma_start3A_235 = tpu.memref_squeeze %dma_start3A_234 : memref<1x128xi32, #tpu.memory_space<vmem>> -> memref<128xi32, #tpu.memory_space<vmem>>
        %dma_start3A_236 = tpu.memref_slice %arg3[%add3A_227] : memref<327680xi32, #tpu.memory_space<hbm>> -> memref<128xi32, #tpu.memory_space<hbm>>
        tpu.enqueue_dma source(%dma_start3A_236 : memref<128xi32, #tpu.memory_space<hbm>>) target(%dma_start3A_235 : memref<128xi32, #tpu.memory_space<vmem>>) target_semaphore(%arg15 : memref<!tpu.dma_semaphore, #tpu.memory_space<semaphore_mem>>)
        %dma_start3A_237 = arith.constant 0 : i32
        %dma_start3A_238 = arith.constant 0 : i32
        %dma_start3A_239 = tpu.memref_slice %arg9[%dma_start3A_237, %dma_start3A_238] : memref<2x128xi32, #tpu.memory_space<vmem>> -> memref<1x128xi32, #tpu.memory_space<vmem>>
        %dma_start3A_240 = tpu.memref_squeeze %dma_start3A_239 : memref<1x128xi32, #tpu.memory_space<vmem>> -> memref<128xi32, #tpu.memory_space<vmem>>
        %dma_start3A_241 = tpu.memref_slice %arg4[%add3A_227] : memref<327680xi32, #tpu.memory_space<hbm>> -> memref<128xi32, #tpu.memory_space<hbm>>
        %dma_start3A_242 = arith.constant 0 : i32
        %dma_start3A_243 = tpu.memref_slice %arg9[%dma_start3A_237, %dma_start3A_242] : memref<2x128xi32, #tpu.memory_space<vmem>> -> memref<1x128xi32, #tpu.memory_space<vmem>>
        %dma_start3A_244 = tpu.memref_squeeze %dma_start3A_243 : memref<1x128xi32, #tpu.memory_space<vmem>> -> memref<128xi32, #tpu.memory_space<vmem>>
        %dma_start3A_245 = tpu.memref_slice %arg4[%add3A_227] : memref<327680xi32, #tpu.memory_space<hbm>> -> memref<128xi32, #tpu.memory_space<hbm>>
        tpu.enqueue_dma source(%dma_start3A_245 : memref<128xi32, #tpu.memory_space<hbm>>) target(%dma_start3A_244 : memref<128xi32, #tpu.memory_space<vmem>>) target_semaphore(%arg15 : memref<!tpu.dma_semaphore, #tpu.memory_space<semaphore_mem>>)
        %dma_start3A_246 = arith.constant 0 : i32
        %dma_start3A_247 = arith.constant 0 : i32
        %dma_start3A_248 = tpu.memref_slice %arg10[%dma_start3A_246, %dma_start3A_247] : memref<2x128xf32, #tpu.memory_space<vmem>> -> memref<1x128xf32, #tpu.memory_space<vmem>>
        %dma_start3A_249 = tpu.memref_squeeze %dma_start3A_248 : memref<1x128xf32, #tpu.memory_space<vmem>> -> memref<128xf32, #tpu.memory_space<vmem>>
        %dma_start3A_250 = tpu.memref_slice %arg5[%add3A_227] : memref<327680xf32, #tpu.memory_space<hbm>> -> memref<128xf32, #tpu.memory_space<hbm>>
        %dma_start3A_251 = arith.constant 0 : i32
        %dma_start3A_252 = tpu.memref_slice %arg10[%dma_start3A_246, %dma_start3A_251] : memref<2x128xf32, #tpu.memory_space<vmem>> -> memref<1x128xf32, #tpu.memory_space<vmem>>
        %dma_start3A_253 = tpu.memref_squeeze %dma_start3A_252 : memref<1x128xf32, #tpu.memory_space<vmem>> -> memref<128xf32, #tpu.memory_space<vmem>>
        %dma_start3A_254 = tpu.memref_slice %arg5[%add3A_227] : memref<327680xf32, #tpu.memory_space<hbm>> -> memref<128xf32, #tpu.memory_space<hbm>>
        tpu.enqueue_dma source(%dma_start3A_254 : memref<128xf32, #tpu.memory_space<hbm>>) target(%dma_start3A_253 : memref<128xf32, #tpu.memory_space<vmem>>) target_semaphore(%arg15 : memref<!tpu.dma_semaphore, #tpu.memory_space<semaphore_mem>>)
      } else {
      }
      %mul3A_189 = arith.constant 2 : i32
      %mul3A_190 = arith.muli %scan3A_117, %mul3A_189 : i32
      %add3A_191 = arith.constant 1 : i32
      %add3A_192 = arith.addi %mul3A_190, %add3A_191 : i32
      %lt3A_193 = arith.constant 39 : i32
      %lt3A_194 = arith.cmpi slt, %scan3A_117, %lt3A_193 : i32
      %convert_element_type3A_195 = arith.extui %lt3A_194 : i1 to i32
      %cond3A_196 = arith.constant 0 : i32
      %cond3A_197 = arith.cmpi ne, %convert_element_type3A_195, %cond3A_196 : i32
      scf.if %cond3A_197 {
        %add3A_223 = arith.constant 1 : i32
        %add3A_224 = arith.addi %add3A_192, %add3A_223 : i32
        %mul3A_225 = arith.constant 128 : i32
        %mul3A_226 = arith.muli %add3A_224, %mul3A_225 : i32
        %add3A_227 = arith.addi %mul3A_6, %mul3A_226 : i32
        %dma_wait3A_228 = arith.constant 0 : i32
        %dma_wait3A_229 = arith.constant 0 : i32
        %dma_wait3A_230 = tpu.memref_slice %arg8[%dma_wait3A_228, %dma_wait3A_229] : memref<2x128xi32, #tpu.memory_space<vmem>> -> memref<1x128xi32, #tpu.memory_space<vmem>>
        %dma_wait3A_231 = tpu.memref_squeeze %dma_wait3A_230 : memref<1x128xi32, #tpu.memory_space<vmem>> -> memref<128xi32, #tpu.memory_space<vmem>>
        %dma_wait3A_232 = tpu.memref_slice %arg3[%add3A_227] : memref<327680xi32, #tpu.memory_space<hbm>> -> memref<128xi32, #tpu.memory_space<hbm>>
        %dma_wait3A_233 = arith.constant 0 : i32
        %dma_wait3A_234 = tpu.memref_slice %arg8[%dma_wait3A_228, %dma_wait3A_233] : memref<2x128xi32, #tpu.memory_space<vmem>> -> memref<1x128xi32, #tpu.memory_space<vmem>>
        %dma_wait3A_235 = tpu.memref_squeeze %dma_wait3A_234 : memref<1x128xi32, #tpu.memory_space<vmem>> -> memref<128xi32, #tpu.memory_space<vmem>>
        %dma_wait3A_236 = tpu.memref_slice %arg3[%add3A_227] : memref<327680xi32, #tpu.memory_space<hbm>> -> memref<128xi32, #tpu.memory_space<hbm>>
        tpu.wait_dma2 semaphore(%arg15 : memref<!tpu.dma_semaphore, #tpu.memory_space<semaphore_mem>>) src(%dma_wait3A_236 : memref<128xi32, #tpu.memory_space<hbm>>) dst(%dma_wait3A_235 : memref<128xi32, #tpu.memory_space<vmem>>)
        %dma_wait3A_237 = arith.constant 0 : i32
        %dma_wait3A_238 = arith.constant 0 : i32
        %dma_wait3A_239 = tpu.memref_slice %arg9[%dma_wait3A_237, %dma_wait3A_238] : memref<2x128xi32, #tpu.memory_space<vmem>> -> memref<1x128xi32, #tpu.memory_space<vmem>>
        %dma_wait3A_240 = tpu.memref_squeeze %dma_wait3A_239 : memref<1x128xi32, #tpu.memory_space<vmem>> -> memref<128xi32, #tpu.memory_space<vmem>>
        %dma_wait3A_241 = tpu.memref_slice %arg4[%add3A_227] : memref<327680xi32, #tpu.memory_space<hbm>> -> memref<128xi32, #tpu.memory_space<hbm>>
        %dma_wait3A_242 = arith.constant 0 : i32
        %dma_wait3A_243 = tpu.memref_slice %arg9[%dma_wait3A_237, %dma_wait3A_242] : memref<2x128xi32, #tpu.memory_space<vmem>> -> memref<1x128xi32, #tpu.memory_space<vmem>>
        %dma_wait3A_244 = tpu.memref_squeeze %dma_wait3A_243 : memref<1x128xi32, #tpu.memory_space<vmem>> -> memref<128xi32, #tpu.memory_space<vmem>>
        %dma_wait3A_245 = tpu.memref_slice %arg4[%add3A_227] : memref<327680xi32, #tpu.memory_space<hbm>> -> memref<128xi32, #tpu.memory_space<hbm>>
        tpu.wait_dma2 semaphore(%arg15 : memref<!tpu.dma_semaphore, #tpu.memory_space<semaphore_mem>>) src(%dma_wait3A_245 : memref<128xi32, #tpu.memory_space<hbm>>) dst(%dma_wait3A_244 : memref<128xi32, #tpu.memory_space<vmem>>)
        %dma_wait3A_246 = arith.constant 0 : i32
        %dma_wait3A_247 = arith.constant 0 : i32
        %dma_wait3A_248 = tpu.memref_slice %arg10[%dma_wait3A_246, %dma_wait3A_247] : memref<2x128xf32, #tpu.memory_space<vmem>> -> memref<1x128xf32, #tpu.memory_space<vmem>>
        %dma_wait3A_249 = tpu.memref_squeeze %dma_wait3A_248 : memref<1x128xf32, #tpu.memory_space<vmem>> -> memref<128xf32, #tpu.memory_space<vmem>>
        %dma_wait3A_250 = tpu.memref_slice %arg5[%add3A_227] : memref<327680xf32, #tpu.memory_space<hbm>> -> memref<128xf32, #tpu.memory_space<hbm>>
        %dma_wait3A_251 = arith.constant 0 : i32
        %dma_wait3A_252 = tpu.memref_slice %arg10[%dma_wait3A_246, %dma_wait3A_251] : memref<2x128xf32, #tpu.memory_space<vmem>> -> memref<1x128xf32, #tpu.memory_space<vmem>>
        %dma_wait3A_253 = tpu.memref_squeeze %dma_wait3A_252 : memref<1x128xf32, #tpu.memory_space<vmem>> -> memref<128xf32, #tpu.memory_space<vmem>>
        %dma_wait3A_254 = tpu.memref_slice %arg5[%add3A_227] : memref<327680xf32, #tpu.memory_space<hbm>> -> memref<128xf32, #tpu.memory_space<hbm>>
        tpu.wait_dma2 semaphore(%arg15 : memref<!tpu.dma_semaphore, #tpu.memory_space<semaphore_mem>>) src(%dma_wait3A_254 : memref<128xf32, #tpu.memory_space<hbm>>) dst(%dma_wait3A_253 : memref<128xf32, #tpu.memory_space<vmem>>)
        %dma_start3A_255 = arith.constant 0 : i32
        %dma_start3A_256 = arith.constant 0 : i32
        %dma_start3A_257 = arith.constant 0 : i32
        %dma_start3A_258 = arith.constant 0 : i32
        %dma_start3A_259 = tpu.memref_slice %arg11[%dma_start3A_256, %dma_start3A_257, %dma_start3A_258] : memref<2x128x128xf32, #tpu.memory_space<vmem>> -> memref<1x128x128xf32, #tpu.memory_space<vmem>>
        %dma_start3A_260 = tpu.memref_squeeze %dma_start3A_259 : memref<1x128x128xf32, #tpu.memory_space<vmem>> -> memref<128x128xf32, #tpu.memory_space<vmem>>
        %dma_start3A_261 = arith.constant 0 : i32
        %dma_start3A_262 = tpu.memref_slice %arg8[%dma_start3A_255, %dma_start3A_261] : memref<2x128xi32, #tpu.memory_space<vmem>> -> memref<1x128xi32, #tpu.memory_space<vmem>>
        %dma_start3A_263 = tpu.memref_squeeze %dma_start3A_262 : memref<1x128xi32, #tpu.memory_space<vmem>> -> memref<128xi32, #tpu.memory_space<vmem>>
        %dma_start3A_264 = arith.constant 0 : i32
        %dma_start3A_265 = arith.constant 0 : i32
        %dma_start3A_266 = tpu.memref_slice %arg2[%dma_start3A_264, %dma_start3A_265] : memref<10000x128xf32, #tpu.memory_space<hbm>> -> memref<10000x128xf32, #tpu.memory_space<hbm>>
        tpu.enqueue_indirect_dma source(%dma_start3A_266 : memref<10000x128xf32, #tpu.memory_space<hbm>>) target(%dma_start3A_260 : memref<128x128xf32, #tpu.memory_space<vmem>>) offsets(%dma_start3A_263 : memref<128xi32, #tpu.memory_space<vmem>>) semaphore(%arg13 : memref<!tpu.dma_semaphore, #tpu.memory_space<semaphore_mem>>)
      } else {
      }
      %dma_wait3A_198 = arith.constant 1 : i32
      %dma_wait3A_199 = arith.constant 1 : i32
      %dma_wait3A_200 = arith.constant 0 : i32
      %dma_wait3A_201 = arith.constant 0 : i32
      %dma_wait3A_202 = tpu.memref_slice %arg11[%dma_wait3A_199, %dma_wait3A_200, %dma_wait3A_201] : memref<2x128x128xf32, #tpu.memory_space<vmem>> -> memref<1x128x128xf32, #tpu.memory_space<vmem>>
      %dma_wait3A_203 = tpu.memref_squeeze %dma_wait3A_202 : memref<1x128x128xf32, #tpu.memory_space<vmem>> -> memref<128x128xf32, #tpu.memory_space<vmem>>
      %dma_wait3A_204 = arith.constant 0 : i32
      %dma_wait3A_205 = tpu.memref_slice %arg8[%dma_wait3A_198, %dma_wait3A_204] : memref<2x128xi32, #tpu.memory_space<vmem>> -> memref<1x128xi32, #tpu.memory_space<vmem>>
      %dma_wait3A_206 = tpu.memref_squeeze %dma_wait3A_205 : memref<1x128xi32, #tpu.memory_space<vmem>> -> memref<128xi32, #tpu.memory_space<vmem>>
      %dma_wait3A_207 = arith.constant 0 : i32
      %dma_wait3A_208 = arith.constant 0 : i32
      %dma_wait3A_209 = tpu.memref_slice %arg2[%dma_wait3A_207, %dma_wait3A_208] : memref<10000x128xf32, #tpu.memory_space<hbm>> -> memref<10000x128xf32, #tpu.memory_space<hbm>>
      tpu.wait_indirect_dma semaphore(%arg14 : memref<!tpu.dma_semaphore, #tpu.memory_space<semaphore_mem>>) src(%dma_wait3A_209 : memref<10000x128xf32, #tpu.memory_space<hbm>>) dst(%dma_wait3A_203 : memref<128x128xf32, #tpu.memory_space<vmem>>)
      %scan3A_210 = arith.constant 0 : i32
      %scan3A_211 = arith.constant 0 : i32
      %scan3A_212 = arith.constant 8 : i32
      %scan3A_213 = arith.addi %scan3A_211, %scan3A_212 : i32
      %scan3A_214 = arith.constant 1 : i32
      scf.for %scan3A_223 = %scan3A_211 to %scan3A_213 step %scan3A_214  : i32 {
        %mul3A_224 = arith.constant 16 : i32
        %mul3A_225 = arith.muli %scan3A_223, %mul3A_224 : i32
        %get3A = arith.constant 1 : i32
        %get3A_226 = arith.index_cast %get3A : i32 to index
        %get3A_227 = arith.index_cast %mul3A_225 : i32 to index
        %get3A_228 = tpu.vector_load %arg10[%get3A_226, %get3A_227] {strides = array<i32>} : memref<2x128xf32, #tpu.memory_space<vmem>>, vector<1x16xf32>,
        %get3A_229 = vector.shape_cast %get3A_228 : vector<1x16xf32> to vector<16xf32>
        %slice3A = vector.extract_strided_slice %get3A_229 {offsets = [0], sizes = [1], strides = [1]} : vector<16xf32> to vector<1xf32>
        %squeeze3A = vector.extract %slice3A[0] : f32 from vector<1xf32>
        %mul3A_230 = arith.constant 16 : i32
        %mul3A_231 = arith.muli %scan3A_223, %mul3A_230 : i32
        %add3A_232 = arith.constant 0 : i32
        %add3A_233 = arith.addi %mul3A_231, %add3A_232 : i32
        %get3A_234 = arith.constant 1 : i32
        %get3A_235 = arith.index_cast %get3A_234 : i32 to index
        %get3A_236 = arith.index_cast %add3A_233 : i32 to index
        %get3A_237 = arith.constant 0 : index
        %get3A_238 = tpu.vector_load %arg11[%get3A_235, %get3A_236, %get3A_237] {strides = array<i32>} : memref<2x128x128xf32, #tpu.memory_space<vmem>>, vector<1x1x16xf32>,
        %get3A_239 = vector.shape_cast %get3A_238 : vector<1x1x16xf32> to vector<16xf32>
        %mul3A_240 = vector.broadcast %squeeze3A : f32 to vector<16xf32>
        %mul3A_241 = arith.mulf %get3A_239, %mul3A_240 : vector<16xf32>
        %swap3A = arith.constant 1 : i32
        %swap3A_242 = arith.index_cast %swap3A : i32 to index
        %swap3A_243 = arith.index_cast %add3A_233 : i32 to index
        %swap3A_244 = arith.constant 0 : index
        %swap3A_245 = tpu.vector_load %arg11[%swap3A_242, %swap3A_243, %swap3A_244] {strides = array<i32>} : memref<2x128x128xf32, #tpu.memory_space<vmem>>, vector<1x1x16xf32>,
        %swap3A_246 = vector.shape_cast %swap3A_245 : vector<1x1x16xf32> to vector<16xf32>
        %swap3A_247 = vector.shape_cast %mul3A_241 : vector<16xf32> to vector<1x1x16xf32>
        tpu.vector_store %arg11[%swap3A_242, %swap3A_243, %swap3A_244], %swap3A_247 {strides = array<i32>} : memref<2x128x128xf32, #tpu.memory_space<vmem>>, vector<1x1x16xf32>,
        %get3A_248 = arith.constant 1 : i32
        %get3A_249 = arith.index_cast %get3A_248 : i32 to index
        %get3A_250 = arith.index_cast %add3A_233 : i32 to index
        %get3A_251 = arith.constant 16 : index
        %get3A_252 = tpu.vector_load %arg11[%get3A_249, %get3A_250, %get3A_251] {strides = array<i32>} : memref<2x128x128xf32, #tpu.memory_space<vmem>>, vector<1x1x16xf32>,
        %get3A_253 = vector.shape_cast %get3A_252 : vector<1x1x16xf32> to vector<16xf32>
        %mul3A_254 = vector.broadcast %squeeze3A : f32 to vector<16xf32>
        %mul3A_255 = arith.mulf %get3A_253, %mul3A_254 : vector<16xf32>
        %swap3A_256 = arith.constant 1 : i32
        %swap3A_257 = arith.index_cast %swap3A_256 : i32 to index
        %swap3A_258 = arith.index_cast %add3A_233 : i32 to index
        %swap3A_259 = arith.constant 16 : index
        %swap3A_260 = tpu.vector_load %arg11[%swap3A_257, %swap3A_258, %swap3A_259] {strides = array<i32>} : memref<2x128x128xf32, #tpu.memory_space<vmem>>, vector<1x1x16xf32>,
        %swap3A_261 = vector.shape_cast %swap3A_260 : vector<1x1x16xf32> to vector<16xf32>
        %swap3A_262 = vector.shape_cast %mul3A_255 : vector<16xf32> to vector<1x1x16xf32>
        tpu.vector_store %arg11[%swap3A_257, %swap3A_258, %swap3A_259], %swap3A_262 {strides = array<i32>} : memref<2x128x128xf32, #tpu.memory_space<vmem>>, vector<1x1x16xf32>,
        %get3A_263 = arith.constant 1 : i32
        %get3A_264 = arith.index_cast %get3A_263 : i32 to index
        %get3A_265 = arith.index_cast %add3A_233 : i32 to index
        %get3A_266 = arith.constant 32 : index
        %get3A_267 = tpu.vector_load %arg11[%get3A_264, %get3A_265, %get3A_266] {strides = array<i32>} : memref<2x128x128xf32, #tpu.memory_space<vmem>>, vector<1x1x16xf32>,
        %get3A_268 = vector.shape_cast %get3A_267 : vector<1x1x16xf32> to vector<16xf32>
        %mul3A_269 = vector.broadcast %squeeze3A : f32 to vector<16xf32>
        %mul3A_270 = arith.mulf %get3A_268, %mul3A_269 : vector<16xf32>
        %swap3A_271 = arith.constant 1 : i32
        %swap3A_272 = arith.index_cast %swap3A_271 : i32 to index
        %swap3A_273 = arith.index_cast %add3A_233 : i32 to index
        %swap3A_274 = arith.constant 32 : index
        %swap3A_275 = tpu.vector_load %arg11[%swap3A_272, %swap3A_273, %swap3A_274] {strides = array<i32>} : memref<2x128x128xf32, #tpu.memory_space<vmem>>, vector<1x1x16xf32>,
        %swap3A_276 = vector.shape_cast %swap3A_275 : vector<1x1x16xf32> to vector<16xf32>
        %swap3A_277 = vector.shape_cast %mul3A_270 : vector<16xf32> to vector<1x1x16xf32>
        tpu.vector_store %arg11[%swap3A_272, %swap3A_273, %swap3A_274], %swap3A_277 {strides = array<i32>} : memref<2x128x128xf32, #tpu.memory_space<vmem>>, vector<1x1x16xf32>,
        %get3A_278 = arith.constant 1 : i32
        %get3A_279 = arith.index_cast %get3A_278 : i32 to index
        %get3A_280 = arith.index_cast %add3A_233 : i32 to index
        %get3A_281 = arith.constant 48 : index
        %get3A_282 = tpu.vector_load %arg11[%get3A_279, %get3A_280, %get3A_281] {strides = array<i32>} : memref<2x128x128xf32, #tpu.memory_space<vmem>>, vector<1x1x16xf32>,
        %get3A_283 = vector.shape_cast %get3A_282 : vector<1x1x16xf32> to vector<16xf32>
        %mul3A_284 = vector.broadcast %squeeze3A : f32 to vector<16xf32>
        %mul3A_285 = arith.mulf %get3A_283, %mul3A_284 : vector<16xf32>
        %swap3A_286 = arith.constant 1 : i32
        %swap3A_287 = arith.index_cast %swap3A_286 : i32 to index
        %swap3A_288 = arith.index_cast %add3A_233 : i32 to index
        %swap3A_289 = arith.constant 48 : index
        %swap3A_290 = tpu.vector_load %arg11[%swap3A_287, %swap3A_288, %swap3A_289] {strides = array<i32>} : memref<2x128x128xf32, #tpu.memory_space<vmem>>, vector<1x1x16xf32>,
        %swap3A_291 = vector.shape_cast %swap3A_290 : vector<1x1x16xf32> to vector<16xf32>
        %swap3A_292 = vector.shape_cast %mul3A_285 : vector<16xf32> to vector<1x1x16xf32>
        tpu.vector_store %arg11[%swap3A_287, %swap3A_288, %swap3A_289], %swap3A_292 {strides = array<i32>} : memref<2x128x128xf32, #tpu.memory_space<vmem>>, vector<1x1x16xf32>,
        %get3A_293 = arith.constant 1 : i32
        %get3A_294 = arith.index_cast %get3A_293 : i32 to index
        %get3A_295 = arith.index_cast %add3A_233 : i32 to index
        %get3A_296 = arith.constant 64 : index
        %get3A_297 = tpu.vector_load %arg11[%get3A_294, %get3A_295, %get3A_296] {strides = array<i32>} : memref<2x128x128xf32, #tpu.memory_space<vmem>>, vector<1x1x16xf32>,
        %get3A_298 = vector.shape_cast %get3A_297 : vector<1x1x16xf32> to vector<16xf32>
        %mul3A_299 = vector.broadcast %squeeze3A : f32 to vector<16xf32>
        %mul3A_300 = arith.mulf %get3A_298, %mul3A_299 : vector<16xf32>
        %swap3A_301 = arith.constant 1 : i32
        %swap3A_302 = arith.index_cast %swap3A_301 : i32 to index
        %swap3A_303 = arith.index_cast %add3A_233 : i32 to index
        %swap3A_304 = arith.constant 64 : index
        %swap3A_305 = tpu.vector_load %arg11[%swap3A_302, %swap3A_303, %swap3A_304] {strides = array<i32>} : memref<2x128x128xf32, #tpu.memory_space<vmem>>, vector<1x1x16xf32>,
        %swap3A_306 = vector.shape_cast %swap3A_305 : vector<1x1x16xf32> to vector<16xf32>
        %swap3A_307 = vector.shape_cast %mul3A_300 : vector<16xf32> to vector<1x1x16xf32>
        tpu.vector_store %arg11[%swap3A_302, %swap3A_303, %swap3A_304], %swap3A_307 {strides = array<i32>} : memref<2x128x128xf32, #tpu.memory_space<vmem>>, vector<1x1x16xf32>,
        %get3A_308 = arith.constant 1 : i32
        %get3A_309 = arith.index_cast %get3A_308 : i32 to index
        %get3A_310 = arith.index_cast %add3A_233 : i32 to index
        %get3A_311 = arith.constant 80 : index
        %get3A_312 = tpu.vector_load %arg11[%get3A_309, %get3A_310, %get3A_311] {strides = array<i32>} : memref<2x128x128xf32, #tpu.memory_space<vmem>>, vector<1x1x16xf32>,
        %get3A_313 = vector.shape_cast %get3A_312 : vector<1x1x16xf32> to vector<16xf32>
        %mul3A_314 = vector.broadcast %squeeze3A : f32 to vector<16xf32>
        %mul3A_315 = arith.mulf %get3A_313, %mul3A_314 : vector<16xf32>
        %swap3A_316 = arith.constant 1 : i32
        %swap3A_317 = arith.index_cast %swap3A_316 : i32 to index
        %swap3A_318 = arith.index_cast %add3A_233 : i32 to index
        %swap3A_319 = arith.constant 80 : index
        %swap3A_320 = tpu.vector_load %arg11[%swap3A_317, %swap3A_318, %swap3A_319] {strides = array<i32>} : memref<2x128x128xf32, #tpu.memory_space<vmem>>, vector<1x1x16xf32>,
        %swap3A_321 = vector.shape_cast %swap3A_320 : vector<1x1x16xf32> to vector<16xf32>
        %swap3A_322 = vector.shape_cast %mul3A_315 : vector<16xf32> to vector<1x1x16xf32>
        tpu.vector_store %arg11[%swap3A_317, %swap3A_318, %swap3A_319], %swap3A_322 {strides = array<i32>} : memref<2x128x128xf32, #tpu.memory_space<vmem>>, vector<1x1x16xf32>,
        %get3A_323 = arith.constant 1 : i32
        %get3A_324 = arith.index_cast %get3A_323 : i32 to index
        %get3A_325 = arith.index_cast %add3A_233 : i32 to index
        %get3A_326 = arith.constant 96 : index
        %get3A_327 = tpu.vector_load %arg11[%get3A_324, %get3A_325, %get3A_326] {strides = array<i32>} : memref<2x128x128xf32, #tpu.memory_space<vmem>>, vector<1x1x16xf32>,
        %get3A_328 = vector.shape_cast %get3A_327 : vector<1x1x16xf32> to vector<16xf32>
        %mul3A_329 = vector.broadcast %squeeze3A : f32 to vector<16xf32>
        %mul3A_330 = arith.mulf %get3A_328, %mul3A_329 : vector<16xf32>
        %swap3A_331 = arith.constant 1 : i32
        %swap3A_332 = arith.index_cast %swap3A_331 : i32 to index
        %swap3A_333 = arith.index_cast %add3A_233 : i32 to index
        %swap3A_334 = arith.constant 96 : index
        %swap3A_335 = tpu.vector_load %arg11[%swap3A_332, %swap3A_333, %swap3A_334] {strides = array<i32>} : memref<2x128x128xf32, #tpu.memory_space<vmem>>, vector<1x1x16xf32>,
        %swap3A_336 = vector.shape_cast %swap3A_335 : vector<1x1x16xf32> to vector<16xf32>
        %swap3A_337 = vector.shape_cast %mul3A_330 : vector<16xf32> to vector<1x1x16xf32>
        tpu.vector_store %arg11[%swap3A_332, %swap3A_333, %swap3A_334], %swap3A_337 {strides = array<i32>} : memref<2x128x128xf32, #tpu.memory_space<vmem>>, vector<1x1x16xf32>,
        %get3A_338 = arith.constant 1 : i32
        %get3A_339 = arith.index_cast %get3A_338 : i32 to index
        %get3A_340 = arith.index_cast %add3A_233 : i32 to index
        %get3A_341 = arith.constant 112 : index
        %get3A_342 = tpu.vector_load %arg11[%get3A_339, %get3A_340, %get3A_341] {strides = array<i32>} : memref<2x128x128xf32, #tpu.memory_space<vmem>>, vector<1x1x16xf32>,
        %get3A_343 = vector.shape_cast %get3A_342 : vector<1x1x16xf32> to vector<16xf32>
        %mul3A_344 = vector.broadcast %squeeze3A : f32 to vector<16xf32>
        %mul3A_345 = arith.mulf %get3A_343, %mul3A_344 : vector<16xf32>
        %swap3A_346 = arith.constant 1 : i32
        %swap3A_347 = arith.index_cast %swap3A_346 : i32 to index
        %swap3A_348 = arith.index_cast %add3A_233 : i32 to index
        %swap3A_349 = arith.constant 112 : index
        %swap3A_350 = tpu.vector_load %arg11[%swap3A_347, %swap3A_348, %swap3A_349] {strides = array<i32>} : memref<2x128x128xf32, #tpu.memory_space<vmem>>, vector<1x1x16xf32>,
        %swap3A_351 = vector.shape_cast %swap3A_350 : vector<1x1x16xf32> to vector<16xf32>
        %swap3A_352 = vector.shape_cast %mul3A_345 : vector<16xf32> to vector<1x1x16xf32>
        tpu.vector_store %arg11[%swap3A_347, %swap3A_348, %swap3A_349], %swap3A_352 {strides = array<i32>} : memref<2x128x128xf32, #tpu.memory_space<vmem>>, vector<1x1x16xf32>,
        %slice3A_353 = vector.extract_strided_slice %get3A_229 {offsets = [1], sizes = [1], strides = [1]} : vector<16xf32> to vector<1xf32>
        %squeeze3A_354 = vector.extract %slice3A_353[0] : f32 from vector<1xf32>
        %mul3A_355 = arith.constant 16 : i32
        %mul3A_356 = arith.muli %scan3A_223, %mul3A_355 : i32
        %add3A_357 = arith.constant 1 : i32
        %add3A_358 = arith.addi %mul3A_356, %add3A_357 : i32
        %get3A_359 = arith.constant 1 : i32
        %get3A_360 = arith.index_cast %get3A_359 : i32 to index
        %get3A_361 = arith.index_cast %add3A_358 : i32 to index
        %get3A_362 = arith.constant 0 : index
        %get3A_363 = tpu.vector_load %arg11[%get3A_360, %get3A_361, %get3A_362] {strides = array<i32>} : memref<2x128x128xf32, #tpu.memory_space<vmem>>, vector<1x1x16xf32>,
        %get3A_364 = vector.shape_cast %get3A_363 : vector<1x1x16xf32> to vector<16xf32>
        %mul3A_365 = vector.broadcast %squeeze3A_354 : f32 to vector<16xf32>
        %mul3A_366 = arith.mulf %get3A_364, %mul3A_365 : vector<16xf32>
        %swap3A_367 = arith.constant 1 : i32
        %swap3A_368 = arith.index_cast %swap3A_367 : i32 to index
        %swap3A_369 = arith.index_cast %add3A_358 : i32 to index
        %swap3A_370 = arith.constant 0 : index
        %swap3A_371 = tpu.vector_load %arg11[%swap3A_368, %swap3A_369, %swap3A_370] {strides = array<i32>} : memref<2x128x128xf32, #tpu.memory_space<vmem>>, vector<1x1x16xf32>,
        %swap3A_372 = vector.shape_cast %swap3A_371 : vector<1x1x16xf32> to vector<16xf32>
        %swap3A_373 = vector.shape_cast %mul3A_366 : vector<16xf32> to vector<1x1x16xf32>
        tpu.vector_store %arg11[%swap3A_368, %swap3A_369, %swap3A_370], %swap3A_373 {strides = array<i32>} : memref<2x128x128xf32, #tpu.memory_space<vmem>>, vector<1x1x16xf32>,
        %get3A_374 = arith.constant 1 : i32
        %get3A_375 = arith.index_cast %get3A_374 : i32 to index
        %get3A_376 = arith.index_cast %add3A_358 : i32 to index
        %get3A_377 = arith.constant 16 : index
        %get3A_378 = tpu.vector_load %arg11[%get3A_375, %get3A_376, %get3A_377] {strides = array<i32>} : memref<2x128x128xf32, #tpu.memory_space<vmem>>, vector<1x1x16xf32>,
        %get3A_379 = vector.shape_cast %get3A_378 : vector<1x1x16xf32> to vector<16xf32>
        %mul3A_380 = vector.broadcast %squeeze3A_354 : f32 to vector<16xf32>
        %mul3A_381 = arith.mulf %get3A_379, %mul3A_380 : vector<16xf32>
        %swap3A_382 = arith.constant 1 : i32
        %swap3A_383 = arith.index_cast %swap3A_382 : i32 to index
        %swap3A_384 = arith.index_cast %add3A_358 : i32 to index
        %swap3A_385 = arith.constant 16 : index
        %swap3A_386 = tpu.vector_load %arg11[%swap3A_383, %swap3A_384, %swap3A_385] {strides = array<i32>} : memref<2x128x128xf32, #tpu.memory_space<vmem>>, vector<1x1x16xf32>,
        %swap3A_387 = vector.shape_cast %swap3A_386 : vector<1x1x16xf32> to vector<16xf32>
        %swap3A_388 = vector.shape_cast %mul3A_381 : vector<16xf32> to vector<1x1x16xf32>
        tpu.vector_store %arg11[%swap3A_383, %swap3A_384, %swap3A_385], %swap3A_388 {strides = array<i32>} : memref<2x128x128xf32, #tpu.memory_space<vmem>>, vector<1x1x16xf32>,
        %get3A_389 = arith.constant 1 : i32
        %get3A_390 = arith.index_cast %get3A_389 : i32 to index
        %get3A_391 = arith.index_cast %add3A_358 : i32 to index
        %get3A_392 = arith.constant 32 : index
        %get3A_393 = tpu.vector_load %arg11[%get3A_390, %get3A_391, %get3A_392] {strides = array<i32>} : memref<2x128x128xf32, #tpu.memory_space<vmem>>, vector<1x1x16xf32>,
        %get3A_394 = vector.shape_cast %get3A_393 : vector<1x1x16xf32> to vector<16xf32>
        %mul3A_395 = vector.broadcast %squeeze3A_354 : f32 to vector<16xf32>
        %mul3A_396 = arith.mulf %get3A_394, %mul3A_395 : vector<16xf32>
        %swap3A_397 = arith.constant 1 : i32
        %swap3A_398 = arith.index_cast %swap3A_397 : i32 to index
        %swap3A_399 = arith.index_cast %add3A_358 : i32 to index
        %swap3A_400 = arith.constant 32 : index
        %swap3A_401 = tpu.vector_load %arg11[%swap3A_398, %swap3A_399, %swap3A_400] {strides = array<i32>} : memref<2x128x128xf32, #tpu.memory_space<vmem>>, vector<1x1x16xf32>,
        %swap3A_402 = vector.shape_cast %swap3A_401 : vector<1x1x16xf32> to vector<16xf32>
        %swap3A_403 = vector.shape_cast %mul3A_396 : vector<16xf32> to vector<1x1x16xf32>
        tpu.vector_store %arg11[%swap3A_398, %swap3A_399, %swap3A_400], %swap3A_403 {strides = array<i32>} : memref<2x128x128xf32, #tpu.memory_space<vmem>>, vector<1x1x16xf32>,
        %get3A_404 = arith.constant 1 : i32
        %get3A_405 = arith.index_cast %get3A_404 : i32 to index
        %get3A_406 = arith.index_cast %add3A_358 : i32 to index
        %get3A_407 = arith.constant 48 : index
        %get3A_408 = tpu.vector_load %arg11[%get3A_405, %get3A_406, %get3A_407] {strides = array<i32>} : memref<2x128x128xf32, #tpu.memory_space<vmem>>, vector<1x1x16xf32>,
        %get3A_409 = vector.shape_cast %get3A_408 : vector<1x1x16xf32> to vector<16xf32>
        %mul3A_410 = vector.broadcast %squeeze3A_354 : f32 to vector<16xf32>
        %mul3A_411 = arith.mulf %get3A_409, %mul3A_410 : vector<16xf32>
        %swap3A_412 = arith.constant 1 : i32
        %swap3A_413 = arith.index_cast %swap3A_412 : i32 to index
        %swap3A_414 = arith.index_cast %add3A_358 : i32 to index
        %swap3A_415 = arith.constant 48 : index
        %swap3A_416 = tpu.vector_load %arg11[%swap3A_413, %swap3A_414, %swap3A_415] {strides = array<i32>} : memref<2x128x128xf32, #tpu.memory_space<vmem>>, vector<1x1x16xf32>,
        %swap3A_417 = vector.shape_cast %swap3A_416 : vector<1x1x16xf32> to vector<16xf32>
        %swap3A_418 = vector.shape_cast %mul3A_411 : vector<16xf32> to vector<1x1x16xf32>
        tpu.vector_store %arg11[%swap3A_413, %swap3A_414, %swap3A_415], %swap3A_418 {strides = array<i32>} : memref<2x128x128xf32, #tpu.memory_space<vmem>>, vector<1x1x16xf32>,
        %get3A_419 = arith.constant 1 : i32
        %get3A_420 = arith.index_cast %get3A_419 : i32 to index
        %get3A_421 = arith.index_cast %add3A_358 : i32 to index
        %get3A_422 = arith.constant 64 : index
        %get3A_423 = tpu.vector_load %arg11[%get3A_420, %get3A_421, %get3A_422] {strides = array<i32>} : memref<2x128x128xf32, #tpu.memory_space<vmem>>, vector<1x1x16xf32>,
        %get3A_424 = vector.shape_cast %get3A_423 : vector<1x1x16xf32> to vector<16xf32>
        %mul3A_425 = vector.broadcast %squeeze3A_354 : f32 to vector<16xf32>
        %mul3A_426 = arith.mulf %get3A_424, %mul3A_425 : vector<16xf32>
        %swap3A_427 = arith.constant 1 : i32
        %swap3A_428 = arith.index_cast %swap3A_427 : i32 to index
        %swap3A_429 = arith.index_cast %add3A_358 : i32 to index
        %swap3A_430 = arith.constant 64 : index
        %swap3A_431 = tpu.vector_load %arg11[%swap3A_428, %swap3A_429, %swap3A_430] {strides = array<i32>} : memref<2x128x128xf32, #tpu.memory_space<vmem>>, vector<1x1x16xf32>,
        %swap3A_432 = vector.shape_cast %swap3A_431 : vector<1x1x16xf32> to vector<16xf32>
        %swap3A_433 = vector.shape_cast %mul3A_426 : vector<16xf32> to vector<1x1x16xf32>
        tpu.vector_store %arg11[%swap3A_428, %swap3A_429, %swap3A_430], %swap3A_433 {strides = array<i32>} : memref<2x128x128xf32, #tpu.memory_space<vmem>>, vector<1x1x16xf32>,
        %get3A_434 = arith.constant 1 : i32
        %get3A_435 = arith.index_cast %get3A_434 : i32 to index
        %get3A_436 = arith.index_cast %add3A_358 : i32 to index
        %get3A_437 = arith.constant 80 : index
        %get3A_438 = tpu.vector_load %arg11[%get3A_435, %get3A_436, %get3A_437] {strides = array<i32>} : memref<2x128x128xf32, #tpu.memory_space<vmem>>, vector<1x1x16xf32>,
        %get3A_439 = vector.shape_cast %get3A_438 : vector<1x1x16xf32> to vector<16xf32>
        %mul3A_440 = vector.broadcast %squeeze3A_354 : f32 to vector<16xf32>
        %mul3A_441 = arith.mulf %get3A_439, %mul3A_440 : vector<16xf32>
        %swap3A_442 = arith.constant 1 : i32
        %swap3A_443 = arith.index_cast %swap3A_442 : i32 to index
        %swap3A_444 = arith.index_cast %add3A_358 : i32 to index
        %swap3A_445 = arith.constant 80 : index
        %swap3A_446 = tpu.vector_load %arg11[%swap3A_443, %swap3A_444, %swap3A_445] {strides = array<i32>} : memref<2x128x128xf32, #tpu.memory_space<vmem>>, vector<1x1x16xf32>,
        %swap3A_447 = vector.shape_cast %swap3A_446 : vector<1x1x16xf32> to vector<16xf32>
        %swap3A_448 = vector.shape_cast %mul3A_441 : vector<16xf32> to vector<1x1x16xf32>
        tpu.vector_store %arg11[%swap3A_443, %swap3A_444, %swap3A_445], %swap3A_448 {strides = array<i32>} : memref<2x128x128xf32, #tpu.memory_space<vmem>>, vector<1x1x16xf32>,
        %get3A_449 = arith.constant 1 : i32
        %get3A_450 = arith.index_cast %get3A_449 : i32 to index
        %get3A_451 = arith.index_cast %add3A_358 : i32 to index
        %get3A_452 = arith.constant 96 : index
        %get3A_453 = tpu.vector_load %arg11[%get3A_450, %get3A_451, %get3A_452] {strides = array<i32>} : memref<2x128x128xf32, #tpu.memory_space<vmem>>, vector<1x1x16xf32>,
        %get3A_454 = vector.shape_cast %get3A_453 : vector<1x1x16xf32> to vector<16xf32>
        %mul3A_455 = vector.broadcast %squeeze3A_354 : f32 to vector<16xf32>
        %mul3A_456 = arith.mulf %get3A_454, %mul3A_455 : vector<16xf32>
        %swap3A_457 = arith.constant 1 : i32
        %swap3A_458 = arith.index_cast %swap3A_457 : i32 to index
        %swap3A_459 = arith.index_cast %add3A_358 : i32 to index
        %swap3A_460 = arith.constant 96 : index
        %swap3A_461 = tpu.vector_load %arg11[%swap3A_458, %swap3A_459, %swap3A_460] {strides = array<i32>} : memref<2x128x128xf32, #tpu.memory_space<vmem>>, vector<1x1x16xf32>,
        %swap3A_462 = vector.shape_cast %swap3A_461 : vector<1x1x16xf32> to vector<16xf32>
        %swap3A_463 = vector.shape_cast %mul3A_456 : vector<16xf32> to vector<1x1x16xf32>
        tpu.vector_store %arg11[%swap3A_458, %swap3A_459, %swap3A_460], %swap3A_463 {strides = array<i32>} : memref<2x128x128xf32, #tpu.memory_space<vmem>>, vector<1x1x16xf32>,
        %get3A_464 = arith.constant 1 : i32
        %get3A_465 = arith.index_cast %get3A_464 : i32 to index
        %get3A_466 = arith.index_cast %add3A_358 : i32 to index
        %get3A_467 = arith.constant 112 : index
        %get3A_468 = tpu.vector_load %arg11[%get3A_465, %get3A_466, %get3A_467] {strides = array<i32>} : memref<2x128x128xf32, #tpu.memory_space<vmem>>, vector<1x1x16xf32>,
        %get3A_469 = vector.shape_cast %get3A_468 : vector<1x1x16xf32> to vector<16xf32>
        %mul3A_470 = vector.broadcast %squeeze3A_354 : f32 to vector<16xf32>
        %mul3A_471 = arith.mulf %get3A_469, %mul3A_470 : vector<16xf32>
        %swap3A_472 = arith.constant 1 : i32
        %swap3A_473 = arith.index_cast %swap3A_472 : i32 to index
        %swap3A_474 = arith.index_cast %add3A_358 : i32 to index
        %swap3A_475 = arith.constant 112 : index
        %swap3A_476 = tpu.vector_load %arg11[%swap3A_473, %swap3A_474, %swap3A_475] {strides = array<i32>} : memref<2x128x128xf32, #tpu.memory_space<vmem>>, vector<1x1x16xf32>,
        %swap3A_477 = vector.shape_cast %swap3A_476 : vector<1x1x16xf32> to vector<16xf32>
        %swap3A_478 = vector.shape_cast %mul3A_471 : vector<16xf32> to vector<1x1x16xf32>
        tpu.vector_store %arg11[%swap3A_473, %swap3A_474, %swap3A_475], %swap3A_478 {strides = array<i32>} : memref<2x128x128xf32, #tpu.memory_space<vmem>>, vector<1x1x16xf32>,
        %slice3A_479 = vector.extract_strided_slice %get3A_229 {offsets = [2], sizes = [1], strides = [1]} : vector<16xf32> to vector<1xf32>
        %squeeze3A_480 = vector.extract %slice3A_479[0] : f32 from vector<1xf32>
        %mul3A_481 = arith.constant 16 : i32
        %mul3A_482 = arith.muli %scan3A_223, %mul3A_481 : i32
        %add3A_483 = arith.constant 2 : i32
        %add3A_484 = arith.addi %mul3A_482, %add3A_483 : i32
        %get3A_485 = arith.constant 1 : i32
        %get3A_486 = arith.index_cast %get3A_485 : i32 to index
        %get3A_487 = arith.index_cast %add3A_484 : i32 to index
        %get3A_488 = arith.constant 0 : index
        %get3A_489 = tpu.vector_load %arg11[%get3A_486, %get3A_487, %get3A_488] {strides = array<i32>} : memref<2x128x128xf32, #tpu.memory_space<vmem>>, vector<1x1x16xf32>,
        %get3A_490 = vector.shape_cast %get3A_489 : vector<1x1x16xf32> to vector<16xf32>
        %mul3A_491 = vector.broadcast %squeeze3A_480 : f32 to vector<16xf32>
        %mul3A_492 = arith.mulf %get3A_490, %mul3A_491 : vector<16xf32>
        %swap3A_493 = arith.constant 1 : i32
        %swap3A_494 = arith.index_cast %swap3A_493 : i32 to index
        %swap3A_495 = arith.index_cast %add3A_484 : i32 to index
        %swap3A_496 = arith.constant 0 : index
        %swap3A_497 = tpu.vector_load %arg11[%swap3A_494, %swap3A_495, %swap3A_496] {strides = array<i32>} : memref<2x128x128xf32, #tpu.memory_space<vmem>>, vector<1x1x16xf32>,
        %swap3A_498 = vector.shape_cast %swap3A_497 : vector<1x1x16xf32> to vector<16xf32>
        %swap3A_499 = vector.shape_cast %mul3A_492 : vector<16xf32> to vector<1x1x16xf32>
        tpu.vector_store %arg11[%swap3A_494, %swap3A_495, %swap3A_496], %swap3A_499 {strides = array<i32>} : memref<2x128x128xf32, #tpu.memory_space<vmem>>, vector<1x1x16xf32>,
        %get3A_500 = arith.constant 1 : i32
        %get3A_501 = arith.index_cast %get3A_500 : i32 to index
        %get3A_502 = arith.index_cast %add3A_484 : i32 to index
        %get3A_503 = arith.constant 16 : index
        %get3A_504 = tpu.vector_load %arg11[%get3A_501, %get3A_502, %get3A_503] {strides = array<i32>} : memref<2x128x128xf32, #tpu.memory_space<vmem>>, vector<1x1x16xf32>,
        %get3A_505 = vector.shape_cast %get3A_504 : vector<1x1x16xf32> to vector<16xf32>
        %mul3A_506 = vector.broadcast %squeeze3A_480 : f32 to vector<16xf32>
        %mul3A_507 = arith.mulf %get3A_505, %mul3A_506 : vector<16xf32>
        %swap3A_508 = arith.constant 1 : i32
        %swap3A_509 = arith.index_cast %swap3A_508 : i32 to index
        %swap3A_510 = arith.index_cast %add3A_484 : i32 to index
        %swap3A_511 = arith.constant 16 : index
        %swap3A_512 = tpu.vector_load %arg11[%swap3A_509, %swap3A_510, %swap3A_511] {strides = array<i32>} : memref<2x128x128xf32, #tpu.memory_space<vmem>>, vector<1x1x16xf32>,
        %swap3A_513 = vector.shape_cast %swap3A_512 : vector<1x1x16xf32> to vector<16xf32>
        %swap3A_514 = vector.shape_cast %mul3A_507 : vector<16xf32> to vector<1x1x16xf32>
        tpu.vector_store %arg11[%swap3A_509, %swap3A_510, %swap3A_511], %swap3A_514 {strides = array<i32>} : memref<2x128x128xf32, #tpu.memory_space<vmem>>, vector<1x1x16xf32>,
        %get3A_515 = arith.constant 1 : i32
        %get3A_516 = arith.index_cast %get3A_515 : i32 to index
        %get3A_517 = arith.index_cast %add3A_484 : i32 to index
        %get3A_518 = arith.constant 32 : index
        %get3A_519 = tpu.vector_load %arg11[%get3A_516, %get3A_517, %get3A_518] {strides = array<i32>} : memref<2x128x128xf32, #tpu.memory_space<vmem>>, vector<1x1x16xf32>,
        %get3A_520 = vector.shape_cast %get3A_519 : vector<1x1x16xf32> to vector<16xf32>
        %mul3A_521 = vector.broadcast %squeeze3A_480 : f32 to vector<16xf32>
        %mul3A_522 = arith.mulf %get3A_520, %mul3A_521 : vector<16xf32>
        %swap3A_523 = arith.constant 1 : i32
        %swap3A_524 = arith.index_cast %swap3A_523 : i32 to index
        %swap3A_525 = arith.index_cast %add3A_484 : i32 to index
        %swap3A_526 = arith.constant 32 : index
        %swap3A_527 = tpu.vector_load %arg11[%swap3A_524, %swap3A_525, %swap3A_526] {strides = array<i32>} : memref<2x128x128xf32, #tpu.memory_space<vmem>>, vector<1x1x16xf32>,
        %swap3A_528 = vector.shape_cast %swap3A_527 : vector<1x1x16xf32> to vector<16xf32>
        %swap3A_529 = vector.shape_cast %mul3A_522 : vector<16xf32> to vector<1x1x16xf32>
        tpu.vector_store %arg11[%swap3A_524, %swap3A_525, %swap3A_526], %swap3A_529 {strides = array<i32>} : memref<2x128x128xf32, #tpu.memory_space<vmem>>, vector<1x1x16xf32>,
        %get3A_530 = arith.constant 1 : i32
        %get3A_531 = arith.index_cast %get3A_530 : i32 to index
        %get3A_532 = arith.index_cast %add3A_484 : i32 to index
        %get3A_533 = arith.constant 48 : index
        %get3A_534 = tpu.vector_load %arg11[%get3A_531, %get3A_532, %get3A_533] {strides = array<i32>} : memref<2x128x128xf32, #tpu.memory_space<vmem>>, vector<1x1x16xf32>,
        %get3A_535 = vector.shape_cast %get3A_534 : vector<1x1x16xf32> to vector<16xf32>
        %mul3A_536 = vector.broadcast %squeeze3A_480 : f32 to vector<16xf32>
        %mul3A_537 = arith.mulf %get3A_535, %mul3A_536 : vector<16xf32>
        %swap3A_538 = arith.constant 1 : i32
        %swap3A_539 = arith.index_cast %swap3A_538 : i32 to index
        %swap3A_540 = arith.index_cast %add3A_484 : i32 to index
        %swap3A_541 = arith.constant 48 : index
        %swap3A_542 = tpu.vector_load %arg11[%swap3A_539, %swap3A_540, %swap3A_541] {strides = array<i32>} : memref<2x128x128xf32, #tpu.memory_space<vmem>>, vector<1x1x16xf32>,
        %swap3A_543 = vector.shape_cast %swap3A_542 : vector<1x1x16xf32> to vector<16xf32>
        %swap3A_544 = vector.shape_cast %mul3A_537 : vector<16xf32> to vector<1x1x16xf32>
        tpu.vector_store %arg11[%swap3A_539, %swap3A_540, %swap3A_541], %swap3A_544 {strides = array<i32>} : memref<2x128x128xf32, #tpu.memory_space<vmem>>, vector<1x1x16xf32>,
        %get3A_545 = arith.constant 1 : i32
        %get3A_546 = arith.index_cast %get3A_545 : i32 to index
        %get3A_547 = arith.index_cast %add3A_484 : i32 to index
        %get3A_548 = arith.constant 64 : index
        %get3A_549 = tpu.vector_load %arg11[%get3A_546, %get3A_547, %get3A_548] {strides = array<i32>} : memref<2x128x128xf32, #tpu.memory_space<vmem>>, vector<1x1x16xf32>,
        %get3A_550 = vector.shape_cast %get3A_549 : vector<1x1x16xf32> to vector<16xf32>
        %mul3A_551 = vector.broadcast %squeeze3A_480 : f32 to vector<16xf32>
        %mul3A_552 = arith.mulf %get3A_550, %mul3A_551 : vector<16xf32>
        %swap3A_553 = arith.constant 1 : i32
        %swap3A_554 = arith.index_cast %swap3A_553 : i32 to index
        %swap3A_555 = arith.index_cast %add3A_484 : i32 to index
        %swap3A_556 = arith.constant 64 : index
        %swap3A_557 = tpu.vector_load %arg11[%swap3A_554, %swap3A_555, %swap3A_556] {strides = array<i32>} : memref<2x128x128xf32, #tpu.memory_space<vmem>>, vector<1x1x16xf32>,
        %swap3A_558 = vector.shape_cast %swap3A_557 : vector<1x1x16xf32> to vector<16xf32>
        %swap3A_559 = vector.shape_cast %mul3A_552 : vector<16xf32> to vector<1x1x16xf32>
        tpu.vector_store %arg11[%swap3A_554, %swap3A_555, %swap3A_556], %swap3A_559 {strides = array<i32>} : memref<2x128x128xf32, #tpu.memory_space<vmem>>, vector<1x1x16xf32>,
        %get3A_560 = arith.constant 1 : i32
        %get3A_561 = arith.index_cast %get3A_560 : i32 to index
        %get3A_562 = arith.index_cast %add3A_484 : i32 to index
        %get3A_563 = arith.constant 80 : index
        %get3A_564 = tpu.vector_load %arg11[%get3A_561, %get3A_562, %get3A_563] {strides = array<i32>} : memref<2x128x128xf32, #tpu.memory_space<vmem>>, vector<1x1x16xf32>,
        %get3A_565 = vector.shape_cast %get3A_564 : vector<1x1x16xf32> to vector<16xf32>
        %mul3A_566 = vector.broadcast %squeeze3A_480 : f32 to vector<16xf32>
        %mul3A_567 = arith.mulf %get3A_565, %mul3A_566 : vector<16xf32>
        %swap3A_568 = arith.constant 1 : i32
        %swap3A_569 = arith.index_cast %swap3A_568 : i32 to index
        %swap3A_570 = arith.index_cast %add3A_484 : i32 to index
        %swap3A_571 = arith.constant 80 : index
        %swap3A_572 = tpu.vector_load %arg11[%swap3A_569, %swap3A_570, %swap3A_571] {strides = array<i32>} : memref<2x128x128xf32, #tpu.memory_space<vmem>>, vector<1x1x16xf32>,
        %swap3A_573 = vector.shape_cast %swap3A_572 : vector<1x1x16xf32> to vector<16xf32>
        %swap3A_574 = vector.shape_cast %mul3A_567 : vector<16xf32> to vector<1x1x16xf32>
        tpu.vector_store %arg11[%swap3A_569, %swap3A_570, %swap3A_571], %swap3A_574 {strides = array<i32>} : memref<2x128x128xf32, #tpu.memory_space<vmem>>, vector<1x1x16xf32>,
        %get3A_575 = arith.constant 1 : i32
        %get3A_576 = arith.index_cast %get3A_575 : i32 to index
        %get3A_577 = arith.index_cast %add3A_484 : i32 to index
        %get3A_578 = arith.constant 96 : index
        %get3A_579 = tpu.vector_load %arg11[%get3A_576, %get3A_577, %get3A_578] {strides = array<i32>} : memref<2x128x128xf32, #tpu.memory_space<vmem>>, vector<1x1x16xf32>,
        %get3A_580 = vector.shape_cast %get3A_579 : vector<1x1x16xf32> to vector<16xf32>
        %mul3A_581 = vector.broadcast %squeeze3A_480 : f32 to vector<16xf32>
        %mul3A_582 = arith.mulf %get3A_580, %mul3A_581 : vector<16xf32>
        %swap3A_583 = arith.constant 1 : i32
        %swap3A_584 = arith.index_cast %swap3A_583 : i32 to index
        %swap3A_585 = arith.index_cast %add3A_484 : i32 to index
        %swap3A_586 = arith.constant 96 : index
        %swap3A_587 = tpu.vector_load %arg11[%swap3A_584, %swap3A_585, %swap3A_586] {strides = array<i32>} : memref<2x128x128xf32, #tpu.memory_space<vmem>>, vector<1x1x16xf32>,
        %swap3A_588 = vector.shape_cast %swap3A_587 : vector<1x1x16xf32> to vector<16xf32>
        %swap3A_589 = vector.shape_cast %mul3A_582 : vector<16xf32> to vector<1x1x16xf32>
        tpu.vector_store %arg11[%swap3A_584, %swap3A_585, %swap3A_586], %swap3A_589 {strides = array<i32>} : memref<2x128x128xf32, #tpu.memory_space<vmem>>, vector<1x1x16xf32>,
        %get3A_590 = arith.constant 1 : i32
        %get3A_591 = arith.index_cast %get3A_590 : i32 to index
        %get3A_592 = arith.index_cast %add3A_484 : i32 to index
        %get3A_593 = arith.constant 112 : index
        %get3A_594 = tpu.vector_load %arg11[%get3A_591, %get3A_592, %get3A_593] {strides = array<i32>} : memref<2x128x128xf32, #tpu.memory_space<vmem>>, vector<1x1x16xf32>,
        %get3A_595 = vector.shape_cast %get3A_594 : vector<1x1x16xf32> to vector<16xf32>
        %mul3A_596 = vector.broadcast %squeeze3A_480 : f32 to vector<16xf32>
        %mul3A_597 = arith.mulf %get3A_595, %mul3A_596 : vector<16xf32>
        %swap3A_598 = arith.constant 1 : i32
        %swap3A_599 = arith.index_cast %swap3A_598 : i32 to index
        %swap3A_600 = arith.index_cast %add3A_484 : i32 to index
        %swap3A_601 = arith.constant 112 : index
        %swap3A_602 = tpu.vector_load %arg11[%swap3A_599, %swap3A_600, %swap3A_601] {strides = array<i32>} : memref<2x128x128xf32, #tpu.memory_space<vmem>>, vector<1x1x16xf32>,
        %swap3A_603 = vector.shape_cast %swap3A_602 : vector<1x1x16xf32> to vector<16xf32>
        %swap3A_604 = vector.shape_cast %mul3A_597 : vector<16xf32> to vector<1x1x16xf32>
        tpu.vector_store %arg11[%swap3A_599, %swap3A_600, %swap3A_601], %swap3A_604 {strides = array<i32>} : memref<2x128x128xf32, #tpu.memory_space<vmem>>, vector<1x1x16xf32>,
        %slice3A_605 = vector.extract_strided_slice %get3A_229 {offsets = [3], sizes = [1], strides = [1]} : vector<16xf32> to vector<1xf32>
        %squeeze3A_606 = vector.extract %slice3A_605[0] : f32 from vector<1xf32>
        %mul3A_607 = arith.constant 16 : i32
        %mul3A_608 = arith.muli %scan3A_223, %mul3A_607 : i32
        %add3A_609 = arith.constant 3 : i32
        %add3A_610 = arith.addi %mul3A_608, %add3A_609 : i32
        %get3A_611 = arith.constant 1 : i32
        %get3A_612 = arith.index_cast %get3A_611 : i32 to index
        %get3A_613 = arith.index_cast %add3A_610 : i32 to index
        %get3A_614 = arith.constant 0 : index
        %get3A_615 = tpu.vector_load %arg11[%get3A_612, %get3A_613, %get3A_614] {strides = array<i32>} : memref<2x128x128xf32, #tpu.memory_space<vmem>>, vector<1x1x16xf32>,
        %get3A_616 = vector.shape_cast %get3A_615 : vector<1x1x16xf32> to vector<16xf32>
        %mul3A_617 = vector.broadcast %squeeze3A_606 : f32 to vector<16xf32>
        %mul3A_618 = arith.mulf %get3A_616, %mul3A_617 : vector<16xf32>
        %swap3A_619 = arith.constant 1 : i32
        %swap3A_620 = arith.index_cast %swap3A_619 : i32 to index
        %swap3A_621 = arith.index_cast %add3A_610 : i32 to index
        %swap3A_622 = arith.constant 0 : index
        %swap3A_623 = tpu.vector_load %arg11[%swap3A_620, %swap3A_621, %swap3A_622] {strides = array<i32>} : memref<2x128x128xf32, #tpu.memory_space<vmem>>, vector<1x1x16xf32>,
        %swap3A_624 = vector.shape_cast %swap3A_623 : vector<1x1x16xf32> to vector<16xf32>
        %swap3A_625 = vector.shape_cast %mul3A_618 : vector<16xf32> to vector<1x1x16xf32>
        tpu.vector_store %arg11[%swap3A_620, %swap3A_621, %swap3A_622], %swap3A_625 {strides = array<i32>} : memref<2x128x128xf32, #tpu.memory_space<vmem>>, vector<1x1x16xf32>,
        %get3A_626 = arith.constant 1 : i32
        %get3A_627 = arith.index_cast %get3A_626 : i32 to index
        %get3A_628 = arith.index_cast %add3A_610 : i32 to index
        %get3A_629 = arith.constant 16 : index
        %get3A_630 = tpu.vector_load %arg11[%get3A_627, %get3A_628, %get3A_629] {strides = array<i32>} : memref<2x128x128xf32, #tpu.memory_space<vmem>>, vector<1x1x16xf32>,
        %get3A_631 = vector.shape_cast %get3A_630 : vector<1x1x16xf32> to vector<16xf32>
        %mul3A_632 = vector.broadcast %squeeze3A_606 : f32 to vector<16xf32>
        %mul3A_633 = arith.mulf %get3A_631, %mul3A_632 : vector<16xf32>
        %swap3A_634 = arith.constant 1 : i32
        %swap3A_635 = arith.index_cast %swap3A_634 : i32 to index
        %swap3A_636 = arith.index_cast %add3A_610 : i32 to index
        %swap3A_637 = arith.constant 16 : index
        %swap3A_638 = tpu.vector_load %arg11[%swap3A_635, %swap3A_636, %swap3A_637] {strides = array<i32>} : memref<2x128x128xf32, #tpu.memory_space<vmem>>, vector<1x1x16xf32>,
        %swap3A_639 = vector.shape_cast %swap3A_638 : vector<1x1x16xf32> to vector<16xf32>
        %swap3A_640 = vector.shape_cast %mul3A_633 : vector<16xf32> to vector<1x1x16xf32>
        tpu.vector_store %arg11[%swap3A_635, %swap3A_636, %swap3A_637], %swap3A_640 {strides = array<i32>} : memref<2x128x128xf32, #tpu.memory_space<vmem>>, vector<1x1x16xf32>,
        %get3A_641 = arith.constant 1 : i32
        %get3A_642 = arith.index_cast %get3A_641 : i32 to index
        %get3A_643 = arith.index_cast %add3A_610 : i32 to index
        %get3A_644 = arith.constant 32 : index
        %get3A_645 = tpu.vector_load %arg11[%get3A_642, %get3A_643, %get3A_644] {strides = array<i32>} : memref<2x128x128xf32, #tpu.memory_space<vmem>>, vector<1x1x16xf32>,
        %get3A_646 = vector.shape_cast %get3A_645 : vector<1x1x16xf32> to vector<16xf32>
        %mul3A_647 = vector.broadcast %squeeze3A_606 : f32 to vector<16xf32>
        %mul3A_648 = arith.mulf %get3A_646, %mul3A_647 : vector<16xf32>
        %swap3A_649 = arith.constant 1 : i32
        %swap3A_650 = arith.index_cast %swap3A_649 : i32 to index
        %swap3A_651 = arith.index_cast %add3A_610 : i32 to index
        %swap3A_652 = arith.constant 32 : index
        %swap3A_653 = tpu.vector_load %arg11[%swap3A_650, %swap3A_651, %swap3A_652] {strides = array<i32>} : memref<2x128x128xf32, #tpu.memory_space<vmem>>, vector<1x1x16xf32>,
        %swap3A_654 = vector.shape_cast %swap3A_653 : vector<1x1x16xf32> to vector<16xf32>
        %swap3A_655 = vector.shape_cast %mul3A_648 : vector<16xf32> to vector<1x1x16xf32>
        tpu.vector_store %arg11[%swap3A_650, %swap3A_651, %swap3A_652], %swap3A_655 {strides = array<i32>} : memref<2x128x128xf32, #tpu.memory_space<vmem>>, vector<1x1x16xf32>,
        %get3A_656 = arith.constant 1 : i32
        %get3A_657 = arith.index_cast %get3A_656 : i32 to index
        %get3A_658 = arith.index_cast %add3A_610 : i32 to index
        %get3A_659 = arith.constant 48 : index
        %get3A_660 = tpu.vector_load %arg11[%get3A_657, %get3A_658, %get3A_659] {strides = array<i32>} : memref<2x128x128xf32, #tpu.memory_space<vmem>>, vector<1x1x16xf32>,
        %get3A_661 = vector.shape_cast %get3A_660 : vector<1x1x16xf32> to vector<16xf32>
        %mul3A_662 = vector.broadcast %squeeze3A_606 : f32 to vector<16xf32>
        %mul3A_663 = arith.mulf %get3A_661, %mul3A_662 : vector<16xf32>
        %swap3A_664 = arith.constant 1 : i32
        %swap3A_665 = arith.index_cast %swap3A_664 : i32 to index
        %swap3A_666 = arith.index_cast %add3A_610 : i32 to index
        %swap3A_667 = arith.constant 48 : index
        %swap3A_668 = tpu.vector_load %arg11[%swap3A_665, %swap3A_666, %swap3A_667] {strides = array<i32>} : memref<2x128x128xf32, #tpu.memory_space<vmem>>, vector<1x1x16xf32>,
        %swap3A_669 = vector.shape_cast %swap3A_668 : vector<1x1x16xf32> to vector<16xf32>
        %swap3A_670 = vector.shape_cast %mul3A_663 : vector<16xf32> to vector<1x1x16xf32>
        tpu.vector_store %arg11[%swap3A_665, %swap3A_666, %swap3A_667], %swap3A_670 {strides = array<i32>} : memref<2x128x128xf32, #tpu.memory_space<vmem>>, vector<1x1x16xf32>,
        %get3A_671 = arith.constant 1 : i32
        %get3A_672 = arith.index_cast %get3A_671 : i32 to index
        %get3A_673 = arith.index_cast %add3A_610 : i32 to index
        %get3A_674 = arith.constant 64 : index
        %get3A_675 = tpu.vector_load %arg11[%get3A_672, %get3A_673, %get3A_674] {strides = array<i32>} : memref<2x128x128xf32, #tpu.memory_space<vmem>>, vector<1x1x16xf32>,
        %get3A_676 = vector.shape_cast %get3A_675 : vector<1x1x16xf32> to vector<16xf32>
        %mul3A_677 = vector.broadcast %squeeze3A_606 : f32 to vector<16xf32>
        %mul3A_678 = arith.mulf %get3A_676, %mul3A_677 : vector<16xf32>
        %swap3A_679 = arith.constant 1 : i32
        %swap3A_680 = arith.index_cast %swap3A_679 : i32 to index
        %swap3A_681 = arith.index_cast %add3A_610 : i32 to index
        %swap3A_682 = arith.constant 64 : index
        %swap3A_683 = tpu.vector_load %arg11[%swap3A_680, %swap3A_681, %swap3A_682] {strides = array<i32>} : memref<2x128x128xf32, #tpu.memory_space<vmem>>, vector<1x1x16xf32>,
        %swap3A_684 = vector.shape_cast %swap3A_683 : vector<1x1x16xf32> to vector<16xf32>
        %swap3A_685 = vector.shape_cast %mul3A_678 : vector<16xf32> to vector<1x1x16xf32>
        tpu.vector_store %arg11[%swap3A_680, %swap3A_681, %swap3A_682], %swap3A_685 {strides = array<i32>} : memref<2x128x128xf32, #tpu.memory_space<vmem>>, vector<1x1x16xf32>,
        %get3A_686 = arith.constant 1 : i32
        %get3A_687 = arith.index_cast %get3A_686 : i32 to index
        %get3A_688 = arith.index_cast %add3A_610 : i32 to index
        %get3A_689 = arith.constant 80 : index
        %get3A_690 = tpu.vector_load %arg11[%get3A_687, %get3A_688, %get3A_689] {strides = array<i32>} : memref<2x128x128xf32, #tpu.memory_space<vmem>>, vector<1x1x16xf32>,
        %get3A_691 = vector.shape_cast %get3A_690 : vector<1x1x16xf32> to vector<16xf32>
        %mul3A_692 = vector.broadcast %squeeze3A_606 : f32 to vector<16xf32>
        %mul3A_693 = arith.mulf %get3A_691, %mul3A_692 : vector<16xf32>
        %swap3A_694 = arith.constant 1 : i32
        %swap3A_695 = arith.index_cast %swap3A_694 : i32 to index
        %swap3A_696 = arith.index_cast %add3A_610 : i32 to index
        %swap3A_697 = arith.constant 80 : index
        %swap3A_698 = tpu.vector_load %arg11[%swap3A_695, %swap3A_696, %swap3A_697] {strides = array<i32>} : memref<2x128x128xf32, #tpu.memory_space<vmem>>, vector<1x1x16xf32>,
        %swap3A_699 = vector.shape_cast %swap3A_698 : vector<1x1x16xf32> to vector<16xf32>
        %swap3A_700 = vector.shape_cast %mul3A_693 : vector<16xf32> to vector<1x1x16xf32>
        tpu.vector_store %arg11[%swap3A_695, %swap3A_696, %swap3A_697], %swap3A_700 {strides = array<i32>} : memref<2x128x128xf32, #tpu.memory_space<vmem>>, vector<1x1x16xf32>,
        %get3A_701 = arith.constant 1 : i32
        %get3A_702 = arith.index_cast %get3A_701 : i32 to index
        %get3A_703 = arith.index_cast %add3A_610 : i32 to index
        %get3A_704 = arith.constant 96 : index
        %get3A_705 = tpu.vector_load %arg11[%get3A_702, %get3A_703, %get3A_704] {strides = array<i32>} : memref<2x128x128xf32, #tpu.memory_space<vmem>>, vector<1x1x16xf32>,
        %get3A_706 = vector.shape_cast %get3A_705 : vector<1x1x16xf32> to vector<16xf32>
        %mul3A_707 = vector.broadcast %squeeze3A_606 : f32 to vector<16xf32>
        %mul3A_708 = arith.mulf %get3A_706, %mul3A_707 : vector<16xf32>
        %swap3A_709 = arith.constant 1 : i32
        %swap3A_710 = arith.index_cast %swap3A_709 : i32 to index
        %swap3A_711 = arith.index_cast %add3A_610 : i32 to index
        %swap3A_712 = arith.constant 96 : index
        %swap3A_713 = tpu.vector_load %arg11[%swap3A_710, %swap3A_711, %swap3A_712] {strides = array<i32>} : memref<2x128x128xf32, #tpu.memory_space<vmem>>, vector<1x1x16xf32>,
        %swap3A_714 = vector.shape_cast %swap3A_713 : vector<1x1x16xf32> to vector<16xf32>
        %swap3A_715 = vector.shape_cast %mul3A_708 : vector<16xf32> to vector<1x1x16xf32>
        tpu.vector_store %arg11[%swap3A_710, %swap3A_711, %swap3A_712], %swap3A_715 {strides = array<i32>} : memref<2x128x128xf32, #tpu.memory_space<vmem>>, vector<1x1x16xf32>,
        %get3A_716 = arith.constant 1 : i32
        %get3A_717 = arith.index_cast %get3A_716 : i32 to index
        %get3A_718 = arith.index_cast %add3A_610 : i32 to index
        %get3A_719 = arith.constant 112 : index
        %get3A_720 = tpu.vector_load %arg11[%get3A_717, %get3A_718, %get3A_719] {strides = array<i32>} : memref<2x128x128xf32, #tpu.memory_space<vmem>>, vector<1x1x16xf32>,
        %get3A_721 = vector.shape_cast %get3A_720 : vector<1x1x16xf32> to vector<16xf32>
        %mul3A_722 = vector.broadcast %squeeze3A_606 : f32 to vector<16xf32>
        %mul3A_723 = arith.mulf %get3A_721, %mul3A_722 : vector<16xf32>
        %swap3A_724 = arith.constant 1 : i32
        %swap3A_725 = arith.index_cast %swap3A_724 : i32 to index
        %swap3A_726 = arith.index_cast %add3A_610 : i32 to index
        %swap3A_727 = arith.constant 112 : index
        %swap3A_728 = tpu.vector_load %arg11[%swap3A_725, %swap3A_726, %swap3A_727] {strides = array<i32>} : memref<2x128x128xf32, #tpu.memory_space<vmem>>, vector<1x1x16xf32>,
        %swap3A_729 = vector.shape_cast %swap3A_728 : vector<1x1x16xf32> to vector<16xf32>
        %swap3A_730 = vector.shape_cast %mul3A_723 : vector<16xf32> to vector<1x1x16xf32>
        tpu.vector_store %arg11[%swap3A_725, %swap3A_726, %swap3A_727], %swap3A_730 {strides = array<i32>} : memref<2x128x128xf32, #tpu.memory_space<vmem>>, vector<1x1x16xf32>,
        %slice3A_731 = vector.extract_strided_slice %get3A_229 {offsets = [4], sizes = [1], strides = [1]} : vector<16xf32> to vector<1xf32>
        %squeeze3A_732 = vector.extract %slice3A_731[0] : f32 from vector<1xf32>
        %mul3A_733 = arith.constant 16 : i32
        %mul3A_734 = arith.muli %scan3A_223, %mul3A_733 : i32
        %add3A_735 = arith.constant 4 : i32
        %add3A_736 = arith.addi %mul3A_734, %add3A_735 : i32
        %get3A_737 = arith.constant 1 : i32
        %get3A_738 = arith.index_cast %get3A_737 : i32 to index
        %get3A_739 = arith.index_cast %add3A_736 : i32 to index
        %get3A_740 = arith.constant 0 : index
        %get3A_741 = tpu.vector_load %arg11[%get3A_738, %get3A_739, %get3A_740] {strides = array<i32>} : memref<2x128x128xf32, #tpu.memory_space<vmem>>, vector<1x1x16xf32>,
        %get3A_742 = vector.shape_cast %get3A_741 : vector<1x1x16xf32> to vector<16xf32>
        %mul3A_743 = vector.broadcast %squeeze3A_732 : f32 to vector<16xf32>
        %mul3A_744 = arith.mulf %get3A_742, %mul3A_743 : vector<16xf32>
        %swap3A_745 = arith.constant 1 : i32
        %swap3A_746 = arith.index_cast %swap3A_745 : i32 to index
        %swap3A_747 = arith.index_cast %add3A_736 : i32 to index
        %swap3A_748 = arith.constant 0 : index
        %swap3A_749 = tpu.vector_load %arg11[%swap3A_746, %swap3A_747, %swap3A_748] {strides = array<i32>} : memref<2x128x128xf32, #tpu.memory_space<vmem>>, vector<1x1x16xf32>,
        %swap3A_750 = vector.shape_cast %swap3A_749 : vector<1x1x16xf32> to vector<16xf32>
        %swap3A_751 = vector.shape_cast %mul3A_744 : vector<16xf32> to vector<1x1x16xf32>
        tpu.vector_store %arg11[%swap3A_746, %swap3A_747, %swap3A_748], %swap3A_751 {strides = array<i32>} : memref<2x128x128xf32, #tpu.memory_space<vmem>>, vector<1x1x16xf32>,
        %get3A_752 = arith.constant 1 : i32
        %get3A_753 = arith.index_cast %get3A_752 : i32 to index
        %get3A_754 = arith.index_cast %add3A_736 : i32 to index
        %get3A_755 = arith.constant 16 : index
        %get3A_756 = tpu.vector_load %arg11[%get3A_753, %get3A_754, %get3A_755] {strides = array<i32>} : memref<2x128x128xf32, #tpu.memory_space<vmem>>, vector<1x1x16xf32>,
        %get3A_757 = vector.shape_cast %get3A_756 : vector<1x1x16xf32> to vector<16xf32>
        %mul3A_758 = vector.broadcast %squeeze3A_732 : f32 to vector<16xf32>
        %mul3A_759 = arith.mulf %get3A_757, %mul3A_758 : vector<16xf32>
        %swap3A_760 = arith.constant 1 : i32
        %swap3A_761 = arith.index_cast %swap3A_760 : i32 to index
        %swap3A_762 = arith.index_cast %add3A_736 : i32 to index
        %swap3A_763 = arith.constant 16 : index
        %swap3A_764 = tpu.vector_load %arg11[%swap3A_761, %swap3A_762, %swap3A_763] {strides = array<i32>} : memref<2x128x128xf32, #tpu.memory_space<vmem>>, vector<1x1x16xf32>,
        %swap3A_765 = vector.shape_cast %swap3A_764 : vector<1x1x16xf32> to vector<16xf32>
        %swap3A_766 = vector.shape_cast %mul3A_759 : vector<16xf32> to vector<1x1x16xf32>
        tpu.vector_store %arg11[%swap3A_761, %swap3A_762, %swap3A_763], %swap3A_766 {strides = array<i32>} : memref<2x128x128xf32, #tpu.memory_space<vmem>>, vector<1x1x16xf32>,
        %get3A_767 = arith.constant 1 : i32
        %get3A_768 = arith.index_cast %get3A_767 : i32 to index
        %get3A_769 = arith.index_cast %add3A_736 : i32 to index
        %get3A_770 = arith.constant 32 : index
        %get3A_771 = tpu.vector_load %arg11[%get3A_768, %get3A_769, %get3A_770] {strides = array<i32>} : memref<2x128x128xf32, #tpu.memory_space<vmem>>, vector<1x1x16xf32>,
        %get3A_772 = vector.shape_cast %get3A_771 : vector<1x1x16xf32> to vector<16xf32>
        %mul3A_773 = vector.broadcast %squeeze3A_732 : f32 to vector<16xf32>
        %mul3A_774 = arith.mulf %get3A_772, %mul3A_773 : vector<16xf32>
        %swap3A_775 = arith.constant 1 : i32
        %swap3A_776 = arith.index_cast %swap3A_775 : i32 to index
        %swap3A_777 = arith.index_cast %add3A_736 : i32 to index
        %swap3A_778 = arith.constant 32 : index
        %swap3A_779 = tpu.vector_load %arg11[%swap3A_776, %swap3A_777, %swap3A_778] {strides = array<i32>} : memref<2x128x128xf32, #tpu.memory_space<vmem>>, vector<1x1x16xf32>,
        %swap3A_780 = vector.shape_cast %swap3A_779 : vector<1x1x16xf32> to vector<16xf32>
        %swap3A_781 = vector.shape_cast %mul3A_774 : vector<16xf32> to vector<1x1x16xf32>
        tpu.vector_store %arg11[%swap3A_776, %swap3A_777, %swap3A_778], %swap3A_781 {strides = array<i32>} : memref<2x128x128xf32, #tpu.memory_space<vmem>>, vector<1x1x16xf32>,
        %get3A_782 = arith.constant 1 : i32
        %get3A_783 = arith.index_cast %get3A_782 : i32 to index
        %get3A_784 = arith.index_cast %add3A_736 : i32 to index
        %get3A_785 = arith.constant 48 : index
        %get3A_786 = tpu.vector_load %arg11[%get3A_783, %get3A_784, %get3A_785] {strides = array<i32>} : memref<2x128x128xf32, #tpu.memory_space<vmem>>, vector<1x1x16xf32>,
        %get3A_787 = vector.shape_cast %get3A_786 : vector<1x1x16xf32> to vector<16xf32>
        %mul3A_788 = vector.broadcast %squeeze3A_732 : f32 to vector<16xf32>
        %mul3A_789 = arith.mulf %get3A_787, %mul3A_788 : vector<16xf32>
        %swap3A_790 = arith.constant 1 : i32
        %swap3A_791 = arith.index_cast %swap3A_790 : i32 to index
        %swap3A_792 = arith.index_cast %add3A_736 : i32 to index
        %swap3A_793 = arith.constant 48 : index
        %swap3A_794 = tpu.vector_load %arg11[%swap3A_791, %swap3A_792, %swap3A_793] {strides = array<i32>} : memref<2x128x128xf32, #tpu.memory_space<vmem>>, vector<1x1x16xf32>,
        %swap3A_795 = vector.shape_cast %swap3A_794 : vector<1x1x16xf32> to vector<16xf32>
        %swap3A_796 = vector.shape_cast %mul3A_789 : vector<16xf32> to vector<1x1x16xf32>
        tpu.vector_store %arg11[%swap3A_791, %swap3A_792, %swap3A_793], %swap3A_796 {strides = array<i32>} : memref<2x128x128xf32, #tpu.memory_space<vmem>>, vector<1x1x16xf32>,
        %get3A_797 = arith.constant 1 : i32
        %get3A_798 = arith.index_cast %get3A_797 : i32 to index
        %get3A_799 = arith.index_cast %add3A_736 : i32 to index
        %get3A_800 = arith.constant 64 : index
        %get3A_801 = tpu.vector_load %arg11[%get3A_798, %get3A_799, %get3A_800] {strides = array<i32>} : memref<2x128x128xf32, #tpu.memory_space<vmem>>, vector<1x1x16xf32>,
        %get3A_802 = vector.shape_cast %get3A_801 : vector<1x1x16xf32> to vector<16xf32>
        %mul3A_803 = vector.broadcast %squeeze3A_732 : f32 to vector<16xf32>
        %mul3A_804 = arith.mulf %get3A_802, %mul3A_803 : vector<16xf32>
        %swap3A_805 = arith.constant 1 : i32
        %swap3A_806 = arith.index_cast %swap3A_805 : i32 to index
        %swap3A_807 = arith.index_cast %add3A_736 : i32 to index
        %swap3A_808 = arith.constant 64 : index
        %swap3A_809 = tpu.vector_load %arg11[%swap3A_806, %swap3A_807, %swap3A_808] {strides = array<i32>} : memref<2x128x128xf32, #tpu.memory_space<vmem>>, vector<1x1x16xf32>,
        %swap3A_810 = vector.shape_cast %swap3A_809 : vector<1x1x16xf32> to vector<16xf32>
        %swap3A_811 = vector.shape_cast %mul3A_804 : vector<16xf32> to vector<1x1x16xf32>
        tpu.vector_store %arg11[%swap3A_806, %swap3A_807, %swap3A_808], %swap3A_811 {strides = array<i32>} : memref<2x128x128xf32, #tpu.memory_space<vmem>>, vector<1x1x16xf32>,
        %get3A_812 = arith.constant 1 : i32
        %get3A_813 = arith.index_cast %get3A_812 : i32 to index
        %get3A_814 = arith.index_cast %add3A_736 : i32 to index
        %get3A_815 = arith.constant 80 : index
        %get3A_816 = tpu.vector_load %arg11[%get3A_813, %get3A_814, %get3A_815] {strides = array<i32>} : memref<2x128x128xf32, #tpu.memory_space<vmem>>, vector<1x1x16xf32>,
        %get3A_817 = vector.shape_cast %get3A_816 : vector<1x1x16xf32> to vector<16xf32>
        %mul3A_818 = vector.broadcast %squeeze3A_732 : f32 to vector<16xf32>
        %mul3A_819 = arith.mulf %get3A_817, %mul3A_818 : vector<16xf32>
        %swap3A_820 = arith.constant 1 : i32
        %swap3A_821 = arith.index_cast %swap3A_820 : i32 to index
        %swap3A_822 = arith.index_cast %add3A_736 : i32 to index
        %swap3A_823 = arith.constant 80 : index
        %swap3A_824 = tpu.vector_load %arg11[%swap3A_821, %swap3A_822, %swap3A_823] {strides = array<i32>} : memref<2x128x128xf32, #tpu.memory_space<vmem>>, vector<1x1x16xf32>,
        %swap3A_825 = vector.shape_cast %swap3A_824 : vector<1x1x16xf32> to vector<16xf32>
        %swap3A_826 = vector.shape_cast %mul3A_819 : vector<16xf32> to vector<1x1x16xf32>
        tpu.vector_store %arg11[%swap3A_821, %swap3A_822, %swap3A_823], %swap3A_826 {strides = array<i32>} : memref<2x128x128xf32, #tpu.memory_space<vmem>>, vector<1x1x16xf32>,
        %get3A_827 = arith.constant 1 : i32
        %get3A_828 = arith.index_cast %get3A_827 : i32 to index
        %get3A_829 = arith.index_cast %add3A_736 : i32 to index
        %get3A_830 = arith.constant 96 : index
        %get3A_831 = tpu.vector_load %arg11[%get3A_828, %get3A_829, %get3A_830] {strides = array<i32>} : memref<2x128x128xf32, #tpu.memory_space<vmem>>, vector<1x1x16xf32>,
        %get3A_832 = vector.shape_cast %get3A_831 : vector<1x1x16xf32> to vector<16xf32>
        %mul3A_833 = vector.broadcast %squeeze3A_732 : f32 to vector<16xf32>
        %mul3A_834 = arith.mulf %get3A_832, %mul3A_833 : vector<16xf32>
        %swap3A_835 = arith.constant 1 : i32
        %swap3A_836 = arith.index_cast %swap3A_835 : i32 to index
        %swap3A_837 = arith.index_cast %add3A_736 : i32 to index
        %swap3A_838 = arith.constant 96 : index
        %swap3A_839 = tpu.vector_load %arg11[%swap3A_836, %swap3A_837, %swap3A_838] {strides = array<i32>} : memref<2x128x128xf32, #tpu.memory_space<vmem>>, vector<1x1x16xf32>,
        %swap3A_840 = vector.shape_cast %swap3A_839 : vector<1x1x16xf32> to vector<16xf32>
        %swap3A_841 = vector.shape_cast %mul3A_834 : vector<16xf32> to vector<1x1x16xf32>
        tpu.vector_store %arg11[%swap3A_836, %swap3A_837, %swap3A_838], %swap3A_841 {strides = array<i32>} : memref<2x128x128xf32, #tpu.memory_space<vmem>>, vector<1x1x16xf32>,
        %get3A_842 = arith.constant 1 : i32
        %get3A_843 = arith.index_cast %get3A_842 : i32 to index
        %get3A_844 = arith.index_cast %add3A_736 : i32 to index
        %get3A_845 = arith.constant 112 : index
        %get3A_846 = tpu.vector_load %arg11[%get3A_843, %get3A_844, %get3A_845] {strides = array<i32>} : memref<2x128x128xf32, #tpu.memory_space<vmem>>, vector<1x1x16xf32>,
        %get3A_847 = vector.shape_cast %get3A_846 : vector<1x1x16xf32> to vector<16xf32>
        %mul3A_848 = vector.broadcast %squeeze3A_732 : f32 to vector<16xf32>
        %mul3A_849 = arith.mulf %get3A_847, %mul3A_848 : vector<16xf32>
        %swap3A_850 = arith.constant 1 : i32
        %swap3A_851 = arith.index_cast %swap3A_850 : i32 to index
        %swap3A_852 = arith.index_cast %add3A_736 : i32 to index
        %swap3A_853 = arith.constant 112 : index
        %swap3A_854 = tpu.vector_load %arg11[%swap3A_851, %swap3A_852, %swap3A_853] {strides = array<i32>} : memref<2x128x128xf32, #tpu.memory_space<vmem>>, vector<1x1x16xf32>,
        %swap3A_855 = vector.shape_cast %swap3A_854 : vector<1x1x16xf32> to vector<16xf32>
        %swap3A_856 = vector.shape_cast %mul3A_849 : vector<16xf32> to vector<1x1x16xf32>
        tpu.vector_store %arg11[%swap3A_851, %swap3A_852, %swap3A_853], %swap3A_856 {strides = array<i32>} : memref<2x128x128xf32, #tpu.memory_space<vmem>>, vector<1x1x16xf32>,
        %slice3A_857 = vector.extract_strided_slice %get3A_229 {offsets = [5], sizes = [1], strides = [1]} : vector<16xf32> to vector<1xf32>
        %squeeze3A_858 = vector.extract %slice3A_857[0] : f32 from vector<1xf32>
        %mul3A_859 = arith.constant 16 : i32
        %mul3A_860 = arith.muli %scan3A_223, %mul3A_859 : i32
        %add3A_861 = arith.constant 5 : i32
        %add3A_862 = arith.addi %mul3A_860, %add3A_861 : i32
        %get3A_863 = arith.constant 1 : i32
        %get3A_864 = arith.index_cast %get3A_863 : i32 to index
        %get3A_865 = arith.index_cast %add3A_862 : i32 to index
        %get3A_866 = arith.constant 0 : index
        %get3A_867 = tpu.vector_load %arg11[%get3A_864, %get3A_865, %get3A_866] {strides = array<i32>} : memref<2x128x128xf32, #tpu.memory_space<vmem>>, vector<1x1x16xf32>,
        %get3A_868 = vector.shape_cast %get3A_867 : vector<1x1x16xf32> to vector<16xf32>
        %mul3A_869 = vector.broadcast %squeeze3A_858 : f32 to vector<16xf32>
        %mul3A_870 = arith.mulf %get3A_868, %mul3A_869 : vector<16xf32>
        %swap3A_871 = arith.constant 1 : i32
        %swap3A_872 = arith.index_cast %swap3A_871 : i32 to index
        %swap3A_873 = arith.index_cast %add3A_862 : i32 to index
        %swap3A_874 = arith.constant 0 : index
        %swap3A_875 = tpu.vector_load %arg11[%swap3A_872, %swap3A_873, %swap3A_874] {strides = array<i32>} : memref<2x128x128xf32, #tpu.memory_space<vmem>>, vector<1x1x16xf32>,
        %swap3A_876 = vector.shape_cast %swap3A_875 : vector<1x1x16xf32> to vector<16xf32>
        %swap3A_877 = vector.shape_cast %mul3A_870 : vector<16xf32> to vector<1x1x16xf32>
        tpu.vector_store %arg11[%swap3A_872, %swap3A_873, %swap3A_874], %swap3A_877 {strides = array<i32>} : memref<2x128x128xf32, #tpu.memory_space<vmem>>, vector<1x1x16xf32>,
        %get3A_878 = arith.constant 1 : i32
        %get3A_879 = arith.index_cast %get3A_878 : i32 to index
        %get3A_880 = arith.index_cast %add3A_862 : i32 to index
        %get3A_881 = arith.constant 16 : index
        %get3A_882 = tpu.vector_load %arg11[%get3A_879, %get3A_880, %get3A_881] {strides = array<i32>} : memref<2x128x128xf32, #tpu.memory_space<vmem>>, vector<1x1x16xf32>,
        %get3A_883 = vector.shape_cast %get3A_882 : vector<1x1x16xf32> to vector<16xf32>
        %mul3A_884 = vector.broadcast %squeeze3A_858 : f32 to vector<16xf32>
        %mul3A_885 = arith.mulf %get3A_883, %mul3A_884 : vector<16xf32>
        %swap3A_886 = arith.constant 1 : i32
        %swap3A_887 = arith.index_cast %swap3A_886 : i32 to index
        %swap3A_888 = arith.index_cast %add3A_862 : i32 to index
        %swap3A_889 = arith.constant 16 : index
        %swap3A_890 = tpu.vector_load %arg11[%swap3A_887, %swap3A_888, %swap3A_889] {strides = array<i32>} : memref<2x128x128xf32, #tpu.memory_space<vmem>>, vector<1x1x16xf32>,
        %swap3A_891 = vector.shape_cast %swap3A_890 : vector<1x1x16xf32> to vector<16xf32>
        %swap3A_892 = vector.shape_cast %mul3A_885 : vector<16xf32> to vector<1x1x16xf32>
        tpu.vector_store %arg11[%swap3A_887, %swap3A_888, %swap3A_889], %swap3A_892 {strides = array<i32>} : memref<2x128x128xf32, #tpu.memory_space<vmem>>, vector<1x1x16xf32>,
        %get3A_893 = arith.constant 1 : i32
        %get3A_894 = arith.index_cast %get3A_893 : i32 to index
        %get3A_895 = arith.index_cast %add3A_862 : i32 to index
        %get3A_896 = arith.constant 32 : index
        %get3A_897 = tpu.vector_load %arg11[%get3A_894, %get3A_895, %get3A_896] {strides = array<i32>} : memref<2x128x128xf32, #tpu.memory_space<vmem>>, vector<1x1x16xf32>,
        %get3A_898 = vector.shape_cast %get3A_897 : vector<1x1x16xf32> to vector<16xf32>
        %mul3A_899 = vector.broadcast %squeeze3A_858 : f32 to vector<16xf32>
        %mul3A_900 = arith.mulf %get3A_898, %mul3A_899 : vector<16xf32>
        %swap3A_901 = arith.constant 1 : i32
        %swap3A_902 = arith.index_cast %swap3A_901 : i32 to index
        %swap3A_903 = arith.index_cast %add3A_862 : i32 to index
        %swap3A_904 = arith.constant 32 : index
        %swap3A_905 = tpu.vector_load %arg11[%swap3A_902, %swap3A_903, %swap3A_904] {strides = array<i32>} : memref<2x128x128xf32, #tpu.memory_space<vmem>>, vector<1x1x16xf32>,
        %swap3A_906 = vector.shape_cast %swap3A_905 : vector<1x1x16xf32> to vector<16xf32>
        %swap3A_907 = vector.shape_cast %mul3A_900 : vector<16xf32> to vector<1x1x16xf32>
        tpu.vector_store %arg11[%swap3A_902, %swap3A_903, %swap3A_904], %swap3A_907 {strides = array<i32>} : memref<2x128x128xf32, #tpu.memory_space<vmem>>, vector<1x1x16xf32>,
        %get3A_908 = arith.constant 1 : i32
        %get3A_909 = arith.index_cast %get3A_908 : i32 to index
        %get3A_910 = arith.index_cast %add3A_862 : i32 to index
        %get3A_911 = arith.constant 48 : index
        %get3A_912 = tpu.vector_load %arg11[%get3A_909, %get3A_910, %get3A_911] {strides = array<i32>} : memref<2x128x128xf32, #tpu.memory_space<vmem>>, vector<1x1x16xf32>,
        %get3A_913 = vector.shape_cast %get3A_912 : vector<1x1x16xf32> to vector<16xf32>
        %mul3A_914 = vector.broadcast %squeeze3A_858 : f32 to vector<16xf32>
        %mul3A_915 = arith.mulf %get3A_913, %mul3A_914 : vector<16xf32>
        %swap3A_916 = arith.constant 1 : i32
        %swap3A_917 = arith.index_cast %swap3A_916 : i32 to index
        %swap3A_918 = arith.index_cast %add3A_862 : i32 to index
        %swap3A_919 = arith.constant 48 : index
        %swap3A_920 = tpu.vector_load %arg11[%swap3A_917, %swap3A_918, %swap3A_919] {strides = array<i32>} : memref<2x128x128xf32, #tpu.memory_space<vmem>>, vector<1x1x16xf32>,
        %swap3A_921 = vector.shape_cast %swap3A_920 : vector<1x1x16xf32> to vector<16xf32>
        %swap3A_922 = vector.shape_cast %mul3A_915 : vector<16xf32> to vector<1x1x16xf32>
        tpu.vector_store %arg11[%swap3A_917, %swap3A_918, %swap3A_919], %swap3A_922 {strides = array<i32>} : memref<2x128x128xf32, #tpu.memory_space<vmem>>, vector<1x1x16xf32>,
        %get3A_923 = arith.constant 1 : i32
        %get3A_924 = arith.index_cast %get3A_923 : i32 to index
        %get3A_925 = arith.index_cast %add3A_862 : i32 to index
        %get3A_926 = arith.constant 64 : index
        %get3A_927 = tpu.vector_load %arg11[%get3A_924, %get3A_925, %get3A_926] {strides = array<i32>} : memref<2x128x128xf32, #tpu.memory_space<vmem>>, vector<1x1x16xf32>,
        %get3A_928 = vector.shape_cast %get3A_927 : vector<1x1x16xf32> to vector<16xf32>
        %mul3A_929 = vector.broadcast %squeeze3A_858 : f32 to vector<16xf32>
        %mul3A_930 = arith.mulf %get3A_928, %mul3A_929 : vector<16xf32>
        %swap3A_931 = arith.constant 1 : i32
        %swap3A_932 = arith.index_cast %swap3A_931 : i32 to index
        %swap3A_933 = arith.index_cast %add3A_862 : i32 to index
        %swap3A_934 = arith.constant 64 : index
        %swap3A_935 = tpu.vector_load %arg11[%swap3A_932, %swap3A_933, %swap3A_934] {strides = array<i32>} : memref<2x128x128xf32, #tpu.memory_space<vmem>>, vector<1x1x16xf32>,
        %swap3A_936 = vector.shape_cast %swap3A_935 : vector<1x1x16xf32> to vector<16xf32>
        %swap3A_937 = vector.shape_cast %mul3A_930 : vector<16xf32> to vector<1x1x16xf32>
        tpu.vector_store %arg11[%swap3A_932, %swap3A_933, %swap3A_934], %swap3A_937 {strides = array<i32>} : memref<2x128x128xf32, #tpu.memory_space<vmem>>, vector<1x1x16xf32>,
        %get3A_938 = arith.constant 1 : i32
        %get3A_939 = arith.index_cast %get3A_938 : i32 to index
        %get3A_940 = arith.index_cast %add3A_862 : i32 to index
        %get3A_941 = arith.constant 80 : index
        %get3A_942 = tpu.vector_load %arg11[%get3A_939, %get3A_940, %get3A_941] {strides = array<i32>} : memref<2x128x128xf32, #tpu.memory_space<vmem>>, vector<1x1x16xf32>,
        %get3A_943 = vector.shape_cast %get3A_942 : vector<1x1x16xf32> to vector<16xf32>
        %mul3A_944 = vector.broadcast %squeeze3A_858 : f32 to vector<16xf32>
        %mul3A_945 = arith.mulf %get3A_943, %mul3A_944 : vector<16xf32>
        %swap3A_946 = arith.constant 1 : i32
        %swap3A_947 = arith.index_cast %swap3A_946 : i32 to index
        %swap3A_948 = arith.index_cast %add3A_862 : i32 to index
        %swap3A_949 = arith.constant 80 : index
        %swap3A_950 = tpu.vector_load %arg11[%swap3A_947, %swap3A_948, %swap3A_949] {strides = array<i32>} : memref<2x128x128xf32, #tpu.memory_space<vmem>>, vector<1x1x16xf32>,
        %swap3A_951 = vector.shape_cast %swap3A_950 : vector<1x1x16xf32> to vector<16xf32>
        %swap3A_952 = vector.shape_cast %mul3A_945 : vector<16xf32> to vector<1x1x16xf32>
        tpu.vector_store %arg11[%swap3A_947, %swap3A_948, %swap3A_949], %swap3A_952 {strides = array<i32>} : memref<2x128x128xf32, #tpu.memory_space<vmem>>, vector<1x1x16xf32>,
        %get3A_953 = arith.constant 1 : i32
        %get3A_954 = arith.index_cast %get3A_953 : i32 to index
        %get3A_955 = arith.index_cast %add3A_862 : i32 to index
        %get3A_956 = arith.constant 96 : index
        %get3A_957 = tpu.vector_load %arg11[%get3A_954, %get3A_955, %get3A_956] {strides = array<i32>} : memref<2x128x128xf32, #tpu.memory_space<vmem>>, vector<1x1x16xf32>,
        %get3A_958 = vector.shape_cast %get3A_957 : vector<1x1x16xf32> to vector<16xf32>
        %mul3A_959 = vector.broadcast %squeeze3A_858 : f32 to vector<16xf32>
        %mul3A_960 = arith.mulf %get3A_958, %mul3A_959 : vector<16xf32>
        %swap3A_961 = arith.constant 1 : i32
        %swap3A_962 = arith.index_cast %swap3A_961 : i32 to index
        %swap3A_963 = arith.index_cast %add3A_862 : i32 to index
        %swap3A_964 = arith.constant 96 : index
        %swap3A_965 = tpu.vector_load %arg11[%swap3A_962, %swap3A_963, %swap3A_964] {strides = array<i32>} : memref<2x128x128xf32, #tpu.memory_space<vmem>>, vector<1x1x16xf32>,
        %swap3A_966 = vector.shape_cast %swap3A_965 : vector<1x1x16xf32> to vector<16xf32>
        %swap3A_967 = vector.shape_cast %mul3A_960 : vector<16xf32> to vector<1x1x16xf32>
        tpu.vector_store %arg11[%swap3A_962, %swap3A_963, %swap3A_964], %swap3A_967 {strides = array<i32>} : memref<2x128x128xf32, #tpu.memory_space<vmem>>, vector<1x1x16xf32>,
        %get3A_968 = arith.constant 1 : i32
        %get3A_969 = arith.index_cast %get3A_968 : i32 to index
        %get3A_970 = arith.index_cast %add3A_862 : i32 to index
        %get3A_971 = arith.constant 112 : index
        %get3A_972 = tpu.vector_load %arg11[%get3A_969, %get3A_970, %get3A_971] {strides = array<i32>} : memref<2x128x128xf32, #tpu.memory_space<vmem>>, vector<1x1x16xf32>,
        %get3A_973 = vector.shape_cast %get3A_972 : vector<1x1x16xf32> to vector<16xf32>
        %mul3A_974 = vector.broadcast %squeeze3A_858 : f32 to vector<16xf32>
        %mul3A_975 = arith.mulf %get3A_973, %mul3A_974 : vector<16xf32>
        %swap3A_976 = arith.constant 1 : i32
        %swap3A_977 = arith.index_cast %swap3A_976 : i32 to index
        %swap3A_978 = arith.index_cast %add3A_862 : i32 to index
        %swap3A_979 = arith.constant 112 : index
        %swap3A_980 = tpu.vector_load %arg11[%swap3A_977, %swap3A_978, %swap3A_979] {strides = array<i32>} : memref<2x128x128xf32, #tpu.memory_space<vmem>>, vector<1x1x16xf32>,
        %swap3A_981 = vector.shape_cast %swap3A_980 : vector<1x1x16xf32> to vector<16xf32>
        %swap3A_982 = vector.shape_cast %mul3A_975 : vector<16xf32> to vector<1x1x16xf32>
        tpu.vector_store %arg11[%swap3A_977, %swap3A_978, %swap3A_979], %swap3A_982 {strides = array<i32>} : memref<2x128x128xf32, #tpu.memory_space<vmem>>, vector<1x1x16xf32>,
        %slice3A_983 = vector.extract_strided_slice %get3A_229 {offsets = [6], sizes = [1], strides = [1]} : vector<16xf32> to vector<1xf32>
        %squeeze3A_984 = vector.extract %slice3A_983[0] : f32 from vector<1xf32>
        %mul3A_985 = arith.constant 16 : i32
        %mul3A_986 = arith.muli %scan3A_223, %mul3A_985 : i32
        %add3A_987 = arith.constant 6 : i32
        %add3A_988 = arith.addi %mul3A_986, %add3A_987 : i32
        %get3A_989 = arith.constant 1 : i32
        %get3A_990 = arith.index_cast %get3A_989 : i32 to index
        %get3A_991 = arith.index_cast %add3A_988 : i32 to index
        %get3A_992 = arith.constant 0 : index
        %get3A_993 = tpu.vector_load %arg11[%get3A_990, %get3A_991, %get3A_992] {strides = array<i32>} : memref<2x128x128xf32, #tpu.memory_space<vmem>>, vector<1x1x16xf32>,
        %get3A_994 = vector.shape_cast %get3A_993 : vector<1x1x16xf32> to vector<16xf32>
        %mul3A_995 = vector.broadcast %squeeze3A_984 : f32 to vector<16xf32>
        %mul3A_996 = arith.mulf %get3A_994, %mul3A_995 : vector<16xf32>
        %swap3A_997 = arith.constant 1 : i32
        %swap3A_998 = arith.index_cast %swap3A_997 : i32 to index
        %swap3A_999 = arith.index_cast %add3A_988 : i32 to index
        %swap3A_1000 = arith.constant 0 : index
        %swap3A_1001 = tpu.vector_load %arg11[%swap3A_998, %swap3A_999, %swap3A_1000] {strides = array<i32>} : memref<2x128x128xf32, #tpu.memory_space<vmem>>, vector<1x1x16xf32>,
        %swap3A_1002 = vector.shape_cast %swap3A_1001 : vector<1x1x16xf32> to vector<16xf32>
        %swap3A_1003 = vector.shape_cast %mul3A_996 : vector<16xf32> to vector<1x1x16xf32>
        tpu.vector_store %arg11[%swap3A_998, %swap3A_999, %swap3A_1000], %swap3A_1003 {strides = array<i32>} : memref<2x128x128xf32, #tpu.memory_space<vmem>>, vector<1x1x16xf32>,
        %get3A_1004 = arith.constant 1 : i32
        %get3A_1005 = arith.index_cast %get3A_1004 : i32 to index
        %get3A_1006 = arith.index_cast %add3A_988 : i32 to index
        %get3A_1007 = arith.constant 16 : index
        %get3A_1008 = tpu.vector_load %arg11[%get3A_1005, %get3A_1006, %get3A_1007] {strides = array<i32>} : memref<2x128x128xf32, #tpu.memory_space<vmem>>, vector<1x1x16xf32>,
        %get3A_1009 = vector.shape_cast %get3A_1008 : vector<1x1x16xf32> to vector<16xf32>
        %mul3A_1010 = vector.broadcast %squeeze3A_984 : f32 to vector<16xf32>
        %mul3A_1011 = arith.mulf %get3A_1009, %mul3A_1010 : vector<16xf32>
        %swap3A_1012 = arith.constant 1 : i32
        %swap3A_1013 = arith.index_cast %swap3A_1012 : i32 to index
        %swap3A_1014 = arith.index_cast %add3A_988 : i32 to index
        %swap3A_1015 = arith.constant 16 : index
        %swap3A_1016 = tpu.vector_load %arg11[%swap3A_1013, %swap3A_1014, %swap3A_1015] {strides = array<i32>} : memref<2x128x128xf32, #tpu.memory_space<vmem>>, vector<1x1x16xf32>,
        %swap3A_1017 = vector.shape_cast %swap3A_1016 : vector<1x1x16xf32> to vector<16xf32>
        %swap3A_1018 = vector.shape_cast %mul3A_1011 : vector<16xf32> to vector<1x1x16xf32>
        tpu.vector_store %arg11[%swap3A_1013, %swap3A_1014, %swap3A_1015], %swap3A_1018 {strides = array<i32>} : memref<2x128x128xf32, #tpu.memory_space<vmem>>, vector<1x1x16xf32>,
        %get3A_1019 = arith.constant 1 : i32
        %get3A_1020 = arith.index_cast %get3A_1019 : i32 to index
        %get3A_1021 = arith.index_cast %add3A_988 : i32 to index
        %get3A_1022 = arith.constant 32 : index
        %get3A_1023 = tpu.vector_load %arg11[%get3A_1020, %get3A_1021, %get3A_1022] {strides = array<i32>} : memref<2x128x128xf32, #tpu.memory_space<vmem>>, vector<1x1x16xf32>,
        %get3A_1024 = vector.shape_cast %get3A_1023 : vector<1x1x16xf32> to vector<16xf32>
        %mul3A_1025 = vector.broadcast %squeeze3A_984 : f32 to vector<16xf32>
        %mul3A_1026 = arith.mulf %get3A_1024, %mul3A_1025 : vector<16xf32>
        %swap3A_1027 = arith.constant 1 : i32
        %swap3A_1028 = arith.index_cast %swap3A_1027 : i32 to index
        %swap3A_1029 = arith.index_cast %add3A_988 : i32 to index
        %swap3A_1030 = arith.constant 32 : index
        %swap3A_1031 = tpu.vector_load %arg11[%swap3A_1028, %swap3A_1029, %swap3A_1030] {strides = array<i32>} : memref<2x128x128xf32, #tpu.memory_space<vmem>>, vector<1x1x16xf32>,
        %swap3A_1032 = vector.shape_cast %swap3A_1031 : vector<1x1x16xf32> to vector<16xf32>
        %swap3A_1033 = vector.shape_cast %mul3A_1026 : vector<16xf32> to vector<1x1x16xf32>
        tpu.vector_store %arg11[%swap3A_1028, %swap3A_1029, %swap3A_1030], %swap3A_1033 {strides = array<i32>} : memref<2x128x128xf32, #tpu.memory_space<vmem>>, vector<1x1x16xf32>,
        %get3A_1034 = arith.constant 1 : i32
        %get3A_1035 = arith.index_cast %get3A_1034 : i32 to index
        %get3A_1036 = arith.index_cast %add3A_988 : i32 to index
        %get3A_1037 = arith.constant 48 : index
        %get3A_1038 = tpu.vector_load %arg11[%get3A_1035, %get3A_1036, %get3A_1037] {strides = array<i32>} : memref<2x128x128xf32, #tpu.memory_space<vmem>>, vector<1x1x16xf32>,
        %get3A_1039 = vector.shape_cast %get3A_1038 : vector<1x1x16xf32> to vector<16xf32>
        %mul3A_1040 = vector.broadcast %squeeze3A_984 : f32 to vector<16xf32>
        %mul3A_1041 = arith.mulf %get3A_1039, %mul3A_1040 : vector<16xf32>
        %swap3A_1042 = arith.constant 1 : i32
        %swap3A_1043 = arith.index_cast %swap3A_1042 : i32 to index
        %swap3A_1044 = arith.index_cast %add3A_988 : i32 to index
        %swap3A_1045 = arith.constant 48 : index
        %swap3A_1046 = tpu.vector_load %arg11[%swap3A_1043, %swap3A_1044, %swap3A_1045] {strides = array<i32>} : memref<2x128x128xf32, #tpu.memory_space<vmem>>, vector<1x1x16xf32>,
        %swap3A_1047 = vector.shape_cast %swap3A_1046 : vector<1x1x16xf32> to vector<16xf32>
        %swap3A_1048 = vector.shape_cast %mul3A_1041 : vector<16xf32> to vector<1x1x16xf32>
        tpu.vector_store %arg11[%swap3A_1043, %swap3A_1044, %swap3A_1045], %swap3A_1048 {strides = array<i32>} : memref<2x128x128xf32, #tpu.memory_space<vmem>>, vector<1x1x16xf32>,
        %get3A_1049 = arith.constant 1 : i32
        %get3A_1050 = arith.index_cast %get3A_1049 : i32 to index
        %get3A_1051 = arith.index_cast %add3A_988 : i32 to index
        %get3A_1052 = arith.constant 64 : index
        %get3A_1053 = tpu.vector_load %arg11[%get3A_1050, %get3A_1051, %get3A_1052] {strides = array<i32>} : memref<2x128x128xf32, #tpu.memory_space<vmem>>, vector<1x1x16xf32>,
        %get3A_1054 = vector.shape_cast %get3A_1053 : vector<1x1x16xf32> to vector<16xf32>
        %mul3A_1055 = vector.broadcast %squeeze3A_984 : f32 to vector<16xf32>
        %mul3A_1056 = arith.mulf %get3A_1054, %mul3A_1055 : vector<16xf32>
        %swap3A_1057 = arith.constant 1 : i32
        %swap3A_1058 = arith.index_cast %swap3A_1057 : i32 to index
        %swap3A_1059 = arith.index_cast %add3A_988 : i32 to index
        %swap3A_1060 = arith.constant 64 : index
        %swap3A_1061 = tpu.vector_load %arg11[%swap3A_1058, %swap3A_1059, %swap3A_1060] {strides = array<i32>} : memref<2x128x128xf32, #tpu.memory_space<vmem>>, vector<1x1x16xf32>,
        %swap3A_1062 = vector.shape_cast %swap3A_1061 : vector<1x1x16xf32> to vector<16xf32>
        %swap3A_1063 = vector.shape_cast %mul3A_1056 : vector<16xf32> to vector<1x1x16xf32>
        tpu.vector_store %arg11[%swap3A_1058, %swap3A_1059, %swap3A_1060], %swap3A_1063 {strides = array<i32>} : memref<2x128x128xf32, #tpu.memory_space<vmem>>, vector<1x1x16xf32>,
        %get3A_1064 = arith.constant 1 : i32
        %get3A_1065 = arith.index_cast %get3A_1064 : i32 to index
        %get3A_1066 = arith.index_cast %add3A_988 : i32 to index
        %get3A_1067 = arith.constant 80 : index
        %get3A_1068 = tpu.vector_load %arg11[%get3A_1065, %get3A_1066, %get3A_1067] {strides = array<i32>} : memref<2x128x128xf32, #tpu.memory_space<vmem>>, vector<1x1x16xf32>,
        %get3A_1069 = vector.shape_cast %get3A_1068 : vector<1x1x16xf32> to vector<16xf32>
        %mul3A_1070 = vector.broadcast %squeeze3A_984 : f32 to vector<16xf32>
        %mul3A_1071 = arith.mulf %get3A_1069, %mul3A_1070 : vector<16xf32>
        %swap3A_1072 = arith.constant 1 : i32
        %swap3A_1073 = arith.index_cast %swap3A_1072 : i32 to index
        %swap3A_1074 = arith.index_cast %add3A_988 : i32 to index
        %swap3A_1075 = arith.constant 80 : index
        %swap3A_1076 = tpu.vector_load %arg11[%swap3A_1073, %swap3A_1074, %swap3A_1075] {strides = array<i32>} : memref<2x128x128xf32, #tpu.memory_space<vmem>>, vector<1x1x16xf32>,
        %swap3A_1077 = vector.shape_cast %swap3A_1076 : vector<1x1x16xf32> to vector<16xf32>
        %swap3A_1078 = vector.shape_cast %mul3A_1071 : vector<16xf32> to vector<1x1x16xf32>
        tpu.vector_store %arg11[%swap3A_1073, %swap3A_1074, %swap3A_1075], %swap3A_1078 {strides = array<i32>} : memref<2x128x128xf32, #tpu.memory_space<vmem>>, vector<1x1x16xf32>,
        %get3A_1079 = arith.constant 1 : i32
        %get3A_1080 = arith.index_cast %get3A_1079 : i32 to index
        %get3A_1081 = arith.index_cast %add3A_988 : i32 to index
        %get3A_1082 = arith.constant 96 : index
        %get3A_1083 = tpu.vector_load %arg11[%get3A_1080, %get3A_1081, %get3A_1082] {strides = array<i32>} : memref<2x128x128xf32, #tpu.memory_space<vmem>>, vector<1x1x16xf32>,
        %get3A_1084 = vector.shape_cast %get3A_1083 : vector<1x1x16xf32> to vector<16xf32>
        %mul3A_1085 = vector.broadcast %squeeze3A_984 : f32 to vector<16xf32>
        %mul3A_1086 = arith.mulf %get3A_1084, %mul3A_1085 : vector<16xf32>
        %swap3A_1087 = arith.constant 1 : i32
        %swap3A_1088 = arith.index_cast %swap3A_1087 : i32 to index
        %swap3A_1089 = arith.index_cast %add3A_988 : i32 to index
        %swap3A_1090 = arith.constant 96 : index
        %swap3A_1091 = tpu.vector_load %arg11[%swap3A_1088, %swap3A_1089, %swap3A_1090] {strides = array<i32>} : memref<2x128x128xf32, #tpu.memory_space<vmem>>, vector<1x1x16xf32>,
        %swap3A_1092 = vector.shape_cast %swap3A_1091 : vector<1x1x16xf32> to vector<16xf32>
        %swap3A_1093 = vector.shape_cast %mul3A_1086 : vector<16xf32> to vector<1x1x16xf32>
        tpu.vector_store %arg11[%swap3A_1088, %swap3A_1089, %swap3A_1090], %swap3A_1093 {strides = array<i32>} : memref<2x128x128xf32, #tpu.memory_space<vmem>>, vector<1x1x16xf32>,
        %get3A_1094 = arith.constant 1 : i32
        %get3A_1095 = arith.index_cast %get3A_1094 : i32 to index
        %get3A_1096 = arith.index_cast %add3A_988 : i32 to index
        %get3A_1097 = arith.constant 112 : index
        %get3A_1098 = tpu.vector_load %arg11[%get3A_1095, %get3A_1096, %get3A_1097] {strides = array<i32>} : memref<2x128x128xf32, #tpu.memory_space<vmem>>, vector<1x1x16xf32>,
        %get3A_1099 = vector.shape_cast %get3A_1098 : vector<1x1x16xf32> to vector<16xf32>
        %mul3A_1100 = vector.broadcast %squeeze3A_984 : f32 to vector<16xf32>
        %mul3A_1101 = arith.mulf %get3A_1099, %mul3A_1100 : vector<16xf32>
        %swap3A_1102 = arith.constant 1 : i32
        %swap3A_1103 = arith.index_cast %swap3A_1102 : i32 to index
        %swap3A_1104 = arith.index_cast %add3A_988 : i32 to index
        %swap3A_1105 = arith.constant 112 : index
        %swap3A_1106 = tpu.vector_load %arg11[%swap3A_1103, %swap3A_1104, %swap3A_1105] {strides = array<i32>} : memref<2x128x128xf32, #tpu.memory_space<vmem>>, vector<1x1x16xf32>,
        %swap3A_1107 = vector.shape_cast %swap3A_1106 : vector<1x1x16xf32> to vector<16xf32>
        %swap3A_1108 = vector.shape_cast %mul3A_1101 : vector<16xf32> to vector<1x1x16xf32>
        tpu.vector_store %arg11[%swap3A_1103, %swap3A_1104, %swap3A_1105], %swap3A_1108 {strides = array<i32>} : memref<2x128x128xf32, #tpu.memory_space<vmem>>, vector<1x1x16xf32>,
        %slice3A_1109 = vector.extract_strided_slice %get3A_229 {offsets = [7], sizes = [1], strides = [1]} : vector<16xf32> to vector<1xf32>
        %squeeze3A_1110 = vector.extract %slice3A_1109[0] : f32 from vector<1xf32>
        %mul3A_1111 = arith.constant 16 : i32
        %mul3A_1112 = arith.muli %scan3A_223, %mul3A_1111 : i32
        %add3A_1113 = arith.constant 7 : i32
        %add3A_1114 = arith.addi %mul3A_1112, %add3A_1113 : i32
        %get3A_1115 = arith.constant 1 : i32
        %get3A_1116 = arith.index_cast %get3A_1115 : i32 to index
        %get3A_1117 = arith.index_cast %add3A_1114 : i32 to index
        %get3A_1118 = arith.constant 0 : index
        %get3A_1119 = tpu.vector_load %arg11[%get3A_1116, %get3A_1117, %get3A_1118] {strides = array<i32>} : memref<2x128x128xf32, #tpu.memory_space<vmem>>, vector<1x1x16xf32>,
        %get3A_1120 = vector.shape_cast %get3A_1119 : vector<1x1x16xf32> to vector<16xf32>
        %mul3A_1121 = vector.broadcast %squeeze3A_1110 : f32 to vector<16xf32>
        %mul3A_1122 = arith.mulf %get3A_1120, %mul3A_1121 : vector<16xf32>
        %swap3A_1123 = arith.constant 1 : i32
        %swap3A_1124 = arith.index_cast %swap3A_1123 : i32 to index
        %swap3A_1125 = arith.index_cast %add3A_1114 : i32 to index
        %swap3A_1126 = arith.constant 0 : index
        %swap3A_1127 = tpu.vector_load %arg11[%swap3A_1124, %swap3A_1125, %swap3A_1126] {strides = array<i32>} : memref<2x128x128xf32, #tpu.memory_space<vmem>>, vector<1x1x16xf32>,
        %swap3A_1128 = vector.shape_cast %swap3A_1127 : vector<1x1x16xf32> to vector<16xf32>
        %swap3A_1129 = vector.shape_cast %mul3A_1122 : vector<16xf32> to vector<1x1x16xf32>
        tpu.vector_store %arg11[%swap3A_1124, %swap3A_1125, %swap3A_1126], %swap3A_1129 {strides = array<i32>} : memref<2x128x128xf32, #tpu.memory_space<vmem>>, vector<1x1x16xf32>,
        %get3A_1130 = arith.constant 1 : i32
        %get3A_1131 = arith.index_cast %get3A_1130 : i32 to index
        %get3A_1132 = arith.index_cast %add3A_1114 : i32 to index
        %get3A_1133 = arith.constant 16 : index
        %get3A_1134 = tpu.vector_load %arg11[%get3A_1131, %get3A_1132, %get3A_1133] {strides = array<i32>} : memref<2x128x128xf32, #tpu.memory_space<vmem>>, vector<1x1x16xf32>,
        %get3A_1135 = vector.shape_cast %get3A_1134 : vector<1x1x16xf32> to vector<16xf32>
        %mul3A_1136 = vector.broadcast %squeeze3A_1110 : f32 to vector<16xf32>
        %mul3A_1137 = arith.mulf %get3A_1135, %mul3A_1136 : vector<16xf32>
        %swap3A_1138 = arith.constant 1 : i32
        %swap3A_1139 = arith.index_cast %swap3A_1138 : i32 to index
        %swap3A_1140 = arith.index_cast %add3A_1114 : i32 to index
        %swap3A_1141 = arith.constant 16 : index
        %swap3A_1142 = tpu.vector_load %arg11[%swap3A_1139, %swap3A_1140, %swap3A_1141] {strides = array<i32>} : memref<2x128x128xf32, #tpu.memory_space<vmem>>, vector<1x1x16xf32>,
        %swap3A_1143 = vector.shape_cast %swap3A_1142 : vector<1x1x16xf32> to vector<16xf32>
        %swap3A_1144 = vector.shape_cast %mul3A_1137 : vector<16xf32> to vector<1x1x16xf32>
        tpu.vector_store %arg11[%swap3A_1139, %swap3A_1140, %swap3A_1141], %swap3A_1144 {strides = array<i32>} : memref<2x128x128xf32, #tpu.memory_space<vmem>>, vector<1x1x16xf32>,
        %get3A_1145 = arith.constant 1 : i32
        %get3A_1146 = arith.index_cast %get3A_1145 : i32 to index
        %get3A_1147 = arith.index_cast %add3A_1114 : i32 to index
        %get3A_1148 = arith.constant 32 : index
        %get3A_1149 = tpu.vector_load %arg11[%get3A_1146, %get3A_1147, %get3A_1148] {strides = array<i32>} : memref<2x128x128xf32, #tpu.memory_space<vmem>>, vector<1x1x16xf32>,
        %get3A_1150 = vector.shape_cast %get3A_1149 : vector<1x1x16xf32> to vector<16xf32>
        %mul3A_1151 = vector.broadcast %squeeze3A_1110 : f32 to vector<16xf32>
        %mul3A_1152 = arith.mulf %get3A_1150, %mul3A_1151 : vector<16xf32>
        %swap3A_1153 = arith.constant 1 : i32
        %swap3A_1154 = arith.index_cast %swap3A_1153 : i32 to index
        %swap3A_1155 = arith.index_cast %add3A_1114 : i32 to index
        %swap3A_1156 = arith.constant 32 : index
        %swap3A_1157 = tpu.vector_load %arg11[%swap3A_1154, %swap3A_1155, %swap3A_1156] {strides = array<i32>} : memref<2x128x128xf32, #tpu.memory_space<vmem>>, vector<1x1x16xf32>,
        %swap3A_1158 = vector.shape_cast %swap3A_1157 : vector<1x1x16xf32> to vector<16xf32>
        %swap3A_1159 = vector.shape_cast %mul3A_1152 : vector<16xf32> to vector<1x1x16xf32>
        tpu.vector_store %arg11[%swap3A_1154, %swap3A_1155, %swap3A_1156], %swap3A_1159 {strides = array<i32>} : memref<2x128x128xf32, #tpu.memory_space<vmem>>, vector<1x1x16xf32>,
        %get3A_1160 = arith.constant 1 : i32
        %get3A_1161 = arith.index_cast %get3A_1160 : i32 to index
        %get3A_1162 = arith.index_cast %add3A_1114 : i32 to index
        %get3A_1163 = arith.constant 48 : index
        %get3A_1164 = tpu.vector_load %arg11[%get3A_1161, %get3A_1162, %get3A_1163] {strides = array<i32>} : memref<2x128x128xf32, #tpu.memory_space<vmem>>, vector<1x1x16xf32>,
        %get3A_1165 = vector.shape_cast %get3A_1164 : vector<1x1x16xf32> to vector<16xf32>
        %mul3A_1166 = vector.broadcast %squeeze3A_1110 : f32 to vector<16xf32>
        %mul3A_1167 = arith.mulf %get3A_1165, %mul3A_1166 : vector<16xf32>
        %swap3A_1168 = arith.constant 1 : i32
        %swap3A_1169 = arith.index_cast %swap3A_1168 : i32 to index
        %swap3A_1170 = arith.index_cast %add3A_1114 : i32 to index
        %swap3A_1171 = arith.constant 48 : index
        %swap3A_1172 = tpu.vector_load %arg11[%swap3A_1169, %swap3A_1170, %swap3A_1171] {strides = array<i32>} : memref<2x128x128xf32, #tpu.memory_space<vmem>>, vector<1x1x16xf32>,
        %swap3A_1173 = vector.shape_cast %swap3A_1172 : vector<1x1x16xf32> to vector<16xf32>
        %swap3A_1174 = vector.shape_cast %mul3A_1167 : vector<16xf32> to vector<1x1x16xf32>
        tpu.vector_store %arg11[%swap3A_1169, %swap3A_1170, %swap3A_1171], %swap3A_1174 {strides = array<i32>} : memref<2x128x128xf32, #tpu.memory_space<vmem>>, vector<1x1x16xf32>,
        %get3A_1175 = arith.constant 1 : i32
        %get3A_1176 = arith.index_cast %get3A_1175 : i32 to index
        %get3A_1177 = arith.index_cast %add3A_1114 : i32 to index
        %get3A_1178 = arith.constant 64 : index
        %get3A_1179 = tpu.vector_load %arg11[%get3A_1176, %get3A_1177, %get3A_1178] {strides = array<i32>} : memref<2x128x128xf32, #tpu.memory_space<vmem>>, vector<1x1x16xf32>,
        %get3A_1180 = vector.shape_cast %get3A_1179 : vector<1x1x16xf32> to vector<16xf32>
        %mul3A_1181 = vector.broadcast %squeeze3A_1110 : f32 to vector<16xf32>
        %mul3A_1182 = arith.mulf %get3A_1180, %mul3A_1181 : vector<16xf32>
        %swap3A_1183 = arith.constant 1 : i32
        %swap3A_1184 = arith.index_cast %swap3A_1183 : i32 to index
        %swap3A_1185 = arith.index_cast %add3A_1114 : i32 to index
        %swap3A_1186 = arith.constant 64 : index
        %swap3A_1187 = tpu.vector_load %arg11[%swap3A_1184, %swap3A_1185, %swap3A_1186] {strides = array<i32>} : memref<2x128x128xf32, #tpu.memory_space<vmem>>, vector<1x1x16xf32>,
        %swap3A_1188 = vector.shape_cast %swap3A_1187 : vector<1x1x16xf32> to vector<16xf32>
        %swap3A_1189 = vector.shape_cast %mul3A_1182 : vector<16xf32> to vector<1x1x16xf32>
        tpu.vector_store %arg11[%swap3A_1184, %swap3A_1185, %swap3A_1186], %swap3A_1189 {strides = array<i32>} : memref<2x128x128xf32, #tpu.memory_space<vmem>>, vector<1x1x16xf32>,
        %get3A_1190 = arith.constant 1 : i32
        %get3A_1191 = arith.index_cast %get3A_1190 : i32 to index
        %get3A_1192 = arith.index_cast %add3A_1114 : i32 to index
        %get3A_1193 = arith.constant 80 : index
        %get3A_1194 = tpu.vector_load %arg11[%get3A_1191, %get3A_1192, %get3A_1193] {strides = array<i32>} : memref<2x128x128xf32, #tpu.memory_space<vmem>>, vector<1x1x16xf32>,
        %get3A_1195 = vector.shape_cast %get3A_1194 : vector<1x1x16xf32> to vector<16xf32>
        %mul3A_1196 = vector.broadcast %squeeze3A_1110 : f32 to vector<16xf32>
        %mul3A_1197 = arith.mulf %get3A_1195, %mul3A_1196 : vector<16xf32>
        %swap3A_1198 = arith.constant 1 : i32
        %swap3A_1199 = arith.index_cast %swap3A_1198 : i32 to index
        %swap3A_1200 = arith.index_cast %add3A_1114 : i32 to index
        %swap3A_1201 = arith.constant 80 : index
        %swap3A_1202 = tpu.vector_load %arg11[%swap3A_1199, %swap3A_1200, %swap3A_1201] {strides = array<i32>} : memref<2x128x128xf32, #tpu.memory_space<vmem>>, vector<1x1x16xf32>,
        %swap3A_1203 = vector.shape_cast %swap3A_1202 : vector<1x1x16xf32> to vector<16xf32>
        %swap3A_1204 = vector.shape_cast %mul3A_1197 : vector<16xf32> to vector<1x1x16xf32>
        tpu.vector_store %arg11[%swap3A_1199, %swap3A_1200, %swap3A_1201], %swap3A_1204 {strides = array<i32>} : memref<2x128x128xf32, #tpu.memory_space<vmem>>, vector<1x1x16xf32>,
        %get3A_1205 = arith.constant 1 : i32
        %get3A_1206 = arith.index_cast %get3A_1205 : i32 to index
        %get3A_1207 = arith.index_cast %add3A_1114 : i32 to index
        %get3A_1208 = arith.constant 96 : index
        %get3A_1209 = tpu.vector_load %arg11[%get3A_1206, %get3A_1207, %get3A_1208] {strides = array<i32>} : memref<2x128x128xf32, #tpu.memory_space<vmem>>, vector<1x1x16xf32>,
        %get3A_1210 = vector.shape_cast %get3A_1209 : vector<1x1x16xf32> to vector<16xf32>
        %mul3A_1211 = vector.broadcast %squeeze3A_1110 : f32 to vector<16xf32>
        %mul3A_1212 = arith.mulf %get3A_1210, %mul3A_1211 : vector<16xf32>
        %swap3A_1213 = arith.constant 1 : i32
        %swap3A_1214 = arith.index_cast %swap3A_1213 : i32 to index
        %swap3A_1215 = arith.index_cast %add3A_1114 : i32 to index
        %swap3A_1216 = arith.constant 96 : index
        %swap3A_1217 = tpu.vector_load %arg11[%swap3A_1214, %swap3A_1215, %swap3A_1216] {strides = array<i32>} : memref<2x128x128xf32, #tpu.memory_space<vmem>>, vector<1x1x16xf32>,
        %swap3A_1218 = vector.shape_cast %swap3A_1217 : vector<1x1x16xf32> to vector<16xf32>
        %swap3A_1219 = vector.shape_cast %mul3A_1212 : vector<16xf32> to vector<1x1x16xf32>
        tpu.vector_store %arg11[%swap3A_1214, %swap3A_1215, %swap3A_1216], %swap3A_1219 {strides = array<i32>} : memref<2x128x128xf32, #tpu.memory_space<vmem>>, vector<1x1x16xf32>,
        %get3A_1220 = arith.constant 1 : i32
        %get3A_1221 = arith.index_cast %get3A_1220 : i32 to index
        %get3A_1222 = arith.index_cast %add3A_1114 : i32 to index
        %get3A_1223 = arith.constant 112 : index
        %get3A_1224 = tpu.vector_load %arg11[%get3A_1221, %get3A_1222, %get3A_1223] {strides = array<i32>} : memref<2x128x128xf32, #tpu.memory_space<vmem>>, vector<1x1x16xf32>,
        %get3A_1225 = vector.shape_cast %get3A_1224 : vector<1x1x16xf32> to vector<16xf32>
        %mul3A_1226 = vector.broadcast %squeeze3A_1110 : f32 to vector<16xf32>
        %mul3A_1227 = arith.mulf %get3A_1225, %mul3A_1226 : vector<16xf32>
        %swap3A_1228 = arith.constant 1 : i32
        %swap3A_1229 = arith.index_cast %swap3A_1228 : i32 to index
        %swap3A_1230 = arith.index_cast %add3A_1114 : i32 to index
        %swap3A_1231 = arith.constant 112 : index
        %swap3A_1232 = tpu.vector_load %arg11[%swap3A_1229, %swap3A_1230, %swap3A_1231] {strides = array<i32>} : memref<2x128x128xf32, #tpu.memory_space<vmem>>, vector<1x1x16xf32>,
        %swap3A_1233 = vector.shape_cast %swap3A_1232 : vector<1x1x16xf32> to vector<16xf32>
        %swap3A_1234 = vector.shape_cast %mul3A_1227 : vector<16xf32> to vector<1x1x16xf32>
        tpu.vector_store %arg11[%swap3A_1229, %swap3A_1230, %swap3A_1231], %swap3A_1234 {strides = array<i32>} : memref<2x128x128xf32, #tpu.memory_space<vmem>>, vector<1x1x16xf32>,
        %slice3A_1235 = vector.extract_strided_slice %get3A_229 {offsets = [8], sizes = [1], strides = [1]} : vector<16xf32> to vector<1xf32>
        %squeeze3A_1236 = vector.extract %slice3A_1235[0] : f32 from vector<1xf32>
        %mul3A_1237 = arith.constant 16 : i32
        %mul3A_1238 = arith.muli %scan3A_223, %mul3A_1237 : i32
        %add3A_1239 = arith.constant 8 : i32
        %add3A_1240 = arith.addi %mul3A_1238, %add3A_1239 : i32
        %get3A_1241 = arith.constant 1 : i32
        %get3A_1242 = arith.index_cast %get3A_1241 : i32 to index
        %get3A_1243 = arith.index_cast %add3A_1240 : i32 to index
        %get3A_1244 = arith.constant 0 : index
        %get3A_1245 = tpu.vector_load %arg11[%get3A_1242, %get3A_1243, %get3A_1244] {strides = array<i32>} : memref<2x128x128xf32, #tpu.memory_space<vmem>>, vector<1x1x16xf32>,
        %get3A_1246 = vector.shape_cast %get3A_1245 : vector<1x1x16xf32> to vector<16xf32>
        %mul3A_1247 = vector.broadcast %squeeze3A_1236 : f32 to vector<16xf32>
        %mul3A_1248 = arith.mulf %get3A_1246, %mul3A_1247 : vector<16xf32>
        %swap3A_1249 = arith.constant 1 : i32
        %swap3A_1250 = arith.index_cast %swap3A_1249 : i32 to index
        %swap3A_1251 = arith.index_cast %add3A_1240 : i32 to index
        %swap3A_1252 = arith.constant 0 : index
        %swap3A_1253 = tpu.vector_load %arg11[%swap3A_1250, %swap3A_1251, %swap3A_1252] {strides = array<i32>} : memref<2x128x128xf32, #tpu.memory_space<vmem>>, vector<1x1x16xf32>,
        %swap3A_1254 = vector.shape_cast %swap3A_1253 : vector<1x1x16xf32> to vector<16xf32>
        %swap3A_1255 = vector.shape_cast %mul3A_1248 : vector<16xf32> to vector<1x1x16xf32>
        tpu.vector_store %arg11[%swap3A_1250, %swap3A_1251, %swap3A_1252], %swap3A_1255 {strides = array<i32>} : memref<2x128x128xf32, #tpu.memory_space<vmem>>, vector<1x1x16xf32>,
        %get3A_1256 = arith.constant 1 : i32
        %get3A_1257 = arith.index_cast %get3A_1256 : i32 to index
        %get3A_1258 = arith.index_cast %add3A_1240 : i32 to index
        %get3A_1259 = arith.constant 16 : index
        %get3A_1260 = tpu.vector_load %arg11[%get3A_1257, %get3A_1258, %get3A_1259] {strides = array<i32>} : memref<2x128x128xf32, #tpu.memory_space<vmem>>, vector<1x1x16xf32>,
        %get3A_1261 = vector.shape_cast %get3A_1260 : vector<1x1x16xf32> to vector<16xf32>
        %mul3A_1262 = vector.broadcast %squeeze3A_1236 : f32 to vector<16xf32>
        %mul3A_1263 = arith.mulf %get3A_1261, %mul3A_1262 : vector<16xf32>
        %swap3A_1264 = arith.constant 1 : i32
        %swap3A_1265 = arith.index_cast %swap3A_1264 : i32 to index
        %swap3A_1266 = arith.index_cast %add3A_1240 : i32 to index
        %swap3A_1267 = arith.constant 16 : index
        %swap3A_1268 = tpu.vector_load %arg11[%swap3A_1265, %swap3A_1266, %swap3A_1267] {strides = array<i32>} : memref<2x128x128xf32, #tpu.memory_space<vmem>>, vector<1x1x16xf32>,
        %swap3A_1269 = vector.shape_cast %swap3A_1268 : vector<1x1x16xf32> to vector<16xf32>
        %swap3A_1270 = vector.shape_cast %mul3A_1263 : vector<16xf32> to vector<1x1x16xf32>
        tpu.vector_store %arg11[%swap3A_1265, %swap3A_1266, %swap3A_1267], %swap3A_1270 {strides = array<i32>} : memref<2x128x128xf32, #tpu.memory_space<vmem>>, vector<1x1x16xf32>,
        %get3A_1271 = arith.constant 1 : i32
        %get3A_1272 = arith.index_cast %get3A_1271 : i32 to index
        %get3A_1273 = arith.index_cast %add3A_1240 : i32 to index
        %get3A_1274 = arith.constant 32 : index
        %get3A_1275 = tpu.vector_load %arg11[%get3A_1272, %get3A_1273, %get3A_1274] {strides = array<i32>} : memref<2x128x128xf32, #tpu.memory_space<vmem>>, vector<1x1x16xf32>,
        %get3A_1276 = vector.shape_cast %get3A_1275 : vector<1x1x16xf32> to vector<16xf32>
        %mul3A_1277 = vector.broadcast %squeeze3A_1236 : f32 to vector<16xf32>
        %mul3A_1278 = arith.mulf %get3A_1276, %mul3A_1277 : vector<16xf32>
        %swap3A_1279 = arith.constant 1 : i32
        %swap3A_1280 = arith.index_cast %swap3A_1279 : i32 to index
        %swap3A_1281 = arith.index_cast %add3A_1240 : i32 to index
        %swap3A_1282 = arith.constant 32 : index
        %swap3A_1283 = tpu.vector_load %arg11[%swap3A_1280, %swap3A_1281, %swap3A_1282] {strides = array<i32>} : memref<2x128x128xf32, #tpu.memory_space<vmem>>, vector<1x1x16xf32>,
        %swap3A_1284 = vector.shape_cast %swap3A_1283 : vector<1x1x16xf32> to vector<16xf32>
        %swap3A_1285 = vector.shape_cast %mul3A_1278 : vector<16xf32> to vector<1x1x16xf32>
        tpu.vector_store %arg11[%swap3A_1280, %swap3A_1281, %swap3A_1282], %swap3A_1285 {strides = array<i32>} : memref<2x128x128xf32, #tpu.memory_space<vmem>>, vector<1x1x16xf32>,
        %get3A_1286 = arith.constant 1 : i32
        %get3A_1287 = arith.index_cast %get3A_1286 : i32 to index
        %get3A_1288 = arith.index_cast %add3A_1240 : i32 to index
        %get3A_1289 = arith.constant 48 : index
        %get3A_1290 = tpu.vector_load %arg11[%get3A_1287, %get3A_1288, %get3A_1289] {strides = array<i32>} : memref<2x128x128xf32, #tpu.memory_space<vmem>>, vector<1x1x16xf32>,
        %get3A_1291 = vector.shape_cast %get3A_1290 : vector<1x1x16xf32> to vector<16xf32>
        %mul3A_1292 = vector.broadcast %squeeze3A_1236 : f32 to vector<16xf32>
        %mul3A_1293 = arith.mulf %get3A_1291, %mul3A_1292 : vector<16xf32>
        %swap3A_1294 = arith.constant 1 : i32
        %swap3A_1295 = arith.index_cast %swap3A_1294 : i32 to index
        %swap3A_1296 = arith.index_cast %add3A_1240 : i32 to index
        %swap3A_1297 = arith.constant 48 : index
        %swap3A_1298 = tpu.vector_load %arg11[%swap3A_1295, %swap3A_1296, %swap3A_1297] {strides = array<i32>} : memref<2x128x128xf32, #tpu.memory_space<vmem>>, vector<1x1x16xf32>,
        %swap3A_1299 = vector.shape_cast %swap3A_1298 : vector<1x1x16xf32> to vector<16xf32>
        %swap3A_1300 = vector.shape_cast %mul3A_1293 : vector<16xf32> to vector<1x1x16xf32>
        tpu.vector_store %arg11[%swap3A_1295, %swap3A_1296, %swap3A_1297], %swap3A_1300 {strides = array<i32>} : memref<2x128x128xf32, #tpu.memory_space<vmem>>, vector<1x1x16xf32>,
        %get3A_1301 = arith.constant 1 : i32
        %get3A_1302 = arith.index_cast %get3A_1301 : i32 to index
        %get3A_1303 = arith.index_cast %add3A_1240 : i32 to index
        %get3A_1304 = arith.constant 64 : index
        %get3A_1305 = tpu.vector_load %arg11[%get3A_1302, %get3A_1303, %get3A_1304] {strides = array<i32>} : memref<2x128x128xf32, #tpu.memory_space<vmem>>, vector<1x1x16xf32>,
        %get3A_1306 = vector.shape_cast %get3A_1305 : vector<1x1x16xf32> to vector<16xf32>
        %mul3A_1307 = vector.broadcast %squeeze3A_1236 : f32 to vector<16xf32>
        %mul3A_1308 = arith.mulf %get3A_1306, %mul3A_1307 : vector<16xf32>
        %swap3A_1309 = arith.constant 1 : i32
        %swap3A_1310 = arith.index_cast %swap3A_1309 : i32 to index
        %swap3A_1311 = arith.index_cast %add3A_1240 : i32 to index
        %swap3A_1312 = arith.constant 64 : index
        %swap3A_1313 = tpu.vector_load %arg11[%swap3A_1310, %swap3A_1311, %swap3A_1312] {strides = array<i32>} : memref<2x128x128xf32, #tpu.memory_space<vmem>>, vector<1x1x16xf32>,
        %swap3A_1314 = vector.shape_cast %swap3A_1313 : vector<1x1x16xf32> to vector<16xf32>
        %swap3A_1315 = vector.shape_cast %mul3A_1308 : vector<16xf32> to vector<1x1x16xf32>
        tpu.vector_store %arg11[%swap3A_1310, %swap3A_1311, %swap3A_1312], %swap3A_1315 {strides = array<i32>} : memref<2x128x128xf32, #tpu.memory_space<vmem>>, vector<1x1x16xf32>,
        %get3A_1316 = arith.constant 1 : i32
        %get3A_1317 = arith.index_cast %get3A_1316 : i32 to index
        %get3A_1318 = arith.index_cast %add3A_1240 : i32 to index
        %get3A_1319 = arith.constant 80 : index
        %get3A_1320 = tpu.vector_load %arg11[%get3A_1317, %get3A_1318, %get3A_1319] {strides = array<i32>} : memref<2x128x128xf32, #tpu.memory_space<vmem>>, vector<1x1x16xf32>,
        %get3A_1321 = vector.shape_cast %get3A_1320 : vector<1x1x16xf32> to vector<16xf32>
        %mul3A_1322 = vector.broadcast %squeeze3A_1236 : f32 to vector<16xf32>
        %mul3A_1323 = arith.mulf %get3A_1321, %mul3A_1322 : vector<16xf32>
        %swap3A_1324 = arith.constant 1 : i32
        %swap3A_1325 = arith.index_cast %swap3A_1324 : i32 to index
        %swap3A_1326 = arith.index_cast %add3A_1240 : i32 to index
        %swap3A_1327 = arith.constant 80 : index
        %swap3A_1328 = tpu.vector_load %arg11[%swap3A_1325, %swap3A_1326, %swap3A_1327] {strides = array<i32>} : memref<2x128x128xf32, #tpu.memory_space<vmem>>, vector<1x1x16xf32>,
        %swap3A_1329 = vector.shape_cast %swap3A_1328 : vector<1x1x16xf32> to vector<16xf32>
        %swap3A_1330 = vector.shape_cast %mul3A_1323 : vector<16xf32> to vector<1x1x16xf32>
        tpu.vector_store %arg11[%swap3A_1325, %swap3A_1326, %swap3A_1327], %swap3A_1330 {strides = array<i32>} : memref<2x128x128xf32, #tpu.memory_space<vmem>>, vector<1x1x16xf32>,
        %get3A_1331 = arith.constant 1 : i32
        %get3A_1332 = arith.index_cast %get3A_1331 : i32 to index
        %get3A_1333 = arith.index_cast %add3A_1240 : i32 to index
        %get3A_1334 = arith.constant 96 : index
        %get3A_1335 = tpu.vector_load %arg11[%get3A_1332, %get3A_1333, %get3A_1334] {strides = array<i32>} : memref<2x128x128xf32, #tpu.memory_space<vmem>>, vector<1x1x16xf32>,
        %get3A_1336 = vector.shape_cast %get3A_1335 : vector<1x1x16xf32> to vector<16xf32>
        %mul3A_1337 = vector.broadcast %squeeze3A_1236 : f32 to vector<16xf32>
        %mul3A_1338 = arith.mulf %get3A_1336, %mul3A_1337 : vector<16xf32>
        %swap3A_1339 = arith.constant 1 : i32
        %swap3A_1340 = arith.index_cast %swap3A_1339 : i32 to index
        %swap3A_1341 = arith.index_cast %add3A_1240 : i32 to index
        %swap3A_1342 = arith.constant 96 : index
        %swap3A_1343 = tpu.vector_load %arg11[%swap3A_1340, %swap3A_1341, %swap3A_1342] {strides = array<i32>} : memref<2x128x128xf32, #tpu.memory_space<vmem>>, vector<1x1x16xf32>,
        %swap3A_1344 = vector.shape_cast %swap3A_1343 : vector<1x1x16xf32> to vector<16xf32>
        %swap3A_1345 = vector.shape_cast %mul3A_1338 : vector<16xf32> to vector<1x1x16xf32>
        tpu.vector_store %arg11[%swap3A_1340, %swap3A_1341, %swap3A_1342], %swap3A_1345 {strides = array<i32>} : memref<2x128x128xf32, #tpu.memory_space<vmem>>, vector<1x1x16xf32>,
        %get3A_1346 = arith.constant 1 : i32
        %get3A_1347 = arith.index_cast %get3A_1346 : i32 to index
        %get3A_1348 = arith.index_cast %add3A_1240 : i32 to index
        %get3A_1349 = arith.constant 112 : index
        %get3A_1350 = tpu.vector_load %arg11[%get3A_1347, %get3A_1348, %get3A_1349] {strides = array<i32>} : memref<2x128x128xf32, #tpu.memory_space<vmem>>, vector<1x1x16xf32>,
        %get3A_1351 = vector.shape_cast %get3A_1350 : vector<1x1x16xf32> to vector<16xf32>
        %mul3A_1352 = vector.broadcast %squeeze3A_1236 : f32 to vector<16xf32>
        %mul3A_1353 = arith.mulf %get3A_1351, %mul3A_1352 : vector<16xf32>
        %swap3A_1354 = arith.constant 1 : i32
        %swap3A_1355 = arith.index_cast %swap3A_1354 : i32 to index
        %swap3A_1356 = arith.index_cast %add3A_1240 : i32 to index
        %swap3A_1357 = arith.constant 112 : index
        %swap3A_1358 = tpu.vector_load %arg11[%swap3A_1355, %swap3A_1356, %swap3A_1357] {strides = array<i32>} : memref<2x128x128xf32, #tpu.memory_space<vmem>>, vector<1x1x16xf32>,
        %swap3A_1359 = vector.shape_cast %swap3A_1358 : vector<1x1x16xf32> to vector<16xf32>
        %swap3A_1360 = vector.shape_cast %mul3A_1353 : vector<16xf32> to vector<1x1x16xf32>
        tpu.vector_store %arg11[%swap3A_1355, %swap3A_1356, %swap3A_1357], %swap3A_1360 {strides = array<i32>} : memref<2x128x128xf32, #tpu.memory_space<vmem>>, vector<1x1x16xf32>,
        %slice3A_1361 = vector.extract_strided_slice %get3A_229 {offsets = [9], sizes = [1], strides = [1]} : vector<16xf32> to vector<1xf32>
        %squeeze3A_1362 = vector.extract %slice3A_1361[0] : f32 from vector<1xf32>
        %mul3A_1363 = arith.constant 16 : i32
        %mul3A_1364 = arith.muli %scan3A_223, %mul3A_1363 : i32
        %add3A_1365 = arith.constant 9 : i32
        %add3A_1366 = arith.addi %mul3A_1364, %add3A_1365 : i32
        %get3A_1367 = arith.constant 1 : i32
        %get3A_1368 = arith.index_cast %get3A_1367 : i32 to index
        %get3A_1369 = arith.index_cast %add3A_1366 : i32 to index
        %get3A_1370 = arith.constant 0 : index
        %get3A_1371 = tpu.vector_load %arg11[%get3A_1368, %get3A_1369, %get3A_1370] {strides = array<i32>} : memref<2x128x128xf32, #tpu.memory_space<vmem>>, vector<1x1x16xf32>,
        %get3A_1372 = vector.shape_cast %get3A_1371 : vector<1x1x16xf32> to vector<16xf32>
        %mul3A_1373 = vector.broadcast %squeeze3A_1362 : f32 to vector<16xf32>
        %mul3A_1374 = arith.mulf %get3A_1372, %mul3A_1373 : vector<16xf32>
        %swap3A_1375 = arith.constant 1 : i32
        %swap3A_1376 = arith.index_cast %swap3A_1375 : i32 to index
        %swap3A_1377 = arith.index_cast %add3A_1366 : i32 to index
        %swap3A_1378 = arith.constant 0 : index
        %swap3A_1379 = tpu.vector_load %arg11[%swap3A_1376, %swap3A_1377, %swap3A_1378] {strides = array<i32>} : memref<2x128x128xf32, #tpu.memory_space<vmem>>, vector<1x1x16xf32>,
        %swap3A_1380 = vector.shape_cast %swap3A_1379 : vector<1x1x16xf32> to vector<16xf32>
        %swap3A_1381 = vector.shape_cast %mul3A_1374 : vector<16xf32> to vector<1x1x16xf32>
        tpu.vector_store %arg11[%swap3A_1376, %swap3A_1377, %swap3A_1378], %swap3A_1381 {strides = array<i32>} : memref<2x128x128xf32, #tpu.memory_space<vmem>>, vector<1x1x16xf32>,
        %get3A_1382 = arith.constant 1 : i32
        %get3A_1383 = arith.index_cast %get3A_1382 : i32 to index
        %get3A_1384 = arith.index_cast %add3A_1366 : i32 to index
        %get3A_1385 = arith.constant 16 : index
        %get3A_1386 = tpu.vector_load %arg11[%get3A_1383, %get3A_1384, %get3A_1385] {strides = array<i32>} : memref<2x128x128xf32, #tpu.memory_space<vmem>>, vector<1x1x16xf32>,
        %get3A_1387 = vector.shape_cast %get3A_1386 : vector<1x1x16xf32> to vector<16xf32>
        %mul3A_1388 = vector.broadcast %squeeze3A_1362 : f32 to vector<16xf32>
        %mul3A_1389 = arith.mulf %get3A_1387, %mul3A_1388 : vector<16xf32>
        %swap3A_1390 = arith.constant 1 : i32
        %swap3A_1391 = arith.index_cast %swap3A_1390 : i32 to index
        %swap3A_1392 = arith.index_cast %add3A_1366 : i32 to index
        %swap3A_1393 = arith.constant 16 : index
        %swap3A_1394 = tpu.vector_load %arg11[%swap3A_1391, %swap3A_1392, %swap3A_1393] {strides = array<i32>} : memref<2x128x128xf32, #tpu.memory_space<vmem>>, vector<1x1x16xf32>,
        %swap3A_1395 = vector.shape_cast %swap3A_1394 : vector<1x1x16xf32> to vector<16xf32>
        %swap3A_1396 = vector.shape_cast %mul3A_1389 : vector<16xf32> to vector<1x1x16xf32>
        tpu.vector_store %arg11[%swap3A_1391, %swap3A_1392, %swap3A_1393], %swap3A_1396 {strides = array<i32>} : memref<2x128x128xf32, #tpu.memory_space<vmem>>, vector<1x1x16xf32>,
        %get3A_1397 = arith.constant 1 : i32
        %get3A_1398 = arith.index_cast %get3A_1397 : i32 to index
        %get3A_1399 = arith.index_cast %add3A_1366 : i32 to index
        %get3A_1400 = arith.constant 32 : index
        %get3A_1401 = tpu.vector_load %arg11[%get3A_1398, %get3A_1399, %get3A_1400] {strides = array<i32>} : memref<2x128x128xf32, #tpu.memory_space<vmem>>, vector<1x1x16xf32>,
        %get3A_1402 = vector.shape_cast %get3A_1401 : vector<1x1x16xf32> to vector<16xf32>
        %mul3A_1403 = vector.broadcast %squeeze3A_1362 : f32 to vector<16xf32>
        %mul3A_1404 = arith.mulf %get3A_1402, %mul3A_1403 : vector<16xf32>
        %swap3A_1405 = arith.constant 1 : i32
        %swap3A_1406 = arith.index_cast %swap3A_1405 : i32 to index
        %swap3A_1407 = arith.index_cast %add3A_1366 : i32 to index
        %swap3A_1408 = arith.constant 32 : index
        %swap3A_1409 = tpu.vector_load %arg11[%swap3A_1406, %swap3A_1407, %swap3A_1408] {strides = array<i32>} : memref<2x128x128xf32, #tpu.memory_space<vmem>>, vector<1x1x16xf32>,
        %swap3A_1410 = vector.shape_cast %swap3A_1409 : vector<1x1x16xf32> to vector<16xf32>
        %swap3A_1411 = vector.shape_cast %mul3A_1404 : vector<16xf32> to vector<1x1x16xf32>
        tpu.vector_store %arg11[%swap3A_1406, %swap3A_1407, %swap3A_1408], %swap3A_1411 {strides = array<i32>} : memref<2x128x128xf32, #tpu.memory_space<vmem>>, vector<1x1x16xf32>,
        %get3A_1412 = arith.constant 1 : i32
        %get3A_1413 = arith.index_cast %get3A_1412 : i32 to index
        %get3A_1414 = arith.index_cast %add3A_1366 : i32 to index
        %get3A_1415 = arith.constant 48 : index
        %get3A_1416 = tpu.vector_load %arg11[%get3A_1413, %get3A_1414, %get3A_1415] {strides = array<i32>} : memref<2x128x128xf32, #tpu.memory_space<vmem>>, vector<1x1x16xf32>,
        %get3A_1417 = vector.shape_cast %get3A_1416 : vector<1x1x16xf32> to vector<16xf32>
        %mul3A_1418 = vector.broadcast %squeeze3A_1362 : f32 to vector<16xf32>
        %mul3A_1419 = arith.mulf %get3A_1417, %mul3A_1418 : vector<16xf32>
        %swap3A_1420 = arith.constant 1 : i32
        %swap3A_1421 = arith.index_cast %swap3A_1420 : i32 to index
        %swap3A_1422 = arith.index_cast %add3A_1366 : i32 to index
        %swap3A_1423 = arith.constant 48 : index
        %swap3A_1424 = tpu.vector_load %arg11[%swap3A_1421, %swap3A_1422, %swap3A_1423] {strides = array<i32>} : memref<2x128x128xf32, #tpu.memory_space<vmem>>, vector<1x1x16xf32>,
        %swap3A_1425 = vector.shape_cast %swap3A_1424 : vector<1x1x16xf32> to vector<16xf32>
        %swap3A_1426 = vector.shape_cast %mul3A_1419 : vector<16xf32> to vector<1x1x16xf32>
        tpu.vector_store %arg11[%swap3A_1421, %swap3A_1422, %swap3A_1423], %swap3A_1426 {strides = array<i32>} : memref<2x128x128xf32, #tpu.memory_space<vmem>>, vector<1x1x16xf32>,
        %get3A_1427 = arith.constant 1 : i32
        %get3A_1428 = arith.index_cast %get3A_1427 : i32 to index
        %get3A_1429 = arith.index_cast %add3A_1366 : i32 to index
        %get3A_1430 = arith.constant 64 : index
        %get3A_1431 = tpu.vector_load %arg11[%get3A_1428, %get3A_1429, %get3A_1430] {strides = array<i32>} : memref<2x128x128xf32, #tpu.memory_space<vmem>>, vector<1x1x16xf32>,
        %get3A_1432 = vector.shape_cast %get3A_1431 : vector<1x1x16xf32> to vector<16xf32>
        %mul3A_1433 = vector.broadcast %squeeze3A_1362 : f32 to vector<16xf32>
        %mul3A_1434 = arith.mulf %get3A_1432, %mul3A_1433 : vector<16xf32>
        %swap3A_1435 = arith.constant 1 : i32
        %swap3A_1436 = arith.index_cast %swap3A_1435 : i32 to index
        %swap3A_1437 = arith.index_cast %add3A_1366 : i32 to index
        %swap3A_1438 = arith.constant 64 : index
        %swap3A_1439 = tpu.vector_load %arg11[%swap3A_1436, %swap3A_1437, %swap3A_1438] {strides = array<i32>} : memref<2x128x128xf32, #tpu.memory_space<vmem>>, vector<1x1x16xf32>,
        %swap3A_1440 = vector.shape_cast %swap3A_1439 : vector<1x1x16xf32> to vector<16xf32>
        %swap3A_1441 = vector.shape_cast %mul3A_1434 : vector<16xf32> to vector<1x1x16xf32>
        tpu.vector_store %arg11[%swap3A_1436, %swap3A_1437, %swap3A_1438], %swap3A_1441 {strides = array<i32>} : memref<2x128x128xf32, #tpu.memory_space<vmem>>, vector<1x1x16xf32>,
        %get3A_1442 = arith.constant 1 : i32
        %get3A_1443 = arith.index_cast %get3A_1442 : i32 to index
        %get3A_1444 = arith.index_cast %add3A_1366 : i32 to index
        %get3A_1445 = arith.constant 80 : index
        %get3A_1446 = tpu.vector_load %arg11[%get3A_1443, %get3A_1444, %get3A_1445] {strides = array<i32>} : memref<2x128x128xf32, #tpu.memory_space<vmem>>, vector<1x1x16xf32>,
        %get3A_1447 = vector.shape_cast %get3A_1446 : vector<1x1x16xf32> to vector<16xf32>
        %mul3A_1448 = vector.broadcast %squeeze3A_1362 : f32 to vector<16xf32>
        %mul3A_1449 = arith.mulf %get3A_1447, %mul3A_1448 : vector<16xf32>
        %swap3A_1450 = arith.constant 1 : i32
        %swap3A_1451 = arith.index_cast %swap3A_1450 : i32 to index
        %swap3A_1452 = arith.index_cast %add3A_1366 : i32 to index
        %swap3A_1453 = arith.constant 80 : index
        %swap3A_1454 = tpu.vector_load %arg11[%swap3A_1451, %swap3A_1452, %swap3A_1453] {strides = array<i32>} : memref<2x128x128xf32, #tpu.memory_space<vmem>>, vector<1x1x16xf32>,
        %swap3A_1455 = vector.shape_cast %swap3A_1454 : vector<1x1x16xf32> to vector<16xf32>
        %swap3A_1456 = vector.shape_cast %mul3A_1449 : vector<16xf32> to vector<1x1x16xf32>
        tpu.vector_store %arg11[%swap3A_1451, %swap3A_1452, %swap3A_1453], %swap3A_1456 {strides = array<i32>} : memref<2x128x128xf32, #tpu.memory_space<vmem>>, vector<1x1x16xf32>,
        %get3A_1457 = arith.constant 1 : i32
        %get3A_1458 = arith.index_cast %get3A_1457 : i32 to index
        %get3A_1459 = arith.index_cast %add3A_1366 : i32 to index
        %get3A_1460 = arith.constant 96 : index
        %get3A_1461 = tpu.vector_load %arg11[%get3A_1458, %get3A_1459, %get3A_1460] {strides = array<i32>} : memref<2x128x128xf32, #tpu.memory_space<vmem>>, vector<1x1x16xf32>,
        %get3A_1462 = vector.shape_cast %get3A_1461 : vector<1x1x16xf32> to vector<16xf32>
        %mul3A_1463 = vector.broadcast %squeeze3A_1362 : f32 to vector<16xf32>
        %mul3A_1464 = arith.mulf %get3A_1462, %mul3A_1463 : vector<16xf32>
        %swap3A_1465 = arith.constant 1 : i32
        %swap3A_1466 = arith.index_cast %swap3A_1465 : i32 to index
        %swap3A_1467 = arith.index_cast %add3A_1366 : i32 to index
        %swap3A_1468 = arith.constant 96 : index
        %swap3A_1469 = tpu.vector_load %arg11[%swap3A_1466, %swap3A_1467, %swap3A_1468] {strides = array<i32>} : memref<2x128x128xf32, #tpu.memory_space<vmem>>, vector<1x1x16xf32>,
        %swap3A_1470 = vector.shape_cast %swap3A_1469 : vector<1x1x16xf32> to vector<16xf32>
        %swap3A_1471 = vector.shape_cast %mul3A_1464 : vector<16xf32> to vector<1x1x16xf32>
        tpu.vector_store %arg11[%swap3A_1466, %swap3A_1467, %swap3A_1468], %swap3A_1471 {strides = array<i32>} : memref<2x128x128xf32, #tpu.memory_space<vmem>>, vector<1x1x16xf32>,
        %get3A_1472 = arith.constant 1 : i32
        %get3A_1473 = arith.index_cast %get3A_1472 : i32 to index
        %get3A_1474 = arith.index_cast %add3A_1366 : i32 to index
        %get3A_1475 = arith.constant 112 : index
        %get3A_1476 = tpu.vector_load %arg11[%get3A_1473, %get3A_1474, %get3A_1475] {strides = array<i32>} : memref<2x128x128xf32, #tpu.memory_space<vmem>>, vector<1x1x16xf32>,
        %get3A_1477 = vector.shape_cast %get3A_1476 : vector<1x1x16xf32> to vector<16xf32>
        %mul3A_1478 = vector.broadcast %squeeze3A_1362 : f32 to vector<16xf32>
        %mul3A_1479 = arith.mulf %get3A_1477, %mul3A_1478 : vector<16xf32>
        %swap3A_1480 = arith.constant 1 : i32
        %swap3A_1481 = arith.index_cast %swap3A_1480 : i32 to index
        %swap3A_1482 = arith.index_cast %add3A_1366 : i32 to index
        %swap3A_1483 = arith.constant 112 : index
        %swap3A_1484 = tpu.vector_load %arg11[%swap3A_1481, %swap3A_1482, %swap3A_1483] {strides = array<i32>} : memref<2x128x128xf32, #tpu.memory_space<vmem>>, vector<1x1x16xf32>,
        %swap3A_1485 = vector.shape_cast %swap3A_1484 : vector<1x1x16xf32> to vector<16xf32>
        %swap3A_1486 = vector.shape_cast %mul3A_1479 : vector<16xf32> to vector<1x1x16xf32>
        tpu.vector_store %arg11[%swap3A_1481, %swap3A_1482, %swap3A_1483], %swap3A_1486 {strides = array<i32>} : memref<2x128x128xf32, #tpu.memory_space<vmem>>, vector<1x1x16xf32>,
        %slice3A_1487 = vector.extract_strided_slice %get3A_229 {offsets = [10], sizes = [1], strides = [1]} : vector<16xf32> to vector<1xf32>
        %squeeze3A_1488 = vector.extract %slice3A_1487[0] : f32 from vector<1xf32>
        %mul3A_1489 = arith.constant 16 : i32
        %mul3A_1490 = arith.muli %scan3A_223, %mul3A_1489 : i32
        %add3A_1491 = arith.constant 10 : i32
        %add3A_1492 = arith.addi %mul3A_1490, %add3A_1491 : i32
        %get3A_1493 = arith.constant 1 : i32
        %get3A_1494 = arith.index_cast %get3A_1493 : i32 to index
        %get3A_1495 = arith.index_cast %add3A_1492 : i32 to index
        %get3A_1496 = arith.constant 0 : index
        %get3A_1497 = tpu.vector_load %arg11[%get3A_1494, %get3A_1495, %get3A_1496] {strides = array<i32>} : memref<2x128x128xf32, #tpu.memory_space<vmem>>, vector<1x1x16xf32>,
        %get3A_1498 = vector.shape_cast %get3A_1497 : vector<1x1x16xf32> to vector<16xf32>
        %mul3A_1499 = vector.broadcast %squeeze3A_1488 : f32 to vector<16xf32>
        %mul3A_1500 = arith.mulf %get3A_1498, %mul3A_1499 : vector<16xf32>
        %swap3A_1501 = arith.constant 1 : i32
        %swap3A_1502 = arith.index_cast %swap3A_1501 : i32 to index
        %swap3A_1503 = arith.index_cast %add3A_1492 : i32 to index
        %swap3A_1504 = arith.constant 0 : index
        %swap3A_1505 = tpu.vector_load %arg11[%swap3A_1502, %swap3A_1503, %swap3A_1504] {strides = array<i32>} : memref<2x128x128xf32, #tpu.memory_space<vmem>>, vector<1x1x16xf32>,
        %swap3A_1506 = vector.shape_cast %swap3A_1505 : vector<1x1x16xf32> to vector<16xf32>
        %swap3A_1507 = vector.shape_cast %mul3A_1500 : vector<16xf32> to vector<1x1x16xf32>
        tpu.vector_store %arg11[%swap3A_1502, %swap3A_1503, %swap3A_1504], %swap3A_1507 {strides = array<i32>} : memref<2x128x128xf32, #tpu.memory_space<vmem>>, vector<1x1x16xf32>,
        %get3A_1508 = arith.constant 1 : i32
        %get3A_1509 = arith.index_cast %get3A_1508 : i32 to index
        %get3A_1510 = arith.index_cast %add3A_1492 : i32 to index
        %get3A_1511 = arith.constant 16 : index
        %get3A_1512 = tpu.vector_load %arg11[%get3A_1509, %get3A_1510, %get3A_1511] {strides = array<i32>} : memref<2x128x128xf32, #tpu.memory_space<vmem>>, vector<1x1x16xf32>,
        %get3A_1513 = vector.shape_cast %get3A_1512 : vector<1x1x16xf32> to vector<16xf32>
        %mul3A_1514 = vector.broadcast %squeeze3A_1488 : f32 to vector<16xf32>
        %mul3A_1515 = arith.mulf %get3A_1513, %mul3A_1514 : vector<16xf32>
        %swap3A_1516 = arith.constant 1 : i32
        %swap3A_1517 = arith.index_cast %swap3A_1516 : i32 to index
        %swap3A_1518 = arith.index_cast %add3A_1492 : i32 to index
        %swap3A_1519 = arith.constant 16 : index
        %swap3A_1520 = tpu.vector_load %arg11[%swap3A_1517, %swap3A_1518, %swap3A_1519] {strides = array<i32>} : memref<2x128x128xf32, #tpu.memory_space<vmem>>, vector<1x1x16xf32>,
        %swap3A_1521 = vector.shape_cast %swap3A_1520 : vector<1x1x16xf32> to vector<16xf32>
        %swap3A_1522 = vector.shape_cast %mul3A_1515 : vector<16xf32> to vector<1x1x16xf32>
        tpu.vector_store %arg11[%swap3A_1517, %swap3A_1518, %swap3A_1519], %swap3A_1522 {strides = array<i32>} : memref<2x128x128xf32, #tpu.memory_space<vmem>>, vector<1x1x16xf32>,
        %get3A_1523 = arith.constant 1 : i32
        %get3A_1524 = arith.index_cast %get3A_1523 : i32 to index
        %get3A_1525 = arith.index_cast %add3A_1492 : i32 to index
        %get3A_1526 = arith.constant 32 : index
        %get3A_1527 = tpu.vector_load %arg11[%get3A_1524, %get3A_1525, %get3A_1526] {strides = array<i32>} : memref<2x128x128xf32, #tpu.memory_space<vmem>>, vector<1x1x16xf32>,
        %get3A_1528 = vector.shape_cast %get3A_1527 : vector<1x1x16xf32> to vector<16xf32>
        %mul3A_1529 = vector.broadcast %squeeze3A_1488 : f32 to vector<16xf32>
        %mul3A_1530 = arith.mulf %get3A_1528, %mul3A_1529 : vector<16xf32>
        %swap3A_1531 = arith.constant 1 : i32
        %swap3A_1532 = arith.index_cast %swap3A_1531 : i32 to index
        %swap3A_1533 = arith.index_cast %add3A_1492 : i32 to index
        %swap3A_1534 = arith.constant 32 : index
        %swap3A_1535 = tpu.vector_load %arg11[%swap3A_1532, %swap3A_1533, %swap3A_1534] {strides = array<i32>} : memref<2x128x128xf32, #tpu.memory_space<vmem>>, vector<1x1x16xf32>,
        %swap3A_1536 = vector.shape_cast %swap3A_1535 : vector<1x1x16xf32> to vector<16xf32>
        %swap3A_1537 = vector.shape_cast %mul3A_1530 : vector<16xf32> to vector<1x1x16xf32>
        tpu.vector_store %arg11[%swap3A_1532, %swap3A_1533, %swap3A_1534], %swap3A_1537 {strides = array<i32>} : memref<2x128x128xf32, #tpu.memory_space<vmem>>, vector<1x1x16xf32>,
        %get3A_1538 = arith.constant 1 : i32
        %get3A_1539 = arith.index_cast %get3A_1538 : i32 to index
        %get3A_1540 = arith.index_cast %add3A_1492 : i32 to index
        %get3A_1541 = arith.constant 48 : index
        %get3A_1542 = tpu.vector_load %arg11[%get3A_1539, %get3A_1540, %get3A_1541] {strides = array<i32>} : memref<2x128x128xf32, #tpu.memory_space<vmem>>, vector<1x1x16xf32>,
        %get3A_1543 = vector.shape_cast %get3A_1542 : vector<1x1x16xf32> to vector<16xf32>
        %mul3A_1544 = vector.broadcast %squeeze3A_1488 : f32 to vector<16xf32>
        %mul3A_1545 = arith.mulf %get3A_1543, %mul3A_1544 : vector<16xf32>
        %swap3A_1546 = arith.constant 1 : i32
        %swap3A_1547 = arith.index_cast %swap3A_1546 : i32 to index
        %swap3A_1548 = arith.index_cast %add3A_1492 : i32 to index
        %swap3A_1549 = arith.constant 48 : index
        %swap3A_1550 = tpu.vector_load %arg11[%swap3A_1547, %swap3A_1548, %swap3A_1549] {strides = array<i32>} : memref<2x128x128xf32, #tpu.memory_space<vmem>>, vector<1x1x16xf32>,
        %swap3A_1551 = vector.shape_cast %swap3A_1550 : vector<1x1x16xf32> to vector<16xf32>
        %swap3A_1552 = vector.shape_cast %mul3A_1545 : vector<16xf32> to vector<1x1x16xf32>
        tpu.vector_store %arg11[%swap3A_1547, %swap3A_1548, %swap3A_1549], %swap3A_1552 {strides = array<i32>} : memref<2x128x128xf32, #tpu.memory_space<vmem>>, vector<1x1x16xf32>,
        %get3A_1553 = arith.constant 1 : i32
        %get3A_1554 = arith.index_cast %get3A_1553 : i32 to index
        %get3A_1555 = arith.index_cast %add3A_1492 : i32 to index
        %get3A_1556 = arith.constant 64 : index
        %get3A_1557 = tpu.vector_load %arg11[%get3A_1554, %get3A_1555, %get3A_1556] {strides = array<i32>} : memref<2x128x128xf32, #tpu.memory_space<vmem>>, vector<1x1x16xf32>,
        %get3A_1558 = vector.shape_cast %get3A_1557 : vector<1x1x16xf32> to vector<16xf32>
        %mul3A_1559 = vector.broadcast %squeeze3A_1488 : f32 to vector<16xf32>
        %mul3A_1560 = arith.mulf %get3A_1558, %mul3A_1559 : vector<16xf32>
        %swap3A_1561 = arith.constant 1 : i32
        %swap3A_1562 = arith.index_cast %swap3A_1561 : i32 to index
        %swap3A_1563 = arith.index_cast %add3A_1492 : i32 to index
        %swap3A_1564 = arith.constant 64 : index
        %swap3A_1565 = tpu.vector_load %arg11[%swap3A_1562, %swap3A_1563, %swap3A_1564] {strides = array<i32>} : memref<2x128x128xf32, #tpu.memory_space<vmem>>, vector<1x1x16xf32>,
        %swap3A_1566 = vector.shape_cast %swap3A_1565 : vector<1x1x16xf32> to vector<16xf32>
        %swap3A_1567 = vector.shape_cast %mul3A_1560 : vector<16xf32> to vector<1x1x16xf32>
        tpu.vector_store %arg11[%swap3A_1562, %swap3A_1563, %swap3A_1564], %swap3A_1567 {strides = array<i32>} : memref<2x128x128xf32, #tpu.memory_space<vmem>>, vector<1x1x16xf32>,
        %get3A_1568 = arith.constant 1 : i32
        %get3A_1569 = arith.index_cast %get3A_1568 : i32 to index
        %get3A_1570 = arith.index_cast %add3A_1492 : i32 to index
        %get3A_1571 = arith.constant 80 : index
        %get3A_1572 = tpu.vector_load %arg11[%get3A_1569, %get3A_1570, %get3A_1571] {strides = array<i32>} : memref<2x128x128xf32, #tpu.memory_space<vmem>>, vector<1x1x16xf32>,
        %get3A_1573 = vector.shape_cast %get3A_1572 : vector<1x1x16xf32> to vector<16xf32>
        %mul3A_1574 = vector.broadcast %squeeze3A_1488 : f32 to vector<16xf32>
        %mul3A_1575 = arith.mulf %get3A_1573, %mul3A_1574 : vector<16xf32>
        %swap3A_1576 = arith.constant 1 : i32
        %swap3A_1577 = arith.index_cast %swap3A_1576 : i32 to index
        %swap3A_1578 = arith.index_cast %add3A_1492 : i32 to index
        %swap3A_1579 = arith.constant 80 : index
        %swap3A_1580 = tpu.vector_load %arg11[%swap3A_1577, %swap3A_1578, %swap3A_1579] {strides = array<i32>} : memref<2x128x128xf32, #tpu.memory_space<vmem>>, vector<1x1x16xf32>,
        %swap3A_1581 = vector.shape_cast %swap3A_1580 : vector<1x1x16xf32> to vector<16xf32>
        %swap3A_1582 = vector.shape_cast %mul3A_1575 : vector<16xf32> to vector<1x1x16xf32>
        tpu.vector_store %arg11[%swap3A_1577, %swap3A_1578, %swap3A_1579], %swap3A_1582 {strides = array<i32>} : memref<2x128x128xf32, #tpu.memory_space<vmem>>, vector<1x1x16xf32>,
        %get3A_1583 = arith.constant 1 : i32
        %get3A_1584 = arith.index_cast %get3A_1583 : i32 to index
        %get3A_1585 = arith.index_cast %add3A_1492 : i32 to index
        %get3A_1586 = arith.constant 96 : index
        %get3A_1587 = tpu.vector_load %arg11[%get3A_1584, %get3A_1585, %get3A_1586] {strides = array<i32>} : memref<2x128x128xf32, #tpu.memory_space<vmem>>, vector<1x1x16xf32>,
        %get3A_1588 = vector.shape_cast %get3A_1587 : vector<1x1x16xf32> to vector<16xf32>
        %mul3A_1589 = vector.broadcast %squeeze3A_1488 : f32 to vector<16xf32>
        %mul3A_1590 = arith.mulf %get3A_1588, %mul3A_1589 : vector<16xf32>
        %swap3A_1591 = arith.constant 1 : i32
        %swap3A_1592 = arith.index_cast %swap3A_1591 : i32 to index
        %swap3A_1593 = arith.index_cast %add3A_1492 : i32 to index
        %swap3A_1594 = arith.constant 96 : index
        %swap3A_1595 = tpu.vector_load %arg11[%swap3A_1592, %swap3A_1593, %swap3A_1594] {strides = array<i32>} : memref<2x128x128xf32, #tpu.memory_space<vmem>>, vector<1x1x16xf32>,
        %swap3A_1596 = vector.shape_cast %swap3A_1595 : vector<1x1x16xf32> to vector<16xf32>
        %swap3A_1597 = vector.shape_cast %mul3A_1590 : vector<16xf32> to vector<1x1x16xf32>
        tpu.vector_store %arg11[%swap3A_1592, %swap3A_1593, %swap3A_1594], %swap3A_1597 {strides = array<i32>} : memref<2x128x128xf32, #tpu.memory_space<vmem>>, vector<1x1x16xf32>,
        %get3A_1598 = arith.constant 1 : i32
        %get3A_1599 = arith.index_cast %get3A_1598 : i32 to index
        %get3A_1600 = arith.index_cast %add3A_1492 : i32 to index
        %get3A_1601 = arith.constant 112 : index
        %get3A_1602 = tpu.vector_load %arg11[%get3A_1599, %get3A_1600, %get3A_1601] {strides = array<i32>} : memref<2x128x128xf32, #tpu.memory_space<vmem>>, vector<1x1x16xf32>,
        %get3A_1603 = vector.shape_cast %get3A_1602 : vector<1x1x16xf32> to vector<16xf32>
        %mul3A_1604 = vector.broadcast %squeeze3A_1488 : f32 to vector<16xf32>
        %mul3A_1605 = arith.mulf %get3A_1603, %mul3A_1604 : vector<16xf32>
        %swap3A_1606 = arith.constant 1 : i32
        %swap3A_1607 = arith.index_cast %swap3A_1606 : i32 to index
        %swap3A_1608 = arith.index_cast %add3A_1492 : i32 to index
        %swap3A_1609 = arith.constant 112 : index
        %swap3A_1610 = tpu.vector_load %arg11[%swap3A_1607, %swap3A_1608, %swap3A_1609] {strides = array<i32>} : memref<2x128x128xf32, #tpu.memory_space<vmem>>, vector<1x1x16xf32>,
        %swap3A_1611 = vector.shape_cast %swap3A_1610 : vector<1x1x16xf32> to vector<16xf32>
        %swap3A_1612 = vector.shape_cast %mul3A_1605 : vector<16xf32> to vector<1x1x16xf32>
        tpu.vector_store %arg11[%swap3A_1607, %swap3A_1608, %swap3A_1609], %swap3A_1612 {strides = array<i32>} : memref<2x128x128xf32, #tpu.memory_space<vmem>>, vector<1x1x16xf32>,
        %slice3A_1613 = vector.extract_strided_slice %get3A_229 {offsets = [11], sizes = [1], strides = [1]} : vector<16xf32> to vector<1xf32>
        %squeeze3A_1614 = vector.extract %slice3A_1613[0] : f32 from vector<1xf32>
        %mul3A_1615 = arith.constant 16 : i32
        %mul3A_1616 = arith.muli %scan3A_223, %mul3A_1615 : i32
        %add3A_1617 = arith.constant 11 : i32
        %add3A_1618 = arith.addi %mul3A_1616, %add3A_1617 : i32
        %get3A_1619 = arith.constant 1 : i32
        %get3A_1620 = arith.index_cast %get3A_1619 : i32 to index
        %get3A_1621 = arith.index_cast %add3A_1618 : i32 to index
        %get3A_1622 = arith.constant 0 : index
        %get3A_1623 = tpu.vector_load %arg11[%get3A_1620, %get3A_1621, %get3A_1622] {strides = array<i32>} : memref<2x128x128xf32, #tpu.memory_space<vmem>>, vector<1x1x16xf32>,
        %get3A_1624 = vector.shape_cast %get3A_1623 : vector<1x1x16xf32> to vector<16xf32>
        %mul3A_1625 = vector.broadcast %squeeze3A_1614 : f32 to vector<16xf32>
        %mul3A_1626 = arith.mulf %get3A_1624, %mul3A_1625 : vector<16xf32>
        %swap3A_1627 = arith.constant 1 : i32
        %swap3A_1628 = arith.index_cast %swap3A_1627 : i32 to index
        %swap3A_1629 = arith.index_cast %add3A_1618 : i32 to index
        %swap3A_1630 = arith.constant 0 : index
        %swap3A_1631 = tpu.vector_load %arg11[%swap3A_1628, %swap3A_1629, %swap3A_1630] {strides = array<i32>} : memref<2x128x128xf32, #tpu.memory_space<vmem>>, vector<1x1x16xf32>,
        %swap3A_1632 = vector.shape_cast %swap3A_1631 : vector<1x1x16xf32> to vector<16xf32>
        %swap3A_1633 = vector.shape_cast %mul3A_1626 : vector<16xf32> to vector<1x1x16xf32>
        tpu.vector_store %arg11[%swap3A_1628, %swap3A_1629, %swap3A_1630], %swap3A_1633 {strides = array<i32>} : memref<2x128x128xf32, #tpu.memory_space<vmem>>, vector<1x1x16xf32>,
        %get3A_1634 = arith.constant 1 : i32
        %get3A_1635 = arith.index_cast %get3A_1634 : i32 to index
        %get3A_1636 = arith.index_cast %add3A_1618 : i32 to index
        %get3A_1637 = arith.constant 16 : index
        %get3A_1638 = tpu.vector_load %arg11[%get3A_1635, %get3A_1636, %get3A_1637] {strides = array<i32>} : memref<2x128x128xf32, #tpu.memory_space<vmem>>, vector<1x1x16xf32>,
        %get3A_1639 = vector.shape_cast %get3A_1638 : vector<1x1x16xf32> to vector<16xf32>
        %mul3A_1640 = vector.broadcast %squeeze3A_1614 : f32 to vector<16xf32>
        %mul3A_1641 = arith.mulf %get3A_1639, %mul3A_1640 : vector<16xf32>
        %swap3A_1642 = arith.constant 1 : i32
        %swap3A_1643 = arith.index_cast %swap3A_1642 : i32 to index
        %swap3A_1644 = arith.index_cast %add3A_1618 : i32 to index
        %swap3A_1645 = arith.constant 16 : index
        %swap3A_1646 = tpu.vector_load %arg11[%swap3A_1643, %swap3A_1644, %swap3A_1645] {strides = array<i32>} : memref<2x128x128xf32, #tpu.memory_space<vmem>>, vector<1x1x16xf32>,
        %swap3A_1647 = vector.shape_cast %swap3A_1646 : vector<1x1x16xf32> to vector<16xf32>
        %swap3A_1648 = vector.shape_cast %mul3A_1641 : vector<16xf32> to vector<1x1x16xf32>
        tpu.vector_store %arg11[%swap3A_1643, %swap3A_1644, %swap3A_1645], %swap3A_1648 {strides = array<i32>} : memref<2x128x128xf32, #tpu.memory_space<vmem>>, vector<1x1x16xf32>,
        %get3A_1649 = arith.constant 1 : i32
        %get3A_1650 = arith.index_cast %get3A_1649 : i32 to index
        %get3A_1651 = arith.index_cast %add3A_1618 : i32 to index
        %get3A_1652 = arith.constant 32 : index
        %get3A_1653 = tpu.vector_load %arg11[%get3A_1650, %get3A_1651, %get3A_1652] {strides = array<i32>} : memref<2x128x128xf32, #tpu.memory_space<vmem>>, vector<1x1x16xf32>,
        %get3A_1654 = vector.shape_cast %get3A_1653 : vector<1x1x16xf32> to vector<16xf32>
        %mul3A_1655 = vector.broadcast %squeeze3A_1614 : f32 to vector<16xf32>
        %mul3A_1656 = arith.mulf %get3A_1654, %mul3A_1655 : vector<16xf32>
        %swap3A_1657 = arith.constant 1 : i32
        %swap3A_1658 = arith.index_cast %swap3A_1657 : i32 to index
        %swap3A_1659 = arith.index_cast %add3A_1618 : i32 to index
        %swap3A_1660 = arith.constant 32 : index
        %swap3A_1661 = tpu.vector_load %arg11[%swap3A_1658, %swap3A_1659, %swap3A_1660] {strides = array<i32>} : memref<2x128x128xf32, #tpu.memory_space<vmem>>, vector<1x1x16xf32>,
        %swap3A_1662 = vector.shape_cast %swap3A_1661 : vector<1x1x16xf32> to vector<16xf32>
        %swap3A_1663 = vector.shape_cast %mul3A_1656 : vector<16xf32> to vector<1x1x16xf32>
        tpu.vector_store %arg11[%swap3A_1658, %swap3A_1659, %swap3A_1660], %swap3A_1663 {strides = array<i32>} : memref<2x128x128xf32, #tpu.memory_space<vmem>>, vector<1x1x16xf32>,
        %get3A_1664 = arith.constant 1 : i32
        %get3A_1665 = arith.index_cast %get3A_1664 : i32 to index
        %get3A_1666 = arith.index_cast %add3A_1618 : i32 to index
        %get3A_1667 = arith.constant 48 : index
        %get3A_1668 = tpu.vector_load %arg11[%get3A_1665, %get3A_1666, %get3A_1667] {strides = array<i32>} : memref<2x128x128xf32, #tpu.memory_space<vmem>>, vector<1x1x16xf32>,
        %get3A_1669 = vector.shape_cast %get3A_1668 : vector<1x1x16xf32> to vector<16xf32>
        %mul3A_1670 = vector.broadcast %squeeze3A_1614 : f32 to vector<16xf32>
        %mul3A_1671 = arith.mulf %get3A_1669, %mul3A_1670 : vector<16xf32>
        %swap3A_1672 = arith.constant 1 : i32
        %swap3A_1673 = arith.index_cast %swap3A_1672 : i32 to index
        %swap3A_1674 = arith.index_cast %add3A_1618 : i32 to index
        %swap3A_1675 = arith.constant 48 : index
        %swap3A_1676 = tpu.vector_load %arg11[%swap3A_1673, %swap3A_1674, %swap3A_1675] {strides = array<i32>} : memref<2x128x128xf32, #tpu.memory_space<vmem>>, vector<1x1x16xf32>,
        %swap3A_1677 = vector.shape_cast %swap3A_1676 : vector<1x1x16xf32> to vector<16xf32>
        %swap3A_1678 = vector.shape_cast %mul3A_1671 : vector<16xf32> to vector<1x1x16xf32>
        tpu.vector_store %arg11[%swap3A_1673, %swap3A_1674, %swap3A_1675], %swap3A_1678 {strides = array<i32>} : memref<2x128x128xf32, #tpu.memory_space<vmem>>, vector<1x1x16xf32>,
        %get3A_1679 = arith.constant 1 : i32
        %get3A_1680 = arith.index_cast %get3A_1679 : i32 to index
        %get3A_1681 = arith.index_cast %add3A_1618 : i32 to index
        %get3A_1682 = arith.constant 64 : index
        %get3A_1683 = tpu.vector_load %arg11[%get3A_1680, %get3A_1681, %get3A_1682] {strides = array<i32>} : memref<2x128x128xf32, #tpu.memory_space<vmem>>, vector<1x1x16xf32>,
        %get3A_1684 = vector.shape_cast %get3A_1683 : vector<1x1x16xf32> to vector<16xf32>
        %mul3A_1685 = vector.broadcast %squeeze3A_1614 : f32 to vector<16xf32>
        %mul3A_1686 = arith.mulf %get3A_1684, %mul3A_1685 : vector<16xf32>
        %swap3A_1687 = arith.constant 1 : i32
        %swap3A_1688 = arith.index_cast %swap3A_1687 : i32 to index
        %swap3A_1689 = arith.index_cast %add3A_1618 : i32 to index
        %swap3A_1690 = arith.constant 64 : index
        %swap3A_1691 = tpu.vector_load %arg11[%swap3A_1688, %swap3A_1689, %swap3A_1690] {strides = array<i32>} : memref<2x128x128xf32, #tpu.memory_space<vmem>>, vector<1x1x16xf32>,
        %swap3A_1692 = vector.shape_cast %swap3A_1691 : vector<1x1x16xf32> to vector<16xf32>
        %swap3A_1693 = vector.shape_cast %mul3A_1686 : vector<16xf32> to vector<1x1x16xf32>
        tpu.vector_store %arg11[%swap3A_1688, %swap3A_1689, %swap3A_1690], %swap3A_1693 {strides = array<i32>} : memref<2x128x128xf32, #tpu.memory_space<vmem>>, vector<1x1x16xf32>,
        %get3A_1694 = arith.constant 1 : i32
        %get3A_1695 = arith.index_cast %get3A_1694 : i32 to index
        %get3A_1696 = arith.index_cast %add3A_1618 : i32 to index
        %get3A_1697 = arith.constant 80 : index
        %get3A_1698 = tpu.vector_load %arg11[%get3A_1695, %get3A_1696, %get3A_1697] {strides = array<i32>} : memref<2x128x128xf32, #tpu.memory_space<vmem>>, vector<1x1x16xf32>,
        %get3A_1699 = vector.shape_cast %get3A_1698 : vector<1x1x16xf32> to vector<16xf32>
        %mul3A_1700 = vector.broadcast %squeeze3A_1614 : f32 to vector<16xf32>
        %mul3A_1701 = arith.mulf %get3A_1699, %mul3A_1700 : vector<16xf32>
        %swap3A_1702 = arith.constant 1 : i32
        %swap3A_1703 = arith.index_cast %swap3A_1702 : i32 to index
        %swap3A_1704 = arith.index_cast %add3A_1618 : i32 to index
        %swap3A_1705 = arith.constant 80 : index
        %swap3A_1706 = tpu.vector_load %arg11[%swap3A_1703, %swap3A_1704, %swap3A_1705] {strides = array<i32>} : memref<2x128x128xf32, #tpu.memory_space<vmem>>, vector<1x1x16xf32>,
        %swap3A_1707 = vector.shape_cast %swap3A_1706 : vector<1x1x16xf32> to vector<16xf32>
        %swap3A_1708 = vector.shape_cast %mul3A_1701 : vector<16xf32> to vector<1x1x16xf32>
        tpu.vector_store %arg11[%swap3A_1703, %swap3A_1704, %swap3A_1705], %swap3A_1708 {strides = array<i32>} : memref<2x128x128xf32, #tpu.memory_space<vmem>>, vector<1x1x16xf32>,
        %get3A_1709 = arith.constant 1 : i32
        %get3A_1710 = arith.index_cast %get3A_1709 : i32 to index
        %get3A_1711 = arith.index_cast %add3A_1618 : i32 to index
        %get3A_1712 = arith.constant 96 : index
        %get3A_1713 = tpu.vector_load %arg11[%get3A_1710, %get3A_1711, %get3A_1712] {strides = array<i32>} : memref<2x128x128xf32, #tpu.memory_space<vmem>>, vector<1x1x16xf32>,
        %get3A_1714 = vector.shape_cast %get3A_1713 : vector<1x1x16xf32> to vector<16xf32>
        %mul3A_1715 = vector.broadcast %squeeze3A_1614 : f32 to vector<16xf32>
        %mul3A_1716 = arith.mulf %get3A_1714, %mul3A_1715 : vector<16xf32>
        %swap3A_1717 = arith.constant 1 : i32
        %swap3A_1718 = arith.index_cast %swap3A_1717 : i32 to index
        %swap3A_1719 = arith.index_cast %add3A_1618 : i32 to index
        %swap3A_1720 = arith.constant 96 : index
        %swap3A_1721 = tpu.vector_load %arg11[%swap3A_1718, %swap3A_1719, %swap3A_1720] {strides = array<i32>} : memref<2x128x128xf32, #tpu.memory_space<vmem>>, vector<1x1x16xf32>,
        %swap3A_1722 = vector.shape_cast %swap3A_1721 : vector<1x1x16xf32> to vector<16xf32>
        %swap3A_1723 = vector.shape_cast %mul3A_1716 : vector<16xf32> to vector<1x1x16xf32>
        tpu.vector_store %arg11[%swap3A_1718, %swap3A_1719, %swap3A_1720], %swap3A_1723 {strides = array<i32>} : memref<2x128x128xf32, #tpu.memory_space<vmem>>, vector<1x1x16xf32>,
        %get3A_1724 = arith.constant 1 : i32
        %get3A_1725 = arith.index_cast %get3A_1724 : i32 to index
        %get3A_1726 = arith.index_cast %add3A_1618 : i32 to index
        %get3A_1727 = arith.constant 112 : index
        %get3A_1728 = tpu.vector_load %arg11[%get3A_1725, %get3A_1726, %get3A_1727] {strides = array<i32>} : memref<2x128x128xf32, #tpu.memory_space<vmem>>, vector<1x1x16xf32>,
        %get3A_1729 = vector.shape_cast %get3A_1728 : vector<1x1x16xf32> to vector<16xf32>
        %mul3A_1730 = vector.broadcast %squeeze3A_1614 : f32 to vector<16xf32>
        %mul3A_1731 = arith.mulf %get3A_1729, %mul3A_1730 : vector<16xf32>
        %swap3A_1732 = arith.constant 1 : i32
        %swap3A_1733 = arith.index_cast %swap3A_1732 : i32 to index
        %swap3A_1734 = arith.index_cast %add3A_1618 : i32 to index
        %swap3A_1735 = arith.constant 112 : index
        %swap3A_1736 = tpu.vector_load %arg11[%swap3A_1733, %swap3A_1734, %swap3A_1735] {strides = array<i32>} : memref<2x128x128xf32, #tpu.memory_space<vmem>>, vector<1x1x16xf32>,
        %swap3A_1737 = vector.shape_cast %swap3A_1736 : vector<1x1x16xf32> to vector<16xf32>
        %swap3A_1738 = vector.shape_cast %mul3A_1731 : vector<16xf32> to vector<1x1x16xf32>
        tpu.vector_store %arg11[%swap3A_1733, %swap3A_1734, %swap3A_1735], %swap3A_1738 {strides = array<i32>} : memref<2x128x128xf32, #tpu.memory_space<vmem>>, vector<1x1x16xf32>,
        %slice3A_1739 = vector.extract_strided_slice %get3A_229 {offsets = [12], sizes = [1], strides = [1]} : vector<16xf32> to vector<1xf32>
        %squeeze3A_1740 = vector.extract %slice3A_1739[0] : f32 from vector<1xf32>
        %mul3A_1741 = arith.constant 16 : i32
        %mul3A_1742 = arith.muli %scan3A_223, %mul3A_1741 : i32
        %add3A_1743 = arith.constant 12 : i32
        %add3A_1744 = arith.addi %mul3A_1742, %add3A_1743 : i32
        %get3A_1745 = arith.constant 1 : i32
        %get3A_1746 = arith.index_cast %get3A_1745 : i32 to index
        %get3A_1747 = arith.index_cast %add3A_1744 : i32 to index
        %get3A_1748 = arith.constant 0 : index
        %get3A_1749 = tpu.vector_load %arg11[%get3A_1746, %get3A_1747, %get3A_1748] {strides = array<i32>} : memref<2x128x128xf32, #tpu.memory_space<vmem>>, vector<1x1x16xf32>,
        %get3A_1750 = vector.shape_cast %get3A_1749 : vector<1x1x16xf32> to vector<16xf32>
        %mul3A_1751 = vector.broadcast %squeeze3A_1740 : f32 to vector<16xf32>
        %mul3A_1752 = arith.mulf %get3A_1750, %mul3A_1751 : vector<16xf32>
        %swap3A_1753 = arith.constant 1 : i32
        %swap3A_1754 = arith.index_cast %swap3A_1753 : i32 to index
        %swap3A_1755 = arith.index_cast %add3A_1744 : i32 to index
        %swap3A_1756 = arith.constant 0 : index
        %swap3A_1757 = tpu.vector_load %arg11[%swap3A_1754, %swap3A_1755, %swap3A_1756] {strides = array<i32>} : memref<2x128x128xf32, #tpu.memory_space<vmem>>, vector<1x1x16xf32>,
        %swap3A_1758 = vector.shape_cast %swap3A_1757 : vector<1x1x16xf32> to vector<16xf32>
        %swap3A_1759 = vector.shape_cast %mul3A_1752 : vector<16xf32> to vector<1x1x16xf32>
        tpu.vector_store %arg11[%swap3A_1754, %swap3A_1755, %swap3A_1756], %swap3A_1759 {strides = array<i32>} : memref<2x128x128xf32, #tpu.memory_space<vmem>>, vector<1x1x16xf32>,
        %get3A_1760 = arith.constant 1 : i32
        %get3A_1761 = arith.index_cast %get3A_1760 : i32 to index
        %get3A_1762 = arith.index_cast %add3A_1744 : i32 to index
        %get3A_1763 = arith.constant 16 : index
        %get3A_1764 = tpu.vector_load %arg11[%get3A_1761, %get3A_1762, %get3A_1763] {strides = array<i32>} : memref<2x128x128xf32, #tpu.memory_space<vmem>>, vector<1x1x16xf32>,
        %get3A_1765 = vector.shape_cast %get3A_1764 : vector<1x1x16xf32> to vector<16xf32>
        %mul3A_1766 = vector.broadcast %squeeze3A_1740 : f32 to vector<16xf32>
        %mul3A_1767 = arith.mulf %get3A_1765, %mul3A_1766 : vector<16xf32>
        %swap3A_1768 = arith.constant 1 : i32
        %swap3A_1769 = arith.index_cast %swap3A_1768 : i32 to index
        %swap3A_1770 = arith.index_cast %add3A_1744 : i32 to index
        %swap3A_1771 = arith.constant 16 : index
        %swap3A_1772 = tpu.vector_load %arg11[%swap3A_1769, %swap3A_1770, %swap3A_1771] {strides = array<i32>} : memref<2x128x128xf32, #tpu.memory_space<vmem>>, vector<1x1x16xf32>,
        %swap3A_1773 = vector.shape_cast %swap3A_1772 : vector<1x1x16xf32> to vector<16xf32>
        %swap3A_1774 = vector.shape_cast %mul3A_1767 : vector<16xf32> to vector<1x1x16xf32>
        tpu.vector_store %arg11[%swap3A_1769, %swap3A_1770, %swap3A_1771], %swap3A_1774 {strides = array<i32>} : memref<2x128x128xf32, #tpu.memory_space<vmem>>, vector<1x1x16xf32>,
        %get3A_1775 = arith.constant 1 : i32
        %get3A_1776 = arith.index_cast %get3A_1775 : i32 to index
        %get3A_1777 = arith.index_cast %add3A_1744 : i32 to index
        %get3A_1778 = arith.constant 32 : index
        %get3A_1779 = tpu.vector_load %arg11[%get3A_1776, %get3A_1777, %get3A_1778] {strides = array<i32>} : memref<2x128x128xf32, #tpu.memory_space<vmem>>, vector<1x1x16xf32>,
        %get3A_1780 = vector.shape_cast %get3A_1779 : vector<1x1x16xf32> to vector<16xf32>
        %mul3A_1781 = vector.broadcast %squeeze3A_1740 : f32 to vector<16xf32>
        %mul3A_1782 = arith.mulf %get3A_1780, %mul3A_1781 : vector<16xf32>
        %swap3A_1783 = arith.constant 1 : i32
        %swap3A_1784 = arith.index_cast %swap3A_1783 : i32 to index
        %swap3A_1785 = arith.index_cast %add3A_1744 : i32 to index
        %swap3A_1786 = arith.constant 32 : index
        %swap3A_1787 = tpu.vector_load %arg11[%swap3A_1784, %swap3A_1785, %swap3A_1786] {strides = array<i32>} : memref<2x128x128xf32, #tpu.memory_space<vmem>>, vector<1x1x16xf32>,
        %swap3A_1788 = vector.shape_cast %swap3A_1787 : vector<1x1x16xf32> to vector<16xf32>
        %swap3A_1789 = vector.shape_cast %mul3A_1782 : vector<16xf32> to vector<1x1x16xf32>
        tpu.vector_store %arg11[%swap3A_1784, %swap3A_1785, %swap3A_1786], %swap3A_1789 {strides = array<i32>} : memref<2x128x128xf32, #tpu.memory_space<vmem>>, vector<1x1x16xf32>,
        %get3A_1790 = arith.constant 1 : i32
        %get3A_1791 = arith.index_cast %get3A_1790 : i32 to index
        %get3A_1792 = arith.index_cast %add3A_1744 : i32 to index
        %get3A_1793 = arith.constant 48 : index
        %get3A_1794 = tpu.vector_load %arg11[%get3A_1791, %get3A_1792, %get3A_1793] {strides = array<i32>} : memref<2x128x128xf32, #tpu.memory_space<vmem>>, vector<1x1x16xf32>,
        %get3A_1795 = vector.shape_cast %get3A_1794 : vector<1x1x16xf32> to vector<16xf32>
        %mul3A_1796 = vector.broadcast %squeeze3A_1740 : f32 to vector<16xf32>
        %mul3A_1797 = arith.mulf %get3A_1795, %mul3A_1796 : vector<16xf32>
        %swap3A_1798 = arith.constant 1 : i32
        %swap3A_1799 = arith.index_cast %swap3A_1798 : i32 to index
        %swap3A_1800 = arith.index_cast %add3A_1744 : i32 to index
        %swap3A_1801 = arith.constant 48 : index
        %swap3A_1802 = tpu.vector_load %arg11[%swap3A_1799, %swap3A_1800, %swap3A_1801] {strides = array<i32>} : memref<2x128x128xf32, #tpu.memory_space<vmem>>, vector<1x1x16xf32>,
        %swap3A_1803 = vector.shape_cast %swap3A_1802 : vector<1x1x16xf32> to vector<16xf32>
        %swap3A_1804 = vector.shape_cast %mul3A_1797 : vector<16xf32> to vector<1x1x16xf32>
        tpu.vector_store %arg11[%swap3A_1799, %swap3A_1800, %swap3A_1801], %swap3A_1804 {strides = array<i32>} : memref<2x128x128xf32, #tpu.memory_space<vmem>>, vector<1x1x16xf32>,
        %get3A_1805 = arith.constant 1 : i32
        %get3A_1806 = arith.index_cast %get3A_1805 : i32 to index
        %get3A_1807 = arith.index_cast %add3A_1744 : i32 to index
        %get3A_1808 = arith.constant 64 : index
        %get3A_1809 = tpu.vector_load %arg11[%get3A_1806, %get3A_1807, %get3A_1808] {strides = array<i32>} : memref<2x128x128xf32, #tpu.memory_space<vmem>>, vector<1x1x16xf32>,
        %get3A_1810 = vector.shape_cast %get3A_1809 : vector<1x1x16xf32> to vector<16xf32>
        %mul3A_1811 = vector.broadcast %squeeze3A_1740 : f32 to vector<16xf32>
        %mul3A_1812 = arith.mulf %get3A_1810, %mul3A_1811 : vector<16xf32>
        %swap3A_1813 = arith.constant 1 : i32
        %swap3A_1814 = arith.index_cast %swap3A_1813 : i32 to index
        %swap3A_1815 = arith.index_cast %add3A_1744 : i32 to index
        %swap3A_1816 = arith.constant 64 : index
        %swap3A_1817 = tpu.vector_load %arg11[%swap3A_1814, %swap3A_1815, %swap3A_1816] {strides = array<i32>} : memref<2x128x128xf32, #tpu.memory_space<vmem>>, vector<1x1x16xf32>,
        %swap3A_1818 = vector.shape_cast %swap3A_1817 : vector<1x1x16xf32> to vector<16xf32>
        %swap3A_1819 = vector.shape_cast %mul3A_1812 : vector<16xf32> to vector<1x1x16xf32>
        tpu.vector_store %arg11[%swap3A_1814, %swap3A_1815, %swap3A_1816], %swap3A_1819 {strides = array<i32>} : memref<2x128x128xf32, #tpu.memory_space<vmem>>, vector<1x1x16xf32>,
        %get3A_1820 = arith.constant 1 : i32
        %get3A_1821 = arith.index_cast %get3A_1820 : i32 to index
        %get3A_1822 = arith.index_cast %add3A_1744 : i32 to index
        %get3A_1823 = arith.constant 80 : index
        %get3A_1824 = tpu.vector_load %arg11[%get3A_1821, %get3A_1822, %get3A_1823] {strides = array<i32>} : memref<2x128x128xf32, #tpu.memory_space<vmem>>, vector<1x1x16xf32>,
        %get3A_1825 = vector.shape_cast %get3A_1824 : vector<1x1x16xf32> to vector<16xf32>
        %mul3A_1826 = vector.broadcast %squeeze3A_1740 : f32 to vector<16xf32>
        %mul3A_1827 = arith.mulf %get3A_1825, %mul3A_1826 : vector<16xf32>
        %swap3A_1828 = arith.constant 1 : i32
        %swap3A_1829 = arith.index_cast %swap3A_1828 : i32 to index
        %swap3A_1830 = arith.index_cast %add3A_1744 : i32 to index
        %swap3A_1831 = arith.constant 80 : index
        %swap3A_1832 = tpu.vector_load %arg11[%swap3A_1829, %swap3A_1830, %swap3A_1831] {strides = array<i32>} : memref<2x128x128xf32, #tpu.memory_space<vmem>>, vector<1x1x16xf32>,
        %swap3A_1833 = vector.shape_cast %swap3A_1832 : vector<1x1x16xf32> to vector<16xf32>
        %swap3A_1834 = vector.shape_cast %mul3A_1827 : vector<16xf32> to vector<1x1x16xf32>
        tpu.vector_store %arg11[%swap3A_1829, %swap3A_1830, %swap3A_1831], %swap3A_1834 {strides = array<i32>} : memref<2x128x128xf32, #tpu.memory_space<vmem>>, vector<1x1x16xf32>,
        %get3A_1835 = arith.constant 1 : i32
        %get3A_1836 = arith.index_cast %get3A_1835 : i32 to index
        %get3A_1837 = arith.index_cast %add3A_1744 : i32 to index
        %get3A_1838 = arith.constant 96 : index
        %get3A_1839 = tpu.vector_load %arg11[%get3A_1836, %get3A_1837, %get3A_1838] {strides = array<i32>} : memref<2x128x128xf32, #tpu.memory_space<vmem>>, vector<1x1x16xf32>,
        %get3A_1840 = vector.shape_cast %get3A_1839 : vector<1x1x16xf32> to vector<16xf32>
        %mul3A_1841 = vector.broadcast %squeeze3A_1740 : f32 to vector<16xf32>
        %mul3A_1842 = arith.mulf %get3A_1840, %mul3A_1841 : vector<16xf32>
        %swap3A_1843 = arith.constant 1 : i32
        %swap3A_1844 = arith.index_cast %swap3A_1843 : i32 to index
        %swap3A_1845 = arith.index_cast %add3A_1744 : i32 to index
        %swap3A_1846 = arith.constant 96 : index
        %swap3A_1847 = tpu.vector_load %arg11[%swap3A_1844, %swap3A_1845, %swap3A_1846] {strides = array<i32>} : memref<2x128x128xf32, #tpu.memory_space<vmem>>, vector<1x1x16xf32>,
        %swap3A_1848 = vector.shape_cast %swap3A_1847 : vector<1x1x16xf32> to vector<16xf32>
        %swap3A_1849 = vector.shape_cast %mul3A_1842 : vector<16xf32> to vector<1x1x16xf32>
        tpu.vector_store %arg11[%swap3A_1844, %swap3A_1845, %swap3A_1846], %swap3A_1849 {strides = array<i32>} : memref<2x128x128xf32, #tpu.memory_space<vmem>>, vector<1x1x16xf32>,
        %get3A_1850 = arith.constant 1 : i32
        %get3A_1851 = arith.index_cast %get3A_1850 : i32 to index
        %get3A_1852 = arith.index_cast %add3A_1744 : i32 to index
        %get3A_1853 = arith.constant 112 : index
        %get3A_1854 = tpu.vector_load %arg11[%get3A_1851, %get3A_1852, %get3A_1853] {strides = array<i32>} : memref<2x128x128xf32, #tpu.memory_space<vmem>>, vector<1x1x16xf32>,
        %get3A_1855 = vector.shape_cast %get3A_1854 : vector<1x1x16xf32> to vector<16xf32>
        %mul3A_1856 = vector.broadcast %squeeze3A_1740 : f32 to vector<16xf32>
        %mul3A_1857 = arith.mulf %get3A_1855, %mul3A_1856 : vector<16xf32>
        %swap3A_1858 = arith.constant 1 : i32
        %swap3A_1859 = arith.index_cast %swap3A_1858 : i32 to index
        %swap3A_1860 = arith.index_cast %add3A_1744 : i32 to index
        %swap3A_1861 = arith.constant 112 : index
        %swap3A_1862 = tpu.vector_load %arg11[%swap3A_1859, %swap3A_1860, %swap3A_1861] {strides = array<i32>} : memref<2x128x128xf32, #tpu.memory_space<vmem>>, vector<1x1x16xf32>,
        %swap3A_1863 = vector.shape_cast %swap3A_1862 : vector<1x1x16xf32> to vector<16xf32>
        %swap3A_1864 = vector.shape_cast %mul3A_1857 : vector<16xf32> to vector<1x1x16xf32>
        tpu.vector_store %arg11[%swap3A_1859, %swap3A_1860, %swap3A_1861], %swap3A_1864 {strides = array<i32>} : memref<2x128x128xf32, #tpu.memory_space<vmem>>, vector<1x1x16xf32>,
        %slice3A_1865 = vector.extract_strided_slice %get3A_229 {offsets = [13], sizes = [1], strides = [1]} : vector<16xf32> to vector<1xf32>
        %squeeze3A_1866 = vector.extract %slice3A_1865[0] : f32 from vector<1xf32>
        %mul3A_1867 = arith.constant 16 : i32
        %mul3A_1868 = arith.muli %scan3A_223, %mul3A_1867 : i32
        %add3A_1869 = arith.constant 13 : i32
        %add3A_1870 = arith.addi %mul3A_1868, %add3A_1869 : i32
        %get3A_1871 = arith.constant 1 : i32
        %get3A_1872 = arith.index_cast %get3A_1871 : i32 to index
        %get3A_1873 = arith.index_cast %add3A_1870 : i32 to index
        %get3A_1874 = arith.constant 0 : index
        %get3A_1875 = tpu.vector_load %arg11[%get3A_1872, %get3A_1873, %get3A_1874] {strides = array<i32>} : memref<2x128x128xf32, #tpu.memory_space<vmem>>, vector<1x1x16xf32>,
        %get3A_1876 = vector.shape_cast %get3A_1875 : vector<1x1x16xf32> to vector<16xf32>
        %mul3A_1877 = vector.broadcast %squeeze3A_1866 : f32 to vector<16xf32>
        %mul3A_1878 = arith.mulf %get3A_1876, %mul3A_1877 : vector<16xf32>
        %swap3A_1879 = arith.constant 1 : i32
        %swap3A_1880 = arith.index_cast %swap3A_1879 : i32 to index
        %swap3A_1881 = arith.index_cast %add3A_1870 : i32 to index
        %swap3A_1882 = arith.constant 0 : index
        %swap3A_1883 = tpu.vector_load %arg11[%swap3A_1880, %swap3A_1881, %swap3A_1882] {strides = array<i32>} : memref<2x128x128xf32, #tpu.memory_space<vmem>>, vector<1x1x16xf32>,
        %swap3A_1884 = vector.shape_cast %swap3A_1883 : vector<1x1x16xf32> to vector<16xf32>
        %swap3A_1885 = vector.shape_cast %mul3A_1878 : vector<16xf32> to vector<1x1x16xf32>
        tpu.vector_store %arg11[%swap3A_1880, %swap3A_1881, %swap3A_1882], %swap3A_1885 {strides = array<i32>} : memref<2x128x128xf32, #tpu.memory_space<vmem>>, vector<1x1x16xf32>,
        %get3A_1886 = arith.constant 1 : i32
        %get3A_1887 = arith.index_cast %get3A_1886 : i32 to index
        %get3A_1888 = arith.index_cast %add3A_1870 : i32 to index
        %get3A_1889 = arith.constant 16 : index
        %get3A_1890 = tpu.vector_load %arg11[%get3A_1887, %get3A_1888, %get3A_1889] {strides = array<i32>} : memref<2x128x128xf32, #tpu.memory_space<vmem>>, vector<1x1x16xf32>,
        %get3A_1891 = vector.shape_cast %get3A_1890 : vector<1x1x16xf32> to vector<16xf32>
        %mul3A_1892 = vector.broadcast %squeeze3A_1866 : f32 to vector<16xf32>
        %mul3A_1893 = arith.mulf %get3A_1891, %mul3A_1892 : vector<16xf32>
        %swap3A_1894 = arith.constant 1 : i32
        %swap3A_1895 = arith.index_cast %swap3A_1894 : i32 to index
        %swap3A_1896 = arith.index_cast %add3A_1870 : i32 to index
        %swap3A_1897 = arith.constant 16 : index
        %swap3A_1898 = tpu.vector_load %arg11[%swap3A_1895, %swap3A_1896, %swap3A_1897] {strides = array<i32>} : memref<2x128x128xf32, #tpu.memory_space<vmem>>, vector<1x1x16xf32>,
        %swap3A_1899 = vector.shape_cast %swap3A_1898 : vector<1x1x16xf32> to vector<16xf32>
        %swap3A_1900 = vector.shape_cast %mul3A_1893 : vector<16xf32> to vector<1x1x16xf32>
        tpu.vector_store %arg11[%swap3A_1895, %swap3A_1896, %swap3A_1897], %swap3A_1900 {strides = array<i32>} : memref<2x128x128xf32, #tpu.memory_space<vmem>>, vector<1x1x16xf32>,
        %get3A_1901 = arith.constant 1 : i32
        %get3A_1902 = arith.index_cast %get3A_1901 : i32 to index
        %get3A_1903 = arith.index_cast %add3A_1870 : i32 to index
        %get3A_1904 = arith.constant 32 : index
        %get3A_1905 = tpu.vector_load %arg11[%get3A_1902, %get3A_1903, %get3A_1904] {strides = array<i32>} : memref<2x128x128xf32, #tpu.memory_space<vmem>>, vector<1x1x16xf32>,
        %get3A_1906 = vector.shape_cast %get3A_1905 : vector<1x1x16xf32> to vector<16xf32>
        %mul3A_1907 = vector.broadcast %squeeze3A_1866 : f32 to vector<16xf32>
        %mul3A_1908 = arith.mulf %get3A_1906, %mul3A_1907 : vector<16xf32>
        %swap3A_1909 = arith.constant 1 : i32
        %swap3A_1910 = arith.index_cast %swap3A_1909 : i32 to index
        %swap3A_1911 = arith.index_cast %add3A_1870 : i32 to index
        %swap3A_1912 = arith.constant 32 : index
        %swap3A_1913 = tpu.vector_load %arg11[%swap3A_1910, %swap3A_1911, %swap3A_1912] {strides = array<i32>} : memref<2x128x128xf32, #tpu.memory_space<vmem>>, vector<1x1x16xf32>,
        %swap3A_1914 = vector.shape_cast %swap3A_1913 : vector<1x1x16xf32> to vector<16xf32>
        %swap3A_1915 = vector.shape_cast %mul3A_1908 : vector<16xf32> to vector<1x1x16xf32>
        tpu.vector_store %arg11[%swap3A_1910, %swap3A_1911, %swap3A_1912], %swap3A_1915 {strides = array<i32>} : memref<2x128x128xf32, #tpu.memory_space<vmem>>, vector<1x1x16xf32>,
        %get3A_1916 = arith.constant 1 : i32
        %get3A_1917 = arith.index_cast %get3A_1916 : i32 to index
        %get3A_1918 = arith.index_cast %add3A_1870 : i32 to index
        %get3A_1919 = arith.constant 48 : index
        %get3A_1920 = tpu.vector_load %arg11[%get3A_1917, %get3A_1918, %get3A_1919] {strides = array<i32>} : memref<2x128x128xf32, #tpu.memory_space<vmem>>, vector<1x1x16xf32>,
        %get3A_1921 = vector.shape_cast %get3A_1920 : vector<1x1x16xf32> to vector<16xf32>
        %mul3A_1922 = vector.broadcast %squeeze3A_1866 : f32 to vector<16xf32>
        %mul3A_1923 = arith.mulf %get3A_1921, %mul3A_1922 : vector<16xf32>
        %swap3A_1924 = arith.constant 1 : i32
        %swap3A_1925 = arith.index_cast %swap3A_1924 : i32 to index
        %swap3A_1926 = arith.index_cast %add3A_1870 : i32 to index
        %swap3A_1927 = arith.constant 48 : index
        %swap3A_1928 = tpu.vector_load %arg11[%swap3A_1925, %swap3A_1926, %swap3A_1927] {strides = array<i32>} : memref<2x128x128xf32, #tpu.memory_space<vmem>>, vector<1x1x16xf32>,
        %swap3A_1929 = vector.shape_cast %swap3A_1928 : vector<1x1x16xf32> to vector<16xf32>
        %swap3A_1930 = vector.shape_cast %mul3A_1923 : vector<16xf32> to vector<1x1x16xf32>
        tpu.vector_store %arg11[%swap3A_1925, %swap3A_1926, %swap3A_1927], %swap3A_1930 {strides = array<i32>} : memref<2x128x128xf32, #tpu.memory_space<vmem>>, vector<1x1x16xf32>,
        %get3A_1931 = arith.constant 1 : i32
        %get3A_1932 = arith.index_cast %get3A_1931 : i32 to index
        %get3A_1933 = arith.index_cast %add3A_1870 : i32 to index
        %get3A_1934 = arith.constant 64 : index
        %get3A_1935 = tpu.vector_load %arg11[%get3A_1932, %get3A_1933, %get3A_1934] {strides = array<i32>} : memref<2x128x128xf32, #tpu.memory_space<vmem>>, vector<1x1x16xf32>,
        %get3A_1936 = vector.shape_cast %get3A_1935 : vector<1x1x16xf32> to vector<16xf32>
        %mul3A_1937 = vector.broadcast %squeeze3A_1866 : f32 to vector<16xf32>
        %mul3A_1938 = arith.mulf %get3A_1936, %mul3A_1937 : vector<16xf32>
        %swap3A_1939 = arith.constant 1 : i32
        %swap3A_1940 = arith.index_cast %swap3A_1939 : i32 to index
        %swap3A_1941 = arith.index_cast %add3A_1870 : i32 to index
        %swap3A_1942 = arith.constant 64 : index
        %swap3A_1943 = tpu.vector_load %arg11[%swap3A_1940, %swap3A_1941, %swap3A_1942] {strides = array<i32>} : memref<2x128x128xf32, #tpu.memory_space<vmem>>, vector<1x1x16xf32>,
        %swap3A_1944 = vector.shape_cast %swap3A_1943 : vector<1x1x16xf32> to vector<16xf32>
        %swap3A_1945 = vector.shape_cast %mul3A_1938 : vector<16xf32> to vector<1x1x16xf32>
        tpu.vector_store %arg11[%swap3A_1940, %swap3A_1941, %swap3A_1942], %swap3A_1945 {strides = array<i32>} : memref<2x128x128xf32, #tpu.memory_space<vmem>>, vector<1x1x16xf32>,
        %get3A_1946 = arith.constant 1 : i32
        %get3A_1947 = arith.index_cast %get3A_1946 : i32 to index
        %get3A_1948 = arith.index_cast %add3A_1870 : i32 to index
        %get3A_1949 = arith.constant 80 : index
        %get3A_1950 = tpu.vector_load %arg11[%get3A_1947, %get3A_1948, %get3A_1949] {strides = array<i32>} : memref<2x128x128xf32, #tpu.memory_space<vmem>>, vector<1x1x16xf32>,
        %get3A_1951 = vector.shape_cast %get3A_1950 : vector<1x1x16xf32> to vector<16xf32>
        %mul3A_1952 = vector.broadcast %squeeze3A_1866 : f32 to vector<16xf32>
        %mul3A_1953 = arith.mulf %get3A_1951, %mul3A_1952 : vector<16xf32>
        %swap3A_1954 = arith.constant 1 : i32
        %swap3A_1955 = arith.index_cast %swap3A_1954 : i32 to index
        %swap3A_1956 = arith.index_cast %add3A_1870 : i32 to index
        %swap3A_1957 = arith.constant 80 : index
        %swap3A_1958 = tpu.vector_load %arg11[%swap3A_1955, %swap3A_1956, %swap3A_1957] {strides = array<i32>} : memref<2x128x128xf32, #tpu.memory_space<vmem>>, vector<1x1x16xf32>,
        %swap3A_1959 = vector.shape_cast %swap3A_1958 : vector<1x1x16xf32> to vector<16xf32>
        %swap3A_1960 = vector.shape_cast %mul3A_1953 : vector<16xf32> to vector<1x1x16xf32>
        tpu.vector_store %arg11[%swap3A_1955, %swap3A_1956, %swap3A_1957], %swap3A_1960 {strides = array<i32>} : memref<2x128x128xf32, #tpu.memory_space<vmem>>, vector<1x1x16xf32>,
        %get3A_1961 = arith.constant 1 : i32
        %get3A_1962 = arith.index_cast %get3A_1961 : i32 to index
        %get3A_1963 = arith.index_cast %add3A_1870 : i32 to index
        %get3A_1964 = arith.constant 96 : index
        %get3A_1965 = tpu.vector_load %arg11[%get3A_1962, %get3A_1963, %get3A_1964] {strides = array<i32>} : memref<2x128x128xf32, #tpu.memory_space<vmem>>, vector<1x1x16xf32>,
        %get3A_1966 = vector.shape_cast %get3A_1965 : vector<1x1x16xf32> to vector<16xf32>
        %mul3A_1967 = vector.broadcast %squeeze3A_1866 : f32 to vector<16xf32>
        %mul3A_1968 = arith.mulf %get3A_1966, %mul3A_1967 : vector<16xf32>
        %swap3A_1969 = arith.constant 1 : i32
        %swap3A_1970 = arith.index_cast %swap3A_1969 : i32 to index
        %swap3A_1971 = arith.index_cast %add3A_1870 : i32 to index
        %swap3A_1972 = arith.constant 96 : index
        %swap3A_1973 = tpu.vector_load %arg11[%swap3A_1970, %swap3A_1971, %swap3A_1972] {strides = array<i32>} : memref<2x128x128xf32, #tpu.memory_space<vmem>>, vector<1x1x16xf32>,
        %swap3A_1974 = vector.shape_cast %swap3A_1973 : vector<1x1x16xf32> to vector<16xf32>
        %swap3A_1975 = vector.shape_cast %mul3A_1968 : vector<16xf32> to vector<1x1x16xf32>
        tpu.vector_store %arg11[%swap3A_1970, %swap3A_1971, %swap3A_1972], %swap3A_1975 {strides = array<i32>} : memref<2x128x128xf32, #tpu.memory_space<vmem>>, vector<1x1x16xf32>,
        %get3A_1976 = arith.constant 1 : i32
        %get3A_1977 = arith.index_cast %get3A_1976 : i32 to index
        %get3A_1978 = arith.index_cast %add3A_1870 : i32 to index
        %get3A_1979 = arith.constant 112 : index
        %get3A_1980 = tpu.vector_load %arg11[%get3A_1977, %get3A_1978, %get3A_1979] {strides = array<i32>} : memref<2x128x128xf32, #tpu.memory_space<vmem>>, vector<1x1x16xf32>,
        %get3A_1981 = vector.shape_cast %get3A_1980 : vector<1x1x16xf32> to vector<16xf32>
        %mul3A_1982 = vector.broadcast %squeeze3A_1866 : f32 to vector<16xf32>
        %mul3A_1983 = arith.mulf %get3A_1981, %mul3A_1982 : vector<16xf32>
        %swap3A_1984 = arith.constant 1 : i32
        %swap3A_1985 = arith.index_cast %swap3A_1984 : i32 to index
        %swap3A_1986 = arith.index_cast %add3A_1870 : i32 to index
        %swap3A_1987 = arith.constant 112 : index
        %swap3A_1988 = tpu.vector_load %arg11[%swap3A_1985, %swap3A_1986, %swap3A_1987] {strides = array<i32>} : memref<2x128x128xf32, #tpu.memory_space<vmem>>, vector<1x1x16xf32>,
        %swap3A_1989 = vector.shape_cast %swap3A_1988 : vector<1x1x16xf32> to vector<16xf32>
        %swap3A_1990 = vector.shape_cast %mul3A_1983 : vector<16xf32> to vector<1x1x16xf32>
        tpu.vector_store %arg11[%swap3A_1985, %swap3A_1986, %swap3A_1987], %swap3A_1990 {strides = array<i32>} : memref<2x128x128xf32, #tpu.memory_space<vmem>>, vector<1x1x16xf32>,
        %slice3A_1991 = vector.extract_strided_slice %get3A_229 {offsets = [14], sizes = [1], strides = [1]} : vector<16xf32> to vector<1xf32>
        %squeeze3A_1992 = vector.extract %slice3A_1991[0] : f32 from vector<1xf32>
        %mul3A_1993 = arith.constant 16 : i32
        %mul3A_1994 = arith.muli %scan3A_223, %mul3A_1993 : i32
        %add3A_1995 = arith.constant 14 : i32
        %add3A_1996 = arith.addi %mul3A_1994, %add3A_1995 : i32
        %get3A_1997 = arith.constant 1 : i32
        %get3A_1998 = arith.index_cast %get3A_1997 : i32 to index
        %get3A_1999 = arith.index_cast %add3A_1996 : i32 to index
        %get3A_2000 = arith.constant 0 : index
        %get3A_2001 = tpu.vector_load %arg11[%get3A_1998, %get3A_1999, %get3A_2000] {strides = array<i32>} : memref<2x128x128xf32, #tpu.memory_space<vmem>>, vector<1x1x16xf32>,
        %get3A_2002 = vector.shape_cast %get3A_2001 : vector<1x1x16xf32> to vector<16xf32>
        %mul3A_2003 = vector.broadcast %squeeze3A_1992 : f32 to vector<16xf32>
        %mul3A_2004 = arith.mulf %get3A_2002, %mul3A_2003 : vector<16xf32>
        %swap3A_2005 = arith.constant 1 : i32
        %swap3A_2006 = arith.index_cast %swap3A_2005 : i32 to index
        %swap3A_2007 = arith.index_cast %add3A_1996 : i32 to index
        %swap3A_2008 = arith.constant 0 : index
        %swap3A_2009 = tpu.vector_load %arg11[%swap3A_2006, %swap3A_2007, %swap3A_2008] {strides = array<i32>} : memref<2x128x128xf32, #tpu.memory_space<vmem>>, vector<1x1x16xf32>,
        %swap3A_2010 = vector.shape_cast %swap3A_2009 : vector<1x1x16xf32> to vector<16xf32>
        %swap3A_2011 = vector.shape_cast %mul3A_2004 : vector<16xf32> to vector<1x1x16xf32>
        tpu.vector_store %arg11[%swap3A_2006, %swap3A_2007, %swap3A_2008], %swap3A_2011 {strides = array<i32>} : memref<2x128x128xf32, #tpu.memory_space<vmem>>, vector<1x1x16xf32>,
        %get3A_2012 = arith.constant 1 : i32
        %get3A_2013 = arith.index_cast %get3A_2012 : i32 to index
        %get3A_2014 = arith.index_cast %add3A_1996 : i32 to index
        %get3A_2015 = arith.constant 16 : index
        %get3A_2016 = tpu.vector_load %arg11[%get3A_2013, %get3A_2014, %get3A_2015] {strides = array<i32>} : memref<2x128x128xf32, #tpu.memory_space<vmem>>, vector<1x1x16xf32>,
        %get3A_2017 = vector.shape_cast %get3A_2016 : vector<1x1x16xf32> to vector<16xf32>
        %mul3A_2018 = vector.broadcast %squeeze3A_1992 : f32 to vector<16xf32>
        %mul3A_2019 = arith.mulf %get3A_2017, %mul3A_2018 : vector<16xf32>
        %swap3A_2020 = arith.constant 1 : i32
        %swap3A_2021 = arith.index_cast %swap3A_2020 : i32 to index
        %swap3A_2022 = arith.index_cast %add3A_1996 : i32 to index
        %swap3A_2023 = arith.constant 16 : index
        %swap3A_2024 = tpu.vector_load %arg11[%swap3A_2021, %swap3A_2022, %swap3A_2023] {strides = array<i32>} : memref<2x128x128xf32, #tpu.memory_space<vmem>>, vector<1x1x16xf32>,
        %swap3A_2025 = vector.shape_cast %swap3A_2024 : vector<1x1x16xf32> to vector<16xf32>
        %swap3A_2026 = vector.shape_cast %mul3A_2019 : vector<16xf32> to vector<1x1x16xf32>
        tpu.vector_store %arg11[%swap3A_2021, %swap3A_2022, %swap3A_2023], %swap3A_2026 {strides = array<i32>} : memref<2x128x128xf32, #tpu.memory_space<vmem>>, vector<1x1x16xf32>,
        %get3A_2027 = arith.constant 1 : i32
        %get3A_2028 = arith.index_cast %get3A_2027 : i32 to index
        %get3A_2029 = arith.index_cast %add3A_1996 : i32 to index
        %get3A_2030 = arith.constant 32 : index
        %get3A_2031 = tpu.vector_load %arg11[%get3A_2028, %get3A_2029, %get3A_2030] {strides = array<i32>} : memref<2x128x128xf32, #tpu.memory_space<vmem>>, vector<1x1x16xf32>,
        %get3A_2032 = vector.shape_cast %get3A_2031 : vector<1x1x16xf32> to vector<16xf32>
        %mul3A_2033 = vector.broadcast %squeeze3A_1992 : f32 to vector<16xf32>
        %mul3A_2034 = arith.mulf %get3A_2032, %mul3A_2033 : vector<16xf32>
        %swap3A_2035 = arith.constant 1 : i32
        %swap3A_2036 = arith.index_cast %swap3A_2035 : i32 to index
        %swap3A_2037 = arith.index_cast %add3A_1996 : i32 to index
        %swap3A_2038 = arith.constant 32 : index
        %swap3A_2039 = tpu.vector_load %arg11[%swap3A_2036, %swap3A_2037, %swap3A_2038] {strides = array<i32>} : memref<2x128x128xf32, #tpu.memory_space<vmem>>, vector<1x1x16xf32>,
        %swap3A_2040 = vector.shape_cast %swap3A_2039 : vector<1x1x16xf32> to vector<16xf32>
        %swap3A_2041 = vector.shape_cast %mul3A_2034 : vector<16xf32> to vector<1x1x16xf32>
        tpu.vector_store %arg11[%swap3A_2036, %swap3A_2037, %swap3A_2038], %swap3A_2041 {strides = array<i32>} : memref<2x128x128xf32, #tpu.memory_space<vmem>>, vector<1x1x16xf32>,
        %get3A_2042 = arith.constant 1 : i32
        %get3A_2043 = arith.index_cast %get3A_2042 : i32 to index
        %get3A_2044 = arith.index_cast %add3A_1996 : i32 to index
        %get3A_2045 = arith.constant 48 : index
        %get3A_2046 = tpu.vector_load %arg11[%get3A_2043, %get3A_2044, %get3A_2045] {strides = array<i32>} : memref<2x128x128xf32, #tpu.memory_space<vmem>>, vector<1x1x16xf32>,
        %get3A_2047 = vector.shape_cast %get3A_2046 : vector<1x1x16xf32> to vector<16xf32>
        %mul3A_2048 = vector.broadcast %squeeze3A_1992 : f32 to vector<16xf32>
        %mul3A_2049 = arith.mulf %get3A_2047, %mul3A_2048 : vector<16xf32>
        %swap3A_2050 = arith.constant 1 : i32
        %swap3A_2051 = arith.index_cast %swap3A_2050 : i32 to index
        %swap3A_2052 = arith.index_cast %add3A_1996 : i32 to index
        %swap3A_2053 = arith.constant 48 : index
        %swap3A_2054 = tpu.vector_load %arg11[%swap3A_2051, %swap3A_2052, %swap3A_2053] {strides = array<i32>} : memref<2x128x128xf32, #tpu.memory_space<vmem>>, vector<1x1x16xf32>,
        %swap3A_2055 = vector.shape_cast %swap3A_2054 : vector<1x1x16xf32> to vector<16xf32>
        %swap3A_2056 = vector.shape_cast %mul3A_2049 : vector<16xf32> to vector<1x1x16xf32>
        tpu.vector_store %arg11[%swap3A_2051, %swap3A_2052, %swap3A_2053], %swap3A_2056 {strides = array<i32>} : memref<2x128x128xf32, #tpu.memory_space<vmem>>, vector<1x1x16xf32>,
        %get3A_2057 = arith.constant 1 : i32
        %get3A_2058 = arith.index_cast %get3A_2057 : i32 to index
        %get3A_2059 = arith.index_cast %add3A_1996 : i32 to index
        %get3A_2060 = arith.constant 64 : index
        %get3A_2061 = tpu.vector_load %arg11[%get3A_2058, %get3A_2059, %get3A_2060] {strides = array<i32>} : memref<2x128x128xf32, #tpu.memory_space<vmem>>, vector<1x1x16xf32>,
        %get3A_2062 = vector.shape_cast %get3A_2061 : vector<1x1x16xf32> to vector<16xf32>
        %mul3A_2063 = vector.broadcast %squeeze3A_1992 : f32 to vector<16xf32>
        %mul3A_2064 = arith.mulf %get3A_2062, %mul3A_2063 : vector<16xf32>
        %swap3A_2065 = arith.constant 1 : i32
        %swap3A_2066 = arith.index_cast %swap3A_2065 : i32 to index
        %swap3A_2067 = arith.index_cast %add3A_1996 : i32 to index
        %swap3A_2068 = arith.constant 64 : index
        %swap3A_2069 = tpu.vector_load %arg11[%swap3A_2066, %swap3A_2067, %swap3A_2068] {strides = array<i32>} : memref<2x128x128xf32, #tpu.memory_space<vmem>>, vector<1x1x16xf32>,
        %swap3A_2070 = vector.shape_cast %swap3A_2069 : vector<1x1x16xf32> to vector<16xf32>
        %swap3A_2071 = vector.shape_cast %mul3A_2064 : vector<16xf32> to vector<1x1x16xf32>
        tpu.vector_store %arg11[%swap3A_2066, %swap3A_2067, %swap3A_2068], %swap3A_2071 {strides = array<i32>} : memref<2x128x128xf32, #tpu.memory_space<vmem>>, vector<1x1x16xf32>,
        %get3A_2072 = arith.constant 1 : i32
        %get3A_2073 = arith.index_cast %get3A_2072 : i32 to index
        %get3A_2074 = arith.index_cast %add3A_1996 : i32 to index
        %get3A_2075 = arith.constant 80 : index
        %get3A_2076 = tpu.vector_load %arg11[%get3A_2073, %get3A_2074, %get3A_2075] {strides = array<i32>} : memref<2x128x128xf32, #tpu.memory_space<vmem>>, vector<1x1x16xf32>,
        %get3A_2077 = vector.shape_cast %get3A_2076 : vector<1x1x16xf32> to vector<16xf32>
        %mul3A_2078 = vector.broadcast %squeeze3A_1992 : f32 to vector<16xf32>
        %mul3A_2079 = arith.mulf %get3A_2077, %mul3A_2078 : vector<16xf32>
        %swap3A_2080 = arith.constant 1 : i32
        %swap3A_2081 = arith.index_cast %swap3A_2080 : i32 to index
        %swap3A_2082 = arith.index_cast %add3A_1996 : i32 to index
        %swap3A_2083 = arith.constant 80 : index
        %swap3A_2084 = tpu.vector_load %arg11[%swap3A_2081, %swap3A_2082, %swap3A_2083] {strides = array<i32>} : memref<2x128x128xf32, #tpu.memory_space<vmem>>, vector<1x1x16xf32>,
        %swap3A_2085 = vector.shape_cast %swap3A_2084 : vector<1x1x16xf32> to vector<16xf32>
        %swap3A_2086 = vector.shape_cast %mul3A_2079 : vector<16xf32> to vector<1x1x16xf32>
        tpu.vector_store %arg11[%swap3A_2081, %swap3A_2082, %swap3A_2083], %swap3A_2086 {strides = array<i32>} : memref<2x128x128xf32, #tpu.memory_space<vmem>>, vector<1x1x16xf32>,
        %get3A_2087 = arith.constant 1 : i32
        %get3A_2088 = arith.index_cast %get3A_2087 : i32 to index
        %get3A_2089 = arith.index_cast %add3A_1996 : i32 to index
        %get3A_2090 = arith.constant 96 : index
        %get3A_2091 = tpu.vector_load %arg11[%get3A_2088, %get3A_2089, %get3A_2090] {strides = array<i32>} : memref<2x128x128xf32, #tpu.memory_space<vmem>>, vector<1x1x16xf32>,
        %get3A_2092 = vector.shape_cast %get3A_2091 : vector<1x1x16xf32> to vector<16xf32>
        %mul3A_2093 = vector.broadcast %squeeze3A_1992 : f32 to vector<16xf32>
        %mul3A_2094 = arith.mulf %get3A_2092, %mul3A_2093 : vector<16xf32>
        %swap3A_2095 = arith.constant 1 : i32
        %swap3A_2096 = arith.index_cast %swap3A_2095 : i32 to index
        %swap3A_2097 = arith.index_cast %add3A_1996 : i32 to index
        %swap3A_2098 = arith.constant 96 : index
        %swap3A_2099 = tpu.vector_load %arg11[%swap3A_2096, %swap3A_2097, %swap3A_2098] {strides = array<i32>} : memref<2x128x128xf32, #tpu.memory_space<vmem>>, vector<1x1x16xf32>,
        %swap3A_2100 = vector.shape_cast %swap3A_2099 : vector<1x1x16xf32> to vector<16xf32>
        %swap3A_2101 = vector.shape_cast %mul3A_2094 : vector<16xf32> to vector<1x1x16xf32>
        tpu.vector_store %arg11[%swap3A_2096, %swap3A_2097, %swap3A_2098], %swap3A_2101 {strides = array<i32>} : memref<2x128x128xf32, #tpu.memory_space<vmem>>, vector<1x1x16xf32>,
        %get3A_2102 = arith.constant 1 : i32
        %get3A_2103 = arith.index_cast %get3A_2102 : i32 to index
        %get3A_2104 = arith.index_cast %add3A_1996 : i32 to index
        %get3A_2105 = arith.constant 112 : index
        %get3A_2106 = tpu.vector_load %arg11[%get3A_2103, %get3A_2104, %get3A_2105] {strides = array<i32>} : memref<2x128x128xf32, #tpu.memory_space<vmem>>, vector<1x1x16xf32>,
        %get3A_2107 = vector.shape_cast %get3A_2106 : vector<1x1x16xf32> to vector<16xf32>
        %mul3A_2108 = vector.broadcast %squeeze3A_1992 : f32 to vector<16xf32>
        %mul3A_2109 = arith.mulf %get3A_2107, %mul3A_2108 : vector<16xf32>
        %swap3A_2110 = arith.constant 1 : i32
        %swap3A_2111 = arith.index_cast %swap3A_2110 : i32 to index
        %swap3A_2112 = arith.index_cast %add3A_1996 : i32 to index
        %swap3A_2113 = arith.constant 112 : index
        %swap3A_2114 = tpu.vector_load %arg11[%swap3A_2111, %swap3A_2112, %swap3A_2113] {strides = array<i32>} : memref<2x128x128xf32, #tpu.memory_space<vmem>>, vector<1x1x16xf32>,
        %swap3A_2115 = vector.shape_cast %swap3A_2114 : vector<1x1x16xf32> to vector<16xf32>
        %swap3A_2116 = vector.shape_cast %mul3A_2109 : vector<16xf32> to vector<1x1x16xf32>
        tpu.vector_store %arg11[%swap3A_2111, %swap3A_2112, %swap3A_2113], %swap3A_2116 {strides = array<i32>} : memref<2x128x128xf32, #tpu.memory_space<vmem>>, vector<1x1x16xf32>,
        %slice3A_2117 = vector.extract_strided_slice %get3A_229 {offsets = [15], sizes = [1], strides = [1]} : vector<16xf32> to vector<1xf32>
        %squeeze3A_2118 = vector.extract %slice3A_2117[0] : f32 from vector<1xf32>
        %mul3A_2119 = arith.constant 16 : i32
        %mul3A_2120 = arith.muli %scan3A_223, %mul3A_2119 : i32
        %add3A_2121 = arith.constant 15 : i32
        %add3A_2122 = arith.addi %mul3A_2120, %add3A_2121 : i32
        %get3A_2123 = arith.constant 1 : i32
        %get3A_2124 = arith.index_cast %get3A_2123 : i32 to index
        %get3A_2125 = arith.index_cast %add3A_2122 : i32 to index
        %get3A_2126 = arith.constant 0 : index
        %get3A_2127 = tpu.vector_load %arg11[%get3A_2124, %get3A_2125, %get3A_2126] {strides = array<i32>} : memref<2x128x128xf32, #tpu.memory_space<vmem>>, vector<1x1x16xf32>,
        %get3A_2128 = vector.shape_cast %get3A_2127 : vector<1x1x16xf32> to vector<16xf32>
        %mul3A_2129 = vector.broadcast %squeeze3A_2118 : f32 to vector<16xf32>
        %mul3A_2130 = arith.mulf %get3A_2128, %mul3A_2129 : vector<16xf32>
        %swap3A_2131 = arith.constant 1 : i32
        %swap3A_2132 = arith.index_cast %swap3A_2131 : i32 to index
        %swap3A_2133 = arith.index_cast %add3A_2122 : i32 to index
        %swap3A_2134 = arith.constant 0 : index
        %swap3A_2135 = tpu.vector_load %arg11[%swap3A_2132, %swap3A_2133, %swap3A_2134] {strides = array<i32>} : memref<2x128x128xf32, #tpu.memory_space<vmem>>, vector<1x1x16xf32>,
        %swap3A_2136 = vector.shape_cast %swap3A_2135 : vector<1x1x16xf32> to vector<16xf32>
        %swap3A_2137 = vector.shape_cast %mul3A_2130 : vector<16xf32> to vector<1x1x16xf32>
        tpu.vector_store %arg11[%swap3A_2132, %swap3A_2133, %swap3A_2134], %swap3A_2137 {strides = array<i32>} : memref<2x128x128xf32, #tpu.memory_space<vmem>>, vector<1x1x16xf32>,
        %get3A_2138 = arith.constant 1 : i32
        %get3A_2139 = arith.index_cast %get3A_2138 : i32 to index
        %get3A_2140 = arith.index_cast %add3A_2122 : i32 to index
        %get3A_2141 = arith.constant 16 : index
        %get3A_2142 = tpu.vector_load %arg11[%get3A_2139, %get3A_2140, %get3A_2141] {strides = array<i32>} : memref<2x128x128xf32, #tpu.memory_space<vmem>>, vector<1x1x16xf32>,
        %get3A_2143 = vector.shape_cast %get3A_2142 : vector<1x1x16xf32> to vector<16xf32>
        %mul3A_2144 = vector.broadcast %squeeze3A_2118 : f32 to vector<16xf32>
        %mul3A_2145 = arith.mulf %get3A_2143, %mul3A_2144 : vector<16xf32>
        %swap3A_2146 = arith.constant 1 : i32
        %swap3A_2147 = arith.index_cast %swap3A_2146 : i32 to index
        %swap3A_2148 = arith.index_cast %add3A_2122 : i32 to index
        %swap3A_2149 = arith.constant 16 : index
        %swap3A_2150 = tpu.vector_load %arg11[%swap3A_2147, %swap3A_2148, %swap3A_2149] {strides = array<i32>} : memref<2x128x128xf32, #tpu.memory_space<vmem>>, vector<1x1x16xf32>,
        %swap3A_2151 = vector.shape_cast %swap3A_2150 : vector<1x1x16xf32> to vector<16xf32>
        %swap3A_2152 = vector.shape_cast %mul3A_2145 : vector<16xf32> to vector<1x1x16xf32>
        tpu.vector_store %arg11[%swap3A_2147, %swap3A_2148, %swap3A_2149], %swap3A_2152 {strides = array<i32>} : memref<2x128x128xf32, #tpu.memory_space<vmem>>, vector<1x1x16xf32>,
        %get3A_2153 = arith.constant 1 : i32
        %get3A_2154 = arith.index_cast %get3A_2153 : i32 to index
        %get3A_2155 = arith.index_cast %add3A_2122 : i32 to index
        %get3A_2156 = arith.constant 32 : index
        %get3A_2157 = tpu.vector_load %arg11[%get3A_2154, %get3A_2155, %get3A_2156] {strides = array<i32>} : memref<2x128x128xf32, #tpu.memory_space<vmem>>, vector<1x1x16xf32>,
        %get3A_2158 = vector.shape_cast %get3A_2157 : vector<1x1x16xf32> to vector<16xf32>
        %mul3A_2159 = vector.broadcast %squeeze3A_2118 : f32 to vector<16xf32>
        %mul3A_2160 = arith.mulf %get3A_2158, %mul3A_2159 : vector<16xf32>
        %swap3A_2161 = arith.constant 1 : i32
        %swap3A_2162 = arith.index_cast %swap3A_2161 : i32 to index
        %swap3A_2163 = arith.index_cast %add3A_2122 : i32 to index
        %swap3A_2164 = arith.constant 32 : index
        %swap3A_2165 = tpu.vector_load %arg11[%swap3A_2162, %swap3A_2163, %swap3A_2164] {strides = array<i32>} : memref<2x128x128xf32, #tpu.memory_space<vmem>>, vector<1x1x16xf32>,
        %swap3A_2166 = vector.shape_cast %swap3A_2165 : vector<1x1x16xf32> to vector<16xf32>
        %swap3A_2167 = vector.shape_cast %mul3A_2160 : vector<16xf32> to vector<1x1x16xf32>
        tpu.vector_store %arg11[%swap3A_2162, %swap3A_2163, %swap3A_2164], %swap3A_2167 {strides = array<i32>} : memref<2x128x128xf32, #tpu.memory_space<vmem>>, vector<1x1x16xf32>,
        %get3A_2168 = arith.constant 1 : i32
        %get3A_2169 = arith.index_cast %get3A_2168 : i32 to index
        %get3A_2170 = arith.index_cast %add3A_2122 : i32 to index
        %get3A_2171 = arith.constant 48 : index
        %get3A_2172 = tpu.vector_load %arg11[%get3A_2169, %get3A_2170, %get3A_2171] {strides = array<i32>} : memref<2x128x128xf32, #tpu.memory_space<vmem>>, vector<1x1x16xf32>,
        %get3A_2173 = vector.shape_cast %get3A_2172 : vector<1x1x16xf32> to vector<16xf32>
        %mul3A_2174 = vector.broadcast %squeeze3A_2118 : f32 to vector<16xf32>
        %mul3A_2175 = arith.mulf %get3A_2173, %mul3A_2174 : vector<16xf32>
        %swap3A_2176 = arith.constant 1 : i32
        %swap3A_2177 = arith.index_cast %swap3A_2176 : i32 to index
        %swap3A_2178 = arith.index_cast %add3A_2122 : i32 to index
        %swap3A_2179 = arith.constant 48 : index
        %swap3A_2180 = tpu.vector_load %arg11[%swap3A_2177, %swap3A_2178, %swap3A_2179] {strides = array<i32>} : memref<2x128x128xf32, #tpu.memory_space<vmem>>, vector<1x1x16xf32>,
        %swap3A_2181 = vector.shape_cast %swap3A_2180 : vector<1x1x16xf32> to vector<16xf32>
        %swap3A_2182 = vector.shape_cast %mul3A_2175 : vector<16xf32> to vector<1x1x16xf32>
        tpu.vector_store %arg11[%swap3A_2177, %swap3A_2178, %swap3A_2179], %swap3A_2182 {strides = array<i32>} : memref<2x128x128xf32, #tpu.memory_space<vmem>>, vector<1x1x16xf32>,
        %get3A_2183 = arith.constant 1 : i32
        %get3A_2184 = arith.index_cast %get3A_2183 : i32 to index
        %get3A_2185 = arith.index_cast %add3A_2122 : i32 to index
        %get3A_2186 = arith.constant 64 : index
        %get3A_2187 = tpu.vector_load %arg11[%get3A_2184, %get3A_2185, %get3A_2186] {strides = array<i32>} : memref<2x128x128xf32, #tpu.memory_space<vmem>>, vector<1x1x16xf32>,
        %get3A_2188 = vector.shape_cast %get3A_2187 : vector<1x1x16xf32> to vector<16xf32>
        %mul3A_2189 = vector.broadcast %squeeze3A_2118 : f32 to vector<16xf32>
        %mul3A_2190 = arith.mulf %get3A_2188, %mul3A_2189 : vector<16xf32>
        %swap3A_2191 = arith.constant 1 : i32
        %swap3A_2192 = arith.index_cast %swap3A_2191 : i32 to index
        %swap3A_2193 = arith.index_cast %add3A_2122 : i32 to index
        %swap3A_2194 = arith.constant 64 : index
        %swap3A_2195 = tpu.vector_load %arg11[%swap3A_2192, %swap3A_2193, %swap3A_2194] {strides = array<i32>} : memref<2x128x128xf32, #tpu.memory_space<vmem>>, vector<1x1x16xf32>,
        %swap3A_2196 = vector.shape_cast %swap3A_2195 : vector<1x1x16xf32> to vector<16xf32>
        %swap3A_2197 = vector.shape_cast %mul3A_2190 : vector<16xf32> to vector<1x1x16xf32>
        tpu.vector_store %arg11[%swap3A_2192, %swap3A_2193, %swap3A_2194], %swap3A_2197 {strides = array<i32>} : memref<2x128x128xf32, #tpu.memory_space<vmem>>, vector<1x1x16xf32>,
        %get3A_2198 = arith.constant 1 : i32
        %get3A_2199 = arith.index_cast %get3A_2198 : i32 to index
        %get3A_2200 = arith.index_cast %add3A_2122 : i32 to index
        %get3A_2201 = arith.constant 80 : index
        %get3A_2202 = tpu.vector_load %arg11[%get3A_2199, %get3A_2200, %get3A_2201] {strides = array<i32>} : memref<2x128x128xf32, #tpu.memory_space<vmem>>, vector<1x1x16xf32>,
        %get3A_2203 = vector.shape_cast %get3A_2202 : vector<1x1x16xf32> to vector<16xf32>
        %mul3A_2204 = vector.broadcast %squeeze3A_2118 : f32 to vector<16xf32>
        %mul3A_2205 = arith.mulf %get3A_2203, %mul3A_2204 : vector<16xf32>
        %swap3A_2206 = arith.constant 1 : i32
        %swap3A_2207 = arith.index_cast %swap3A_2206 : i32 to index
        %swap3A_2208 = arith.index_cast %add3A_2122 : i32 to index
        %swap3A_2209 = arith.constant 80 : index
        %swap3A_2210 = tpu.vector_load %arg11[%swap3A_2207, %swap3A_2208, %swap3A_2209] {strides = array<i32>} : memref<2x128x128xf32, #tpu.memory_space<vmem>>, vector<1x1x16xf32>,
        %swap3A_2211 = vector.shape_cast %swap3A_2210 : vector<1x1x16xf32> to vector<16xf32>
        %swap3A_2212 = vector.shape_cast %mul3A_2205 : vector<16xf32> to vector<1x1x16xf32>
        tpu.vector_store %arg11[%swap3A_2207, %swap3A_2208, %swap3A_2209], %swap3A_2212 {strides = array<i32>} : memref<2x128x128xf32, #tpu.memory_space<vmem>>, vector<1x1x16xf32>,
        %get3A_2213 = arith.constant 1 : i32
        %get3A_2214 = arith.index_cast %get3A_2213 : i32 to index
        %get3A_2215 = arith.index_cast %add3A_2122 : i32 to index
        %get3A_2216 = arith.constant 96 : index
        %get3A_2217 = tpu.vector_load %arg11[%get3A_2214, %get3A_2215, %get3A_2216] {strides = array<i32>} : memref<2x128x128xf32, #tpu.memory_space<vmem>>, vector<1x1x16xf32>,
        %get3A_2218 = vector.shape_cast %get3A_2217 : vector<1x1x16xf32> to vector<16xf32>
        %mul3A_2219 = vector.broadcast %squeeze3A_2118 : f32 to vector<16xf32>
        %mul3A_2220 = arith.mulf %get3A_2218, %mul3A_2219 : vector<16xf32>
        %swap3A_2221 = arith.constant 1 : i32
        %swap3A_2222 = arith.index_cast %swap3A_2221 : i32 to index
        %swap3A_2223 = arith.index_cast %add3A_2122 : i32 to index
        %swap3A_2224 = arith.constant 96 : index
        %swap3A_2225 = tpu.vector_load %arg11[%swap3A_2222, %swap3A_2223, %swap3A_2224] {strides = array<i32>} : memref<2x128x128xf32, #tpu.memory_space<vmem>>, vector<1x1x16xf32>,
        %swap3A_2226 = vector.shape_cast %swap3A_2225 : vector<1x1x16xf32> to vector<16xf32>
        %swap3A_2227 = vector.shape_cast %mul3A_2220 : vector<16xf32> to vector<1x1x16xf32>
        tpu.vector_store %arg11[%swap3A_2222, %swap3A_2223, %swap3A_2224], %swap3A_2227 {strides = array<i32>} : memref<2x128x128xf32, #tpu.memory_space<vmem>>, vector<1x1x16xf32>,
        %get3A_2228 = arith.constant 1 : i32
        %get3A_2229 = arith.index_cast %get3A_2228 : i32 to index
        %get3A_2230 = arith.index_cast %add3A_2122 : i32 to index
        %get3A_2231 = arith.constant 112 : index
        %get3A_2232 = tpu.vector_load %arg11[%get3A_2229, %get3A_2230, %get3A_2231] {strides = array<i32>} : memref<2x128x128xf32, #tpu.memory_space<vmem>>, vector<1x1x16xf32>,
        %get3A_2233 = vector.shape_cast %get3A_2232 : vector<1x1x16xf32> to vector<16xf32>
        %mul3A_2234 = vector.broadcast %squeeze3A_2118 : f32 to vector<16xf32>
        %mul3A_2235 = arith.mulf %get3A_2233, %mul3A_2234 : vector<16xf32>
        %swap3A_2236 = arith.constant 1 : i32
        %swap3A_2237 = arith.index_cast %swap3A_2236 : i32 to index
        %swap3A_2238 = arith.index_cast %add3A_2122 : i32 to index
        %swap3A_2239 = arith.constant 112 : index
        %swap3A_2240 = tpu.vector_load %arg11[%swap3A_2237, %swap3A_2238, %swap3A_2239] {strides = array<i32>} : memref<2x128x128xf32, #tpu.memory_space<vmem>>, vector<1x1x16xf32>,
        %swap3A_2241 = vector.shape_cast %swap3A_2240 : vector<1x1x16xf32> to vector<16xf32>
        %swap3A_2242 = vector.shape_cast %mul3A_2235 : vector<16xf32> to vector<1x1x16xf32>
        tpu.vector_store %arg11[%swap3A_2237, %swap3A_2238, %swap3A_2239], %swap3A_2242 {strides = array<i32>} : memref<2x128x128xf32, #tpu.memory_space<vmem>>, vector<1x1x16xf32>,
      }
      %scan3A_215 = arith.constant 8 : i32
      %run_scoped3A_216 = arith.constant 1 : i32
      %run_scoped3A_217 = arith.constant 1 : i32
      "tpu.region"() ({
        %run_scoped3A_223 = tpu.sem_alloc : memref<!tpu.dma_semaphore, #tpu.memory_space<semaphore_mem>>
        %dma_start3A_224 = arith.constant 0 : i32
        %dma_start3A_225 = arith.constant 0 : i32
        %dma_start3A_226 = tpu.memref_slice %arg11[%run_scoped3A_216, %dma_start3A_224, %dma_start3A_225] : memref<2x128x128xf32, #tpu.memory_space<vmem>> -> memref<1x128x128xf32, #tpu.memory_space<vmem>>
        %dma_start3A_227 = tpu.memref_squeeze %dma_start3A_226 : memref<1x128x128xf32, #tpu.memory_space<vmem>> -> memref<128x128xf32, #tpu.memory_space<vmem>>
        %dma_start3A_228 = arith.constant 0 : i32
        %dma_start3A_229 = tpu.memref_slice %arg9[%run_scoped3A_217, %dma_start3A_228] : memref<2x128xi32, #tpu.memory_space<vmem>> -> memref<1x128xi32, #tpu.memory_space<vmem>>
        %dma_start3A_230 = tpu.memref_squeeze %dma_start3A_229 : memref<1x128xi32, #tpu.memory_space<vmem>> -> memref<128xi32, #tpu.memory_space<vmem>>
        %dma_start3A_231 = arith.constant 0 : i32
        %dma_start3A_232 = arith.constant 0 : i32
        %dma_start3A_233 = tpu.memref_slice %arg12[%dma_start3A_231, %dma_start3A_232] : memref<10000x128xf32, #tpu.memory_space<vmem_shared>> -> memref<10000x128xf32, #tpu.memory_space<vmem_shared>>
        tpu.enqueue_indirect_dma source(%dma_start3A_227 : memref<128x128xf32, #tpu.memory_space<vmem>>) target(%dma_start3A_233 : memref<10000x128xf32, #tpu.memory_space<vmem_shared>>) offsets(%dma_start3A_230 : memref<128xi32, #tpu.memory_space<vmem>>) semaphore(%run_scoped3A_223 : memref<!tpu.dma_semaphore, #tpu.memory_space<semaphore_mem>>) {add = true}
        %dma_wait3A_234 = arith.constant 0 : i32
        %dma_wait3A_235 = arith.constant 0 : i32
        %dma_wait3A_236 = tpu.memref_slice %arg11[%run_scoped3A_216, %dma_wait3A_234, %dma_wait3A_235] : memref<2x128x128xf32, #tpu.memory_space<vmem>> -> memref<1x128x128xf32, #tpu.memory_space<vmem>>
        %dma_wait3A_237 = tpu.memref_squeeze %dma_wait3A_236 : memref<1x128x128xf32, #tpu.memory_space<vmem>> -> memref<128x128xf32, #tpu.memory_space<vmem>>
        %dma_wait3A_238 = arith.constant 0 : i32
        %dma_wait3A_239 = tpu.memref_slice %arg9[%run_scoped3A_217, %dma_wait3A_238] : memref<2x128xi32, #tpu.memory_space<vmem>> -> memref<1x128xi32, #tpu.memory_space<vmem>>
        %dma_wait3A_240 = tpu.memref_squeeze %dma_wait3A_239 : memref<1x128xi32, #tpu.memory_space<vmem>> -> memref<128xi32, #tpu.memory_space<vmem>>
        %dma_wait3A_241 = arith.constant 0 : i32
        %dma_wait3A_242 = arith.constant 0 : i32
        %dma_wait3A_243 = tpu.memref_slice %arg12[%dma_wait3A_241, %dma_wait3A_242] : memref<10000x128xf32, #tpu.memory_space<vmem_shared>> -> memref<10000x128xf32, #tpu.memory_space<vmem_shared>>
        tpu.wait_indirect_dma semaphore(%run_scoped3A_223 : memref<!tpu.dma_semaphore, #tpu.memory_space<semaphore_mem>>) src(%dma_wait3A_237 : memref<128x128xf32, #tpu.memory_space<vmem>>) dst(%dma_wait3A_243 : memref<10000x128xf32, #tpu.memory_space<vmem_shared>>)
        tpu.yield
      }) : () -> ()
      %lt3A_218 = arith.constant 39 : i32
      %lt3A_219 = arith.cmpi slt, %scan3A_117, %lt3A_218 : i32
      %convert_element_type3A_220 = arith.extui %lt3A_219 : i1 to i32
      %cond3A_221 = arith.constant 0 : i32
      %cond3A_222 = arith.cmpi ne, %convert_element_type3A_220, %cond3A_221 : i32
      scf.if %cond3A_222 {
        %add3A_223 = arith.constant 2 : i32
        %add3A_224 = arith.addi %add3A_192, %add3A_223 : i32
        %mul3A_225 = arith.constant 128 : i32
        %mul3A_226 = arith.muli %add3A_224, %mul3A_225 : i32
        %add3A_227 = arith.addi %mul3A_6, %mul3A_226 : i32
        %dma_start3A_228 = arith.constant 1 : i32
        %dma_start3A_229 = arith.constant 0 : i32
        %dma_start3A_230 = tpu.memref_slice %arg8[%dma_start3A_228, %dma_start3A_229] : memref<2x128xi32, #tpu.memory_space<vmem>> -> memref<1x128xi32, #tpu.memory_space<vmem>>
        %dma_start3A_231 = tpu.memref_squeeze %dma_start3A_230 : memref<1x128xi32, #tpu.memory_space<vmem>> -> memref<128xi32, #tpu.memory_space<vmem>>
        %dma_start3A_232 = tpu.memref_slice %arg3[%add3A_227] : memref<327680xi32, #tpu.memory_space<hbm>> -> memref<128xi32, #tpu.memory_space<hbm>>
        %dma_start3A_233 = arith.constant 0 : i32
        %dma_start3A_234 = tpu.memref_slice %arg8[%dma_start3A_228, %dma_start3A_233] : memref<2x128xi32, #tpu.memory_space<vmem>> -> memref<1x128xi32, #tpu.memory_space<vmem>>
        %dma_start3A_235 = tpu.memref_squeeze %dma_start3A_234 : memref<1x128xi32, #tpu.memory_space<vmem>> -> memref<128xi32, #tpu.memory_space<vmem>>
        %dma_start3A_236 = tpu.memref_slice %arg3[%add3A_227] : memref<327680xi32, #tpu.memory_space<hbm>> -> memref<128xi32, #tpu.memory_space<hbm>>
        tpu.enqueue_dma source(%dma_start3A_236 : memref<128xi32, #tpu.memory_space<hbm>>) target(%dma_start3A_235 : memref<128xi32, #tpu.memory_space<vmem>>) target_semaphore(%arg15 : memref<!tpu.dma_semaphore, #tpu.memory_space<semaphore_mem>>)
        %dma_start3A_237 = arith.constant 1 : i32
        %dma_start3A_238 = arith.constant 0 : i32
        %dma_start3A_239 = tpu.memref_slice %arg9[%dma_start3A_237, %dma_start3A_238] : memref<2x128xi32, #tpu.memory_space<vmem>> -> memref<1x128xi32, #tpu.memory_space<vmem>>
        %dma_start3A_240 = tpu.memref_squeeze %dma_start3A_239 : memref<1x128xi32, #tpu.memory_space<vmem>> -> memref<128xi32, #tpu.memory_space<vmem>>
        %dma_start3A_241 = tpu.memref_slice %arg4[%add3A_227] : memref<327680xi32, #tpu.memory_space<hbm>> -> memref<128xi32, #tpu.memory_space<hbm>>
        %dma_start3A_242 = arith.constant 0 : i32
        %dma_start3A_243 = tpu.memref_slice %arg9[%dma_start3A_237, %dma_start3A_242] : memref<2x128xi32, #tpu.memory_space<vmem>> -> memref<1x128xi32, #tpu.memory_space<vmem>>
        %dma_start3A_244 = tpu.memref_squeeze %dma_start3A_243 : memref<1x128xi32, #tpu.memory_space<vmem>> -> memref<128xi32, #tpu.memory_space<vmem>>
        %dma_start3A_245 = tpu.memref_slice %arg4[%add3A_227] : memref<327680xi32, #tpu.memory_space<hbm>> -> memref<128xi32, #tpu.memory_space<hbm>>
        tpu.enqueue_dma source(%dma_start3A_245 : memref<128xi32, #tpu.memory_space<hbm>>) target(%dma_start3A_244 : memref<128xi32, #tpu.memory_space<vmem>>) target_semaphore(%arg15 : memref<!tpu.dma_semaphore, #tpu.memory_space<semaphore_mem>>)
        %dma_start3A_246 = arith.constant 1 : i32
        %dma_start3A_247 = arith.constant 0 : i32
        %dma_start3A_248 = tpu.memref_slice %arg10[%dma_start3A_246, %dma_start3A_247] : memref<2x128xf32, #tpu.memory_space<vmem>> -> memref<1x128xf32, #tpu.memory_space<vmem>>
        %dma_start3A_249 = tpu.memref_squeeze %dma_start3A_248 : memref<1x128xf32, #tpu.memory_space<vmem>> -> memref<128xf32, #tpu.memory_space<vmem>>
        %dma_start3A_250 = tpu.memref_slice %arg5[%add3A_227] : memref<327680xf32, #tpu.memory_space<hbm>> -> memref<128xf32, #tpu.memory_space<hbm>>
        %dma_start3A_251 = arith.constant 0 : i32
        %dma_start3A_252 = tpu.memref_slice %arg10[%dma_start3A_246, %dma_start3A_251] : memref<2x128xf32, #tpu.memory_space<vmem>> -> memref<1x128xf32, #tpu.memory_space<vmem>>
        %dma_start3A_253 = tpu.memref_squeeze %dma_start3A_252 : memref<1x128xf32, #tpu.memory_space<vmem>> -> memref<128xf32, #tpu.memory_space<vmem>>
        %dma_start3A_254 = tpu.memref_slice %arg5[%add3A_227] : memref<327680xf32, #tpu.memory_space<hbm>> -> memref<128xf32, #tpu.memory_space<hbm>>
        tpu.enqueue_dma source(%dma_start3A_254 : memref<128xf32, #tpu.memory_space<hbm>>) target(%dma_start3A_253 : memref<128xf32, #tpu.memory_space<vmem>>) target_semaphore(%arg15 : memref<!tpu.dma_semaphore, #tpu.memory_space<semaphore_mem>>)
      } else {
      }
    }
    %scan3A_108 = arith.constant 40 : i32
    %barrier3A_109 = arith.constant 0 : index
    tpu.barrier barrier_id(%barrier3A_109)
    %mul3A_110 = arith.constant 624 : i32
    %mul3A_111 = arith.muli %arg1, %mul3A_110 : i32
    "tpu.region"() ({
      %run_scoped3A = tpu.sem_alloc : memref<!tpu.dma_semaphore, #tpu.memory_space<semaphore_mem>>
      %dma_start3A_117 = arith.constant 0 : i32
      %dma_start3A_118 = tpu.memref_slice %arg7[%arg0, %mul3A_111, %dma_start3A_117] : memref<2x10000x128xf32, #tpu.memory_space<hbm>> -> memref<1x624x128xf32, #tpu.memory_space<hbm>>
      %dma_start3A_119 = tpu.memref_squeeze %dma_start3A_118 : memref<1x624x128xf32, #tpu.memory_space<hbm>> -> memref<624x128xf32, #tpu.memory_space<hbm>>
      %dma_start3A_120 = arith.constant 0 : i32
      %dma_start3A_121 = tpu.memref_slice %arg12[%mul3A_111, %dma_start3A_120] : memref<10000x128xf32, #tpu.memory_space<vmem_shared>> -> memref<624x128xf32, #tpu.memory_space<vmem_shared>>
      tpu.enqueue_dma source(%dma_start3A_121 : memref<624x128xf32, #tpu.memory_space<vmem_shared>>) target(%dma_start3A_119 : memref<624x128xf32, #tpu.memory_space<hbm>>) target_semaphore(%run_scoped3A : memref<!tpu.dma_semaphore, #tpu.memory_space<semaphore_mem>>)
      %dma_wait3A_122 = arith.constant 0 : i32
      %dma_wait3A_123 = tpu.memref_slice %arg7[%arg0, %mul3A_111, %dma_wait3A_122] : memref<2x10000x128xf32, #tpu.memory_space<hbm>> -> memref<1x624x128xf32, #tpu.memory_space<hbm>>
      %dma_wait3A_124 = tpu.memref_squeeze %dma_wait3A_123 : memref<1x624x128xf32, #tpu.memory_space<hbm>> -> memref<624x128xf32, #tpu.memory_space<hbm>>
      %dma_wait3A_125 = arith.constant 0 : i32
      %dma_wait3A_126 = tpu.memref_slice %arg12[%mul3A_111, %dma_wait3A_125] : memref<10000x128xf32, #tpu.memory_space<vmem_shared>> -> memref<624x128xf32, #tpu.memory_space<vmem_shared>>
      tpu.wait_dma2 semaphore(%run_scoped3A : memref<!tpu.dma_semaphore, #tpu.memory_space<semaphore_mem>>) src(%dma_wait3A_126 : memref<624x128xf32, #tpu.memory_space<vmem_shared>>) dst(%dma_wait3A_124 : memref<624x128xf32, #tpu.memory_space<hbm>>)
      tpu.yield
    }) : () -> ()
    %eq3A_112 = arith.constant 15 : i32
    %eq3A_113 = arith.cmpi eq, %arg1, %eq3A_112 : i32
    %convert_element_type3A_114 = arith.extui %eq3A_113 : i1 to i32
    %cond3A_115 = arith.constant 0 : i32
    %cond3A_116 = arith.cmpi ne, %convert_element_type3A_114, %cond3A_115 : i32
    scf.if %cond3A_116 {
      "tpu.region"() ({
        %run_scoped3A = tpu.sem_alloc : memref<!tpu.dma_semaphore, #tpu.memory_space<semaphore_mem>>
        %dma_start3A_117 = arith.constant 9984 : i32
        %dma_start3A_118 = arith.constant 0 : i32
        %dma_start3A_119 = tpu.memref_slice %arg7[%arg0, %dma_start3A_117, %dma_start3A_118] : memref<2x10000x128xf32, #tpu.memory_space<hbm>> -> memref<1x16x128xf32, #tpu.memory_space<hbm>>
        %dma_start3A_120 = tpu.memref_squeeze %dma_start3A_119 : memref<1x16x128xf32, #tpu.memory_space<hbm>> -> memref<16x128xf32, #tpu.memory_space<hbm>>
        %dma_start3A_121 = arith.constant 9984 : i32
        %dma_start3A_122 = arith.constant 0 : i32
        %dma_start3A_123 = tpu.memref_slice %arg12[%dma_start3A_121, %dma_start3A_122] : memref<10000x128xf32, #tpu.memory_space<vmem_shared>> -> memref<16x128xf32, #tpu.memory_space<vmem_shared>>
        tpu.enqueue_dma source(%dma_start3A_123 : memref<16x128xf32, #tpu.memory_space<vmem_shared>>) target(%dma_start3A_120 : memref<16x128xf32, #tpu.memory_space<hbm>>) target_semaphore(%run_scoped3A : memref<!tpu.dma_semaphore, #tpu.memory_space<semaphore_mem>>)
        %dma_wait3A_124 = arith.constant 9984 : i32
        %dma_wait3A_125 = arith.constant 0 : i32
        %dma_wait3A_126 = tpu.memref_slice %arg7[%arg0, %dma_wait3A_124, %dma_wait3A_125] : memref<2x10000x128xf32, #tpu.memory_space<hbm>> -> memref<1x16x128xf32, #tpu.memory_space<hbm>>
        %dma_wait3A_127 = tpu.memref_squeeze %dma_wait3A_126 : memref<1x16x128xf32, #tpu.memory_space<hbm>> -> memref<16x128xf32, #tpu.memory_space<hbm>>
        %dma_wait3A_128 = arith.constant 9984 : i32
        %dma_wait3A_129 = arith.constant 0 : i32
        %dma_wait3A_130 = tpu.memref_slice %arg12[%dma_wait3A_128, %dma_wait3A_129] : memref<10000x128xf32, #tpu.memory_space<vmem_shared>> -> memref<16x128xf32, #tpu.memory_space<vmem_shared>>
        tpu.wait_dma2 semaphore(%run_scoped3A : memref<!tpu.dma_semaphore, #tpu.memory_space<semaphore_mem>>) src(%dma_wait3A_130 : memref<16x128xf32, #tpu.memory_space<vmem_shared>>) dst(%dma_wait3A_127 : memref<16x128xf32, #tpu.memory_space<hbm>>)
        tpu.yield
      }) : () -> ()
    } else {
    }
    return
  }
}

module attributes {stable_mosaic.version = 14 : i64} {
  func.func @_combine_kernel(%arg0: i32, %arg1: memref<1000x128xf32, #tpu.memory_space<vmem>>, %arg2: memref<1000x128xf32, #tpu.memory_space<vmem>>, %arg3: memref<1000x128xf32, #tpu.memory_space<vmem>>) attributes {dimension_semantics = [#tpu.dimension_semantics<arbitrary>], iteration_bounds = array<i64: 10>, scalar_prefetch = 0 : i64, scratch_operands = 0 : i64, tpu.core_type = #tpu.core_type<tc>, window_params = [{transform_indices = @transform_0, window_bounds = array<i64: 1000, 128>}, {transform_indices = @transform_1, window_bounds = array<i64: 1000, 128>}, {transform_indices = @transform_2, window_bounds = array<i64: 1000, 128>}]} {
    %get3A = arith.constant 0 : index
    %get3A_0 = arith.constant 0 : index
    %get3A_1 = vector.load %arg1[%get3A, %get3A_0] : memref<1000x128xf32, #tpu.memory_space<vmem>>, vector<1000x128xf32>
    %get3A_2 = arith.constant 0 : index
    %get3A_3 = arith.constant 0 : index
    %get3A_4 = vector.load %arg2[%get3A_2, %get3A_3] : memref<1000x128xf32, #tpu.memory_space<vmem>>, vector<1000x128xf32>
    %add3A = arith.addf %get3A_1, %get3A_4 : vector<1000x128xf32>
    %swap3A = arith.constant 0 : index
    %swap3A_5 = arith.constant 0 : index
    %swap3A_6 = vector.load %arg3[%swap3A, %swap3A_5] : memref<1000x128xf32, #tpu.memory_space<vmem>>, vector<1000x128xf32>
    tpu.vector_store %arg3[%swap3A, %swap3A_5], %add3A {strides = array<i32>} : memref<1000x128xf32, #tpu.memory_space<vmem>>, vector<1000x128xf32>,
    return
  }
  func.func @transform_0(%arg0: i32) -> (i32, i32) {
    %c0_i32 = arith.constant 0 : i32
    %c0_i32_0 = arith.constant 0 : i32
    return %arg0, %c0_i32 : i32, i32
  }
  func.func @transform_1(%arg0: i32) -> (i32, i32) {
    %c0_i32 = arith.constant 0 : i32
    %c0_i32_0 = arith.constant 0 : i32
    return %arg0, %c0_i32 : i32, i32
  }
  func.func @transform_2(%arg0: i32) -> (i32, i32) {
    %c0_i32 = arith.constant 0 : i32
    %c0_i32_0 = arith.constant 0 : i32
    return %arg0, %c0_i32 : i32, i32
  }
}

</mosaic_0001>

<sc_bundles>
// kernel: kernel.4.cloned.1.call-start
scs
__scs_entry_jumppad:
0x0: {  	(pc) =	sbr.rel $0x88, $3  }
0x1: {  	(tag) =	ssettag $0x0;
	lr =	simm.s32 $0x1  }
0x2: {  	[smem:$0x3F9E] =	sst lr;
	_ =	strace $0xD0000000  }
0x3: {  	_ = 	snop  }
0x4: {  	_ = 	snop  }
0x5: {  	_ = 	snop  }
0x6: {  	_ = 	snop  }
0x7: {  	_ = 	snop  }
__scs_overlays_trampoline_lowered:
0x8: {  	[smem:$0x3FAD] =	sst s0  }
0x9: {  	[smem:$0x3FAE] =	sst s1  }
0xa: {  	[smem:$0x3FAF] =	sst s2  }
0xb: {  	[smem:$0x3FB0] =	sst s3  }
0xc: {  	[smem:$0x3FB1] =	sst s4  }
0xd: {  	[smem:$0x3FB2] =	sst s5  }
0xe: {  	[smem:$0x3FB3] =	sst s6  }
0xf: {  	[smem:$0x3FB4] =	sst s7  }
0x10: {  	[smem:$0x3FB5] =	sst s8  }
0x11: {  	[smem:$0x3FB6] =	sst s9;
	s0 =	simm.s32 @!p0 $0x0  }
0x12: {  	s1 =	sld [smem:$0x3F9C];
	s0 =	simm.s32 @p0 $0x1  }
0x13: {  	[smem:$0x3FB7] =	sst s0;
	s0 =	simm.s32 @!p1 $0x0  }
0x14: {  	s2 =	sld [smem:$0x3F9B];
	s0 =	simm.s32 @p1 $0x1  }
0x15: {  	[smem:$0x3FB8] =	sst s0;
	s0 =	simm.s32 @!p2 $0x0  }
0x16: {  	s3 =	sld [smem:$0x3FDB];
	s0 =	simm.s32 @p2 $0x1  }
0x17: {  	s4 =	simm.s32 $0x1BF5;
	[smem:$0x3FBA] =	sst s0  }
0x18: {  	s0 =	sld [smem:$0x3F9D];
	_ =	swait.ge [sflag:s4], $0x0  }
0x19: {  	s7 =	sld [smem:$0x3F9E]  }
0x1a: {  	s8 =	sadd.s32 $0xFFFFE003, lr  }
0x1b: {  	s9 =	sadd.s32 $0xFFFFFEF7, lr;
	s5 =	simm.s32 $0xFFFFFFFF;
	p2 =	slt.u32 s8, $0xFFFFF086  }
0x1c: {  	p1 =	slt.u32 s9, $0xF7A;
	s5 =	simm.s32 @!p2 $0x0  }
0x1d: {  	s5 =	simm.s32 @p1 $0x1;
	p0 =	seq.s32 s7, s2  }
0x1e: {  	s7 =	smul.u32 @!p0 $0xF7A, s2;
	p2 =	seq.s32 @!p0 s5, $0x0  }
0x1f: {  	s9 =	smul.u32 $0xF7A, s1;
	s8 =	simm.s32 @!p0 $0x1BF5;
	p2 =	por !p2, p0  }
0x20: {  	[sflag:s8] =	ssyncset.s32 @!p0 $0xFFFFF086;
	s6 =	sadd.s32 @!p0 s3, s7;
	s7 =	simm.s32 @!p0 $0x108  }
0x21: {  	s3 =	sadd.s32 s3, s9;
	s6 =	sadd.s32 @!p0 $0x88, s6;
	s7 =	simm.s32 @p2 $0x1082  }
0x22: {  	[simem:s7], [sflag:s8] =	dma.local @!p0 [hbm:s6], $0xF7A  }
0x23: {  	s9 =	sor.u32 $0xD0000000, s2;
	s6 =	simm.s32 $0x108;
	_ =	swait.ge @!p0 [sflag:s8], $0x0  }
0x24: {  	s3 =	sadd.s32 $0x88, s3;
	s6 =	simm.s32 @!p1 $0x1082;
	[sflag:s4] =	ssyncset.s32 $0xFFFFF086  }
0x25: {  	[simem:s6], [sflag:s4] =	dma.local [hbm:s3], $0xF7A  }
0x26: {  	[smem:$0x3F9E] =	sst s1;
	(tag) =	ssettag s2;
	_ =	strace s9  }
0x27: {  	s1 =	sld [smem:$0x3FAE]  }
0x28: {  	s2 =	sld [smem:$0x3FAF]  }
0x29: {  	s4 =	sld [smem:$0x3FB1]  }
0x2a: {  	p0 =	seq.s32 s5, $0x0;
	s5 =	sld [smem:$0x3FB2]  }
0x2b: {  	s6 =	sld [smem:$0x3FB3]  }
0x2c: {  	s7 =	sld [smem:$0x3FB4]  }
0x2d: {  	s3 =	simm.s32 $0x108;
	s8 =	sld [smem:$0x3FB5]  }
0x2e: {  	s3 =	simm.s32 @!p0 $0x1082;
	s9 =	sld [smem:$0x3FB6]  }
0x2f: {  	lr =	sadd.s32 s0, s3;
	s0 =	sld [smem:$0x3FAD]  }
0x30: {  	s3 =	sld [smem:$0x3FB0]  }
0x31: {  	[smem:$0x3FB9] =	sst s10  }
0x32: {  	s10 =	sld [smem:$0x3FB7];
	_ =	sdelay $0x3  }
0x33: {  	p0 =	seq.s32 s10, $0x1;
	s10 =	sld [smem:$0x3FB9];
	_ =	sdelay $0x3  }
0x34: {  	[smem:$0x3FB9] =	sst s10  }
0x35: {  	s10 =	sld [smem:$0x3FB8];
	_ =	sdelay $0x3  }
0x36: {  	p1 =	seq.s32 s10, $0x1;
	s10 =	sld [smem:$0x3FB9];
	_ =	sdelay $0x3  }
0x37: {  	[smem:$0x3FB9] =	sst s10  }
0x38: {  	s10 =	sld [smem:$0x3FBA]  }
0x39: {  	_ = 	snop;
	(pc) =	sbr.ind lr, $3  }
0x3a: {  	_ = 	snop  }
0x3b: {  	_ = 	snop  }
0x3c: {  	p2 =	seq.s32 s10, $0x1;
	s10 =	sld [smem:$0x3FB9]  }
0x3d: {  	_ =	shalt  }
0x3e: {  	_ =	shalt  }
0x3f: {  	_ =	shalt  }
0x40: {  	_ =	shalt  }
0x41: {  	_ =	shalt  }
0x42: {  	_ =	shalt  }
0x43: {  	_ =	shalt  }
0x44: {  	_ =	shalt  }
0x45: {  	_ =	shalt  }
0x46: {  	_ =	shalt  }
0x47: {  	_ =	shalt  }
0x48: {  	_ =	shalt  }
0x49: {  	_ =	shalt  }
0x4a: {  	_ =	shalt  }
0x4b: {  	_ =	shalt  }
0x4c: {  	_ =	shalt  }
0x4d: {  	_ =	shalt  }
0x4e: {  	_ =	shalt  }
0x4f: {  	_ =	shalt  }
0x50: {  	_ =	shalt  }
0x51: {  	_ =	shalt  }
0x52: {  	_ =	shalt  }
0x53: {  	_ =	shalt  }
0x54: {  	_ =	shalt  }
0x55: {  	_ =	shalt  }
0x56: {  	_ =	shalt  }
0x57: {  	_ =	shalt  }
0x58: {  	_ =	shalt  }
0x59: {  	_ =	shalt  }
0x5a: {  	_ =	shalt  }
0x5b: {  	_ =	shalt  }
0x5c: {  	_ =	shalt  }
0x5d: {  	_ =	shalt  }
0x5e: {  	_ =	shalt  }
0x5f: {  	_ =	shalt  }
0x60: {  	_ =	shalt  }
0x61: {  	_ =	shalt  }
0x62: {  	_ =	shalt  }
0x63: {  	_ =	shalt  }
0x64: {  	_ =	shalt  }
0x65: {  	_ =	shalt  }
0x66: {  	_ =	shalt  }
0x67: {  	_ =	shalt  }
0x68: {  	_ =	shalt  }
0x69: {  	_ =	shalt  }
0x6a: {  	_ =	shalt  }
0x6b: {  	_ =	shalt  }
0x6c: {  	_ =	shalt  }
0x6d: {  	_ =	shalt  }
0x6e: {  	_ =	shalt  }
0x6f: {  	_ =	shalt  }
0x70: {  	_ =	shalt  }
0x71: {  	_ =	shalt  }
0x72: {  	_ =	shalt  }
0x73: {  	_ =	shalt  }
0x74: {  	_ =	shalt  }
0x75: {  	_ =	shalt  }
0x76: {  	_ =	shalt  }
0x77: {  	_ =	shalt  }
0x78: {  	_ =	shalt  }
0x79: {  	_ =	shalt  }
0x7a: {  	_ =	shalt  }
0x7b: {  	_ =	shalt  }
0x7c: {  	_ =	shalt  }
0x7d: {  	_ =	shalt  }
0x7e: {  	_ =	shalt  }
0x7f: {  	_ =	shalt  }
0x80: {  	_ =	shalt  }
0x81: {  	_ =	shalt  }
0x82: {  	_ =	shalt  }
0x83: {  	_ =	shalt  }
0x84: {  	_ =	shalt  }
0x85: {  	_ =	shalt  }
0x86: {  	_ =	shalt  }
0x87: {  	_ =	shalt  }
.Lfunc_end0:
.L_simem_size_0:
called_computation_lowered:
.L_overlay_start_0:
0x88: {  	s2 =	sld [smem:$0x3FD9]  }
0x89: {  	s3 =	sld [smem:$0x3FFE];
	_ =	sdelay $0x1  }
0x8a: {  	s1 =	srdreg.scid  }
0x8b: {  	s0 =	sand.u32 $0x1, s1  }
0x8c: {  	s17 =	sshll.u32 s0, $0xA;
	s2 =	sadd.s32 s3, s2  }
0x8d: {  	s2 =	sadd.s32 s2, s17  }
0x8e: {  	[smem:$0x3FC5] =	sst s2  }
0x8f: {  	_ = 	snop  }
0x90: {  	s2 =	sld [smem:$0x3FC9]  }
0x91: {  	s18 =	sld [smem:$0x3FD0];
	(tm) =	ssettm $0x1  }
0x92: {  	s4 =	sld [smem:$0x3FFB];
	_ =	sdelay $0x3  }
0x93: {  	_ =	strace s4  }
0x94: {  	s4 =	sld [smem:$0x3FFC];
	_ =	sdelay $0x3  }
0x95: {  	_ =	strace s4  }
0x96: {  	s4 =	sld [smem:$0x3FFD];
	_ =	sdelay $0x3  }
0x97: {  	_ =	strace s4  }
0x98: {  	_ =	strace $0x8FFFFFFF  }
0x99: {  	s19 =	sld [smem:$0x3FDB];
	_ =	sdelay $0x1  }
0x9a: {  	s5 =	simm.s32 $_scs_section_size  }
0x9b: {  	s6 =	simm.s32 $_size__tile_overlayer_lowered;
	s7 =	simm.s32 $_tile_overlayer_lowered  }
0x9c: {  	s22 =	simm.s32 $0x1BFF;
	s21 =	sshll.u32 s7, $0x1;
	s4 =	sadd.s32 s5, s19  }
0x9d: {  	s8 =	simm.s32 $0x0;
	s20 =	sshll.u32 s6, $0x1;
	s6 =	sadd.s32 s21, s4  }
0x9e: {  	[timem:s8], [sflag:s22] =	dma.local [hbm:s6], s20  }
0x9f: {  	_ =	swait.ge [sflag:s22], s20  }
0xa0: {  	s5 =	ssub.s32 $0x0, s20;
	[sflag:s22] =	ssyncset.done $0x0  }
0xa1: {  	[sflag:s22] =	ssyncadd.s32 s5;
	_ =	sdelay $0x1  }
0xa2: {  	s23 =	simm.s32 $0x1B8B  }
0xa3: {  	_ =	swait.ge [sflag:s23], $0x1  }
0xa4: {  	[sflag:s23] =	ssyncset.done $0x0  }
0xa5: {  	s25 =	simm.s32 $0x1B8E;
	s24 =	sld [smem:$0x3FFE];
	[sflag:s23] =	ssyncadd.s32 $0xFFFFFFFF  }
0xa6: {  	s26 =	simm.s32 $execute0_lowered;
	[smem:$0x3FD2] =	sst s25  }
0xa7: {  	s6 =	sshll.u32 s26, $0x1;
	_ =	strace $0x80000046;
	[dreg:$0x1] =	wrdreg $0xFFFFFFFF  }
0xa8: {  	s28 =	simm.s32 $_size_execute0_lowered;
	s4 =	sadd.s32 s4, s6;
	[dreg:$0x0] =	wrdreg $0x0  }
0xa9: {  	s6 =	sshll.u32 s28, $0x1;
	[dreg:$0x2] =	wrdreg s4  }
0xaa: {  	[dreg:$0x3] =	wrdreg s6  }
0xab: {  	[dreg:$0x4] =	wrdreg $0xC0  }
0xac: {  	_ =	task [dreg:s8], $0x5FFFF  }
0xad: {  	[dreg:$0x1] =	wrdreg $0xFFFFFFFF  }
0xae: {  	[dreg:$0x0] =	wrdreg $0x60  }
0xaf: {  	[dreg:$0x2] =	wrdreg s2  }
0xb0: {  	[dreg:$0x3] =	wrdreg s24  }
0xb1: {  	[dreg:$0x4] =	wrdreg s18  }
0xb2: {  	[dreg:$0x5] =	wrdreg $0x83000  }
0xb3: {  	[dreg:$0x6] =	wrdreg $0x9  }
0xb4: {  	_ =	task.clear_ibuf [dreg:s8], $0x7FFFF;
	_ =	strace $0x90000046  }
0xb5: {  	s29 =	simm.s32 $0x9;
	_ =	strace $0x80000048  }
0xb6: {  	_ =	swait.ge [sflag:s29], $0x1  }
0xb7: {  	[sflag:s29] =	ssyncadd.s32 $0xFFFFFFFF  }
0xb8: {  	_ =	strace $0x90000048  }
0xb9: {  	_ =	sfence  }
0xba: {  	s30 =	sld [smem:$0x0];
	_ =	sdelay $0x2  }
0xbb: {  	s31 =	sshll.u32 s1, $0xD;
	s1 =	sshrl.u32 s1, $0x2  }
0xbc: {  	s3 =	sand.u32 $0x4000, s31;
	s1 =	sadd.s32 s1, s30  }
0xbd: {  	s0 =	sor.u32 s3, s0;
	s1 =	sshll.u32 s1, $0x11  }
0xbe: {  	s0 =	sor.u32 s1, s0  }
0xbf: {  	s0 =	sadd.s32 $0x8F2B, s0  }
0xc0: {  	[sflag:s0] =	ssyncadd.remote.s32 $0x1  }
0xc1: {  	_ =	sfence.sel $0xFFFF  }
0xc2: {  	[dreg:$0x0] =	wrdreg $0xFFFFFFFF;
	(pc) =	sbr.abs _section_cstart, $3  }
0xc3: {  	[dreg:$0x1] =	wrdreg $0xFFFFFFFF  }
0xc4: {  	_ =	task.clear_ibuf [dreg:s8], $0x2FFFF;
	_ =	strace $0x9FFFFFFF  }
0xc5: {  	(tm) =	ssettm $0x7FFFFFFF  }
tec
execute0_lowered:
.L_overlay_start_1:
0x0: {  	(tag) =	ssettag $0x1  }
0x1: {  	s1 =	rddreg [dreg:$0x0]  }
0x2: {  	s2 =	rddreg [dreg:$0x1]  }
0x3: {  	s0 =	rddreg [dreg:$0x2]  }
0x4: {  	s3 =	rddreg [dreg:$0x3]  }
0x5: {  	s4 =	simm.s32 $0x0;
	s5 =	srdreg.scid;
	s15 =	stileid.u32  }
0x6: {  	s28 =	simm.s32 $0x3;
	s29 =	simm.s32 $0x80;
	s30 =	simm.s32 $0x300  }
0x7: {  	s31 =	simm.s32 $0x180;
	[smem:$0x7FF] =	sst s4;
	s6 =	sadd.s32 $0x14000, s2  }
0x8: {  	s7 =	sadd.s32 $0xA000, s2;
	s5 =	sand.u32 $0x1, s5;
	s10 =	smul.u32 $0x4E000, s15  }
0x9: {  	s8 =	sadd.s32 $0x1E000, s2;
	s12 =	sshll.u32 s15, $0x1;
	s13 =	smul.u32 $0x13800, s15  }
0xa: {  	s14 =	sshll.u32 s15, $0x6;
	s17 =	sadd.s32 $0x138000, s3;
	p0 =	sne.s32 s15, $0xF  }
0xb: {  	_ =	strace $0x80000047;
	s9 =	ssub.s32 $0x2, s5;
	s25 =	sor.u32 s5, s12  }
0xc: {  	[dreg:$0x7] =	wrdreg s17;
	s5 =	smul.u32 $0x138800, s5;
	s11 =	sshrl.u32 s9, $0x1  }
0xd: {  	s10 =	sshrl.u32 s10, $0x2;
	s26 =	sshrl.u32 s13, $0x3;
	s9 =	ssub.s32 s9, s11  }
0xe: {  	s11 =	smul.u32 $0x2800, s25;
	s10 =	sadd.s32 s10, s3;
	s16 =	sadd.s32 s0, s26  }
0xf: {  	s0 =	sadd.s32 $0x27000, s0;
	s25 =	sadd.s32 s13, s5;
	[dreg:$0x5] =	wrdreg s10  }
0x10: {  	s5 =	sshrl.u32 s5, $0x3;
	[dreg:$0x6] =	wrdreg s16;
	s18 =	sshrl.u32 s11, $0x3  }
0x11: {  	s10 =	sor.u32 $0x1C04, s14;
	[dreg:$0x8] =	wrdreg s0;
	s19 =	sadd.s32 s6, s18  }
0x12: {  	s26 =	sadd.s32 s8, s5;
	s21 =	sadd.s32 s7, s18;
	[dreg:$0x9] =	wrdreg s19  }
0x13: {  	s20 =	sor.u32 $0x10, s18;
	s0 =	sadd.s32 s2, s18;
	[dreg:$0xa] =	wrdreg s21  }
0x14: {  	s5 =	simm.s32 $0x4300;
	[dreg:$0xb] =	wrdreg s0;
	s22 =	sadd.s32 s6, s20  }
0x15: {  	s23 =	sadd.s32 s7, s20;
	s24 =	sadd.s32 s2, s20;
	s19 =	sor.u32 $0x100, s11  }
.Ltmp0:
0x16: {  	s0 =	sshrl.u32 s25, $0x3;
	[dreg:$0xc] =	wrdreg s22;
	(pc) =	sbr.rel .LBB2_1-.Ltmp0, $4  }
0x17: {  	s20 =	sor.u32 $0x180, s11;
	s25 =	simm.s32 $0x100;
	[dreg:$0xd] =	wrdreg s23  }
0x18: {  	[dreg:$0xe] =	wrdreg s24;
	s21 =	sadd.s32 s8, s0;
	s22 =	sadd.s32 $0x27000, s26  }
0x19: {  	s23 =	smax.u32 s9, $0x1;
	s24 =	simm.s32 $0x4;
	s0 =	simm.s32 $0x280  }
0x1a: {  	s26 =	simm.s32 $0x1;
	s8 =	simm.s32 $0x2;
	s9 =	simm.s32 $0x0  }
.LBB2_8:
0x1b: {  	[bflag:$0x0] =	sbarrier.arrive $0xFFFF  }
0x1c: {  	[hbm:s21], [sflag:s10] =	dma.local [spmem:s11], $0x2700  }
0x1d: {  	s9 =	sadd.s32 $0x1, s9;
	_ =	swait.ge [sflag:s24], $0x2700  }
0x1e: {  	p1 =	sne.s32 s9, s23;
	[sflag:s24] =	ssyncset.done $0x0  }
.Ltmp1:
0x1f: {  	s11 =	simm.s32 @!p0 $0x4;
	[sflag:s24] =	ssyncadd.s32 $0xFFFFD900;
	(pc) =	sbr.rel @!p1 .LBB2_9-.Ltmp1, $4  }
0x20: {  	[hbm:s22], [sflag:s10] =	dma.local @!p0 [spmem:s12], $0x100  }
0x21: {  	_ =	swait.ge @!p0 [sflag:s11], $0x100  }
0x22: {  	[sflag:s11] =	ssyncset.done @!p0 $0x0  }
0x23: {  	[sflag:s11] =	ssyncadd.s32 @!p0 $0xFFFFFF00  }
.LBB2_1:
0x24: {  	s11 =	rddreg [dreg:$0x5]  }
0x25: {  	s12 =	rddreg [dreg:$0x6];
	s11 =	sshrl.u32 s11, $0x3  }
0x26: {  	[spmem:s11], [sflag:s10] =	dma.local [hbm:s12], $0x2700  }
0x27: {  	_ =	swait.ge [sflag:s24], $0x2700  }
0x28: {  	[sflag:s24] =	ssyncset.done $0x0;
	s12 =	rddreg [dreg:$0x7]  }
0x29: {  	s13 =	rddreg [dreg:$0x8];
	[sflag:s24] =	ssyncadd.s32 $0xFFFFD900;
	s12 =	sshrl.u32 @!p0 s12, $0x3  }
0x2a: {  	[spmem:s12], [sflag:s10] =	dma.local @!p0 [hbm:s13], $0x100  }
0x2b: {  	s13 =	simm.s32 @!p0 $0x4  }
0x2c: {  	_ =	swait.ge @!p0 [sflag:s13], $0x100  }
0x2d: {  	[sflag:s13] =	ssyncset.done @!p0 $0x0  }
0x2e: {  	s18 =	rddreg [dreg:$0x9];
	[sflag:s13] =	ssyncadd.s32 @!p0 $0xFFFFFF00  }
0x2f: {  	[tilespmem:s4], [sflag:$0x3] =	stream.linear.gather [hbm4b:s18+s4], $0x80, $0x38;
	[tilespmem:$0x1BB80] =	vst v63  }
0x30: {  	s14 =	rddreg [dreg:$0xa]  }
0x31: {  	[tilespmem:s25], [sflag:$0x3] =	stream.linear.gather [hbm4b:s14+s4], $0x80, $0x38;
	[tilespmem:$0x1BB80] =	vst v63  }
0x32: {  	s15 =	rddreg [dreg:$0xb];
	s14 =	simm.s32 $0x200  }
0x33: {  	[tilespmem:s14], [sflag:$0x3] =	stream.linear.gather [hbm4b:s15+s4], $0x80, $0x38;
	[tilespmem:$0x1BB80] =	vst v63  }
0x34: {  	_ =	swait.ge [sflag:s28], $0x80  }
0x35: {  	[sflag:s28] =	ssyncset.done $0x0  }
0x36: {  	[sflag:s28] =	ssyncadd.s32 $0xFFFFFF80  }
0x37: {  	_ =	swait.ge [sflag:s28], $0x80  }
0x38: {  	[sflag:s28] =	ssyncset.done $0x0  }
0x39: {  	[sflag:s28] =	ssyncadd.s32 $0xFFFFFF80  }
0x3a: {  	_ =	swait.ge [sflag:s28], $0x80  }
0x3b: {  	[sflag:s28] =	ssyncset.done $0x0  }
0x3c: {  	[sflag:s28] =	ssyncadd.s32 $0xFFFFFF80  }
0x3d: {  	[tilespmem:s30], [sflag:$0x1] =	stream.indirect.gather [hbm4b:s1+s29], $0x80, s4, s29, $0xb8;
	[tilespmem:$0x1BB80] =	vst v63  }
0x3e: {  	s16 =	rddreg [dreg:$0xc]  }
0x3f: {  	[tilespmem:s29], [sflag:$0x3] =	stream.linear.gather [hbm4b:s16+s4], $0x80, $0x38;
	[tilespmem:$0x1BB80] =	vst v63  }
0x40: {  	s17 =	rddreg [dreg:$0xd]  }
0x41: {  	[tilespmem:s31], [sflag:$0x3] =	stream.linear.gather [hbm4b:s17+s4], $0x80, $0x38;
	[tilespmem:$0x1BB80] =	vst v63  }
0x42: {  	s18 =	rddreg [dreg:$0xe]  }
0x43: {  	[tilespmem:s0], [sflag:$0x3] =	stream.linear.gather [hbm4b:s18+s4], $0x80, $0x38;
	[tilespmem:$0x1BB80] =	vst v63  }
0x44: {  	s13 =	simm.s32 $0x0;
	[bflag:$0x0] =	sbarrier.arrive $0xFFFF  }
.LBB2_2:
0x45: {  	_ =	swait.ge [sflag:s28], $0x80  }
0x46: {  	[sflag:s28] =	ssyncset.done $0x0  }
0x47: {  	[sflag:s28] =	ssyncadd.s32 $0xFFFFFF80  }
0x48: {  	_ =	swait.ge [sflag:s28], $0x80  }
0x49: {  	[sflag:s28] =	ssyncset.done $0x0  }
0x4a: {  	[sflag:s28] =	ssyncadd.s32 $0xFFFFFF80  }
0x4b: {  	_ =	swait.ge [sflag:s28], $0x80  }
0x4c: {  	[sflag:s28] =	ssyncset.done $0x0  }
0x4d: {  	[sflag:s28] =	ssyncadd.s32 $0xFFFFFF80  }
0x4e: {  	[tilespmem:s5], [sflag:$0x2] =	stream.indirect.gather [hbm4b:s1+s29], $0x80, s29, s29, $0xb8;
	[tilespmem:$0x1BB80] =	vst v63  }
0x4f: {  	_ =	swait.ge [sflag:s26], $0x4000  }
0x50: {  	s14 =	simm.s32 $0x0;
	[sflag:s26] =	ssyncset.done $0x0  }
0x51: {  	s15 =	simm.s32 $0x0;
	s14 =	sand.u32 $0x3FFFFFF0, s14;
	[sflag:s26] =	ssyncadd.s32 $0xFFFFC000  }
0x52: {  	v0 =	vld [tilespmem:s14+$0x200];
	s14 =	sand.u32 $0x3FFFF800, s15  }
0x53: {  	v6 =	vld [tilespmem:s14+$0x3C0]  }
0x54: {  	v2 =	vld [tilespmem:s14+$0x320]  }
0x55: {  	v3 =	vld [tilespmem:s14+$0x330]  }
0x56: {  	v9 =	vld [tilespmem:s14+$0x360]  }
0x57: {  	v10 =	vld [tilespmem:s14+$0x370];
	v1 =	vbroadcast v0, $0x0  }
0x58: {  	v11 =	vld [tilespmem:s14+$0x380]  }
0x59: {  	v12 =	vld [tilespmem:s14+$0x390];
	v2 =	vmul.f32 v2, v1  }
0x5a: {  	v13 =	vld [tilespmem:s14+$0x3A0];
	v3 =	vmul.f32 v3, v1  }
0x5b: {  	v8 =	vld [tilespmem:s14+$0x3B0];
	v28 =	vbroadcast v0, $0x1;
	v27 =	vmul.f32 v9, v1;
	[tilespmem:s14+$0x320] =	vst v2  }
0x5c: {  	v7 =	vld [tilespmem:s14+$0x3D0];
	v10 =	vmul.f32 v10, v1;
	[tilespmem:s14+$0x330] =	vst v3  }
0x5d: {  	v5 =	vld [tilespmem:s14+$0x870];
	v11 =	vmul.f32 v11, v28;
	[tilespmem:s14+$0x360] =	vst v27  }
0x5e: {  	v30 =	vld [tilespmem:s14+$0x3F0];
	v12 =	vmul.f32 v12, v28;
	[tilespmem:s14+$0x370] =	vst v10  }
0x5f: {  	v31 =	vld [tilespmem:s14+$0x400];
	v13 =	vmul.f32 v13, v28;
	[tilespmem:s14+$0x380] =	vst v11  }
0x60: {  	v32 =	vld [tilespmem:s14+$0x410];
	v8 =	vmul.f32 v8, v28;
	[tilespmem:s14+$0x390] =	vst v12  }
0x61: {  	v29 =	vld [tilespmem:s14+$0x3E0];
	v6 =	vmul.f32 v6, v28;
	[tilespmem:s14+$0x3A0] =	vst v13  }
0x62: {  	v33 =	vld [tilespmem:s14+$0x420];
	v14 =	vbroadcast v0, $0x2;
	v7 =	vmul.f32 v7, v28;
	[tilespmem:s14+$0x3B0] =	vst v8  }
0x63: {  	v34 =	vld [tilespmem:s14+$0x430];
	v9 =	vmul.f32 v30, v28;
	[tilespmem:s14+$0x3C0] =	vst v6  }
0x64: {  	v35 =	vld [tilespmem:s14+$0x440];
	v4 =	vbroadcast v0, $0xA;
	v37 =	vmul.f32 v31, v14;
	[tilespmem:s14+$0x3D0] =	vst v7  }
0x65: {  	v36 =	vld [tilespmem:s14+$0x450];
	v39 =	vmul.f32 v32, v14;
	[tilespmem:s14+$0x3F0] =	vst v9  }
0x66: {  	v38 =	vld [tilespmem:s14+$0x460];
	v2 =	vmul.f32 v5, v4;
	[tilespmem:s14+$0x400] =	vst v37  }
0x67: {  	v40 =	vld [tilespmem:s14+$0x470];
	v10 =	vmul.f32 v29, v28;
	[tilespmem:s14+$0x410] =	vst v39  }
0x68: {  	v41 =	vld [tilespmem:s14+$0x480];
	v8 =	vmul.f32 v33, v14;
	[tilespmem:s14+$0x870] =	vst v2  }
0x69: {  	v42 =	vld [tilespmem:s14+$0x490];
	v6 =	vmul.f32 v34, v14;
	[tilespmem:s14+$0x3E0] =	vst v10  }
0x6a: {  	v43 =	vld [tilespmem:s14+$0x4A0];
	v7 =	vmul.f32 v35, v14;
	[tilespmem:s14+$0x420] =	vst v8  }
0x6b: {  	v44 =	vld [tilespmem:s14+$0x4B0];
	v46 =	vbroadcast v0, $0x3;
	v9 =	vmul.f32 v38, v14;
	[tilespmem:s14+$0x430] =	vst v6  }
0x6c: {  	v45 =	vld [tilespmem:s14+$0x4C0];
	v11 =	vmul.f32 v40, v14;
	[tilespmem:s14+$0x440] =	vst v7  }
0x6d: {  	v47 =	vld [tilespmem:s14+$0x4D0];
	v12 =	vmul.f32 v41, v46;
	[tilespmem:s14+$0x460] =	vst v9  }
0x6e: {  	v48 =	vld [tilespmem:s14+$0x4E0];
	v10 =	vmul.f32 v36, v14;
	[tilespmem:s14+$0x470] =	vst v11  }
0x6f: {  	v49 =	vld [tilespmem:s14+$0x4F0];
	v8 =	vmul.f32 v42, v46;
	[tilespmem:s14+$0x480] =	vst v12  }
0x70: {  	v50 =	vld [tilespmem:s14+$0x500];
	v6 =	vmul.f32 v43, v46;
	[tilespmem:s14+$0x450] =	vst v10  }
0x71: {  	v51 =	vld [tilespmem:s14+$0x510];
	v7 =	vmul.f32 v44, v46;
	[tilespmem:s14+$0x490] =	vst v8  }
0x72: {  	v52 =	vld [tilespmem:s14+$0x520];
	v9 =	vmul.f32 v47, v46;
	[tilespmem:s14+$0x4A0] =	vst v6  }
0x73: {  	v53 =	vld [tilespmem:s14+$0x530];
	v11 =	vmul.f32 v48, v46;
	[tilespmem:s14+$0x4B0] =	vst v7  }
0x74: {  	v54 =	vld [tilespmem:s14+$0x540];
	v55 =	vbroadcast v0, $0x4;
	v12 =	vmul.f32 v49, v46;
	[tilespmem:s14+$0x4D0] =	vst v9  }
0x75: {  	v56 =	vld [tilespmem:s14+$0x550];
	v10 =	vmul.f32 v45, v46;
	[tilespmem:s14+$0x4E0] =	vst v11  }
0x76: {  	v57 =	vld [tilespmem:s14+$0x560];
	v8 =	vmul.f32 v50, v55;
	[tilespmem:s14+$0x4F0] =	vst v12  }
0x77: {  	v58 =	vld [tilespmem:s14+$0x570];
	v6 =	vmul.f32 v51, v55;
	[tilespmem:s14+$0x4C0] =	vst v10  }
0x78: {  	v59 =	vld [tilespmem:s14+$0x580];
	v7 =	vmul.f32 v52, v55;
	[tilespmem:s14+$0x500] =	vst v8  }
0x79: {  	v60 =	vld [tilespmem:s14+$0x590];
	v9 =	vmul.f32 v54, v55;
	[tilespmem:s14+$0x510] =	vst v6  }
0x7a: {  	v61 =	vld [tilespmem:s14+$0x5A0];
	v11 =	vmul.f32 v56, v55;
	[tilespmem:s14+$0x520] =	vst v7  }
0x7b: {  	v62 =	vld [tilespmem:s14+$0x5B0];
	v12 =	vmul.f32 v57, v55;
	[tilespmem:s14+$0x540] =	vst v9  }
0x7c: {  	v63 =	vld [tilespmem:s14+$0x5C0];
	v16 =	vbroadcast v0, $0x5;
	v10 =	vmul.f32 v53, v55;
	[tilespmem:s14+$0x550] =	vst v11  }
0x7d: {  	v17 =	vld [tilespmem:s14+$0x5D0];
	v8 =	vmul.f32 v58, v55;
	[tilespmem:s14+$0x560] =	vst v12  }
0x7e: {  	v18 =	vld [tilespmem:s14+$0x5E0];
	v6 =	vmul.f32 v59, v16;
	[tilespmem:s14+$0x530] =	vst v10  }
0x7f: {  	v19 =	vld [tilespmem:s14+$0x5F0];
	v7 =	vmul.f32 v60, v16;
	[tilespmem:s14+$0x570] =	vst v8  }
0x80: {  	v20 =	vld [tilespmem:s14+$0x600];
	v9 =	vmul.f32 v62, v16;
	[tilespmem:s14+$0x580] =	vst v6  }
0x81: {  	v21 =	vld [tilespmem:s14+$0x610];
	v11 =	vmul.f32 v63, v16;
	[tilespmem:s14+$0x590] =	vst v7  }
0x82: {  	v22 =	vld [tilespmem:s14+$0x620];
	v12 =	vmul.f32 v17, v16;
	[tilespmem:s14+$0x5B0] =	vst v9  }
0x83: {  	v23 =	vld [tilespmem:s14+$0x630];
	v10 =	vmul.f32 v61, v16;
	[tilespmem:s14+$0x5C0] =	vst v11  }
0x84: {  	v24 =	vld [tilespmem:s14+$0x640];
	v25 =	vbroadcast v0, $0x6;
	v8 =	vmul.f32 v18, v16;
	[tilespmem:s14+$0x5D0] =	vst v12  }
0x85: {  	v56 =	vld [tilespmem:s14+$0x800];
	v6 =	vmul.f32 v19, v16;
	[tilespmem:s14+$0x5A0] =	vst v10  }
0x86: {  	v26 =	vld [tilespmem:s14+$0x650];
	v7 =	vmul.f32 v20, v25;
	[tilespmem:s14+$0x5E0] =	vst v8  }
0x87: {  	v30 =	vld [tilespmem:s14+$0x690];
	v9 =	vmul.f32 v22, v25;
	[tilespmem:s14+$0x5F0] =	vst v6  }
0x88: {  	v27 =	vld [tilespmem:s14+$0x660];
	v11 =	vmul.f32 v23, v25;
	[tilespmem:s14+$0x600] =	vst v7  }
0x89: {  	v28 =	vld [tilespmem:s14+$0x670];
	v12 =	vmul.f32 v24, v25;
	[tilespmem:s14+$0x620] =	vst v9  }
0x8a: {  	v31 =	vld [tilespmem:s14+$0x6A0];
	v62 =	vmul.f32 v56, v4;
	[tilespmem:s14+$0x630] =	vst v11  }
0x8b: {  	v32 =	vld [tilespmem:s14+$0x6B0];
	v10 =	vmul.f32 v21, v25;
	[tilespmem:s14+$0x640] =	vst v12  }
0x8c: {  	v3 =	vld [tilespmem:s14+$0x880];
	v8 =	vmul.f32 v26, v25;
	[tilespmem:s14+$0x800] =	vst v62  }
0x8d: {  	v5 =	vld [tilespmem:s14+$0x890];
	v34 =	vbroadcast v0, $0x7;
	v6 =	vmul.f32 v27, v25;
	[tilespmem:s14+$0x610] =	vst v10  }
0x8e: {  	v29 =	vld [tilespmem:s14+$0x680];
	v7 =	vmul.f32 v28, v25;
	[tilespmem:s14+$0x650] =	vst v8  }
0x8f: {  	v60 =	vld [tilespmem:s14+$0x840];
	v9 =	vmul.f32 v30, v34;
	[tilespmem:s14+$0x660] =	vst v6  }
0x90: {  	v33 =	vld [tilespmem:s14+$0x6C0];
	v24 =	vbroadcast v0, $0xB;
	v11 =	vmul.f32 v31, v34;
	[tilespmem:s14+$0x670] =	vst v7  }
0x91: {  	v35 =	vld [tilespmem:s14+$0x6D0];
	v12 =	vmul.f32 v32, v34;
	[tilespmem:s14+$0x690] =	vst v9  }
0x92: {  	v38 =	vld [tilespmem:s14+$0x700];
	v3 =	vmul.f32 v3, v24;
	[tilespmem:s14+$0x6A0] =	vst v11  }
0x93: {  	v36 =	vld [tilespmem:s14+$0x6E0];
	v5 =	vmul.f32 v5, v24;
	[tilespmem:s14+$0x6B0] =	vst v12  }
0x94: {  	v2 =	vld [tilespmem:s14+$0xAD0];
	v19 =	vmul.f32 v60, v4;
	[tilespmem:s14+$0x880] =	vst v3  }
0x95: {  	v39 =	vld [tilespmem:s14+$0x710];
	v10 =	vmul.f32 v29, v34;
	[tilespmem:s14+$0x890] =	vst v5  }
0x96: {  	v40 =	vld [tilespmem:s14+$0x720];
	v8 =	vmul.f32 v33, v34;
	[tilespmem:s14+$0x840] =	vst v19  }
0x97: {  	v43 =	vbroadcast v0, $0x8;
	v61 =	vld [tilespmem:s14+$0x850];
	v6 =	vmul.f32 v35, v34;
	[tilespmem:s14+$0x680] =	vst v10  }
0x98: {  	v16 =	vld [tilespmem:s14+$0x300];
	v7 =	vmul.f32 v36, v34;
	[tilespmem:s14+$0x6C0] =	vst v8  }
0x99: {  	v37 =	vld [tilespmem:s14+$0x6F0];
	v9 =	vmul.f32 v38, v43;
	[tilespmem:s14+$0x6D0] =	vst v6  }
0x9a: {  	v41 =	vld [tilespmem:s14+$0x730];
	v11 =	vmul.f32 v39, v43;
	[tilespmem:s14+$0x6E0] =	vst v7  }
0x9b: {  	v42 =	vld [tilespmem:s14+$0x740];
	v12 =	vmul.f32 v40, v43;
	[tilespmem:s14+$0x700] =	vst v9  }
0x9c: {  	v44 =	vld [tilespmem:s14+$0x750];
	v21 =	vmul.f32 v61, v4;
	[tilespmem:s14+$0x710] =	vst v11  }
0x9d: {  	v46 =	vld [tilespmem:s14+$0x770];
	v25 =	vmul.f32 v1, v16;
	[tilespmem:s14+$0x720] =	vst v12  }
0x9e: {  	v47 =	vld [tilespmem:s14+$0x780];
	v10 =	vmul.f32 v37, v34;
	[tilespmem:s14+$0x850] =	vst v21  }
0x9f: {  	v48 =	vld [tilespmem:s14+$0x790];
	v8 =	vmul.f32 v41, v43;
	[tilespmem:s14+$0x300] =	vst v25  }
0xa0: {  	v6 =	vmul.f32 v42, v43;
	[tilespmem:s14+$0x6F0] =	vst v10  }
0xa1: {  	v52 =	vbroadcast v0, $0x9;
	v27 =	vld [tilespmem:s14+$0x8D0];
	v7 =	vmul.f32 v44, v43;
	[tilespmem:s14+$0x730] =	vst v8  }
0xa2: {  	v30 =	vld [tilespmem:s14+$0x900];
	v9 =	vmul.f32 v46, v43;
	[tilespmem:s14+$0x740] =	vst v6  }
0xa3: {  	v28 =	vld [tilespmem:s14+$0x8E0];
	v3 =	vbroadcast v0, $0xF;
	v11 =	vmul.f32 v47, v52;
	[tilespmem:s14+$0x750] =	vst v7  }
0xa4: {  	v45 =	vld [tilespmem:s14+$0x760];
	v12 =	vmul.f32 v48, v52;
	[tilespmem:s14+$0x770] =	vst v9  }
0xa5: {  	v49 =	vld [tilespmem:s14+$0x7A0];
	v35 =	vbroadcast v0, $0xC;
	v2 =	vmul.f32 v2, v3;
	[tilespmem:s14+$0x780] =	vst v11  }
0xa6: {  	v50 =	vld [tilespmem:s14+$0x7B0];
	v32 =	vmul.f32 v27, v24;
	[tilespmem:s14+$0x790] =	vst v12  }
0xa7: {  	v51 =	vld [tilespmem:s14+$0x7C0];
	v14 =	vmul.f32 v30, v35;
	[tilespmem:s14+$0xAD0] =	vst v2  }
0xa8: {  	v54 =	vld [tilespmem:s14+$0x7E0];
	v40 =	vmul.f32 v28, v24;
	[tilespmem:s14+$0x8D0] =	vst v32  }
0xa9: {  	v55 =	vld [tilespmem:s14+$0x7F0];
	v10 =	vmul.f32 v45, v43;
	[tilespmem:s14+$0x900] =	vst v14  }
0xaa: {  	v18 =	vld [tilespmem:s14+$0x340];
	v8 =	vmul.f32 v49, v52;
	[tilespmem:s14+$0x8E0] =	vst v40  }
0xab: {  	v38 =	vld [tilespmem:s14+$0x970];
	v6 =	vmul.f32 v50, v52;
	[tilespmem:s14+$0x760] =	vst v10  }
0xac: {  	v29 =	vld [tilespmem:s14+$0x8F0];
	v7 =	vmul.f32 v51, v52;
	[tilespmem:s14+$0x7A0] =	vst v8  }
0xad: {  	v33 =	vld [tilespmem:s14+$0x930];
	v9 =	vmul.f32 v54, v52;
	[tilespmem:s14+$0x7B0] =	vst v6  }
0xae: {  	v53 =	vld [tilespmem:s14+$0x7D0];
	v11 =	vmul.f32 v55, v52;
	[tilespmem:s14+$0x7C0] =	vst v7  }
0xaf: {  	v57 =	vld [tilespmem:s14+$0x810];
	v2 =	vmul.f32 v18, v1;
	[tilespmem:s14+$0x7E0] =	vst v9  }
0xb0: {  	v58 =	vld [tilespmem:s14+$0x820];
	v14 =	vmul.f32 v38, v35;
	[tilespmem:s14+$0x7F0] =	vst v11  }
0xb1: {  	v59 =	vld [tilespmem:s14+$0x830];
	v5 =	vmul.f32 v29, v24;
	[tilespmem:s14+$0x340] =	vst v2  }
0xb2: {  	v63 =	vld [tilespmem:s14+$0x860];
	v62 =	vmul.f32 v33, v35;
	[tilespmem:s14+$0x970] =	vst v14  }
0xb3: {  	v17 =	vld [tilespmem:s14+$0x310];
	v10 =	vmul.f32 v53, v52;
	[tilespmem:s14+$0x8F0] =	vst v5  }
0xb4: {  	v20 =	vld [tilespmem:s14+$0x350];
	v8 =	vmul.f32 v57, v4;
	[tilespmem:s14+$0x930] =	vst v62  }
0xb5: {  	v61 =	vld [tilespmem:s14+$0xAF0];
	v6 =	vmul.f32 v58, v4;
	[tilespmem:s14+$0x7D0] =	vst v10  }
0xb6: {  	v46 =	vld [tilespmem:s14+$0x9E0];
	v7 =	vmul.f32 v59, v4;
	[tilespmem:s14+$0x810] =	vst v8  }
0xb7: {  	v22 =	vld [tilespmem:s14+$0x8A0];
	v4 =	vmul.f32 v63, v4;
	[tilespmem:s14+$0x820] =	vst v6  }
0xb8: {  	v23 =	vld [tilespmem:s14+$0x8B0];
	v11 =	vmul.f32 v17, v1;
	[tilespmem:s14+$0x830] =	vst v7  }
0xb9: {  	v26 =	vld [tilespmem:s14+$0x8C0];
	v44 =	vbroadcast v0, $0xD;
	v1 =	vmul.f32 v20, v1;
	[tilespmem:s14+$0x860] =	vst v4  }
0xba: {  	v31 =	vld [tilespmem:s14+$0x910];
	v63 =	vmul.f32 v61, v3;
	[tilespmem:s14+$0x310] =	vst v11  }
0xbb: {  	v34 =	vld [tilespmem:s14+$0x940];
	v51 =	vmul.f32 v46, v44;
	[tilespmem:s14+$0x350] =	vst v1  }
0xbc: {  	v41 =	vld [tilespmem:s14+$0x9A0];
	v6 =	vmul.f32 v22, v24;
	[tilespmem:s14+$0xAF0] =	vst v63  }
0xbd: {  	v7 =	vmul.f32 v23, v24;
	v1 =	vld [tilespmem:s14+$0x990];
	[tilespmem:s14+$0x9E0] =	vst v51  }
0xbe: {  	v49 =	vld [tilespmem:s14+$0xA20];
	v4 =	vmul.f32 v26, v24;
	[tilespmem:s14+$0x8A0] =	vst v6  }
0xbf: {  	v50 =	vld [tilespmem:s14+$0xA30];
	v8 =	vmul.f32 v31, v35;
	[tilespmem:s14+$0x8B0] =	vst v7  }
0xc0: {  	v36 =	vld [tilespmem:s14+$0x950];
	v11 =	vmul.f32 v34, v35;
	[tilespmem:s14+$0x8C0] =	vst v4  }
0xc1: {  	v37 =	vld [tilespmem:s14+$0x960];
	v0 =	vbroadcast v0, $0xE;
	v10 =	vmul.f32 v41, v44;
	[tilespmem:s14+$0x910] =	vst v8  }
0xc2: {  	v39 =	vld [tilespmem:s14+$0x980];
	[tilespmem:s14+$0x940] =	vst v11;
	v1 =	vmul.f32 v1, v44  }
0xc3: {  	v42 =	vld [tilespmem:s14+$0x9B0];
	v9 =	vmul.f32 v49, v0;
	[tilespmem:s14+$0x9A0] =	vst v10  }
0xc4: {  	v5 =	vmul.f32 v50, v0;
	[tilespmem:s14+$0x990] =	vst v1;
	v1 =	vld [tilespmem:s14+$0xA00]  }
0xc5: {  	v48 =	vld [tilespmem:s14+$0xA10];
	v7 =	vmul.f32 v36, v35;
	[tilespmem:s14+$0xA20] =	vst v9  }
0xc6: {  	v57 =	vld [tilespmem:s14+$0xAA0];
	v4 =	vmul.f32 v37, v35;
	[tilespmem:s14+$0xA30] =	vst v5  }
0xc7: {  	v45 =	vld [tilespmem:s14+$0x9D0];
	v8 =	vmul.f32 v39, v44;
	[tilespmem:s14+$0x950] =	vst v7  }
0xc8: {  	v47 =	vld [tilespmem:s14+$0x9F0];
	v11 =	vmul.f32 v42, v44;
	[tilespmem:s14+$0x960] =	vst v4  }
0xc9: {  	v43 =	vld [tilespmem:s14+$0x9C0];
	[tilespmem:s14+$0x980] =	vst v8;
	v1 =	vmul.f32 v1, v0  }
0xca: {  	v55 =	vld [tilespmem:s14+$0xA80];
	v10 =	vmul.f32 v48, v0;
	[tilespmem:s14+$0x9B0] =	vst v11  }
0xcb: {  	v5 =	vmul.f32 v57, v3;
	[tilespmem:s14+$0xA00] =	vst v1;
	v1 =	vld [tilespmem:s14+$0xA70]  }
0xcc: {  	v52 =	vld [tilespmem:s14+$0xA40];
	v4 =	vmul.f32 v45, v44;
	[tilespmem:s14+$0xA10] =	vst v10  }
0xcd: {  	v56 =	vld [tilespmem:s14+$0xA90];
	v8 =	vmul.f32 v47, v44;
	[tilespmem:s14+$0xAA0] =	vst v5  }
0xce: {  	v54 =	vld [tilespmem:s14+$0xA60];
	v7 =	vmul.f32 v43, v44;
	[tilespmem:s14+$0x9D0] =	vst v4  }
0xcf: {  	v58 =	vld [tilespmem:s14+$0xAB0];
	v10 =	vmul.f32 v55, v3;
	[tilespmem:s14+$0x9F0] =	vst v8  }
0xd0: {  	v53 =	vld [tilespmem:s14+$0xA50];
	[tilespmem:s14+$0x9C0] =	vst v7;
	v1 =	vmul.f32 v1, v0  }
0xd1: {  	v59 =	vld [tilespmem:s14+$0xAC0];
	v4 =	vmul.f32 v52, v0;
	[tilespmem:s14+$0xA80] =	vst v10  }
0xd2: {  	v60 =	vld [tilespmem:s14+$0xAE0];
	[tilespmem:s14+$0xA70] =	vst v1;
	v1 =	vmul.f32 v56, v3  }
0xd3: {  	v8 =	vmul.f32 v54, v0;
	[tilespmem:s14+$0xA40] =	vst v4  }
0xd4: {  	v2 =	vld [tilespmem:s14+$0x920];
	[tilespmem:s14+$0xA90] =	vst v1;
	v1 =	vmul.f32 v58, v3  }
0xd5: {  	[tilespmem:s14+$0xA60] =	vst v8;
	v0 =	vmul.f32 v53, v0  }
0xd6: {  	[tilespmem:s14+$0xAB0] =	vst v1;
	v1 =	vmul.f32 v59, v3  }
0xd7: {  	[tilespmem:s14+$0xA50] =	vst v0;
	v3 =	vmul.f32 v60, v3  }
0xd8: {  	[tilespmem:s14+$0xAC0] =	vst v1  }
0xd9: {  	s15 =	simm.s32 $0x1;
	v1 =	vmul.f32 v2, v35;
	[tilespmem:s14+$0xAE0] =	vst v3  }
.LBB2_3:
0xda: {  	s16 =	sshll.u32 s15, $0x4  }
0xdb: {  	p1 =	sne.s32 s15, $0x7;
	[tilespmem:s14+$0x920] =	vst v1;
	s14 =	smov.u32 s15;
	s15 =	sadd.s32 $0x1, s15  }
0xdc: {  	s16 =	sand.u32 $0x3FFFFFF0, s16  }
0xdd: {  	s14 =	sshll.u32 s14, $0xB;
	v0 =	vld [tilespmem:s16+$0x200]  }
0xde: {  	s14 =	sand.u32 $0x3FFFF800, s14  }
0xdf: {  	v7 =	vld [tilespmem:s14+$0x3C0]  }
0xe0: {  	v8 =	vld [tilespmem:s14+$0x3D0]  }
0xe1: {  	v9 =	vld [tilespmem:s14+$0x3B0]  }
0xe2: {  	v1 =	vbroadcast v0, $0x0;
	v2 =	vld [tilespmem:s14+$0x320];
	v6 =	vbroadcast v0, $0x4  }
0xe3: {  	v4 =	vld [tilespmem:s14+$0x330]  }
0xe4: {  	v5 =	vld [tilespmem:s14+$0x870]  }
0xe5: {  	v10 =	vld [tilespmem:s14+$0x360]  }
0xe6: {  	v11 =	vld [tilespmem:s14+$0x370]  }
0xe7: {  	v3 =	vbroadcast v0, $0xA;
	v2 =	vmul.f32 v2, v1;
	v12 =	vld [tilespmem:s14+$0x380]  }
0xe8: {  	v4 =	vmul.f32 v4, v1;
	v13 =	vld [tilespmem:s14+$0x390]  }
0xe9: {  	[tilespmem:s14+$0x320] =	vst v2;
	v14 =	vld [tilespmem:s14+$0x3A0];
	v2 =	vmul.f32 v5, v3  }
0xea: {  	[tilespmem:s14+$0x330] =	vst v4;
	v5 =	vmul.f32 v10, v1;
	v10 =	vbroadcast v0, $0x1;
	v4 =	vld [tilespmem:s14+$0x880]  }
0xeb: {  	v11 =	vmul.f32 v11, v1;
	[tilespmem:s14+$0x870] =	vst v2;
	v2 =	vld [tilespmem:s14+$0xAD0]  }
0xec: {  	[tilespmem:s14+$0x360] =	vst v5;
	v12 =	vmul.f32 v12, v10;
	v5 =	vld [tilespmem:s14+$0x890]  }
0xed: {  	[tilespmem:s14+$0x370] =	vst v11;
	v11 =	vmul.f32 v13, v10;
	v13 =	vld [tilespmem:s14+$0x3E0]  }
0xee: {  	[tilespmem:s14+$0x380] =	vst v12;
	v12 =	vmul.f32 v14, v10;
	v14 =	vld [tilespmem:s14+$0x3F0]  }
0xef: {  	v9 =	vmul.f32 v9, v10;
	[tilespmem:s14+$0x390] =	vst v11;
	v11 =	vld [tilespmem:s14+$0x400]  }
0xf0: {  	v7 =	vmul.f32 v7, v10;
	[tilespmem:s14+$0x3A0] =	vst v12;
	v12 =	vld [tilespmem:s14+$0x410]  }
0xf1: {  	v8 =	vmul.f32 v8, v10;
	[tilespmem:s14+$0x3B0] =	vst v9;
	v9 =	vld [tilespmem:s14+$0x420]  }
0xf2: {  	[tilespmem:s14+$0x3C0] =	vst v7;
	v7 =	vmul.f32 v13, v10;
	v13 =	vbroadcast v0, $0x2;
	v15 =	vld [tilespmem:s14+$0x430]  }
0xf3: {  	[tilespmem:s14+$0x3D0] =	vst v8;
	v8 =	vmul.f32 v14, v10;
	v10 =	vld [tilespmem:s14+$0x440]  }
0xf4: {  	[tilespmem:s14+$0x3E0] =	vst v7;
	v7 =	vmul.f32 v11, v13;
	v11 =	vld [tilespmem:s14+$0x450]  }
0xf5: {  	[tilespmem:s14+$0x3F0] =	vst v8;
	v8 =	vmul.f32 v12, v13;
	v12 =	vld [tilespmem:s14+$0x460]  }
0xf6: {  	[tilespmem:s14+$0x400] =	vst v7;
	v7 =	vmul.f32 v9, v13;
	v9 =	vld [tilespmem:s14+$0x470]  }
0xf7: {  	[tilespmem:s14+$0x410] =	vst v8;
	v8 =	vmul.f32 v15, v13;
	v14 =	vld [tilespmem:s14+$0x480]  }
0xf8: {  	[tilespmem:s14+$0x420] =	vst v7;
	v7 =	vmul.f32 v10, v13;
	v10 =	vld [tilespmem:s14+$0x490]  }
0xf9: {  	[tilespmem:s14+$0x430] =	vst v8;
	v8 =	vmul.f32 v11, v13;
	v11 =	vld [tilespmem:s14+$0x4A0]  }
0xfa: {  	[tilespmem:s14+$0x440] =	vst v7;
	v7 =	vmul.f32 v12, v13;
	v12 =	vbroadcast v0, $0x3;
	v15 =	vld [tilespmem:s14+$0x4B0]  }
0xfb: {  	[tilespmem:s14+$0x450] =	vst v8;
	v8 =	vmul.f32 v9, v13;
	v9 =	vld [tilespmem:s14+$0x4C0]  }
0xfc: {  	[tilespmem:s14+$0x460] =	vst v7;
	v7 =	vmul.f32 v14, v12;
	v13 =	vld [tilespmem:s14+$0x4D0]  }
0xfd: {  	[tilespmem:s14+$0x470] =	vst v8;
	v8 =	vmul.f32 v10, v12;
	v10 =	vld [tilespmem:s14+$0x4E0]  }
0xfe: {  	[tilespmem:s14+$0x480] =	vst v7;
	v7 =	vmul.f32 v11, v12;
	v11 =	vld [tilespmem:s14+$0x4F0]  }
0xff: {  	[tilespmem:s14+$0x490] =	vst v8;
	v8 =	vmul.f32 v15, v12;
	v14 =	vld [tilespmem:s14+$0x500]  }
0x100: {  	[tilespmem:s14+$0x4A0] =	vst v7;
	v7 =	vmul.f32 v9, v12;
	v9 =	vld [tilespmem:s14+$0x510]  }
0x101: {  	[tilespmem:s14+$0x4B0] =	vst v8;
	v8 =	vmul.f32 v13, v12;
	v13 =	vld [tilespmem:s14+$0x520]  }
0x102: {  	[tilespmem:s14+$0x4C0] =	vst v7;
	v7 =	vmul.f32 v10, v12;
	v10 =	vld [tilespmem:s14+$0x530]  }
0x103: {  	[tilespmem:s14+$0x4D0] =	vst v8;
	v8 =	vmul.f32 v11, v12;
	v11 =	vld [tilespmem:s14+$0x540]  }
0x104: {  	[tilespmem:s14+$0x4E0] =	vst v7;
	v7 =	vmul.f32 v14, v6;
	v12 =	vld [tilespmem:s14+$0x550]  }
0x105: {  	[tilespmem:s14+$0x4F0] =	vst v8;
	v8 =	vmul.f32 v9, v6;
	v9 =	vld [tilespmem:s14+$0x560]  }
0x106: {  	[tilespmem:s14+$0x500] =	vst v7;
	v7 =	vmul.f32 v13, v6;
	v13 =	vld [tilespmem:s14+$0x570]  }
0x107: {  	[tilespmem:s14+$0x510] =	vst v8;
	v8 =	vmul.f32 v10, v6;
	v10 =	vld [tilespmem:s14+$0x580]  }
0x108: {  	[tilespmem:s14+$0x520] =	vst v7;
	v7 =	vmul.f32 v11, v6;
	v11 =	vld [tilespmem:s14+$0x590]  }
0x109: {  	[tilespmem:s14+$0x530] =	vst v8;
	v8 =	vmul.f32 v12, v6;
	v12 =	vld [tilespmem:s14+$0x5A0]  }
0x10a: {  	[tilespmem:s14+$0x540] =	vst v7;
	v7 =	vmul.f32 v9, v6;
	v9 =	vbroadcast v0, $0x5;
	v14 =	vld [tilespmem:s14+$0x5B0]  }
0x10b: {  	[tilespmem:s14+$0x550] =	vst v8;
	v6 =	vmul.f32 v13, v6;
	v8 =	vld [tilespmem:s14+$0x5C0]  }
0x10c: {  	[tilespmem:s14+$0x560] =	vst v7;
	v7 =	vmul.f32 v10, v9;
	v10 =	vld [tilespmem:s14+$0x5D0]  }
0x10d: {  	[tilespmem:s14+$0x570] =	vst v6;
	v6 =	vmul.f32 v11, v9;
	v11 =	vld [tilespmem:s14+$0x5E0]  }
0x10e: {  	[tilespmem:s14+$0x580] =	vst v7;
	v7 =	vmul.f32 v12, v9;
	v12 =	vld [tilespmem:s14+$0x5F0]  }
0x10f: {  	[tilespmem:s14+$0x590] =	vst v6;
	v6 =	vmul.f32 v14, v9;
	v13 =	vld [tilespmem:s14+$0x600]  }
0x110: {  	[tilespmem:s14+$0x5A0] =	vst v7;
	v7 =	vmul.f32 v8, v9;
	v8 =	vld [tilespmem:s14+$0x610]  }
0x111: {  	[tilespmem:s14+$0x5B0] =	vst v6;
	v6 =	vmul.f32 v10, v9;
	v10 =	vld [tilespmem:s14+$0x620]  }
0x112: {  	[tilespmem:s14+$0x5C0] =	vst v7;
	v7 =	vmul.f32 v11, v9;
	v11 =	vbroadcast v0, $0x6;
	v14 =	vld [tilespmem:s14+$0x630]  }
0x113: {  	[tilespmem:s14+$0x5D0] =	vst v6;
	v6 =	vmul.f32 v12, v9;
	v9 =	vld [tilespmem:s14+$0x640]  }
0x114: {  	[tilespmem:s14+$0x5E0] =	vst v7;
	v7 =	vmul.f32 v13, v11;
	v12 =	vld [tilespmem:s14+$0x650]  }
0x115: {  	[tilespmem:s14+$0x5F0] =	vst v6;
	v6 =	vmul.f32 v8, v11;
	v8 =	vld [tilespmem:s14+$0x660]  }
0x116: {  	[tilespmem:s14+$0x600] =	vst v7;
	v7 =	vmul.f32 v10, v11;
	v10 =	vld [tilespmem:s14+$0x670]  }
0x117: {  	[tilespmem:s14+$0x610] =	vst v6;
	v6 =	vmul.f32 v14, v11;
	v13 =	vld [tilespmem:s14+$0x680]  }
0x118: {  	[tilespmem:s14+$0x620] =	vst v7;
	v7 =	vmul.f32 v9, v11;
	v9 =	vld [tilespmem:s14+$0x690]  }
0x119: {  	[tilespmem:s14+$0x630] =	vst v6;
	v6 =	vmul.f32 v12, v11;
	v12 =	vld [tilespmem:s14+$0x6A0]  }
0x11a: {  	[tilespmem:s14+$0x640] =	vst v7;
	v7 =	vmul.f32 v8, v11;
	v8 =	vbroadcast v0, $0x7;
	v14 =	vld [tilespmem:s14+$0x6B0]  }
0x11b: {  	[tilespmem:s14+$0x650] =	vst v6;
	v6 =	vmul.f32 v10, v11;
	v10 =	vld [tilespmem:s14+$0x6C0]  }
0x11c: {  	[tilespmem:s14+$0x660] =	vst v7;
	v7 =	vmul.f32 v13, v8;
	v11 =	vld [tilespmem:s14+$0x6D0]  }
0x11d: {  	[tilespmem:s14+$0x670] =	vst v6;
	v6 =	vmul.f32 v9, v8;
	v9 =	vld [tilespmem:s14+$0x6E0]  }
0x11e: {  	[tilespmem:s14+$0x680] =	vst v7;
	v7 =	vmul.f32 v12, v8;
	v12 =	vld [tilespmem:s14+$0x6F0]  }
0x11f: {  	[tilespmem:s14+$0x690] =	vst v6;
	v6 =	vmul.f32 v14, v8;
	v13 =	vld [tilespmem:s14+$0x700]  }
0x120: {  	[tilespmem:s14+$0x6A0] =	vst v7;
	v7 =	vmul.f32 v10, v8;
	v10 =	vld [tilespmem:s14+$0x710]  }
0x121: {  	[tilespmem:s14+$0x6B0] =	vst v6;
	v6 =	vmul.f32 v11, v8;
	v11 =	vld [tilespmem:s14+$0x720]  }
0x122: {  	[tilespmem:s14+$0x6C0] =	vst v7;
	v7 =	vmul.f32 v9, v8;
	v9 =	vbroadcast v0, $0x8;
	v14 =	vld [tilespmem:s14+$0x730]  }
0x123: {  	[tilespmem:s14+$0x6D0] =	vst v6;
	v6 =	vmul.f32 v12, v8;
	v8 =	vld [tilespmem:s14+$0x740]  }
0x124: {  	[tilespmem:s14+$0x6E0] =	vst v7;
	v7 =	vmul.f32 v13, v9;
	v12 =	vld [tilespmem:s14+$0x750]  }
0x125: {  	[tilespmem:s14+$0x6F0] =	vst v6;
	v6 =	vmul.f32 v10, v9;
	v10 =	vld [tilespmem:s14+$0x760]  }
0x126: {  	[tilespmem:s14+$0x700] =	vst v7;
	v7 =	vmul.f32 v11, v9;
	v11 =	vld [tilespmem:s14+$0x770]  }
0x127: {  	[tilespmem:s14+$0x710] =	vst v6;
	v6 =	vmul.f32 v14, v9;
	v13 =	vld [tilespmem:s14+$0x780]  }
0x128: {  	[tilespmem:s14+$0x720] =	vst v7;
	v7 =	vmul.f32 v8, v9;
	v8 =	vld [tilespmem:s14+$0x790]  }
0x129: {  	[tilespmem:s14+$0x730] =	vst v6;
	v6 =	vmul.f32 v12, v9;
	v12 =	vld [tilespmem:s14+$0x7A0]  }
0x12a: {  	[tilespmem:s14+$0x740] =	vst v7;
	v7 =	vmul.f32 v10, v9;
	v10 =	vbroadcast v0, $0x9;
	v14 =	vld [tilespmem:s14+$0x7B0]  }
0x12b: {  	[tilespmem:s14+$0x750] =	vst v6;
	v6 =	vmul.f32 v11, v9;
	v9 =	vld [tilespmem:s14+$0x7C0]  }
0x12c: {  	[tilespmem:s14+$0x760] =	vst v7;
	v7 =	vmul.f32 v13, v10;
	v11 =	vld [tilespmem:s14+$0x7D0]  }
0x12d: {  	[tilespmem:s14+$0x770] =	vst v6;
	v6 =	vmul.f32 v8, v10;
	v8 =	vld [tilespmem:s14+$0x7E0]  }
0x12e: {  	[tilespmem:s14+$0x780] =	vst v7;
	v7 =	vmul.f32 v12, v10;
	v12 =	vld [tilespmem:s14+$0x7F0]  }
0x12f: {  	[tilespmem:s14+$0x790] =	vst v6;
	v6 =	vmul.f32 v14, v10;
	v13 =	vld [tilespmem:s14+$0x800]  }
0x130: {  	[tilespmem:s14+$0x7A0] =	vst v7;
	v7 =	vmul.f32 v9, v10;
	v9 =	vld [tilespmem:s14+$0x810]  }
0x131: {  	[tilespmem:s14+$0x7B0] =	vst v6;
	v6 =	vmul.f32 v11, v10;
	v11 =	vld [tilespmem:s14+$0x820]  }
0x132: {  	[tilespmem:s14+$0x7C0] =	vst v7;
	v7 =	vmul.f32 v8, v10;
	v8 =	vld [tilespmem:s14+$0x830]  }
0x133: {  	[tilespmem:s14+$0x7D0] =	vst v6;
	v6 =	vmul.f32 v12, v10;
	v10 =	vld [tilespmem:s14+$0x840]  }
0x134: {  	[tilespmem:s14+$0x7E0] =	vst v7;
	v7 =	vmul.f32 v13, v3;
	v12 =	vld [tilespmem:s14+$0x850]  }
0x135: {  	[tilespmem:s14+$0x7F0] =	vst v6;
	v6 =	vmul.f32 v9, v3;
	v9 =	vld [tilespmem:s14+$0x860]  }
0x136: {  	v13 =	vld [tilespmem:s14+$0x300];
	[tilespmem:s14+$0x800] =	vst v7;
	v7 =	vmul.f32 v11, v3  }
0x137: {  	v11 =	vld [tilespmem:s14+$0x310];
	[tilespmem:s14+$0x810] =	vst v6;
	v6 =	vmul.f32 v8, v3  }
0x138: {  	v8 =	vld [tilespmem:s14+$0x340];
	[tilespmem:s14+$0x820] =	vst v7;
	v7 =	vmul.f32 v10, v3  }
0x139: {  	v10 =	vld [tilespmem:s14+$0x350];
	[tilespmem:s14+$0x830] =	vst v6;
	v6 =	vmul.f32 v12, v3  }
0x13a: {  	[tilespmem:s14+$0x840] =	vst v7;
	v7 =	vmul.f32 v9, v3;
	v9 =	vbroadcast v0, $0xB;
	v12 =	vld [tilespmem:s14+$0x8A0]  }
0x13b: {  	v3 =	vbroadcast v0, $0xF;
	v13 =	vmul.f32 v1, v13;
	[tilespmem:s14+$0x850] =	vst v6;
	v6 =	vld [tilespmem:s14+$0x8B0]  }
0x13c: {  	v11 =	vmul.f32 v11, v1;
	[tilespmem:s14+$0x860] =	vst v7;
	v4 =	vmul.f32 v4, v9;
	v7 =	vld [tilespmem:s14+$0x8C0]  }
0x13d: {  	v5 =	vmul.f32 v5, v9;
	[tilespmem:s14+$0x300] =	vst v13;
	v8 =	vmul.f32 v8, v1;
	v13 =	vld [tilespmem:s14+$0x8D0]  }
0x13e: {  	v2 =	vmul.f32 v2, v3;
	v10 =	vmul.f32 v10, v1;
	[tilespmem:s14+$0x880] =	vst v4;
	v1 =	vld [tilespmem:s14+$0x8E0]  }
0x13f: {  	[tilespmem:s14+$0x890] =	vst v5;
	v4 =	vmul.f32 v12, v9;
	v5 =	vld [tilespmem:s14+$0x8F0]  }
0x140: {  	v6 =	vmul.f32 v6, v9;
	v12 =	vld [tilespmem:s14+$0x900];
	[tilespmem:s14+$0xAD0] =	vst v2  }
0x141: {  	[tilespmem:s14+$0x310] =	vst v11;
	v2 =	vmul.f32 v7, v9;
	v7 =	vld [tilespmem:s14+$0x910]  }
0x142: {  	[tilespmem:s14+$0x340] =	vst v8;
	v8 =	vmul.f32 v13, v9;
	v11 =	vld [tilespmem:s14+$0x920]  }
0x143: {  	v13 =	vbroadcast v0, $0xC;
	[tilespmem:s14+$0x8A0] =	vst v4;
	v4 =	vmul.f32 v1, v9;
	v14 =	vld [tilespmem:s14+$0x930]  }
0x144: {  	[tilespmem:s14+$0x8D0] =	vst v8;
	v5 =	vmul.f32 v5, v9;
	v8 =	vld [tilespmem:s14+$0x940]  }
0x145: {  	[tilespmem:s14+$0x8B0] =	vst v6;
	v1 =	vmul.f32 v12, v13;
	v6 =	vld [tilespmem:s14+$0x950]  }
0x146: {  	[tilespmem:s14+$0x8C0] =	vst v2;
	v2 =	vmul.f32 v7, v13;
	v7 =	vld [tilespmem:s14+$0x960]  }
0x147: {  	[tilespmem:s14+$0x900] =	vst v1;
	v1 =	vmul.f32 v11, v13;
	v9 =	vld [tilespmem:s14+$0x970]  }
0x148: {  	[tilespmem:s14+$0x910] =	vst v2;
	v2 =	vld [tilespmem:s14+$0x980]  }
0x149: {  	[tilespmem:s14+$0x350] =	vst v10;
	v8 =	vmul.f32 v8, v13;
	v10 =	vld [tilespmem:s14+$0x990]  }
0x14a: {  	[tilespmem:s14+$0x8E0] =	vst v4;
	v4 =	vmul.f32 v6, v13;
	v6 =	vld [tilespmem:s14+$0x9A0]  }
0x14b: {  	[tilespmem:s14+$0x940] =	vst v8;
	v7 =	vmul.f32 v7, v13;
	v8 =	vbroadcast v0, $0xD;
	v11 =	vld [tilespmem:s14+$0x9B0]  }
0x14c: {  	[tilespmem:s14+$0x950] =	vst v4;
	v4 =	vmul.f32 v9, v13;
	v9 =	vld [tilespmem:s14+$0x9C0]  }
0x14d: {  	[tilespmem:s14+$0x960] =	vst v7;
	v2 =	vmul.f32 v2, v8;
	v7 =	vld [tilespmem:s14+$0x9D0]  }
0x14e: {  	[tilespmem:s14+$0x970] =	vst v4;
	v4 =	vmul.f32 v10, v8;
	v10 =	vld [tilespmem:s14+$0x9E0]  }
0x14f: {  	[tilespmem:s14+$0x980] =	vst v2;
	v2 =	vmul.f32 v6, v8;
	v6 =	vld [tilespmem:s14+$0x9F0]  }
0x150: {  	[tilespmem:s14+$0x990] =	vst v4;
	v4 =	vmul.f32 v11, v8;
	v11 =	vld [tilespmem:s14+$0xA00]  }
0x151: {  	[tilespmem:s14+$0x9A0] =	vst v2;
	v2 =	vmul.f32 v9, v8;
	v9 =	vld [tilespmem:s14+$0xA10]  }
0x152: {  	[tilespmem:s14+$0x9B0] =	vst v4;
	v4 =	vmul.f32 v7, v8;
	v7 =	vld [tilespmem:s14+$0xA20]  }
0x153: {  	v0 =	vbroadcast v0, $0xE;
	[tilespmem:s14+$0x8F0] =	vst v5;
	v5 =	vmul.f32 v10, v8;
	v10 =	vld [tilespmem:s14+$0xA30]  }
0x154: {  	[tilespmem:s14+$0x9D0] =	vst v4;
	v4 =	vmul.f32 v6, v8;
	v6 =	vld [tilespmem:s14+$0xA40]  }
0x155: {  	[tilespmem:s14+$0x9E0] =	vst v5;
	v5 =	vmul.f32 v11, v0;
	v8 =	vld [tilespmem:s14+$0xA50]  }
0x156: {  	[tilespmem:s14+$0x9F0] =	vst v4;
	v4 =	vmul.f32 v9, v0;
	v9 =	vld [tilespmem:s14+$0xA60]  }
0x157: {  	[tilespmem:s14+$0xA00] =	vst v5;
	v5 =	vmul.f32 v7, v0;
	v7 =	vld [tilespmem:s14+$0xA70]  }
0x158: {  	[tilespmem:s14+$0xA10] =	vst v4;
	v4 =	vmul.f32 v10, v0;
	v10 =	vld [tilespmem:s14+$0xA80]  }
0x159: {  	[tilespmem:s14+$0xA20] =	vst v5;
	v5 =	vmul.f32 v6, v0;
	v6 =	vld [tilespmem:s14+$0xA90]  }
0x15a: {  	[tilespmem:s14+$0xA30] =	vst v4;
	v4 =	vmul.f32 v8, v0;
	v8 =	vld [tilespmem:s14+$0xAA0]  }
0x15b: {  	[tilespmem:s14+$0xA40] =	vst v5;
	v5 =	vmul.f32 v9, v0;
	v9 =	vld [tilespmem:s14+$0xAB0]  }
0x15c: {  	[tilespmem:s14+$0x9C0] =	vst v2;
	v0 =	vmul.f32 v7, v0;
	v2 =	vld [tilespmem:s14+$0xAC0]  }
0x15d: {  	[tilespmem:s14+$0xA60] =	vst v5;
	v5 =	vmul.f32 v10, v3;
	v7 =	vld [tilespmem:s14+$0xAE0]  }
0x15e: {  	[tilespmem:s14+$0xA70] =	vst v0;
	v0 =	vmul.f32 v6, v3;
	v6 =	vld [tilespmem:s14+$0xAF0]  }
0x15f: {  	[tilespmem:s14+$0xA80] =	vst v5;
	v5 =	vmul.f32 v8, v3  }
0x160: {  	[tilespmem:s14+$0xA90] =	vst v0;
	v0 =	vmul.f32 v9, v3  }
0x161: {  	v8 =	vmul.f32 v14, v13;
	[tilespmem:s14+$0xAA0] =	vst v5  }
0x162: {  	[tilespmem:s14+$0xAB0] =	vst v0;
	v0 =	vmul.f32 v2, v3  }
.Ltmp2:
0x163: {  	[tilespmem:s14+$0x930] =	vst v8;
	v2 =	vmul.f32 v6, v3;
	(pc) =	sbr.rel @p1 .LBB2_3-.Ltmp2, $4  }
0x164: {  	[tilespmem:s14+$0xAC0] =	vst v0  }
0x165: {  	v0 =	vmul.f32 v7, v3;
	[tilespmem:s14+$0xAF0] =	vst v2  }
0x166: {  	[tilespmem:s14+$0xA50] =	vst v4  }
0x167: {  	[tilespmem:s14+$0xAE0] =	vst v0  }
0x168: {  	[tilespmem:s14+$0x920] =	vst v1;
	s14 =	sshll.u32 s13, $0x8;
	p1 =	seq.s32 s13, $0x27  }
0x169: {  	[spmem:s3] =	stream.indirect.scatter.add.f32 [tilespmem:s30], [sflag:$0x4], $0x80, s25, s29, $0xb8;
	[tilespmem:$0x1BB80] =	vst v63  }
0x16a: {  	s15 =	sadd.s32 @!p1 s14, s19;
	_ =	swait.ge [sflag:s24], $0x4000  }
0x16b: {  	s15 =	sshrl.u32 @!p1 s15, $0x3;
	[sflag:s24] =	ssyncset.done $0x0  }
0x16c: {  	s17 =	simm.s32 @!p1 $0x0;
	s16 =	sadd.s32 @!p1 s6, s15;
	[sflag:s24] =	ssyncadd.s32 $0xFFFFC000  }
0x16d: {  	[tilespmem:s17], [sflag:$0x3] =	stream.linear.gather @!p1 [hbm4b:s16+s17], $0x80, $0x38;
	[tilespmem:$0x1BB80] =	vst v63  }
0x16e: {  	s18 =	simm.s32 @!p1 $0x100;
	s16 =	sadd.s32 @!p1 s7, s15  }
0x16f: {  	[tilespmem:s18], [sflag:$0x3] =	stream.linear.gather @!p1 [hbm4b:s16+s17], $0x80, $0x38;
	[tilespmem:$0x1BB80] =	vst v63  }
0x170: {  	s15 =	sadd.s32 @!p1 s2, s15;
	s16 =	simm.s32 @!p1 $0x200  }
0x171: {  	[tilespmem:s16], [sflag:$0x3] =	stream.linear.gather @!p1 [hbm4b:s15+s17], $0x80, $0x38;
	[tilespmem:$0x1BB80] =	vst v63  }
0x172: {  	s15 =	simm.s32 @!p1 $0x3  }
0x173: {  	_ =	swait.ge @!p1 [sflag:s15], $0x80  }
0x174: {  	[sflag:s15] =	ssyncset.done @!p1 $0x0  }
0x175: {  	[sflag:s15] =	ssyncadd.s32 @!p1 $0xFFFFFF80  }
0x176: {  	_ =	swait.ge @!p1 [sflag:s15], $0x80  }
0x177: {  	[sflag:s15] =	ssyncset.done @!p1 $0x0  }
0x178: {  	[sflag:s15] =	ssyncadd.s32 @!p1 $0xFFFFFF80  }
0x179: {  	_ =	swait.ge @!p1 [sflag:s15], $0x80  }
0x17a: {  	[sflag:s15] =	ssyncset.done @!p1 $0x0  }
0x17b: {  	s16 =	simm.s32 @!p1 $0x300;
	[sflag:s15] =	ssyncadd.s32 @!p1 $0xFFFFFF80;
	s15 =	simm.s32 @!p1 $0x80  }
0x17c: {  	[tilespmem:s16], [sflag:$0x1] =	stream.indirect.gather @!p1 [hbm4b:s1+s15], $0x80, s17, s15, $0xb8;
	[tilespmem:$0x1BB80] =	vst v63  }
0x17d: {  	_ =	swait.ge [sflag:s8], $0x4000  }
0x17e: {  	s17 =	simm.s32 $0x0;
	[sflag:s8] =	ssyncset.done $0x0  }
0x17f: {  	s18 =	simm.s32 $0x0;
	s15 =	sand.u32 $0x3FFFFFF0, s17;
	[sflag:s8] =	ssyncadd.s32 $0xFFFFC000  }
0x180: {  	v0 =	vld [tilespmem:s15+$0x280];
	s15 =	sand.u32 $0x3FFFF800, s18  }
0x181: {  	v6 =	vld [tilespmem:s15+$0x43C0]  }
0x182: {  	v2 =	vld [tilespmem:s15+$0x4320]  }
0x183: {  	v3 =	vld [tilespmem:s15+$0x4330]  }
0x184: {  	v9 =	vld [tilespmem:s15+$0x4360]  }
0x185: {  	v10 =	vld [tilespmem:s15+$0x4370];
	v1 =	vbroadcast v0, $0x0  }
0x186: {  	v11 =	vld [tilespmem:s15+$0x4380]  }
0x187: {  	v12 =	vld [tilespmem:s15+$0x4390];
	v2 =	vmul.f32 v2, v1  }
0x188: {  	v13 =	vld [tilespmem:s15+$0x43A0];
	v3 =	vmul.f32 v3, v1  }
0x189: {  	v8 =	vld [tilespmem:s15+$0x43B0];
	v28 =	vbroadcast v0, $0x1;
	v27 =	vmul.f32 v9, v1;
	[tilespmem:s15+$0x4320] =	vst v2  }
0x18a: {  	v7 =	vld [tilespmem:s15+$0x43D0];
	v10 =	vmul.f32 v10, v1;
	[tilespmem:s15+$0x4330] =	vst v3  }
0x18b: {  	v5 =	vld [tilespmem:s15+$0x4870];
	v11 =	vmul.f32 v11, v28;
	[tilespmem:s15+$0x4360] =	vst v27  }
0x18c: {  	v30 =	vld [tilespmem:s15+$0x43F0];
	v12 =	vmul.f32 v12, v28;
	[tilespmem:s15+$0x4370] =	vst v10  }
0x18d: {  	v31 =	vld [tilespmem:s15+$0x4400];
	v13 =	vmul.f32 v13, v28;
	[tilespmem:s15+$0x4380] =	vst v11  }
0x18e: {  	v32 =	vld [tilespmem:s15+$0x4410];
	v8 =	vmul.f32 v8, v28;
	[tilespmem:s15+$0x4390] =	vst v12  }
0x18f: {  	v29 =	vld [tilespmem:s15+$0x43E0];
	v6 =	vmul.f32 v6, v28;
	[tilespmem:s15+$0x43A0] =	vst v13  }
0x190: {  	v33 =	vld [tilespmem:s15+$0x4420];
	v14 =	vbroadcast v0, $0x2;
	v7 =	vmul.f32 v7, v28;
	[tilespmem:s15+$0x43B0] =	vst v8  }
0x191: {  	v34 =	vld [tilespmem:s15+$0x4430];
	v9 =	vmul.f32 v30, v28;
	[tilespmem:s15+$0x43C0] =	vst v6  }
0x192: {  	v35 =	vld [tilespmem:s15+$0x4440];
	v4 =	vbroadcast v0, $0xA;
	v37 =	vmul.f32 v31, v14;
	[tilespmem:s15+$0x43D0] =	vst v7  }
0x193: {  	v36 =	vld [tilespmem:s15+$0x4450];
	v39 =	vmul.f32 v32, v14;
	[tilespmem:s15+$0x43F0] =	vst v9  }
0x194: {  	v38 =	vld [tilespmem:s15+$0x4460];
	v2 =	vmul.f32 v5, v4;
	[tilespmem:s15+$0x4400] =	vst v37  }
0x195: {  	v40 =	vld [tilespmem:s15+$0x4470];
	v10 =	vmul.f32 v29, v28;
	[tilespmem:s15+$0x4410] =	vst v39  }
0x196: {  	v41 =	vld [tilespmem:s15+$0x4480];
	v8 =	vmul.f32 v33, v14;
	[tilespmem:s15+$0x4870] =	vst v2  }
0x197: {  	v42 =	vld [tilespmem:s15+$0x4490];
	v6 =	vmul.f32 v34, v14;
	[tilespmem:s15+$0x43E0] =	vst v10  }
0x198: {  	v43 =	vld [tilespmem:s15+$0x44A0];
	v7 =	vmul.f32 v35, v14;
	[tilespmem:s15+$0x4420] =	vst v8  }
0x199: {  	v44 =	vld [tilespmem:s15+$0x44B0];
	v46 =	vbroadcast v0, $0x3;
	v9 =	vmul.f32 v38, v14;
	[tilespmem:s15+$0x4430] =	vst v6  }
0x19a: {  	v45 =	vld [tilespmem:s15+$0x44C0];
	v11 =	vmul.f32 v40, v14;
	[tilespmem:s15+$0x4440] =	vst v7  }
0x19b: {  	v47 =	vld [tilespmem:s15+$0x44D0];
	v12 =	vmul.f32 v41, v46;
	[tilespmem:s15+$0x4460] =	vst v9  }
0x19c: {  	v48 =	vld [tilespmem:s15+$0x44E0];
	v10 =	vmul.f32 v36, v14;
	[tilespmem:s15+$0x4470] =	vst v11  }
0x19d: {  	v49 =	vld [tilespmem:s15+$0x44F0];
	v8 =	vmul.f32 v42, v46;
	[tilespmem:s15+$0x4480] =	vst v12  }
0x19e: {  	v50 =	vld [tilespmem:s15+$0x4500];
	v6 =	vmul.f32 v43, v46;
	[tilespmem:s15+$0x4450] =	vst v10  }
0x19f: {  	v51 =	vld [tilespmem:s15+$0x4510];
	v7 =	vmul.f32 v44, v46;
	[tilespmem:s15+$0x4490] =	vst v8  }
0x1a0: {  	v52 =	vld [tilespmem:s15+$0x4520];
	v9 =	vmul.f32 v47, v46;
	[tilespmem:s15+$0x44A0] =	vst v6  }
0x1a1: {  	v53 =	vld [tilespmem:s15+$0x4530];
	v11 =	vmul.f32 v48, v46;
	[tilespmem:s15+$0x44B0] =	vst v7  }
0x1a2: {  	v54 =	vld [tilespmem:s15+$0x4540];
	v55 =	vbroadcast v0, $0x4;
	v12 =	vmul.f32 v49, v46;
	[tilespmem:s15+$0x44D0] =	vst v9  }
0x1a3: {  	v56 =	vld [tilespmem:s15+$0x4550];
	v10 =	vmul.f32 v45, v46;
	[tilespmem:s15+$0x44E0] =	vst v11  }
0x1a4: {  	v57 =	vld [tilespmem:s15+$0x4560];
	v8 =	vmul.f32 v50, v55;
	[tilespmem:s15+$0x44F0] =	vst v12  }
0x1a5: {  	v58 =	vld [tilespmem:s15+$0x4570];
	v6 =	vmul.f32 v51, v55;
	[tilespmem:s15+$0x44C0] =	vst v10  }
0x1a6: {  	v59 =	vld [tilespmem:s15+$0x4580];
	v7 =	vmul.f32 v52, v55;
	[tilespmem:s15+$0x4500] =	vst v8  }
0x1a7: {  	v60 =	vld [tilespmem:s15+$0x4590];
	v9 =	vmul.f32 v54, v55;
	[tilespmem:s15+$0x4510] =	vst v6  }
0x1a8: {  	v61 =	vld [tilespmem:s15+$0x45A0];
	v11 =	vmul.f32 v56, v55;
	[tilespmem:s15+$0x4520] =	vst v7  }
0x1a9: {  	v62 =	vld [tilespmem:s15+$0x45B0];
	v12 =	vmul.f32 v57, v55;
	[tilespmem:s15+$0x4540] =	vst v9  }
0x1aa: {  	v63 =	vld [tilespmem:s15+$0x45C0];
	v16 =	vbroadcast v0, $0x5;
	v10 =	vmul.f32 v53, v55;
	[tilespmem:s15+$0x4550] =	vst v11  }
0x1ab: {  	v17 =	vld [tilespmem:s15+$0x45D0];
	v8 =	vmul.f32 v58, v55;
	[tilespmem:s15+$0x4560] =	vst v12  }
0x1ac: {  	v18 =	vld [tilespmem:s15+$0x45E0];
	v6 =	vmul.f32 v59, v16;
	[tilespmem:s15+$0x4530] =	vst v10  }
0x1ad: {  	v19 =	vld [tilespmem:s15+$0x45F0];
	v7 =	vmul.f32 v60, v16;
	[tilespmem:s15+$0x4570] =	vst v8  }
0x1ae: {  	v20 =	vld [tilespmem:s15+$0x4600];
	v9 =	vmul.f32 v62, v16;
	[tilespmem:s15+$0x4580] =	vst v6  }
0x1af: {  	v21 =	vld [tilespmem:s15+$0x4610];
	v11 =	vmul.f32 v63, v16;
	[tilespmem:s15+$0x4590] =	vst v7  }
0x1b0: {  	v22 =	vld [tilespmem:s15+$0x4620];
	v12 =	vmul.f32 v17, v16;
	[tilespmem:s15+$0x45B0] =	vst v9  }
0x1b1: {  	v23 =	vld [tilespmem:s15+$0x4630];
	v10 =	vmul.f32 v61, v16;
	[tilespmem:s15+$0x45C0] =	vst v11  }
0x1b2: {  	v24 =	vld [tilespmem:s15+$0x4640];
	v25 =	vbroadcast v0, $0x6;
	v8 =	vmul.f32 v18, v16;
	[tilespmem:s15+$0x45D0] =	vst v12  }
0x1b3: {  	v56 =	vld [tilespmem:s15+$0x4800];
	v6 =	vmul.f32 v19, v16;
	[tilespmem:s15+$0x45A0] =	vst v10  }
0x1b4: {  	v26 =	vld [tilespmem:s15+$0x4650];
	v7 =	vmul.f32 v20, v25;
	[tilespmem:s15+$0x45E0] =	vst v8  }
0x1b5: {  	v30 =	vld [tilespmem:s15+$0x4690];
	v9 =	vmul.f32 v22, v25;
	[tilespmem:s15+$0x45F0] =	vst v6  }
0x1b6: {  	v27 =	vld [tilespmem:s15+$0x4660];
	v11 =	vmul.f32 v23, v25;
	[tilespmem:s15+$0x4600] =	vst v7  }
0x1b7: {  	v28 =	vld [tilespmem:s15+$0x4670];
	v12 =	vmul.f32 v24, v25;
	[tilespmem:s15+$0x4620] =	vst v9  }
0x1b8: {  	v31 =	vld [tilespmem:s15+$0x46A0];
	v62 =	vmul.f32 v56, v4;
	[tilespmem:s15+$0x4630] =	vst v11  }
0x1b9: {  	v32 =	vld [tilespmem:s15+$0x46B0];
	v10 =	vmul.f32 v21, v25;
	[tilespmem:s15+$0x4640] =	vst v12  }
0x1ba: {  	v3 =	vld [tilespmem:s15+$0x4880];
	v8 =	vmul.f32 v26, v25;
	[tilespmem:s15+$0x4800] =	vst v62  }
0x1bb: {  	v5 =	vld [tilespmem:s15+$0x4890];
	v34 =	vbroadcast v0, $0x7;
	v6 =	vmul.f32 v27, v25;
	[tilespmem:s15+$0x4610] =	vst v10  }
0x1bc: {  	v29 =	vld [tilespmem:s15+$0x4680];
	v7 =	vmul.f32 v28, v25;
	[tilespmem:s15+$0x4650] =	vst v8  }
0x1bd: {  	v60 =	vld [tilespmem:s15+$0x4840];
	v9 =	vmul.f32 v30, v34;
	[tilespmem:s15+$0x4660] =	vst v6  }
0x1be: {  	v33 =	vld [tilespmem:s15+$0x46C0];
	v24 =	vbroadcast v0, $0xB;
	v11 =	vmul.f32 v31, v34;
	[tilespmem:s15+$0x4670] =	vst v7  }
0x1bf: {  	v35 =	vld [tilespmem:s15+$0x46D0];
	v12 =	vmul.f32 v32, v34;
	[tilespmem:s15+$0x4690] =	vst v9  }
0x1c0: {  	v38 =	vld [tilespmem:s15+$0x4700];
	v3 =	vmul.f32 v3, v24;
	[tilespmem:s15+$0x46A0] =	vst v11  }
0x1c1: {  	v36 =	vld [tilespmem:s15+$0x46E0];
	v5 =	vmul.f32 v5, v24;
	[tilespmem:s15+$0x46B0] =	vst v12  }
0x1c2: {  	v2 =	vld [tilespmem:s15+$0x4AD0];
	v19 =	vmul.f32 v60, v4;
	[tilespmem:s15+$0x4880] =	vst v3  }
0x1c3: {  	v39 =	vld [tilespmem:s15+$0x4710];
	v10 =	vmul.f32 v29, v34;
	[tilespmem:s15+$0x4890] =	vst v5  }
0x1c4: {  	v40 =	vld [tilespmem:s15+$0x4720];
	v8 =	vmul.f32 v33, v34;
	[tilespmem:s15+$0x4840] =	vst v19  }
0x1c5: {  	v43 =	vbroadcast v0, $0x8;
	v61 =	vld [tilespmem:s15+$0x4850];
	v6 =	vmul.f32 v35, v34;
	[tilespmem:s15+$0x4680] =	vst v10  }
0x1c6: {  	v16 =	vld [tilespmem:s15+$0x4300];
	v7 =	vmul.f32 v36, v34;
	[tilespmem:s15+$0x46C0] =	vst v8  }
0x1c7: {  	v37 =	vld [tilespmem:s15+$0x46F0];
	v9 =	vmul.f32 v38, v43;
	[tilespmem:s15+$0x46D0] =	vst v6  }
0x1c8: {  	v41 =	vld [tilespmem:s15+$0x4730];
	v11 =	vmul.f32 v39, v43;
	[tilespmem:s15+$0x46E0] =	vst v7  }
0x1c9: {  	v42 =	vld [tilespmem:s15+$0x4740];
	v12 =	vmul.f32 v40, v43;
	[tilespmem:s15+$0x4700] =	vst v9  }
0x1ca: {  	v44 =	vld [tilespmem:s15+$0x4750];
	v21 =	vmul.f32 v61, v4;
	[tilespmem:s15+$0x4710] =	vst v11  }
0x1cb: {  	v46 =	vld [tilespmem:s15+$0x4770];
	v25 =	vmul.f32 v1, v16;
	[tilespmem:s15+$0x4720] =	vst v12  }
0x1cc: {  	v47 =	vld [tilespmem:s15+$0x4780];
	v10 =	vmul.f32 v37, v34;
	[tilespmem:s15+$0x4850] =	vst v21  }
0x1cd: {  	v48 =	vld [tilespmem:s15+$0x4790];
	v8 =	vmul.f32 v41, v43;
	[tilespmem:s15+$0x4300] =	vst v25  }
0x1ce: {  	v6 =	vmul.f32 v42, v43;
	[tilespmem:s15+$0x46F0] =	vst v10  }
0x1cf: {  	v52 =	vbroadcast v0, $0x9;
	v27 =	vld [tilespmem:s15+$0x48D0];
	v7 =	vmul.f32 v44, v43;
	[tilespmem:s15+$0x4730] =	vst v8  }
0x1d0: {  	v30 =	vld [tilespmem:s15+$0x4900];
	v9 =	vmul.f32 v46, v43;
	[tilespmem:s15+$0x4740] =	vst v6  }
0x1d1: {  	v28 =	vld [tilespmem:s15+$0x48E0];
	v3 =	vbroadcast v0, $0xF;
	v11 =	vmul.f32 v47, v52;
	[tilespmem:s15+$0x4750] =	vst v7  }
0x1d2: {  	v45 =	vld [tilespmem:s15+$0x4760];
	v12 =	vmul.f32 v48, v52;
	[tilespmem:s15+$0x4770] =	vst v9  }
0x1d3: {  	v49 =	vld [tilespmem:s15+$0x47A0];
	v35 =	vbroadcast v0, $0xC;
	v2 =	vmul.f32 v2, v3;
	[tilespmem:s15+$0x4780] =	vst v11  }
0x1d4: {  	v50 =	vld [tilespmem:s15+$0x47B0];
	v32 =	vmul.f32 v27, v24;
	[tilespmem:s15+$0x4790] =	vst v12  }
0x1d5: {  	v51 =	vld [tilespmem:s15+$0x47C0];
	v14 =	vmul.f32 v30, v35;
	[tilespmem:s15+$0x4AD0] =	vst v2  }
0x1d6: {  	v54 =	vld [tilespmem:s15+$0x47E0];
	v40 =	vmul.f32 v28, v24;
	[tilespmem:s15+$0x48D0] =	vst v32  }
0x1d7: {  	v55 =	vld [tilespmem:s15+$0x47F0];
	v10 =	vmul.f32 v45, v43;
	[tilespmem:s15+$0x4900] =	vst v14  }
0x1d8: {  	v18 =	vld [tilespmem:s15+$0x4340];
	v8 =	vmul.f32 v49, v52;
	[tilespmem:s15+$0x48E0] =	vst v40  }
0x1d9: {  	v38 =	vld [tilespmem:s15+$0x4970];
	v6 =	vmul.f32 v50, v52;
	[tilespmem:s15+$0x4760] =	vst v10  }
0x1da: {  	v29 =	vld [tilespmem:s15+$0x48F0];
	v7 =	vmul.f32 v51, v52;
	[tilespmem:s15+$0x47A0] =	vst v8  }
0x1db: {  	v33 =	vld [tilespmem:s15+$0x4930];
	v9 =	vmul.f32 v54, v52;
	[tilespmem:s15+$0x47B0] =	vst v6  }
0x1dc: {  	v53 =	vld [tilespmem:s15+$0x47D0];
	v11 =	vmul.f32 v55, v52;
	[tilespmem:s15+$0x47C0] =	vst v7  }
0x1dd: {  	v57 =	vld [tilespmem:s15+$0x4810];
	v2 =	vmul.f32 v18, v1;
	[tilespmem:s15+$0x47E0] =	vst v9  }
0x1de: {  	v58 =	vld [tilespmem:s15+$0x4820];
	v14 =	vmul.f32 v38, v35;
	[tilespmem:s15+$0x47F0] =	vst v11  }
0x1df: {  	v59 =	vld [tilespmem:s15+$0x4830];
	v5 =	vmul.f32 v29, v24;
	[tilespmem:s15+$0x4340] =	vst v2  }
0x1e0: {  	v63 =	vld [tilespmem:s15+$0x4860];
	v62 =	vmul.f32 v33, v35;
	[tilespmem:s15+$0x4970] =	vst v14  }
0x1e1: {  	v17 =	vld [tilespmem:s15+$0x4310];
	v10 =	vmul.f32 v53, v52;
	[tilespmem:s15+$0x48F0] =	vst v5  }
0x1e2: {  	v20 =	vld [tilespmem:s15+$0x4350];
	v8 =	vmul.f32 v57, v4;
	[tilespmem:s15+$0x4930] =	vst v62  }
0x1e3: {  	v61 =	vld [tilespmem:s15+$0x4AF0];
	v6 =	vmul.f32 v58, v4;
	[tilespmem:s15+$0x47D0] =	vst v10  }
0x1e4: {  	v46 =	vld [tilespmem:s15+$0x49E0];
	v7 =	vmul.f32 v59, v4;
	[tilespmem:s15+$0x4810] =	vst v8  }
0x1e5: {  	v22 =	vld [tilespmem:s15+$0x48A0];
	v4 =	vmul.f32 v63, v4;
	[tilespmem:s15+$0x4820] =	vst v6  }
0x1e6: {  	v23 =	vld [tilespmem:s15+$0x48B0];
	v11 =	vmul.f32 v17, v1;
	[tilespmem:s15+$0x4830] =	vst v7  }
0x1e7: {  	v26 =	vld [tilespmem:s15+$0x48C0];
	v44 =	vbroadcast v0, $0xD;
	v1 =	vmul.f32 v20, v1;
	[tilespmem:s15+$0x4860] =	vst v4  }
0x1e8: {  	v31 =	vld [tilespmem:s15+$0x4910];
	v63 =	vmul.f32 v61, v3;
	[tilespmem:s15+$0x4310] =	vst v11  }
0x1e9: {  	v34 =	vld [tilespmem:s15+$0x4940];
	v51 =	vmul.f32 v46, v44;
	[tilespmem:s15+$0x4350] =	vst v1  }
0x1ea: {  	v41 =	vld [tilespmem:s15+$0x49A0];
	v6 =	vmul.f32 v22, v24;
	[tilespmem:s15+$0x4AF0] =	vst v63  }
0x1eb: {  	v7 =	vmul.f32 v23, v24;
	v1 =	vld [tilespmem:s15+$0x4990];
	[tilespmem:s15+$0x49E0] =	vst v51  }
0x1ec: {  	v49 =	vld [tilespmem:s15+$0x4A20];
	v4 =	vmul.f32 v26, v24;
	[tilespmem:s15+$0x48A0] =	vst v6  }
0x1ed: {  	v50 =	vld [tilespmem:s15+$0x4A30];
	v8 =	vmul.f32 v31, v35;
	[tilespmem:s15+$0x48B0] =	vst v7  }
0x1ee: {  	v36 =	vld [tilespmem:s15+$0x4950];
	v11 =	vmul.f32 v34, v35;
	[tilespmem:s15+$0x48C0] =	vst v4  }
0x1ef: {  	v37 =	vld [tilespmem:s15+$0x4960];
	v0 =	vbroadcast v0, $0xE;
	v10 =	vmul.f32 v41, v44;
	[tilespmem:s15+$0x4910] =	vst v8  }
0x1f0: {  	v39 =	vld [tilespmem:s15+$0x4980];
	[tilespmem:s15+$0x4940] =	vst v11;
	v1 =	vmul.f32 v1, v44  }
0x1f1: {  	v42 =	vld [tilespmem:s15+$0x49B0];
	v9 =	vmul.f32 v49, v0;
	[tilespmem:s15+$0x49A0] =	vst v10  }
0x1f2: {  	v5 =	vmul.f32 v50, v0;
	[tilespmem:s15+$0x4990] =	vst v1;
	v1 =	vld [tilespmem:s15+$0x4A00]  }
0x1f3: {  	v48 =	vld [tilespmem:s15+$0x4A10];
	v7 =	vmul.f32 v36, v35;
	[tilespmem:s15+$0x4A20] =	vst v9  }
0x1f4: {  	v57 =	vld [tilespmem:s15+$0x4AA0];
	v4 =	vmul.f32 v37, v35;
	[tilespmem:s15+$0x4A30] =	vst v5  }
0x1f5: {  	v45 =	vld [tilespmem:s15+$0x49D0];
	v8 =	vmul.f32 v39, v44;
	[tilespmem:s15+$0x4950] =	vst v7  }
0x1f6: {  	v47 =	vld [tilespmem:s15+$0x49F0];
	v11 =	vmul.f32 v42, v44;
	[tilespmem:s15+$0x4960] =	vst v4  }
0x1f7: {  	v43 =	vld [tilespmem:s15+$0x49C0];
	[tilespmem:s15+$0x4980] =	vst v8;
	v1 =	vmul.f32 v1, v0  }
0x1f8: {  	v55 =	vld [tilespmem:s15+$0x4A80];
	v10 =	vmul.f32 v48, v0;
	[tilespmem:s15+$0x49B0] =	vst v11  }
0x1f9: {  	v5 =	vmul.f32 v57, v3;
	[tilespmem:s15+$0x4A00] =	vst v1;
	v1 =	vld [tilespmem:s15+$0x4A70]  }
0x1fa: {  	v52 =	vld [tilespmem:s15+$0x4A40];
	v4 =	vmul.f32 v45, v44;
	[tilespmem:s15+$0x4A10] =	vst v10  }
0x1fb: {  	v56 =	vld [tilespmem:s15+$0x4A90];
	v8 =	vmul.f32 v47, v44;
	[tilespmem:s15+$0x4AA0] =	vst v5  }
0x1fc: {  	v54 =	vld [tilespmem:s15+$0x4A60];
	v7 =	vmul.f32 v43, v44;
	[tilespmem:s15+$0x49D0] =	vst v4  }
0x1fd: {  	v58 =	vld [tilespmem:s15+$0x4AB0];
	v10 =	vmul.f32 v55, v3;
	[tilespmem:s15+$0x49F0] =	vst v8  }
0x1fe: {  	v53 =	vld [tilespmem:s15+$0x4A50];
	[tilespmem:s15+$0x49C0] =	vst v7;
	v1 =	vmul.f32 v1, v0  }
0x1ff: {  	v59 =	vld [tilespmem:s15+$0x4AC0];
	v4 =	vmul.f32 v52, v0;
	[tilespmem:s15+$0x4A80] =	vst v10  }
0x200: {  	v60 =	vld [tilespmem:s15+$0x4AE0];
	[tilespmem:s15+$0x4A70] =	vst v1;
	v1 =	vmul.f32 v56, v3  }
0x201: {  	v8 =	vmul.f32 v54, v0;
	[tilespmem:s15+$0x4A40] =	vst v4  }
0x202: {  	v2 =	vld [tilespmem:s15+$0x4920];
	[tilespmem:s15+$0x4A90] =	vst v1;
	v1 =	vmul.f32 v58, v3  }
0x203: {  	[tilespmem:s15+$0x4A60] =	vst v8;
	v0 =	vmul.f32 v53, v0  }
0x204: {  	[tilespmem:s15+$0x4AB0] =	vst v1;
	v1 =	vmul.f32 v59, v3  }
0x205: {  	[tilespmem:s15+$0x4A50] =	vst v0;
	v3 =	vmul.f32 v60, v3  }
0x206: {  	[tilespmem:s15+$0x4AC0] =	vst v1  }
0x207: {  	s16 =	simm.s32 $0x1;
	v1 =	vmul.f32 v2, v35;
	[tilespmem:s15+$0x4AE0] =	vst v3  }
.LBB2_5:
0x208: {  	s17 =	sshll.u32 s16, $0x4  }
0x209: {  	p2 =	sne.s32 s16, $0x7;
	[tilespmem:s15+$0x4920] =	vst v1;
	s15 =	smov.u32 s16;
	s16 =	sadd.s32 $0x1, s16  }
0x20a: {  	s17 =	sand.u32 $0x3FFFFFF0, s17  }
0x20b: {  	s15 =	sshll.u32 s15, $0xB;
	v0 =	vld [tilespmem:s17+$0x280]  }
0x20c: {  	s15 =	sand.u32 $0x3FFFF800, s15  }
0x20d: {  	v7 =	vld [tilespmem:s15+$0x43C0]  }
0x20e: {  	v8 =	vld [tilespmem:s15+$0x43D0]  }
0x20f: {  	v9 =	vld [tilespmem:s15+$0x43B0]  }
0x210: {  	v1 =	vbroadcast v0, $0x0;
	v2 =	vld [tilespmem:s15+$0x4320];
	v6 =	vbroadcast v0, $0x4  }
0x211: {  	v4 =	vld [tilespmem:s15+$0x4330]  }
0x212: {  	v5 =	vld [tilespmem:s15+$0x4870]  }
0x213: {  	v10 =	vld [tilespmem:s15+$0x4360]  }
0x214: {  	v11 =	vld [tilespmem:s15+$0x4370]  }
0x215: {  	v3 =	vbroadcast v0, $0xA;
	v2 =	vmul.f32 v2, v1;
	v12 =	vld [tilespmem:s15+$0x4380]  }
0x216: {  	v4 =	vmul.f32 v4, v1;
	v13 =	vld [tilespmem:s15+$0x4390]  }
0x217: {  	[tilespmem:s15+$0x4320] =	vst v2;
	v14 =	vld [tilespmem:s15+$0x43A0];
	v2 =	vmul.f32 v5, v3  }
0x218: {  	[tilespmem:s15+$0x4330] =	vst v4;
	v5 =	vmul.f32 v10, v1;
	v10 =	vbroadcast v0, $0x1;
	v4 =	vld [tilespmem:s15+$0x4880]  }
0x219: {  	v11 =	vmul.f32 v11, v1;
	[tilespmem:s15+$0x4870] =	vst v2;
	v2 =	vld [tilespmem:s15+$0x4AD0]  }
0x21a: {  	[tilespmem:s15+$0x4360] =	vst v5;
	v12 =	vmul.f32 v12, v10;
	v5 =	vld [tilespmem:s15+$0x4890]  }
0x21b: {  	[tilespmem:s15+$0x4370] =	vst v11;
	v11 =	vmul.f32 v13, v10;
	v13 =	vld [tilespmem:s15+$0x43E0]  }
0x21c: {  	[tilespmem:s15+$0x4380] =	vst v12;
	v12 =	vmul.f32 v14, v10;
	v14 =	vld [tilespmem:s15+$0x43F0]  }
0x21d: {  	v9 =	vmul.f32 v9, v10;
	[tilespmem:s15+$0x4390] =	vst v11;
	v11 =	vld [tilespmem:s15+$0x4400]  }
0x21e: {  	v7 =	vmul.f32 v7, v10;
	[tilespmem:s15+$0x43A0] =	vst v12;
	v12 =	vld [tilespmem:s15+$0x4410]  }
0x21f: {  	v8 =	vmul.f32 v8, v10;
	[tilespmem:s15+$0x43B0] =	vst v9;
	v9 =	vld [tilespmem:s15+$0x4420]  }
0x220: {  	[tilespmem:s15+$0x43C0] =	vst v7;
	v7 =	vmul.f32 v13, v10;
	v13 =	vbroadcast v0, $0x2;
	v15 =	vld [tilespmem:s15+$0x4430]  }
0x221: {  	[tilespmem:s15+$0x43D0] =	vst v8;
	v8 =	vmul.f32 v14, v10;
	v10 =	vld [tilespmem:s15+$0x4440]  }
0x222: {  	[tilespmem:s15+$0x43E0] =	vst v7;
	v7 =	vmul.f32 v11, v13;
	v11 =	vld [tilespmem:s15+$0x4450]  }
0x223: {  	[tilespmem:s15+$0x43F0] =	vst v8;
	v8 =	vmul.f32 v12, v13;
	v12 =	vld [tilespmem:s15+$0x4460]  }
0x224: {  	[tilespmem:s15+$0x4400] =	vst v7;
	v7 =	vmul.f32 v9, v13;
	v9 =	vld [tilespmem:s15+$0x4470]  }
0x225: {  	[tilespmem:s15+$0x4410] =	vst v8;
	v8 =	vmul.f32 v15, v13;
	v14 =	vld [tilespmem:s15+$0x4480]  }
0x226: {  	[tilespmem:s15+$0x4420] =	vst v7;
	v7 =	vmul.f32 v10, v13;
	v10 =	vld [tilespmem:s15+$0x4490]  }
0x227: {  	[tilespmem:s15+$0x4430] =	vst v8;
	v8 =	vmul.f32 v11, v13;
	v11 =	vld [tilespmem:s15+$0x44A0]  }
0x228: {  	[tilespmem:s15+$0x4440] =	vst v7;
	v7 =	vmul.f32 v12, v13;
	v12 =	vbroadcast v0, $0x3;
	v15 =	vld [tilespmem:s15+$0x44B0]  }
0x229: {  	[tilespmem:s15+$0x4450] =	vst v8;
	v8 =	vmul.f32 v9, v13;
	v9 =	vld [tilespmem:s15+$0x44C0]  }
0x22a: {  	[tilespmem:s15+$0x4460] =	vst v7;
	v7 =	vmul.f32 v14, v12;
	v13 =	vld [tilespmem:s15+$0x44D0]  }
0x22b: {  	[tilespmem:s15+$0x4470] =	vst v8;
	v8 =	vmul.f32 v10, v12;
	v10 =	vld [tilespmem:s15+$0x44E0]  }
0x22c: {  	[tilespmem:s15+$0x4480] =	vst v7;
	v7 =	vmul.f32 v11, v12;
	v11 =	vld [tilespmem:s15+$0x44F0]  }
0x22d: {  	[tilespmem:s15+$0x4490] =	vst v8;
	v8 =	vmul.f32 v15, v12;
	v14 =	vld [tilespmem:s15+$0x4500]  }
0x22e: {  	[tilespmem:s15+$0x44A0] =	vst v7;
	v7 =	vmul.f32 v9, v12;
	v9 =	vld [tilespmem:s15+$0x4510]  }
0x22f: {  	[tilespmem:s15+$0x44B0] =	vst v8;
	v8 =	vmul.f32 v13, v12;
	v13 =	vld [tilespmem:s15+$0x4520]  }
0x230: {  	[tilespmem:s15+$0x44C0] =	vst v7;
	v7 =	vmul.f32 v10, v12;
	v10 =	vld [tilespmem:s15+$0x4530]  }
0x231: {  	[tilespmem:s15+$0x44D0] =	vst v8;
	v8 =	vmul.f32 v11, v12;
	v11 =	vld [tilespmem:s15+$0x4540]  }
0x232: {  	[tilespmem:s15+$0x44E0] =	vst v7;
	v7 =	vmul.f32 v14, v6;
	v12 =	vld [tilespmem:s15+$0x4550]  }
0x233: {  	[tilespmem:s15+$0x44F0] =	vst v8;
	v8 =	vmul.f32 v9, v6;
	v9 =	vld [tilespmem:s15+$0x4560]  }
0x234: {  	[tilespmem:s15+$0x4500] =	vst v7;
	v7 =	vmul.f32 v13, v6;
	v13 =	vld [tilespmem:s15+$0x4570]  }
0x235: {  	[tilespmem:s15+$0x4510] =	vst v8;
	v8 =	vmul.f32 v10, v6;
	v10 =	vld [tilespmem:s15+$0x4580]  }
0x236: {  	[tilespmem:s15+$0x4520] =	vst v7;
	v7 =	vmul.f32 v11, v6;
	v11 =	vld [tilespmem:s15+$0x4590]  }
0x237: {  	[tilespmem:s15+$0x4530] =	vst v8;
	v8 =	vmul.f32 v12, v6;
	v12 =	vld [tilespmem:s15+$0x45A0]  }
0x238: {  	[tilespmem:s15+$0x4540] =	vst v7;
	v7 =	vmul.f32 v9, v6;
	v9 =	vbroadcast v0, $0x5;
	v14 =	vld [tilespmem:s15+$0x45B0]  }
0x239: {  	[tilespmem:s15+$0x4550] =	vst v8;
	v6 =	vmul.f32 v13, v6;
	v8 =	vld [tilespmem:s15+$0x45C0]  }
0x23a: {  	[tilespmem:s15+$0x4560] =	vst v7;
	v7 =	vmul.f32 v10, v9;
	v10 =	vld [tilespmem:s15+$0x45D0]  }
0x23b: {  	[tilespmem:s15+$0x4570] =	vst v6;
	v6 =	vmul.f32 v11, v9;
	v11 =	vld [tilespmem:s15+$0x45E0]  }
0x23c: {  	[tilespmem:s15+$0x4580] =	vst v7;
	v7 =	vmul.f32 v12, v9;
	v12 =	vld [tilespmem:s15+$0x45F0]  }
0x23d: {  	[tilespmem:s15+$0x4590] =	vst v6;
	v6 =	vmul.f32 v14, v9;
	v13 =	vld [tilespmem:s15+$0x4600]  }
0x23e: {  	[tilespmem:s15+$0x45A0] =	vst v7;
	v7 =	vmul.f32 v8, v9;
	v8 =	vld [tilespmem:s15+$0x4610]  }
0x23f: {  	[tilespmem:s15+$0x45B0] =	vst v6;
	v6 =	vmul.f32 v10, v9;
	v10 =	vld [tilespmem:s15+$0x4620]  }
0x240: {  	[tilespmem:s15+$0x45C0] =	vst v7;
	v7 =	vmul.f32 v11, v9;
	v11 =	vbroadcast v0, $0x6;
	v14 =	vld [tilespmem:s15+$0x4630]  }
0x241: {  	[tilespmem:s15+$0x45D0] =	vst v6;
	v6 =	vmul.f32 v12, v9;
	v9 =	vld [tilespmem:s15+$0x4640]  }
0x242: {  	[tilespmem:s15+$0x45E0] =	vst v7;
	v7 =	vmul.f32 v13, v11;
	v12 =	vld [tilespmem:s15+$0x4650]  }
0x243: {  	[tilespmem:s15+$0x45F0] =	vst v6;
	v6 =	vmul.f32 v8, v11;
	v8 =	vld [tilespmem:s15+$0x4660]  }
0x244: {  	[tilespmem:s15+$0x4600] =	vst v7;
	v7 =	vmul.f32 v10, v11;
	v10 =	vld [tilespmem:s15+$0x4670]  }
0x245: {  	[tilespmem:s15+$0x4610] =	vst v6;
	v6 =	vmul.f32 v14, v11;
	v13 =	vld [tilespmem:s15+$0x4680]  }
0x246: {  	[tilespmem:s15+$0x4620] =	vst v7;
	v7 =	vmul.f32 v9, v11;
	v9 =	vld [tilespmem:s15+$0x4690]  }
0x247: {  	[tilespmem:s15+$0x4630] =	vst v6;
	v6 =	vmul.f32 v12, v11;
	v12 =	vld [tilespmem:s15+$0x46A0]  }
0x248: {  	[tilespmem:s15+$0x4640] =	vst v7;
	v7 =	vmul.f32 v8, v11;
	v8 =	vbroadcast v0, $0x7;
	v14 =	vld [tilespmem:s15+$0x46B0]  }
0x249: {  	[tilespmem:s15+$0x4650] =	vst v6;
	v6 =	vmul.f32 v10, v11;
	v10 =	vld [tilespmem:s15+$0x46C0]  }
0x24a: {  	[tilespmem:s15+$0x4660] =	vst v7;
	v7 =	vmul.f32 v13, v8;
	v11 =	vld [tilespmem:s15+$0x46D0]  }
0x24b: {  	[tilespmem:s15+$0x4670] =	vst v6;
	v6 =	vmul.f32 v9, v8;
	v9 =	vld [tilespmem:s15+$0x46E0]  }
0x24c: {  	[tilespmem:s15+$0x4680] =	vst v7;
	v7 =	vmul.f32 v12, v8;
	v12 =	vld [tilespmem:s15+$0x46F0]  }
0x24d: {  	[tilespmem:s15+$0x4690] =	vst v6;
	v6 =	vmul.f32 v14, v8;
	v13 =	vld [tilespmem:s15+$0x4700]  }
0x24e: {  	[tilespmem:s15+$0x46A0] =	vst v7;
	v7 =	vmul.f32 v10, v8;
	v10 =	vld [tilespmem:s15+$0x4710]  }
0x24f: {  	[tilespmem:s15+$0x46B0] =	vst v6;
	v6 =	vmul.f32 v11, v8;
	v11 =	vld [tilespmem:s15+$0x4720]  }
0x250: {  	[tilespmem:s15+$0x46C0] =	vst v7;
	v7 =	vmul.f32 v9, v8;
	v9 =	vbroadcast v0, $0x8;
	v14 =	vld [tilespmem:s15+$0x4730]  }
0x251: {  	[tilespmem:s15+$0x46D0] =	vst v6;
	v6 =	vmul.f32 v12, v8;
	v8 =	vld [tilespmem:s15+$0x4740]  }
0x252: {  	[tilespmem:s15+$0x46E0] =	vst v7;
	v7 =	vmul.f32 v13, v9;
	v12 =	vld [tilespmem:s15+$0x4750]  }
0x253: {  	[tilespmem:s15+$0x46F0] =	vst v6;
	v6 =	vmul.f32 v10, v9;
	v10 =	vld [tilespmem:s15+$0x4760]  }
0x254: {  	[tilespmem:s15+$0x4700] =	vst v7;
	v7 =	vmul.f32 v11, v9;
	v11 =	vld [tilespmem:s15+$0x4770]  }
0x255: {  	[tilespmem:s15+$0x4710] =	vst v6;
	v6 =	vmul.f32 v14, v9;
	v13 =	vld [tilespmem:s15+$0x4780]  }
0x256: {  	[tilespmem:s15+$0x4720] =	vst v7;
	v7 =	vmul.f32 v8, v9;
	v8 =	vld [tilespmem:s15+$0x4790]  }
0x257: {  	[tilespmem:s15+$0x4730] =	vst v6;
	v6 =	vmul.f32 v12, v9;
	v12 =	vld [tilespmem:s15+$0x47A0]  }
0x258: {  	[tilespmem:s15+$0x4740] =	vst v7;
	v7 =	vmul.f32 v10, v9;
	v10 =	vbroadcast v0, $0x9;
	v14 =	vld [tilespmem:s15+$0x47B0]  }
0x259: {  	[tilespmem:s15+$0x4750] =	vst v6;
	v6 =	vmul.f32 v11, v9;
	v9 =	vld [tilespmem:s15+$0x47C0]  }
0x25a: {  	[tilespmem:s15+$0x4760] =	vst v7;
	v7 =	vmul.f32 v13, v10;
	v11 =	vld [tilespmem:s15+$0x47D0]  }
0x25b: {  	[tilespmem:s15+$0x4770] =	vst v6;
	v6 =	vmul.f32 v8, v10;
	v8 =	vld [tilespmem:s15+$0x47E0]  }
0x25c: {  	[tilespmem:s15+$0x4780] =	vst v7;
	v7 =	vmul.f32 v12, v10;
	v12 =	vld [tilespmem:s15+$0x47F0]  }
0x25d: {  	[tilespmem:s15+$0x4790] =	vst v6;
	v6 =	vmul.f32 v14, v10;
	v13 =	vld [tilespmem:s15+$0x4800]  }
0x25e: {  	[tilespmem:s15+$0x47A0] =	vst v7;
	v7 =	vmul.f32 v9, v10;
	v9 =	vld [tilespmem:s15+$0x4810]  }
0x25f: {  	[tilespmem:s15+$0x47B0] =	vst v6;
	v6 =	vmul.f32 v11, v10;
	v11 =	vld [tilespmem:s15+$0x4820]  }
0x260: {  	[tilespmem:s15+$0x47C0] =	vst v7;
	v7 =	vmul.f32 v8, v10;
	v8 =	vld [tilespmem:s15+$0x4830]  }
0x261: {  	[tilespmem:s15+$0x47D0] =	vst v6;
	v6 =	vmul.f32 v12, v10;
	v10 =	vld [tilespmem:s15+$0x4840]  }
0x262: {  	[tilespmem:s15+$0x47E0] =	vst v7;
	v7 =	vmul.f32 v13, v3;
	v12 =	vld [tilespmem:s15+$0x4850]  }
0x263: {  	[tilespmem:s15+$0x47F0] =	vst v6;
	v6 =	vmul.f32 v9, v3;
	v9 =	vld [tilespmem:s15+$0x4860]  }
0x264: {  	v13 =	vld [tilespmem:s15+$0x4300];
	[tilespmem:s15+$0x4800] =	vst v7;
	v7 =	vmul.f32 v11, v3  }
0x265: {  	v11 =	vld [tilespmem:s15+$0x4310];
	[tilespmem:s15+$0x4810] =	vst v6;
	v6 =	vmul.f32 v8, v3  }
0x266: {  	v8 =	vld [tilespmem:s15+$0x4340];
	[tilespmem:s15+$0x4820] =	vst v7;
	v7 =	vmul.f32 v10, v3  }
0x267: {  	v10 =	vld [tilespmem:s15+$0x4350];
	[tilespmem:s15+$0x4830] =	vst v6;
	v6 =	vmul.f32 v12, v3  }
0x268: {  	[tilespmem:s15+$0x4840] =	vst v7;
	v7 =	vmul.f32 v9, v3;
	v9 =	vbroadcast v0, $0xB;
	v12 =	vld [tilespmem:s15+$0x48A0]  }
0x269: {  	v3 =	vbroadcast v0, $0xF;
	v13 =	vmul.f32 v1, v13;
	[tilespmem:s15+$0x4850] =	vst v6;
	v6 =	vld [tilespmem:s15+$0x48B0]  }
0x26a: {  	v11 =	vmul.f32 v11, v1;
	[tilespmem:s15+$0x4860] =	vst v7;
	v4 =	vmul.f32 v4, v9;
	v7 =	vld [tilespmem:s15+$0x48C0]  }
0x26b: {  	v5 =	vmul.f32 v5, v9;
	[tilespmem:s15+$0x4300] =	vst v13;
	v8 =	vmul.f32 v8, v1;
	v13 =	vld [tilespmem:s15+$0x48D0]  }
0x26c: {  	v2 =	vmul.f32 v2, v3;
	v10 =	vmul.f32 v10, v1;
	[tilespmem:s15+$0x4880] =	vst v4;
	v1 =	vld [tilespmem:s15+$0x48E0]  }
0x26d: {  	[tilespmem:s15+$0x4890] =	vst v5;
	v4 =	vmul.f32 v12, v9;
	v5 =	vld [tilespmem:s15+$0x48F0]  }
0x26e: {  	v6 =	vmul.f32 v6, v9;
	v12 =	vld [tilespmem:s15+$0x4900];
	[tilespmem:s15+$0x4AD0] =	vst v2  }
0x26f: {  	[tilespmem:s15+$0x4310] =	vst v11;
	v2 =	vmul.f32 v7, v9;
	v7 =	vld [tilespmem:s15+$0x4910]  }
0x270: {  	[tilespmem:s15+$0x4340] =	vst v8;
	v8 =	vmul.f32 v13, v9;
	v11 =	vld [tilespmem:s15+$0x4920]  }
0x271: {  	v13 =	vbroadcast v0, $0xC;
	[tilespmem:s15+$0x48A0] =	vst v4;
	v4 =	vmul.f32 v1, v9;
	v14 =	vld [tilespmem:s15+$0x4930]  }
0x272: {  	[tilespmem:s15+$0x48D0] =	vst v8;
	v5 =	vmul.f32 v5, v9;
	v8 =	vld [tilespmem:s15+$0x4940]  }
0x273: {  	[tilespmem:s15+$0x48B0] =	vst v6;
	v1 =	vmul.f32 v12, v13;
	v6 =	vld [tilespmem:s15+$0x4950]  }
0x274: {  	[tilespmem:s15+$0x48C0] =	vst v2;
	v2 =	vmul.f32 v7, v13;
	v7 =	vld [tilespmem:s15+$0x4960]  }
0x275: {  	[tilespmem:s15+$0x4900] =	vst v1;
	v1 =	vmul.f32 v11, v13;
	v9 =	vld [tilespmem:s15+$0x4970]  }
0x276: {  	[tilespmem:s15+$0x4910] =	vst v2;
	v2 =	vld [tilespmem:s15+$0x4980]  }
0x277: {  	[tilespmem:s15+$0x4350] =	vst v10;
	v8 =	vmul.f32 v8, v13;
	v10 =	vld [tilespmem:s15+$0x4990]  }
0x278: {  	[tilespmem:s15+$0x48E0] =	vst v4;
	v4 =	vmul.f32 v6, v13;
	v6 =	vld [tilespmem:s15+$0x49A0]  }
0x279: {  	[tilespmem:s15+$0x4940] =	vst v8;
	v7 =	vmul.f32 v7, v13;
	v8 =	vbroadcast v0, $0xD;
	v11 =	vld [tilespmem:s15+$0x49B0]  }
0x27a: {  	[tilespmem:s15+$0x4950] =	vst v4;
	v4 =	vmul.f32 v9, v13;
	v9 =	vld [tilespmem:s15+$0x49C0]  }
0x27b: {  	[tilespmem:s15+$0x4960] =	vst v7;
	v2 =	vmul.f32 v2, v8;
	v7 =	vld [tilespmem:s15+$0x49D0]  }
0x27c: {  	[tilespmem:s15+$0x4970] =	vst v4;
	v4 =	vmul.f32 v10, v8;
	v10 =	vld [tilespmem:s15+$0x49E0]  }
0x27d: {  	[tilespmem:s15+$0x4980] =	vst v2;
	v2 =	vmul.f32 v6, v8;
	v6 =	vld [tilespmem:s15+$0x49F0]  }
0x27e: {  	[tilespmem:s15+$0x4990] =	vst v4;
	v4 =	vmul.f32 v11, v8;
	v11 =	vld [tilespmem:s15+$0x4A00]  }
0x27f: {  	[tilespmem:s15+$0x49A0] =	vst v2;
	v2 =	vmul.f32 v9, v8;
	v9 =	vld [tilespmem:s15+$0x4A10]  }
0x280: {  	[tilespmem:s15+$0x49B0] =	vst v4;
	v4 =	vmul.f32 v7, v8;
	v7 =	vld [tilespmem:s15+$0x4A20]  }
0x281: {  	v0 =	vbroadcast v0, $0xE;
	[tilespmem:s15+$0x48F0] =	vst v5;
	v5 =	vmul.f32 v10, v8;
	v10 =	vld [tilespmem:s15+$0x4A30]  }
0x282: {  	[tilespmem:s15+$0x49D0] =	vst v4;
	v4 =	vmul.f32 v6, v8;
	v6 =	vld [tilespmem:s15+$0x4A40]  }
0x283: {  	[tilespmem:s15+$0x49E0] =	vst v5;
	v5 =	vmul.f32 v11, v0;
	v8 =	vld [tilespmem:s15+$0x4A50]  }
0x284: {  	[tilespmem:s15+$0x49F0] =	vst v4;
	v4 =	vmul.f32 v9, v0;
	v9 =	vld [tilespmem:s15+$0x4A60]  }
0x285: {  	[tilespmem:s15+$0x4A00] =	vst v5;
	v5 =	vmul.f32 v7, v0;
	v7 =	vld [tilespmem:s15+$0x4A70]  }
0x286: {  	[tilespmem:s15+$0x4A10] =	vst v4;
	v4 =	vmul.f32 v10, v0;
	v10 =	vld [tilespmem:s15+$0x4A80]  }
0x287: {  	[tilespmem:s15+$0x4A20] =	vst v5;
	v5 =	vmul.f32 v6, v0;
	v6 =	vld [tilespmem:s15+$0x4A90]  }
0x288: {  	[tilespmem:s15+$0x4A30] =	vst v4;
	v4 =	vmul.f32 v8, v0;
	v8 =	vld [tilespmem:s15+$0x4AA0]  }
0x289: {  	[tilespmem:s15+$0x4A40] =	vst v5;
	v5 =	vmul.f32 v9, v0;
	v9 =	vld [tilespmem:s15+$0x4AB0]  }
0x28a: {  	[tilespmem:s15+$0x49C0] =	vst v2;
	v0 =	vmul.f32 v7, v0;
	v2 =	vld [tilespmem:s15+$0x4AC0]  }
0x28b: {  	[tilespmem:s15+$0x4A60] =	vst v5;
	v5 =	vmul.f32 v10, v3;
	v7 =	vld [tilespmem:s15+$0x4AE0]  }
0x28c: {  	[tilespmem:s15+$0x4A70] =	vst v0;
	v0 =	vmul.f32 v6, v3;
	v6 =	vld [tilespmem:s15+$0x4AF0]  }
0x28d: {  	[tilespmem:s15+$0x4A80] =	vst v5;
	v5 =	vmul.f32 v8, v3  }
0x28e: {  	[tilespmem:s15+$0x4A90] =	vst v0;
	v0 =	vmul.f32 v9, v3  }
0x28f: {  	v8 =	vmul.f32 v14, v13;
	[tilespmem:s15+$0x4AA0] =	vst v5  }
0x290: {  	[tilespmem:s15+$0x4AB0] =	vst v0;
	v0 =	vmul.f32 v2, v3  }
.Ltmp3:
0x291: {  	[tilespmem:s15+$0x4930] =	vst v8;
	v2 =	vmul.f32 v6, v3;
	(pc) =	sbr.rel @p2 .LBB2_5-.Ltmp3, $4  }
0x292: {  	[tilespmem:s15+$0x4AC0] =	vst v0  }
0x293: {  	v0 =	vmul.f32 v7, v3;
	[tilespmem:s15+$0x4AF0] =	vst v2  }
0x294: {  	[tilespmem:s15+$0x4A50] =	vst v4  }
0x295: {  	[tilespmem:s15+$0x4AE0] =	vst v0  }
.Ltmp4:
0x296: {  	[tilespmem:s15+$0x4920] =	vst v1;
	(pc) =	sbr.rel @p1 .LBB2_8-.Ltmp4, $4  }
0x297: {  	[spmem:s3] =	stream.indirect.scatter.add.f32 [tilespmem:s5], [sflag:$0x4], $0x80, s31, s29, $0xb8;
	[tilespmem:$0x1BB80] =	vst v63  }
0x298: {  	_ =	swait.ge [sflag:s24], $0x4000  }
0x299: {  	[sflag:s24] =	ssyncset.done $0x0  }
0x29a: {  	[sflag:s24] =	ssyncadd.s32 $0xFFFFC000  }
0x29b: {  	s14 =	sadd.s32 s14, s20  }
0x29c: {  	s14 =	sshrl.u32 s14, $0x3  }
0x29d: {  	s15 =	sadd.s32 s6, s14  }
0x29e: {  	[tilespmem:s29], [sflag:$0x3] =	stream.linear.gather [hbm4b:s15+s4], $0x80, $0x38;
	[tilespmem:$0x1BB80] =	vst v63  }
.Ltmp5:
0x29f: {  	_ = 	snop;
	(pc) =	sbr.rel .LBB2_2-.Ltmp5, $4  }
0x2a0: {  	s18 =	sadd.s32 s7, s14  }
0x2a1: {  	[tilespmem:s31], [sflag:$0x3] =	stream.linear.gather [hbm4b:s18+s4], $0x80, $0x38;
	[tilespmem:$0x1BB80] =	vst v63  }
0x2a2: {  	s13 =	sadd.s32 $0x1, s13;
	s14 =	sadd.s32 s2, s14  }
0x2a3: {  	[tilespmem:s0], [sflag:$0x3] =	stream.linear.gather [hbm4b:s14+s4], $0x80, $0x38;
	[tilespmem:$0x1BB80] =	vst v63  }
.LBB2_9:
0x2a4: {  	_ =	sfence.sel $0x180000  }
0x2a5: {  	[bflag:$0x0] =	sbarrier.arrive $0xFFFF  }
0x2a6: {  	_ =	strace $0x90000047  }
0x2a7: {  	s0 =	stileid.u32;
	[bflag:$0x2] =	sbarrier.arrive $0xFFFF  }
0x2a8: {  	p0 =	sne.s32 s0, $0x0;
	s0 =	rddreg [dreg:$0x4]  }
0x2a9: {  	s0 =	sadd.s32 @!p0 $0x100000, s0  }
0x2aa: {  	[sflag:s0] =	ssyncadd.tile.s32 @!p0 $0x1;
	_ =	shalt  }
.Lfunc_end2:
_tile_overlayer_lowered:
.L_overlay_start_2:
0x2ab: {  	(tag) =	ssettag $0x2  }
0x2ac: {  	s0 =	rddreg [dreg:$0x0];
	s2 =	stileid.u32  }
0x2ad: {  	s1 =	rddreg [dreg:$0x1];
	p0 =	sne.s32 s2, $0x0  }
0x2ae: {  	s3 =	rddreg [dreg:$0x2];
	[bflag:$0x3] =	sbarrier.arrive $0xFFFF;
	s2 =	simm.s32 @!p0 $0x1C04  }
0x2af: {  	[timem:s3], [sflag:s2] =	dma.local @!p0 [hbm:s0], s1  }
0x2b0: {  	s0 =	simm.s32 @!p0 $0x4  }
0x2b1: {  	_ =	swait.ge @!p0 [sflag:s0], s1  }
0x2b2: {  	s1 =	ssub.s32 @!p0 $0x0, s1;
	[sflag:s0] =	ssyncset.done @!p0 $0x0  }
0x2b3: {  	[sflag:s0] =	ssyncadd.s32 @!p0 s1  }
0x2b4: {  	[bflag:$0x3] =	sbarrier.arrive $0xFFFF  }
0x2b5: {  	_ =	shalt  }

</sc_bundles>
